<compile_context>
chip_gen: v7x
topology: tpu7x:2x2x1
jax: 0.10.2.dev20260603
libtpu: 0.0.44.dev20260713+nightly
codegen_flags: <defaults>
</compile_context>

<pallas_src>
import jax
import jax.numpy as jnp
from jax import lax
from jax.experimental import pallas as pl
from jax.experimental.pallas import tpu as pltpu
from jax.experimental.pallas import tpu_sc as plsc

B = 16384
EMB = 64
HALF = 32
FEAT = 128
NC, NS = 2, 16
NW = NC * NS
BPW = B // NW
HB = BPW // 2


BMC = 16384
NBLK = (1000000 + BMC - 1) // BMC
SH = BMC.bit_length() - 1


def _tc_transpose_body(x_r, o_r):
    xt = jnp.transpose(x_r[...])
    o_r[...] = jnp.concatenate([xt[: BMC // 2], xt[BMC // 2 :]], axis=-1)


def _tc_transpose(tabT):
    return pl.pallas_call(
        _tc_transpose_body,
        grid=(NBLK,),
        in_specs=[pl.BlockSpec((EMB, BMC), lambda i: (0, i))],
        out_specs=pl.BlockSpec((BMC // 2, 2 * EMB), lambda i: (i, 0)),
        out_shape=jax.ShapeDtypeStruct((NBLK * BMC // 2, 2 * EMB),
                                       jnp.float32),
    )(tabT)


def _sc_gather_body(uidx_h, iidx_h, utab_h, itab_h,
                    ue_h, ie_h,
                    idx_v, urows, irows, sem):
    wid = lax.axis_index("s") * NC + lax.axis_index("c")
    base = wid * BPW
    lanes = lax.iota(jnp.int32, 16)
    zeros = jnp.zeros((16,), jnp.int32)
    pltpu.sync_copy(uidx_h.at[pl.ds(base, BPW)], idx_v)
    for h in range(2):
        def ublk(k, _):
            raw = idx_v[pl.ds(h * HB + k * 16, 16)]
            for l in range(16):
                ix = jnp.max(jnp.where(lanes == l, raw, zeros), axis=0)
                v = lax.shift_left(lax.shift_right_logical(ix, SH), SH - 1) \
                    + lax.bitwise_and(ix, BMC // 2 - 1)
                pltpu.async_copy(utab_h.at[v], urows.at[k * 16 + l], sem)
            return _
        lax.fori_loop(0, HB // 16, ublk, 0)
        hsl = pl.ds(base + h * HB, HB)
        pltpu.make_async_copy(ue_h.at[hsl], urows, sem).wait()
        pltpu.sync_copy(urows, ue_h.at[hsl])
    pltpu.sync_copy(iidx_h.at[pl.ds(base, BPW)], idx_v)
    for h in range(2):
        def iblk(k, _):
            raw = idx_v[pl.ds(h * HB + k * 16, 16)]
            for l in range(16):
                ix = jnp.max(jnp.where(lanes == l, raw, zeros), axis=0)
                pltpu.async_copy(
                    itab_h.at[lax.shift_right_logical(ix, 5),
                              lax.bitwise_and(ix, 31)],
                    irows.at[k * 16 + l], sem)
            return _
        lax.fori_loop(0, HB // 16, iblk, 0)
        hsl = pl.ds(base + h * HB, HB)
        pltpu.make_async_copy(ie_h.at[hsl], irows, sem).wait()
        pltpu.sync_copy(irows, ie_h.at[hsl])


def _sc_gather(uidx, iidx, utab_c, itab):
    mesh = plsc.VectorSubcoreMesh(core_axis_name="c", subcore_axis_name="s")
    k = pl.kernel(
        _sc_gather_body,
        out_type=[
            jax.ShapeDtypeStruct((B, 2 * EMB), jnp.float32),
            jax.ShapeDtypeStruct((B, EMB), jnp.float32),
        ],
        mesh=mesh,
        scratch_types=[
            pltpu.VMEM((BPW,), jnp.int32),
            pltpu.VMEM((HB, 2 * EMB), jnp.float32),
            pltpu.VMEM((HB, EMB), jnp.float32),
            pltpu.SemaphoreType.DMA,
        ],
        compiler_params=pltpu.CompilerParams(use_tc_tiling_on_sc=True,
                                             needs_layout_passes=False),
    )
    return k(uidx, iidx, utab_c, itab.reshape(31250, 32, EMB))


BM = 2048


def _tc_combine_body(uf_r, wu_r, bu_r, if_r, wi_r, bi_r,
                     ue_r, ie_r, ct_r, st_r, ci_r, si_r, ui_r, uo_r, io_r):
    ip = jnp.dot(if_r[...], wi_r[...],
                 preferred_element_type=jnp.float32) + bi_r[...]
    io_r[...] = jnp.concatenate([ie_r[...], ip], axis=-1)
    upt = jnp.dot(jnp.transpose(wu_r[...]), jnp.transpose(uf_r[...]),
                  preferred_element_type=jnp.float32) + bu_r[...]
    conehot = (ci_r[...] == lax.broadcasted_iota(jnp.int32, (22, 1), 0)
               ).astype(jnp.float32)
    sonehot = (si_r[...] == lax.broadcasted_iota(jnp.int32, (18, 1), 0)
               ).astype(jnp.float32)
    cet = jnp.dot(jnp.transpose(ct_r[...]), conehot,
                  preferred_element_type=jnp.float32)
    set_ = jnp.dot(jnp.transpose(st_r[...]), sonehot,
                   preferred_element_type=jnp.float32)
    uhi = lax.bitwise_and(lax.shift_right_logical(ui_r[...], SH - 1), 1) == 1
    ue = jnp.where(uhi, ue_r[:, EMB:], ue_r[:, :EMB])
    uo_r[...] = jnp.concatenate([jnp.transpose(ue), cet, set_, upt], axis=0)


def _tc_combine(uf, wu, bu, itf, wi, bi, ue, ie, ctab, stab, cidx, sidx,
                uidx):
    return pl.pallas_call(
        _tc_combine_body,
        grid=(B // BM,),
        in_specs=[
            pl.BlockSpec((BM, FEAT), lambda i: (i, 0)),
            pl.BlockSpec((FEAT, EMB), lambda i: (0, 0)),
            pl.BlockSpec((EMB, 1), lambda i: (0, 0)),
            pl.BlockSpec((BM, FEAT), lambda i: (i, 0)),
            pl.BlockSpec((FEAT, EMB), lambda i: (0, 0)),
            pl.BlockSpec((1, EMB), lambda i: (0, 0)),
            pl.BlockSpec((BM, 2 * EMB), lambda i: (i, 0)),
            pl.BlockSpec((BM, EMB), lambda i: (i, 0)),
            pl.BlockSpec((22, HALF), lambda i: (0, 0)),
            pl.BlockSpec((18, HALF), lambda i: (0, 0)),
            pl.BlockSpec((1, BM), lambda i: (0, i)),
            pl.BlockSpec((1, BM), lambda i: (0, i)),
            pl.BlockSpec((BM, 1), lambda i: (i, 0)),
        ],
        out_specs=[
            pl.BlockSpec((3 * EMB, BM), lambda i: (0, i)),
            pl.BlockSpec((BM, 2 * EMB), lambda i: (i, 0)),
        ],
        out_shape=[
            jax.ShapeDtypeStruct((3 * EMB, B), jnp.float32),
            jax.ShapeDtypeStruct((B, 2 * EMB), jnp.float32),
        ],
    )(uf, wu, bu, itf, wi, bi, ue, ie, ctab, stab, cidx, sidx, uidx)


def kernel(user_idx, user_features, user_color_idx, user_size_idx,
           item_idx, item_features, user_table, item_table,
           color_table, size_table, W_user, b_user, W_item, b_item):
    utab_c = _tc_transpose(user_table.T)
    ue, ie = _sc_gather(user_idx, item_idx, utab_c, item_table)
    uot, io = _tc_combine(user_features, W_user, b_user.reshape(EMB, 1),
                          item_features, W_item, b_item.reshape(1, EMB),
                          ue, ie, color_table, size_table,
                          user_color_idx.reshape(1, B),
                          user_size_idx.reshape(1, B),
                          user_idx.reshape(B, 1))
    return uot.T, io

# --- scband reference (transcript-rebuilt; emitter-appended) ---
"""Pipeline reference for scband-feature-embedding-14551349199475 (READ-ONLY COPY).

The authoritative reference and input builder live on the scoring server;
editing this copy changes nothing except your own understanding.
"""

import jax, jax.numpy as jnp
import numpy as np

NUM_USERS = 1000000
NUM_ITEMS = 1000000
USER_FEAT_DIM = 128
ITEM_FEAT_DIM = 128
EMB_DIM = 64
BATCH = 16384


def _xavier(key, shape):
    fan_in, fan_out = shape[0], shape[1]
    a = float(np.sqrt(6.0 / (fan_in + fan_out)))
    return jax.random.uniform(key, shape, dtype=jnp.float32, minval=-a, maxval=a)


def setup_inputs(seed: int = 0) -> dict:
    key = jax.random.key(seed)
    ks = jax.random.split(key, 12)
    user_idx = jax.random.randint(ks[0], (BATCH,), 0, NUM_USERS, dtype=jnp.int32)
    item_idx = jax.random.randint(ks[1], (BATCH,), 0, NUM_ITEMS, dtype=jnp.int32)
    user_color_idx = jax.random.randint(ks[2], (BATCH,), 0, 22, dtype=jnp.int32)
    user_size_idx = jax.random.randint(ks[3], (BATCH,), 0, 18, dtype=jnp.int32)
    user_features = jax.random.normal(ks[4], (BATCH, USER_FEAT_DIM), dtype=jnp.float32)
    item_features = jax.random.normal(ks[5], (BATCH, ITEM_FEAT_DIM), dtype=jnp.float32)
    user_table = _xavier(ks[6], (NUM_USERS, EMB_DIM))
    item_table = _xavier(ks[7], (NUM_ITEMS, EMB_DIM))
    color_table = _xavier(ks[8], (22, EMB_DIM // 2))
    size_table = _xavier(ks[9], (18, EMB_DIM // 2))
    W_user = _xavier(ks[10], (USER_FEAT_DIM, EMB_DIM))
    b_user = jnp.zeros((EMB_DIM,), dtype=jnp.float32)
    W_item = _xavier(ks[11], (ITEM_FEAT_DIM, EMB_DIM))
    b_item = jnp.zeros((EMB_DIM,), dtype=jnp.float32)
    return {
        "user_idx": user_idx,
        "user_features": user_features,
        "user_color_idx": user_color_idx,
        "user_size_idx": user_size_idx,
        "item_idx": item_idx,
        "item_features": item_features,
        "user_table": user_table,
        "item_table": item_table,
        "color_table": color_table,
        "size_table": size_table,
        "W_user": W_user,
        "b_user": b_user,
        "W_item": W_item,
        "b_item": b_item,
    }


def reference(user_idx, user_features, user_color_idx, user_size_idx, item_idx, item_features,
              user_table, item_table, color_table, size_table, W_user, b_user, W_item, b_item):
    user_emb = jnp.take(user_table, user_idx, axis=0)
    item_emb = jnp.take(item_table, item_idx, axis=0)
    color_emb = jnp.take(color_table, user_color_idx, axis=0)
    size_emb = jnp.take(size_table, user_size_idx, axis=0)
    user_feat_proj = user_features @ W_user + b_user
    item_feat_proj = item_features @ W_item + b_item
    user_features_combined = jnp.concatenate([user_emb, color_emb, size_emb, user_feat_proj], axis=-1)
    item_features_combined = jnp.concatenate([item_emb, item_feat_proj], axis=-1)
    return (user_features_combined, item_features_combined)

if __name__ == "__main__":
    import jax
    _d = setup_inputs()
    print(jax.jit(kernel)(*tuple(_d.values())))

</pallas_src>

<mosaic_0001>
#map = affine_map<(d0, d1) -> (0)>
#map1 = affine_map<(d0, d1) -> (0, 0)>
#map2 = affine_map<(d0, d1) -> (0, 0, 0)>
module attributes {stable_mosaic.version = 14 : i64} {
  func.func @_sc_gather_body(%arg0: i32, %arg1: i32, %arg2: memref<16384xi32, #tpu.memory_space<hbm>>, %arg3: memref<16384xi32, #tpu.memory_space<hbm>>, %arg4: memref<507904x128xf32, #tpu.memory_space<hbm>>, %arg5: memref<31250x32x64xf32, #tpu.memory_space<hbm>>, %arg6: memref<16384x128xf32, #tpu.memory_space<hbm>>, %arg7: memref<16384x64xf32, #tpu.memory_space<hbm>>, %arg8: memref<512xi32, #tpu.memory_space<vmem>>, %arg9: memref<256x128xf32, #tpu.memory_space<vmem>>, %arg10: memref<256x64xf32, #tpu.memory_space<vmem>>, %arg11: memref<!tpu.dma_semaphore, #tpu.memory_space<semaphore_mem>>) attributes {dimension_semantics = [#tpu.dimension_semantics<core_parallel>, #tpu.dimension_semantics<subcore_parallel>], iteration_bounds = array<i64: 2, 16>, scalar_prefetch = 0 : i64, scratch_operands = 4 : i64, tpu.core_type = #tpu.core_type<sc_vector_subcore>, window_params = [{transform_indices = #map}, {transform_indices = #map}, {transform_indices = #map1}, {transform_indices = #map2}, {transform_indices = #map1}, {transform_indices = #map1}]} {
    %mul3A = arith.constant 2 : i32
    %mul3A_0 = arith.muli %arg1, %mul3A : i32
    %add3A = arith.addi %mul3A_0, %arg0 : i32
    %mul3A_1 = arith.constant 512 : i32
    %mul3A_2 = arith.muli %add3A, %mul3A_1 : i32
    %iota3A = tpu.iota {dimensions = array<i32: 0>} : vector<16xi32>
    %broadcast_in_dim3A = arith.constant 0 : i32
    %broadcast_in_dim3A_3 = vector.broadcast %broadcast_in_dim3A : i32 to vector<16xi32>
    "tpu.region"() ({
      %run_scoped3A = tpu.sem_alloc : memref<!tpu.dma_semaphore, #tpu.memory_space<semaphore_mem>>
      %dma_start3A = tpu.memref_slice %arg2[%mul3A_2] : memref<16384xi32, #tpu.memory_space<hbm>> -> memref<512xi32, #tpu.memory_space<hbm>>
      %dma_start3A_50 = tpu.memref_slice %arg2[%mul3A_2] : memref<16384xi32, #tpu.memory_space<hbm>> -> memref<512xi32, #tpu.memory_space<hbm>>
      tpu.enqueue_dma source(%dma_start3A_50 : memref<512xi32, #tpu.memory_space<hbm>>) target(%arg8 : memref<512xi32, #tpu.memory_space<vmem>>) target_semaphore(%run_scoped3A : memref<!tpu.dma_semaphore, #tpu.memory_space<semaphore_mem>>)
      %dma_wait3A_51 = tpu.memref_slice %arg2[%mul3A_2] : memref<16384xi32, #tpu.memory_space<hbm>> -> memref<512xi32, #tpu.memory_space<hbm>>
      %dma_wait3A_52 = tpu.memref_slice %arg2[%mul3A_2] : memref<16384xi32, #tpu.memory_space<hbm>> -> memref<512xi32, #tpu.memory_space<hbm>>
      tpu.wait_dma2 semaphore(%run_scoped3A : memref<!tpu.dma_semaphore, #tpu.memory_space<semaphore_mem>>) src(%dma_wait3A_52 : memref<512xi32, #tpu.memory_space<hbm>>) dst(%arg8 : memref<512xi32, #tpu.memory_space<vmem>>)
      tpu.yield
    }) : () -> ()
    %scan3A = arith.constant 0 : i32
    %scan3A_4 = arith.constant 0 : i32
    %scan3A_5 = arith.constant 16 : i32
    %scan3A_6 = arith.addi %scan3A_4, %scan3A_5 : i32
    %scan3A_7 = arith.constant 1 : i32
    scf.for %scan3A_50 = %scan3A_4 to %scan3A_6 step %scan3A_7  : i32 {
      %mul3A_51 = arith.constant 16 : i32
      %mul3A_52 = arith.muli %scan3A_50, %mul3A_51 : i32
      %add3A_53 = arith.constant 0 : i32
      %add3A_54 = arith.addi %add3A_53, %mul3A_52 : i32
      %get3A = arith.index_cast %add3A_54 : i32 to index
      %get3A_55 = tpu.vector_load %arg8[%get3A] {strides = array<i32>} : memref<512xi32, #tpu.memory_space<vmem>>, vector<16xi32>,
      %eq3A = arith.constant 0 : i32
      %eq3A_56 = vector.broadcast %eq3A : i32 to vector<16xi32>
      %eq3A_57 = arith.cmpi eq, %iota3A, %eq3A_56 : vector<16xi32>
      %select_n3A = arith.select %eq3A_57, %get3A_55, %broadcast_in_dim3A_3 : vector<16xi1>, vector<16xi32>
      %reduce_max3A = arith.constant true
      %reduce_max3A_58 = vector.broadcast %reduce_max3A : i1 to vector<16xi1>
      %reduce_max3A_59 = arith.constant -2147483648 : i32
      %reduce_max3A_60 = vector.broadcast %reduce_max3A_59 : i32 to vector<16xi32>
      %reduce_max3A_61 = arith.xori %select_n3A, %reduce_max3A_60 : vector<16xi32>
      %reduce_max3A_62 = tpu.scan <max>, %reduce_max3A_61 masked %reduce_max3A_58 : vector<16xi32>, vector<16xi1> -> vector<16xi32>
      %reduce_max3A_63 = arith.xori %reduce_max3A_62, %reduce_max3A_60 : vector<16xi32>
      %reduce_max3A_64 = vector.extract %reduce_max3A_63[15] : i32 from vector<16xi32>
      %shift_right_logical3A = arith.constant 14 : i32
      %shift_right_logical3A_65 = arith.shrui %reduce_max3A_64, %shift_right_logical3A : i32
      %shift_left3A = arith.constant 13 : i32
      %shift_left3A_66 = arith.shli %shift_right_logical3A_65, %shift_left3A : i32
      %and3A = arith.constant 8191 : i32
      %and3A_67 = arith.andi %reduce_max3A_64, %and3A : i32
      %add3A_68 = arith.addi %shift_left3A_66, %and3A_67 : i32
      %mul3A_69 = arith.constant 16 : i32
      %mul3A_70 = arith.muli %scan3A_50, %mul3A_69 : i32
      %add3A_71 = arith.constant 0 : i32
      %add3A_72 = arith.addi %mul3A_70, %add3A_71 : i32
      %dma_start3A = arith.constant 0 : i32
      %dma_start3A_73 = tpu.memref_slice %arg9[%add3A_72, %dma_start3A] : memref<256x128xf32, #tpu.memory_space<vmem>> -> memref<1x128xf32, #tpu.memory_space<vmem>>
      %dma_start3A_74 = tpu.memref_squeeze %dma_start3A_73 : memref<1x128xf32, #tpu.memory_space<vmem>> -> memref<128xf32, #tpu.memory_space<vmem>>
      %dma_start3A_75 = arith.constant 0 : i32
      %dma_start3A_76 = tpu.memref_slice %arg4[%add3A_68, %dma_start3A_75] : memref<507904x128xf32, #tpu.memory_space<hbm>> -> memref<1x128xf32, #tpu.memory_space<hbm>>
      %dma_start3A_77 = tpu.memref_squeeze %dma_start3A_76 : memref<1x128xf32, #tpu.memory_space<hbm>> -> memref<128xf32, #tpu.memory_space<hbm>>
      %dma_start3A_78 = arith.constant 0 : i32
      %dma_start3A_79 = tpu.memref_slice %arg9[%add3A_72, %dma_start3A_78] : memref<256x128xf32, #tpu.memory_space<vmem>> -> memref<1x128xf32, #tpu.memory_space<vmem>>
      %dma_start3A_80 = tpu.memref_squeeze %dma_start3A_79 : memref<1x128xf32, #tpu.memory_space<vmem>> -> memref<128xf32, #tpu.memory_space<vmem>>
      %dma_start3A_81 = arith.constant 0 : i32
      %dma_start3A_82 = tpu.memref_slice %arg4[%add3A_68, %dma_start3A_81] : memref<507904x128xf32, #tpu.memory_space<hbm>> -> memref<1x128xf32, #tpu.memory_space<hbm>>
      %dma_start3A_83 = tpu.memref_squeeze %dma_start3A_82 : memref<1x128xf32, #tpu.memory_space<hbm>> -> memref<128xf32, #tpu.memory_space<hbm>>
      tpu.enqueue_dma source(%dma_start3A_83 : memref<128xf32, #tpu.memory_space<hbm>>) target(%dma_start3A_80 : memref<128xf32, #tpu.memory_space<vmem>>) target_semaphore(%arg11 : memref<!tpu.dma_semaphore, #tpu.memory_space<semaphore_mem>>)
      %eq3A_84 = arith.constant 1 : i32
      %eq3A_85 = vector.broadcast %eq3A_84 : i32 to vector<16xi32>
      %eq3A_86 = arith.cmpi eq, %iota3A, %eq3A_85 : vector<16xi32>
      %select_n3A_87 = arith.select %eq3A_86, %get3A_55, %broadcast_in_dim3A_3 : vector<16xi1>, vector<16xi32>
      %reduce_max3A_88 = arith.constant true
      %reduce_max3A_89 = vector.broadcast %reduce_max3A_88 : i1 to vector<16xi1>
      %reduce_max3A_90 = arith.constant -2147483648 : i32
      %reduce_max3A_91 = vector.broadcast %reduce_max3A_90 : i32 to vector<16xi32>
      %reduce_max3A_92 = arith.xori %select_n3A_87, %reduce_max3A_91 : vector<16xi32>
      %reduce_max3A_93 = tpu.scan <max>, %reduce_max3A_92 masked %reduce_max3A_89 : vector<16xi32>, vector<16xi1> -> vector<16xi32>
      %reduce_max3A_94 = arith.xori %reduce_max3A_93, %reduce_max3A_91 : vector<16xi32>
      %reduce_max3A_95 = vector.extract %reduce_max3A_94[15] : i32 from vector<16xi32>
      %shift_right_logical3A_96 = arith.constant 14 : i32
      %shift_right_logical3A_97 = arith.shrui %reduce_max3A_95, %shift_right_logical3A_96 : i32
      %shift_left3A_98 = arith.constant 13 : i32
      %shift_left3A_99 = arith.shli %shift_right_logical3A_97, %shift_left3A_98 : i32
      %and3A_100 = arith.constant 8191 : i32
      %and3A_101 = arith.andi %reduce_max3A_95, %and3A_100 : i32
      %add3A_102 = arith.addi %shift_left3A_99, %and3A_101 : i32
      %mul3A_103 = arith.constant 16 : i32
      %mul3A_104 = arith.muli %scan3A_50, %mul3A_103 : i32
      %add3A_105 = arith.constant 1 : i32
      %add3A_106 = arith.addi %mul3A_104, %add3A_105 : i32
      %dma_start3A_107 = arith.constant 0 : i32
      %dma_start3A_108 = tpu.memref_slice %arg9[%add3A_106, %dma_start3A_107] : memref<256x128xf32, #tpu.memory_space<vmem>> -> memref<1x128xf32, #tpu.memory_space<vmem>>
      %dma_start3A_109 = tpu.memref_squeeze %dma_start3A_108 : memref<1x128xf32, #tpu.memory_space<vmem>> -> memref<128xf32, #tpu.memory_space<vmem>>
      %dma_start3A_110 = arith.constant 0 : i32
      %dma_start3A_111 = tpu.memref_slice %arg4[%add3A_102, %dma_start3A_110] : memref<507904x128xf32, #tpu.memory_space<hbm>> -> memref<1x128xf32, #tpu.memory_space<hbm>>
      %dma_start3A_112 = tpu.memref_squeeze %dma_start3A_111 : memref<1x128xf32, #tpu.memory_space<hbm>> -> memref<128xf32, #tpu.memory_space<hbm>>
      %dma_start3A_113 = arith.constant 0 : i32
      %dma_start3A_114 = tpu.memref_slice %arg9[%add3A_106, %dma_start3A_113] : memref<256x128xf32, #tpu.memory_space<vmem>> -> memref<1x128xf32, #tpu.memory_space<vmem>>
      %dma_start3A_115 = tpu.memref_squeeze %dma_start3A_114 : memref<1x128xf32, #tpu.memory_space<vmem>> -> memref<128xf32, #tpu.memory_space<vmem>>
      %dma_start3A_116 = arith.constant 0 : i32
      %dma_start3A_117 = tpu.memref_slice %arg4[%add3A_102, %dma_start3A_116] : memref<507904x128xf32, #tpu.memory_space<hbm>> -> memref<1x128xf32, #tpu.memory_space<hbm>>
      %dma_start3A_118 = tpu.memref_squeeze %dma_start3A_117 : memref<1x128xf32, #tpu.memory_space<hbm>> -> memref<128xf32, #tpu.memory_space<hbm>>
      tpu.enqueue_dma source(%dma_start3A_118 : memref<128xf32, #tpu.memory_space<hbm>>) target(%dma_start3A_115 : memref<128xf32, #tpu.memory_space<vmem>>) target_semaphore(%arg11 : memref<!tpu.dma_semaphore, #tpu.memory_space<semaphore_mem>>)
      %eq3A_119 = arith.constant 2 : i32
      %eq3A_120 = vector.broadcast %eq3A_119 : i32 to vector<16xi32>
      %eq3A_121 = arith.cmpi eq, %iota3A, %eq3A_120 : vector<16xi32>
      %select_n3A_122 = arith.select %eq3A_121, %get3A_55, %broadcast_in_dim3A_3 : vector<16xi1>, vector<16xi32>
      %reduce_max3A_123 = arith.constant true
      %reduce_max3A_124 = vector.broadcast %reduce_max3A_123 : i1 to vector<16xi1>
      %reduce_max3A_125 = arith.constant -2147483648 : i32
      %reduce_max3A_126 = vector.broadcast %reduce_max3A_125 : i32 to vector<16xi32>
      %reduce_max3A_127 = arith.xori %select_n3A_122, %reduce_max3A_126 : vector<16xi32>
      %reduce_max3A_128 = tpu.scan <max>, %reduce_max3A_127 masked %reduce_max3A_124 : vector<16xi32>, vector<16xi1> -> vector<16xi32>
      %reduce_max3A_129 = arith.xori %reduce_max3A_128, %reduce_max3A_126 : vector<16xi32>
      %reduce_max3A_130 = vector.extract %reduce_max3A_129[15] : i32 from vector<16xi32>
      %shift_right_logical3A_131 = arith.constant 14 : i32
      %shift_right_logical3A_132 = arith.shrui %reduce_max3A_130, %shift_right_logical3A_131 : i32
      %shift_left3A_133 = arith.constant 13 : i32
      %shift_left3A_134 = arith.shli %shift_right_logical3A_132, %shift_left3A_133 : i32
      %and3A_135 = arith.constant 8191 : i32
      %and3A_136 = arith.andi %reduce_max3A_130, %and3A_135 : i32
      %add3A_137 = arith.addi %shift_left3A_134, %and3A_136 : i32
      %mul3A_138 = arith.constant 16 : i32
      %mul3A_139 = arith.muli %scan3A_50, %mul3A_138 : i32
      %add3A_140 = arith.constant 2 : i32
      %add3A_141 = arith.addi %mul3A_139, %add3A_140 : i32
      %dma_start3A_142 = arith.constant 0 : i32
      %dma_start3A_143 = tpu.memref_slice %arg9[%add3A_141, %dma_start3A_142] : memref<256x128xf32, #tpu.memory_space<vmem>> -> memref<1x128xf32, #tpu.memory_space<vmem>>
      %dma_start3A_144 = tpu.memref_squeeze %dma_start3A_143 : memref<1x128xf32, #tpu.memory_space<vmem>> -> memref<128xf32, #tpu.memory_space<vmem>>
      %dma_start3A_145 = arith.constant 0 : i32
      %dma_start3A_146 = tpu.memref_slice %arg4[%add3A_137, %dma_start3A_145] : memref<507904x128xf32, #tpu.memory_space<hbm>> -> memref<1x128xf32, #tpu.memory_space<hbm>>
      %dma_start3A_147 = tpu.memref_squeeze %dma_start3A_146 : memref<1x128xf32, #tpu.memory_space<hbm>> -> memref<128xf32, #tpu.memory_space<hbm>>
      %dma_start3A_148 = arith.constant 0 : i32
      %dma_start3A_149 = tpu.memref_slice %arg9[%add3A_141, %dma_start3A_148] : memref<256x128xf32, #tpu.memory_space<vmem>> -> memref<1x128xf32, #tpu.memory_space<vmem>>
      %dma_start3A_150 = tpu.memref_squeeze %dma_start3A_149 : memref<1x128xf32, #tpu.memory_space<vmem>> -> memref<128xf32, #tpu.memory_space<vmem>>
      %dma_start3A_151 = arith.constant 0 : i32
      %dma_start3A_152 = tpu.memref_slice %arg4[%add3A_137, %dma_start3A_151] : memref<507904x128xf32, #tpu.memory_space<hbm>> -> memref<1x128xf32, #tpu.memory_space<hbm>>
      %dma_start3A_153 = tpu.memref_squeeze %dma_start3A_152 : memref<1x128xf32, #tpu.memory_space<hbm>> -> memref<128xf32, #tpu.memory_space<hbm>>
      tpu.enqueue_dma source(%dma_start3A_153 : memref<128xf32, #tpu.memory_space<hbm>>) target(%dma_start3A_150 : memref<128xf32, #tpu.memory_space<vmem>>) target_semaphore(%arg11 : memref<!tpu.dma_semaphore, #tpu.memory_space<semaphore_mem>>)
      %eq3A_154 = arith.constant 3 : i32
      %eq3A_155 = vector.broadcast %eq3A_154 : i32 to vector<16xi32>
      %eq3A_156 = arith.cmpi eq, %iota3A, %eq3A_155 : vector<16xi32>
      %select_n3A_157 = arith.select %eq3A_156, %get3A_55, %broadcast_in_dim3A_3 : vector<16xi1>, vector<16xi32>
      %reduce_max3A_158 = arith.constant true
      %reduce_max3A_159 = vector.broadcast %reduce_max3A_158 : i1 to vector<16xi1>
      %reduce_max3A_160 = arith.constant -2147483648 : i32
      %reduce_max3A_161 = vector.broadcast %reduce_max3A_160 : i32 to vector<16xi32>
      %reduce_max3A_162 = arith.xori %select_n3A_157, %reduce_max3A_161 : vector<16xi32>
      %reduce_max3A_163 = tpu.scan <max>, %reduce_max3A_162 masked %reduce_max3A_159 : vector<16xi32>, vector<16xi1> -> vector<16xi32>
      %reduce_max3A_164 = arith.xori %reduce_max3A_163, %reduce_max3A_161 : vector<16xi32>
      %reduce_max3A_165 = vector.extract %reduce_max3A_164[15] : i32 from vector<16xi32>
      %shift_right_logical3A_166 = arith.constant 14 : i32
      %shift_right_logical3A_167 = arith.shrui %reduce_max3A_165, %shift_right_logical3A_166 : i32
      %shift_left3A_168 = arith.constant 13 : i32
      %shift_left3A_169 = arith.shli %shift_right_logical3A_167, %shift_left3A_168 : i32
      %and3A_170 = arith.constant 8191 : i32
      %and3A_171 = arith.andi %reduce_max3A_165, %and3A_170 : i32
      %add3A_172 = arith.addi %shift_left3A_169, %and3A_171 : i32
      %mul3A_173 = arith.constant 16 : i32
      %mul3A_174 = arith.muli %scan3A_50, %mul3A_173 : i32
      %add3A_175 = arith.constant 3 : i32
      %add3A_176 = arith.addi %mul3A_174, %add3A_175 : i32
      %dma_start3A_177 = arith.constant 0 : i32
      %dma_start3A_178 = tpu.memref_slice %arg9[%add3A_176, %dma_start3A_177] : memref<256x128xf32, #tpu.memory_space<vmem>> -> memref<1x128xf32, #tpu.memory_space<vmem>>
      %dma_start3A_179 = tpu.memref_squeeze %dma_start3A_178 : memref<1x128xf32, #tpu.memory_space<vmem>> -> memref<128xf32, #tpu.memory_space<vmem>>
      %dma_start3A_180 = arith.constant 0 : i32
      %dma_start3A_181 = tpu.memref_slice %arg4[%add3A_172, %dma_start3A_180] : memref<507904x128xf32, #tpu.memory_space<hbm>> -> memref<1x128xf32, #tpu.memory_space<hbm>>
      %dma_start3A_182 = tpu.memref_squeeze %dma_start3A_181 : memref<1x128xf32, #tpu.memory_space<hbm>> -> memref<128xf32, #tpu.memory_space<hbm>>
      %dma_start3A_183 = arith.constant 0 : i32
      %dma_start3A_184 = tpu.memref_slice %arg9[%add3A_176, %dma_start3A_183] : memref<256x128xf32, #tpu.memory_space<vmem>> -> memref<1x128xf32, #tpu.memory_space<vmem>>
      %dma_start3A_185 = tpu.memref_squeeze %dma_start3A_184 : memref<1x128xf32, #tpu.memory_space<vmem>> -> memref<128xf32, #tpu.memory_space<vmem>>
      %dma_start3A_186 = arith.constant 0 : i32
      %dma_start3A_187 = tpu.memref_slice %arg4[%add3A_172, %dma_start3A_186] : memref<507904x128xf32, #tpu.memory_space<hbm>> -> memref<1x128xf32, #tpu.memory_space<hbm>>
      %dma_start3A_188 = tpu.memref_squeeze %dma_start3A_187 : memref<1x128xf32, #tpu.memory_space<hbm>> -> memref<128xf32, #tpu.memory_space<hbm>>
      tpu.enqueue_dma source(%dma_start3A_188 : memref<128xf32, #tpu.memory_space<hbm>>) target(%dma_start3A_185 : memref<128xf32, #tpu.memory_space<vmem>>) target_semaphore(%arg11 : memref<!tpu.dma_semaphore, #tpu.memory_space<semaphore_mem>>)
      %eq3A_189 = arith.constant 4 : i32
      %eq3A_190 = vector.broadcast %eq3A_189 : i32 to vector<16xi32>
      %eq3A_191 = arith.cmpi eq, %iota3A, %eq3A_190 : vector<16xi32>
      %select_n3A_192 = arith.select %eq3A_191, %get3A_55, %broadcast_in_dim3A_3 : vector<16xi1>, vector<16xi32>
      %reduce_max3A_193 = arith.constant true
      %reduce_max3A_194 = vector.broadcast %reduce_max3A_193 : i1 to vector<16xi1>
      %reduce_max3A_195 = arith.constant -2147483648 : i32
      %reduce_max3A_196 = vector.broadcast %reduce_max3A_195 : i32 to vector<16xi32>
      %reduce_max3A_197 = arith.xori %select_n3A_192, %reduce_max3A_196 : vector<16xi32>
      %reduce_max3A_198 = tpu.scan <max>, %reduce_max3A_197 masked %reduce_max3A_194 : vector<16xi32>, vector<16xi1> -> vector<16xi32>
      %reduce_max3A_199 = arith.xori %reduce_max3A_198, %reduce_max3A_196 : vector<16xi32>
      %reduce_max3A_200 = vector.extract %reduce_max3A_199[15] : i32 from vector<16xi32>
      %shift_right_logical3A_201 = arith.constant 14 : i32
      %shift_right_logical3A_202 = arith.shrui %reduce_max3A_200, %shift_right_logical3A_201 : i32
      %shift_left3A_203 = arith.constant 13 : i32
      %shift_left3A_204 = arith.shli %shift_right_logical3A_202, %shift_left3A_203 : i32
      %and3A_205 = arith.constant 8191 : i32
      %and3A_206 = arith.andi %reduce_max3A_200, %and3A_205 : i32
      %add3A_207 = arith.addi %shift_left3A_204, %and3A_206 : i32
      %mul3A_208 = arith.constant 16 : i32
      %mul3A_209 = arith.muli %scan3A_50, %mul3A_208 : i32
      %add3A_210 = arith.constant 4 : i32
      %add3A_211 = arith.addi %mul3A_209, %add3A_210 : i32
      %dma_start3A_212 = arith.constant 0 : i32
      %dma_start3A_213 = tpu.memref_slice %arg9[%add3A_211, %dma_start3A_212] : memref<256x128xf32, #tpu.memory_space<vmem>> -> memref<1x128xf32, #tpu.memory_space<vmem>>
      %dma_start3A_214 = tpu.memref_squeeze %dma_start3A_213 : memref<1x128xf32, #tpu.memory_space<vmem>> -> memref<128xf32, #tpu.memory_space<vmem>>
      %dma_start3A_215 = arith.constant 0 : i32
      %dma_start3A_216 = tpu.memref_slice %arg4[%add3A_207, %dma_start3A_215] : memref<507904x128xf32, #tpu.memory_space<hbm>> -> memref<1x128xf32, #tpu.memory_space<hbm>>
      %dma_start3A_217 = tpu.memref_squeeze %dma_start3A_216 : memref<1x128xf32, #tpu.memory_space<hbm>> -> memref<128xf32, #tpu.memory_space<hbm>>
      %dma_start3A_218 = arith.constant 0 : i32
      %dma_start3A_219 = tpu.memref_slice %arg9[%add3A_211, %dma_start3A_218] : memref<256x128xf32, #tpu.memory_space<vmem>> -> memref<1x128xf32, #tpu.memory_space<vmem>>
      %dma_start3A_220 = tpu.memref_squeeze %dma_start3A_219 : memref<1x128xf32, #tpu.memory_space<vmem>> -> memref<128xf32, #tpu.memory_space<vmem>>
      %dma_start3A_221 = arith.constant 0 : i32
      %dma_start3A_222 = tpu.memref_slice %arg4[%add3A_207, %dma_start3A_221] : memref<507904x128xf32, #tpu.memory_space<hbm>> -> memref<1x128xf32, #tpu.memory_space<hbm>>
      %dma_start3A_223 = tpu.memref_squeeze %dma_start3A_222 : memref<1x128xf32, #tpu.memory_space<hbm>> -> memref<128xf32, #tpu.memory_space<hbm>>
      tpu.enqueue_dma source(%dma_start3A_223 : memref<128xf32, #tpu.memory_space<hbm>>) target(%dma_start3A_220 : memref<128xf32, #tpu.memory_space<vmem>>) target_semaphore(%arg11 : memref<!tpu.dma_semaphore, #tpu.memory_space<semaphore_mem>>)
      %eq3A_224 = arith.constant 5 : i32
      %eq3A_225 = vector.broadcast %eq3A_224 : i32 to vector<16xi32>
      %eq3A_226 = arith.cmpi eq, %iota3A, %eq3A_225 : vector<16xi32>
      %select_n3A_227 = arith.select %eq3A_226, %get3A_55, %broadcast_in_dim3A_3 : vector<16xi1>, vector<16xi32>
      %reduce_max3A_228 = arith.constant true
      %reduce_max3A_229 = vector.broadcast %reduce_max3A_228 : i1 to vector<16xi1>
      %reduce_max3A_230 = arith.constant -2147483648 : i32
      %reduce_max3A_231 = vector.broadcast %reduce_max3A_230 : i32 to vector<16xi32>
      %reduce_max3A_232 = arith.xori %select_n3A_227, %reduce_max3A_231 : vector<16xi32>
      %reduce_max3A_233 = tpu.scan <max>, %reduce_max3A_232 masked %reduce_max3A_229 : vector<16xi32>, vector<16xi1> -> vector<16xi32>
      %reduce_max3A_234 = arith.xori %reduce_max3A_233, %reduce_max3A_231 : vector<16xi32>
      %reduce_max3A_235 = vector.extract %reduce_max3A_234[15] : i32 from vector<16xi32>
      %shift_right_logical3A_236 = arith.constant 14 : i32
      %shift_right_logical3A_237 = arith.shrui %reduce_max3A_235, %shift_right_logical3A_236 : i32
      %shift_left3A_238 = arith.constant 13 : i32
      %shift_left3A_239 = arith.shli %shift_right_logical3A_237, %shift_left3A_238 : i32
      %and3A_240 = arith.constant 8191 : i32
      %and3A_241 = arith.andi %reduce_max3A_235, %and3A_240 : i32
      %add3A_242 = arith.addi %shift_left3A_239, %and3A_241 : i32
      %mul3A_243 = arith.constant 16 : i32
      %mul3A_244 = arith.muli %scan3A_50, %mul3A_243 : i32
      %add3A_245 = arith.constant 5 : i32
      %add3A_246 = arith.addi %mul3A_244, %add3A_245 : i32
      %dma_start3A_247 = arith.constant 0 : i32
      %dma_start3A_248 = tpu.memref_slice %arg9[%add3A_246, %dma_start3A_247] : memref<256x128xf32, #tpu.memory_space<vmem>> -> memref<1x128xf32, #tpu.memory_space<vmem>>
      %dma_start3A_249 = tpu.memref_squeeze %dma_start3A_248 : memref<1x128xf32, #tpu.memory_space<vmem>> -> memref<128xf32, #tpu.memory_space<vmem>>
      %dma_start3A_250 = arith.constant 0 : i32
      %dma_start3A_251 = tpu.memref_slice %arg4[%add3A_242, %dma_start3A_250] : memref<507904x128xf32, #tpu.memory_space<hbm>> -> memref<1x128xf32, #tpu.memory_space<hbm>>
      %dma_start3A_252 = tpu.memref_squeeze %dma_start3A_251 : memref<1x128xf32, #tpu.memory_space<hbm>> -> memref<128xf32, #tpu.memory_space<hbm>>
      %dma_start3A_253 = arith.constant 0 : i32
      %dma_start3A_254 = tpu.memref_slice %arg9[%add3A_246, %dma_start3A_253] : memref<256x128xf32, #tpu.memory_space<vmem>> -> memref<1x128xf32, #tpu.memory_space<vmem>>
      %dma_start3A_255 = tpu.memref_squeeze %dma_start3A_254 : memref<1x128xf32, #tpu.memory_space<vmem>> -> memref<128xf32, #tpu.memory_space<vmem>>
      %dma_start3A_256 = arith.constant 0 : i32
      %dma_start3A_257 = tpu.memref_slice %arg4[%add3A_242, %dma_start3A_256] : memref<507904x128xf32, #tpu.memory_space<hbm>> -> memref<1x128xf32, #tpu.memory_space<hbm>>
      %dma_start3A_258 = tpu.memref_squeeze %dma_start3A_257 : memref<1x128xf32, #tpu.memory_space<hbm>> -> memref<128xf32, #tpu.memory_space<hbm>>
      tpu.enqueue_dma source(%dma_start3A_258 : memref<128xf32, #tpu.memory_space<hbm>>) target(%dma_start3A_255 : memref<128xf32, #tpu.memory_space<vmem>>) target_semaphore(%arg11 : memref<!tpu.dma_semaphore, #tpu.memory_space<semaphore_mem>>)
      %eq3A_259 = arith.constant 6 : i32
      %eq3A_260 = vector.broadcast %eq3A_259 : i32 to vector<16xi32>
      %eq3A_261 = arith.cmpi eq, %iota3A, %eq3A_260 : vector<16xi32>
      %select_n3A_262 = arith.select %eq3A_261, %get3A_55, %broadcast_in_dim3A_3 : vector<16xi1>, vector<16xi32>
      %reduce_max3A_263 = arith.constant true
      %reduce_max3A_264 = vector.broadcast %reduce_max3A_263 : i1 to vector<16xi1>
      %reduce_max3A_265 = arith.constant -2147483648 : i32
      %reduce_max3A_266 = vector.broadcast %reduce_max3A_265 : i32 to vector<16xi32>
      %reduce_max3A_267 = arith.xori %select_n3A_262, %reduce_max3A_266 : vector<16xi32>
      %reduce_max3A_268 = tpu.scan <max>, %reduce_max3A_267 masked %reduce_max3A_264 : vector<16xi32>, vector<16xi1> -> vector<16xi32>
      %reduce_max3A_269 = arith.xori %reduce_max3A_268, %reduce_max3A_266 : vector<16xi32>
      %reduce_max3A_270 = vector.extract %reduce_max3A_269[15] : i32 from vector<16xi32>
      %shift_right_logical3A_271 = arith.constant 14 : i32
      %shift_right_logical3A_272 = arith.shrui %reduce_max3A_270, %shift_right_logical3A_271 : i32
      %shift_left3A_273 = arith.constant 13 : i32
      %shift_left3A_274 = arith.shli %shift_right_logical3A_272, %shift_left3A_273 : i32
      %and3A_275 = arith.constant 8191 : i32
      %and3A_276 = arith.andi %reduce_max3A_270, %and3A_275 : i32
      %add3A_277 = arith.addi %shift_left3A_274, %and3A_276 : i32
      %mul3A_278 = arith.constant 16 : i32
      %mul3A_279 = arith.muli %scan3A_50, %mul3A_278 : i32
      %add3A_280 = arith.constant 6 : i32
      %add3A_281 = arith.addi %mul3A_279, %add3A_280 : i32
      %dma_start3A_282 = arith.constant 0 : i32
      %dma_start3A_283 = tpu.memref_slice %arg9[%add3A_281, %dma_start3A_282] : memref<256x128xf32, #tpu.memory_space<vmem>> -> memref<1x128xf32, #tpu.memory_space<vmem>>
      %dma_start3A_284 = tpu.memref_squeeze %dma_start3A_283 : memref<1x128xf32, #tpu.memory_space<vmem>> -> memref<128xf32, #tpu.memory_space<vmem>>
      %dma_start3A_285 = arith.constant 0 : i32
      %dma_start3A_286 = tpu.memref_slice %arg4[%add3A_277, %dma_start3A_285] : memref<507904x128xf32, #tpu.memory_space<hbm>> -> memref<1x128xf32, #tpu.memory_space<hbm>>
      %dma_start3A_287 = tpu.memref_squeeze %dma_start3A_286 : memref<1x128xf32, #tpu.memory_space<hbm>> -> memref<128xf32, #tpu.memory_space<hbm>>
      %dma_start3A_288 = arith.constant 0 : i32
      %dma_start3A_289 = tpu.memref_slice %arg9[%add3A_281, %dma_start3A_288] : memref<256x128xf32, #tpu.memory_space<vmem>> -> memref<1x128xf32, #tpu.memory_space<vmem>>
      %dma_start3A_290 = tpu.memref_squeeze %dma_start3A_289 : memref<1x128xf32, #tpu.memory_space<vmem>> -> memref<128xf32, #tpu.memory_space<vmem>>
      %dma_start3A_291 = arith.constant 0 : i32
      %dma_start3A_292 = tpu.memref_slice %arg4[%add3A_277, %dma_start3A_291] : memref<507904x128xf32, #tpu.memory_space<hbm>> -> memref<1x128xf32, #tpu.memory_space<hbm>>
      %dma_start3A_293 = tpu.memref_squeeze %dma_start3A_292 : memref<1x128xf32, #tpu.memory_space<hbm>> -> memref<128xf32, #tpu.memory_space<hbm>>
      tpu.enqueue_dma source(%dma_start3A_293 : memref<128xf32, #tpu.memory_space<hbm>>) target(%dma_start3A_290 : memref<128xf32, #tpu.memory_space<vmem>>) target_semaphore(%arg11 : memref<!tpu.dma_semaphore, #tpu.memory_space<semaphore_mem>>)
      %eq3A_294 = arith.constant 7 : i32
      %eq3A_295 = vector.broadcast %eq3A_294 : i32 to vector<16xi32>
      %eq3A_296 = arith.cmpi eq, %iota3A, %eq3A_295 : vector<16xi32>
      %select_n3A_297 = arith.select %eq3A_296, %get3A_55, %broadcast_in_dim3A_3 : vector<16xi1>, vector<16xi32>
      %reduce_max3A_298 = arith.constant true
      %reduce_max3A_299 = vector.broadcast %reduce_max3A_298 : i1 to vector<16xi1>
      %reduce_max3A_300 = arith.constant -2147483648 : i32
      %reduce_max3A_301 = vector.broadcast %reduce_max3A_300 : i32 to vector<16xi32>
      %reduce_max3A_302 = arith.xori %select_n3A_297, %reduce_max3A_301 : vector<16xi32>
      %reduce_max3A_303 = tpu.scan <max>, %reduce_max3A_302 masked %reduce_max3A_299 : vector<16xi32>, vector<16xi1> -> vector<16xi32>
      %reduce_max3A_304 = arith.xori %reduce_max3A_303, %reduce_max3A_301 : vector<16xi32>
      %reduce_max3A_305 = vector.extract %reduce_max3A_304[15] : i32 from vector<16xi32>
      %shift_right_logical3A_306 = arith.constant 14 : i32
      %shift_right_logical3A_307 = arith.shrui %reduce_max3A_305, %shift_right_logical3A_306 : i32
      %shift_left3A_308 = arith.constant 13 : i32
      %shift_left3A_309 = arith.shli %shift_right_logical3A_307, %shift_left3A_308 : i32
      %and3A_310 = arith.constant 8191 : i32
      %and3A_311 = arith.andi %reduce_max3A_305, %and3A_310 : i32
      %add3A_312 = arith.addi %shift_left3A_309, %and3A_311 : i32
      %mul3A_313 = arith.constant 16 : i32
      %mul3A_314 = arith.muli %scan3A_50, %mul3A_313 : i32
      %add3A_315 = arith.constant 7 : i32
      %add3A_316 = arith.addi %mul3A_314, %add3A_315 : i32
      %dma_start3A_317 = arith.constant 0 : i32
      %dma_start3A_318 = tpu.memref_slice %arg9[%add3A_316, %dma_start3A_317] : memref<256x128xf32, #tpu.memory_space<vmem>> -> memref<1x128xf32, #tpu.memory_space<vmem>>
      %dma_start3A_319 = tpu.memref_squeeze %dma_start3A_318 : memref<1x128xf32, #tpu.memory_space<vmem>> -> memref<128xf32, #tpu.memory_space<vmem>>
      %dma_start3A_320 = arith.constant 0 : i32
      %dma_start3A_321 = tpu.memref_slice %arg4[%add3A_312, %dma_start3A_320] : memref<507904x128xf32, #tpu.memory_space<hbm>> -> memref<1x128xf32, #tpu.memory_space<hbm>>
      %dma_start3A_322 = tpu.memref_squeeze %dma_start3A_321 : memref<1x128xf32, #tpu.memory_space<hbm>> -> memref<128xf32, #tpu.memory_space<hbm>>
      %dma_start3A_323 = arith.constant 0 : i32
      %dma_start3A_324 = tpu.memref_slice %arg9[%add3A_316, %dma_start3A_323] : memref<256x128xf32, #tpu.memory_space<vmem>> -> memref<1x128xf32, #tpu.memory_space<vmem>>
      %dma_start3A_325 = tpu.memref_squeeze %dma_start3A_324 : memref<1x128xf32, #tpu.memory_space<vmem>> -> memref<128xf32, #tpu.memory_space<vmem>>
      %dma_start3A_326 = arith.constant 0 : i32
      %dma_start3A_327 = tpu.memref_slice %arg4[%add3A_312, %dma_start3A_326] : memref<507904x128xf32, #tpu.memory_space<hbm>> -> memref<1x128xf32, #tpu.memory_space<hbm>>
      %dma_start3A_328 = tpu.memref_squeeze %dma_start3A_327 : memref<1x128xf32, #tpu.memory_space<hbm>> -> memref<128xf32, #tpu.memory_space<hbm>>
      tpu.enqueue_dma source(%dma_start3A_328 : memref<128xf32, #tpu.memory_space<hbm>>) target(%dma_start3A_325 : memref<128xf32, #tpu.memory_space<vmem>>) target_semaphore(%arg11 : memref<!tpu.dma_semaphore, #tpu.memory_space<semaphore_mem>>)
      %eq3A_329 = arith.constant 8 : i32
      %eq3A_330 = vector.broadcast %eq3A_329 : i32 to vector<16xi32>
      %eq3A_331 = arith.cmpi eq, %iota3A, %eq3A_330 : vector<16xi32>
      %select_n3A_332 = arith.select %eq3A_331, %get3A_55, %broadcast_in_dim3A_3 : vector<16xi1>, vector<16xi32>
      %reduce_max3A_333 = arith.constant true
      %reduce_max3A_334 = vector.broadcast %reduce_max3A_333 : i1 to vector<16xi1>
      %reduce_max3A_335 = arith.constant -2147483648 : i32
      %reduce_max3A_336 = vector.broadcast %reduce_max3A_335 : i32 to vector<16xi32>
      %reduce_max3A_337 = arith.xori %select_n3A_332, %reduce_max3A_336 : vector<16xi32>
      %reduce_max3A_338 = tpu.scan <max>, %reduce_max3A_337 masked %reduce_max3A_334 : vector<16xi32>, vector<16xi1> -> vector<16xi32>
      %reduce_max3A_339 = arith.xori %reduce_max3A_338, %reduce_max3A_336 : vector<16xi32>
      %reduce_max3A_340 = vector.extract %reduce_max3A_339[15] : i32 from vector<16xi32>
      %shift_right_logical3A_341 = arith.constant 14 : i32
      %shift_right_logical3A_342 = arith.shrui %reduce_max3A_340, %shift_right_logical3A_341 : i32
      %shift_left3A_343 = arith.constant 13 : i32
      %shift_left3A_344 = arith.shli %shift_right_logical3A_342, %shift_left3A_343 : i32
      %and3A_345 = arith.constant 8191 : i32
      %and3A_346 = arith.andi %reduce_max3A_340, %and3A_345 : i32
      %add3A_347 = arith.addi %shift_left3A_344, %and3A_346 : i32
      %mul3A_348 = arith.constant 16 : i32
      %mul3A_349 = arith.muli %scan3A_50, %mul3A_348 : i32
      %add3A_350 = arith.constant 8 : i32
      %add3A_351 = arith.addi %mul3A_349, %add3A_350 : i32
      %dma_start3A_352 = arith.constant 0 : i32
      %dma_start3A_353 = tpu.memref_slice %arg9[%add3A_351, %dma_start3A_352] : memref<256x128xf32, #tpu.memory_space<vmem>> -> memref<1x128xf32, #tpu.memory_space<vmem>>
      %dma_start3A_354 = tpu.memref_squeeze %dma_start3A_353 : memref<1x128xf32, #tpu.memory_space<vmem>> -> memref<128xf32, #tpu.memory_space<vmem>>
      %dma_start3A_355 = arith.constant 0 : i32
      %dma_start3A_356 = tpu.memref_slice %arg4[%add3A_347, %dma_start3A_355] : memref<507904x128xf32, #tpu.memory_space<hbm>> -> memref<1x128xf32, #tpu.memory_space<hbm>>
      %dma_start3A_357 = tpu.memref_squeeze %dma_start3A_356 : memref<1x128xf32, #tpu.memory_space<hbm>> -> memref<128xf32, #tpu.memory_space<hbm>>
      %dma_start3A_358 = arith.constant 0 : i32
      %dma_start3A_359 = tpu.memref_slice %arg9[%add3A_351, %dma_start3A_358] : memref<256x128xf32, #tpu.memory_space<vmem>> -> memref<1x128xf32, #tpu.memory_space<vmem>>
      %dma_start3A_360 = tpu.memref_squeeze %dma_start3A_359 : memref<1x128xf32, #tpu.memory_space<vmem>> -> memref<128xf32, #tpu.memory_space<vmem>>
      %dma_start3A_361 = arith.constant 0 : i32
      %dma_start3A_362 = tpu.memref_slice %arg4[%add3A_347, %dma_start3A_361] : memref<507904x128xf32, #tpu.memory_space<hbm>> -> memref<1x128xf32, #tpu.memory_space<hbm>>
      %dma_start3A_363 = tpu.memref_squeeze %dma_start3A_362 : memref<1x128xf32, #tpu.memory_space<hbm>> -> memref<128xf32, #tpu.memory_space<hbm>>
      tpu.enqueue_dma source(%dma_start3A_363 : memref<128xf32, #tpu.memory_space<hbm>>) target(%dma_start3A_360 : memref<128xf32, #tpu.memory_space<vmem>>) target_semaphore(%arg11 : memref<!tpu.dma_semaphore, #tpu.memory_space<semaphore_mem>>)
      %eq3A_364 = arith.constant 9 : i32
      %eq3A_365 = vector.broadcast %eq3A_364 : i32 to vector<16xi32>
      %eq3A_366 = arith.cmpi eq, %iota3A, %eq3A_365 : vector<16xi32>
      %select_n3A_367 = arith.select %eq3A_366, %get3A_55, %broadcast_in_dim3A_3 : vector<16xi1>, vector<16xi32>
      %reduce_max3A_368 = arith.constant true
      %reduce_max3A_369 = vector.broadcast %reduce_max3A_368 : i1 to vector<16xi1>
      %reduce_max3A_370 = arith.constant -2147483648 : i32
      %reduce_max3A_371 = vector.broadcast %reduce_max3A_370 : i32 to vector<16xi32>
      %reduce_max3A_372 = arith.xori %select_n3A_367, %reduce_max3A_371 : vector<16xi32>
      %reduce_max3A_373 = tpu.scan <max>, %reduce_max3A_372 masked %reduce_max3A_369 : vector<16xi32>, vector<16xi1> -> vector<16xi32>
      %reduce_max3A_374 = arith.xori %reduce_max3A_373, %reduce_max3A_371 : vector<16xi32>
      %reduce_max3A_375 = vector.extract %reduce_max3A_374[15] : i32 from vector<16xi32>
      %shift_right_logical3A_376 = arith.constant 14 : i32
      %shift_right_logical3A_377 = arith.shrui %reduce_max3A_375, %shift_right_logical3A_376 : i32
      %shift_left3A_378 = arith.constant 13 : i32
      %shift_left3A_379 = arith.shli %shift_right_logical3A_377, %shift_left3A_378 : i32
      %and3A_380 = arith.constant 8191 : i32
      %and3A_381 = arith.andi %reduce_max3A_375, %and3A_380 : i32
      %add3A_382 = arith.addi %shift_left3A_379, %and3A_381 : i32
      %mul3A_383 = arith.constant 16 : i32
      %mul3A_384 = arith.muli %scan3A_50, %mul3A_383 : i32
      %add3A_385 = arith.constant 9 : i32
      %add3A_386 = arith.addi %mul3A_384, %add3A_385 : i32
      %dma_start3A_387 = arith.constant 0 : i32
      %dma_start3A_388 = tpu.memref_slice %arg9[%add3A_386, %dma_start3A_387] : memref<256x128xf32, #tpu.memory_space<vmem>> -> memref<1x128xf32, #tpu.memory_space<vmem>>
      %dma_start3A_389 = tpu.memref_squeeze %dma_start3A_388 : memref<1x128xf32, #tpu.memory_space<vmem>> -> memref<128xf32, #tpu.memory_space<vmem>>
      %dma_start3A_390 = arith.constant 0 : i32
      %dma_start3A_391 = tpu.memref_slice %arg4[%add3A_382, %dma_start3A_390] : memref<507904x128xf32, #tpu.memory_space<hbm>> -> memref<1x128xf32, #tpu.memory_space<hbm>>
      %dma_start3A_392 = tpu.memref_squeeze %dma_start3A_391 : memref<1x128xf32, #tpu.memory_space<hbm>> -> memref<128xf32, #tpu.memory_space<hbm>>
      %dma_start3A_393 = arith.constant 0 : i32
      %dma_start3A_394 = tpu.memref_slice %arg9[%add3A_386, %dma_start3A_393] : memref<256x128xf32, #tpu.memory_space<vmem>> -> memref<1x128xf32, #tpu.memory_space<vmem>>
      %dma_start3A_395 = tpu.memref_squeeze %dma_start3A_394 : memref<1x128xf32, #tpu.memory_space<vmem>> -> memref<128xf32, #tpu.memory_space<vmem>>
      %dma_start3A_396 = arith.constant 0 : i32
      %dma_start3A_397 = tpu.memref_slice %arg4[%add3A_382, %dma_start3A_396] : memref<507904x128xf32, #tpu.memory_space<hbm>> -> memref<1x128xf32, #tpu.memory_space<hbm>>
      %dma_start3A_398 = tpu.memref_squeeze %dma_start3A_397 : memref<1x128xf32, #tpu.memory_space<hbm>> -> memref<128xf32, #tpu.memory_space<hbm>>
      tpu.enqueue_dma source(%dma_start3A_398 : memref<128xf32, #tpu.memory_space<hbm>>) target(%dma_start3A_395 : memref<128xf32, #tpu.memory_space<vmem>>) target_semaphore(%arg11 : memref<!tpu.dma_semaphore, #tpu.memory_space<semaphore_mem>>)
      %eq3A_399 = arith.constant 10 : i32
      %eq3A_400 = vector.broadcast %eq3A_399 : i32 to vector<16xi32>
      %eq3A_401 = arith.cmpi eq, %iota3A, %eq3A_400 : vector<16xi32>
      %select_n3A_402 = arith.select %eq3A_401, %get3A_55, %broadcast_in_dim3A_3 : vector<16xi1>, vector<16xi32>
      %reduce_max3A_403 = arith.constant true
      %reduce_max3A_404 = vector.broadcast %reduce_max3A_403 : i1 to vector<16xi1>
      %reduce_max3A_405 = arith.constant -2147483648 : i32
      %reduce_max3A_406 = vector.broadcast %reduce_max3A_405 : i32 to vector<16xi32>
      %reduce_max3A_407 = arith.xori %select_n3A_402, %reduce_max3A_406 : vector<16xi32>
      %reduce_max3A_408 = tpu.scan <max>, %reduce_max3A_407 masked %reduce_max3A_404 : vector<16xi32>, vector<16xi1> -> vector<16xi32>
      %reduce_max3A_409 = arith.xori %reduce_max3A_408, %reduce_max3A_406 : vector<16xi32>
      %reduce_max3A_410 = vector.extract %reduce_max3A_409[15] : i32 from vector<16xi32>
      %shift_right_logical3A_411 = arith.constant 14 : i32
      %shift_right_logical3A_412 = arith.shrui %reduce_max3A_410, %shift_right_logical3A_411 : i32
      %shift_left3A_413 = arith.constant 13 : i32
      %shift_left3A_414 = arith.shli %shift_right_logical3A_412, %shift_left3A_413 : i32
      %and3A_415 = arith.constant 8191 : i32
      %and3A_416 = arith.andi %reduce_max3A_410, %and3A_415 : i32
      %add3A_417 = arith.addi %shift_left3A_414, %and3A_416 : i32
      %mul3A_418 = arith.constant 16 : i32
      %mul3A_419 = arith.muli %scan3A_50, %mul3A_418 : i32
      %add3A_420 = arith.constant 10 : i32
      %add3A_421 = arith.addi %mul3A_419, %add3A_420 : i32
      %dma_start3A_422 = arith.constant 0 : i32
      %dma_start3A_423 = tpu.memref_slice %arg9[%add3A_421, %dma_start3A_422] : memref<256x128xf32, #tpu.memory_space<vmem>> -> memref<1x128xf32, #tpu.memory_space<vmem>>
      %dma_start3A_424 = tpu.memref_squeeze %dma_start3A_423 : memref<1x128xf32, #tpu.memory_space<vmem>> -> memref<128xf32, #tpu.memory_space<vmem>>
      %dma_start3A_425 = arith.constant 0 : i32
      %dma_start3A_426 = tpu.memref_slice %arg4[%add3A_417, %dma_start3A_425] : memref<507904x128xf32, #tpu.memory_space<hbm>> -> memref<1x128xf32, #tpu.memory_space<hbm>>
      %dma_start3A_427 = tpu.memref_squeeze %dma_start3A_426 : memref<1x128xf32, #tpu.memory_space<hbm>> -> memref<128xf32, #tpu.memory_space<hbm>>
      %dma_start3A_428 = arith.constant 0 : i32
      %dma_start3A_429 = tpu.memref_slice %arg9[%add3A_421, %dma_start3A_428] : memref<256x128xf32, #tpu.memory_space<vmem>> -> memref<1x128xf32, #tpu.memory_space<vmem>>
      %dma_start3A_430 = tpu.memref_squeeze %dma_start3A_429 : memref<1x128xf32, #tpu.memory_space<vmem>> -> memref<128xf32, #tpu.memory_space<vmem>>
      %dma_start3A_431 = arith.constant 0 : i32
      %dma_start3A_432 = tpu.memref_slice %arg4[%add3A_417, %dma_start3A_431] : memref<507904x128xf32, #tpu.memory_space<hbm>> -> memref<1x128xf32, #tpu.memory_space<hbm>>
      %dma_start3A_433 = tpu.memref_squeeze %dma_start3A_432 : memref<1x128xf32, #tpu.memory_space<hbm>> -> memref<128xf32, #tpu.memory_space<hbm>>
      tpu.enqueue_dma source(%dma_start3A_433 : memref<128xf32, #tpu.memory_space<hbm>>) target(%dma_start3A_430 : memref<128xf32, #tpu.memory_space<vmem>>) target_semaphore(%arg11 : memref<!tpu.dma_semaphore, #tpu.memory_space<semaphore_mem>>)
      %eq3A_434 = arith.constant 11 : i32
      %eq3A_435 = vector.broadcast %eq3A_434 : i32 to vector<16xi32>
      %eq3A_436 = arith.cmpi eq, %iota3A, %eq3A_435 : vector<16xi32>
      %select_n3A_437 = arith.select %eq3A_436, %get3A_55, %broadcast_in_dim3A_3 : vector<16xi1>, vector<16xi32>
      %reduce_max3A_438 = arith.constant true
      %reduce_max3A_439 = vector.broadcast %reduce_max3A_438 : i1 to vector<16xi1>
      %reduce_max3A_440 = arith.constant -2147483648 : i32
      %reduce_max3A_441 = vector.broadcast %reduce_max3A_440 : i32 to vector<16xi32>
      %reduce_max3A_442 = arith.xori %select_n3A_437, %reduce_max3A_441 : vector<16xi32>
      %reduce_max3A_443 = tpu.scan <max>, %reduce_max3A_442 masked %reduce_max3A_439 : vector<16xi32>, vector<16xi1> -> vector<16xi32>
      %reduce_max3A_444 = arith.xori %reduce_max3A_443, %reduce_max3A_441 : vector<16xi32>
      %reduce_max3A_445 = vector.extract %reduce_max3A_444[15] : i32 from vector<16xi32>
      %shift_right_logical3A_446 = arith.constant 14 : i32
      %shift_right_logical3A_447 = arith.shrui %reduce_max3A_445, %shift_right_logical3A_446 : i32
      %shift_left3A_448 = arith.constant 13 : i32
      %shift_left3A_449 = arith.shli %shift_right_logical3A_447, %shift_left3A_448 : i32
      %and3A_450 = arith.constant 8191 : i32
      %and3A_451 = arith.andi %reduce_max3A_445, %and3A_450 : i32
      %add3A_452 = arith.addi %shift_left3A_449, %and3A_451 : i32
      %mul3A_453 = arith.constant 16 : i32
      %mul3A_454 = arith.muli %scan3A_50, %mul3A_453 : i32
      %add3A_455 = arith.constant 11 : i32
      %add3A_456 = arith.addi %mul3A_454, %add3A_455 : i32
      %dma_start3A_457 = arith.constant 0 : i32
      %dma_start3A_458 = tpu.memref_slice %arg9[%add3A_456, %dma_start3A_457] : memref<256x128xf32, #tpu.memory_space<vmem>> -> memref<1x128xf32, #tpu.memory_space<vmem>>
      %dma_start3A_459 = tpu.memref_squeeze %dma_start3A_458 : memref<1x128xf32, #tpu.memory_space<vmem>> -> memref<128xf32, #tpu.memory_space<vmem>>
      %dma_start3A_460 = arith.constant 0 : i32
      %dma_start3A_461 = tpu.memref_slice %arg4[%add3A_452, %dma_start3A_460] : memref<507904x128xf32, #tpu.memory_space<hbm>> -> memref<1x128xf32, #tpu.memory_space<hbm>>
      %dma_start3A_462 = tpu.memref_squeeze %dma_start3A_461 : memref<1x128xf32, #tpu.memory_space<hbm>> -> memref<128xf32, #tpu.memory_space<hbm>>
      %dma_start3A_463 = arith.constant 0 : i32
      %dma_start3A_464 = tpu.memref_slice %arg9[%add3A_456, %dma_start3A_463] : memref<256x128xf32, #tpu.memory_space<vmem>> -> memref<1x128xf32, #tpu.memory_space<vmem>>
      %dma_start3A_465 = tpu.memref_squeeze %dma_start3A_464 : memref<1x128xf32, #tpu.memory_space<vmem>> -> memref<128xf32, #tpu.memory_space<vmem>>
      %dma_start3A_466 = arith.constant 0 : i32
      %dma_start3A_467 = tpu.memref_slice %arg4[%add3A_452, %dma_start3A_466] : memref<507904x128xf32, #tpu.memory_space<hbm>> -> memref<1x128xf32, #tpu.memory_space<hbm>>
      %dma_start3A_468 = tpu.memref_squeeze %dma_start3A_467 : memref<1x128xf32, #tpu.memory_space<hbm>> -> memref<128xf32, #tpu.memory_space<hbm>>
      tpu.enqueue_dma source(%dma_start3A_468 : memref<128xf32, #tpu.memory_space<hbm>>) target(%dma_start3A_465 : memref<128xf32, #tpu.memory_space<vmem>>) target_semaphore(%arg11 : memref<!tpu.dma_semaphore, #tpu.memory_space<semaphore_mem>>)
      %eq3A_469 = arith.constant 12 : i32
      %eq3A_470 = vector.broadcast %eq3A_469 : i32 to vector<16xi32>
      %eq3A_471 = arith.cmpi eq, %iota3A, %eq3A_470 : vector<16xi32>
      %select_n3A_472 = arith.select %eq3A_471, %get3A_55, %broadcast_in_dim3A_3 : vector<16xi1>, vector<16xi32>
      %reduce_max3A_473 = arith.constant true
      %reduce_max3A_474 = vector.broadcast %reduce_max3A_473 : i1 to vector<16xi1>
      %reduce_max3A_475 = arith.constant -2147483648 : i32
      %reduce_max3A_476 = vector.broadcast %reduce_max3A_475 : i32 to vector<16xi32>
      %reduce_max3A_477 = arith.xori %select_n3A_472, %reduce_max3A_476 : vector<16xi32>
      %reduce_max3A_478 = tpu.scan <max>, %reduce_max3A_477 masked %reduce_max3A_474 : vector<16xi32>, vector<16xi1> -> vector<16xi32>
      %reduce_max3A_479 = arith.xori %reduce_max3A_478, %reduce_max3A_476 : vector<16xi32>
      %reduce_max3A_480 = vector.extract %reduce_max3A_479[15] : i32 from vector<16xi32>
      %shift_right_logical3A_481 = arith.constant 14 : i32
      %shift_right_logical3A_482 = arith.shrui %reduce_max3A_480, %shift_right_logical3A_481 : i32
      %shift_left3A_483 = arith.constant 13 : i32
      %shift_left3A_484 = arith.shli %shift_right_logical3A_482, %shift_left3A_483 : i32
      %and3A_485 = arith.constant 8191 : i32
      %and3A_486 = arith.andi %reduce_max3A_480, %and3A_485 : i32
      %add3A_487 = arith.addi %shift_left3A_484, %and3A_486 : i32
      %mul3A_488 = arith.constant 16 : i32
      %mul3A_489 = arith.muli %scan3A_50, %mul3A_488 : i32
      %add3A_490 = arith.constant 12 : i32
      %add3A_491 = arith.addi %mul3A_489, %add3A_490 : i32
      %dma_start3A_492 = arith.constant 0 : i32
      %dma_start3A_493 = tpu.memref_slice %arg9[%add3A_491, %dma_start3A_492] : memref<256x128xf32, #tpu.memory_space<vmem>> -> memref<1x128xf32, #tpu.memory_space<vmem>>
      %dma_start3A_494 = tpu.memref_squeeze %dma_start3A_493 : memref<1x128xf32, #tpu.memory_space<vmem>> -> memref<128xf32, #tpu.memory_space<vmem>>
      %dma_start3A_495 = arith.constant 0 : i32
      %dma_start3A_496 = tpu.memref_slice %arg4[%add3A_487, %dma_start3A_495] : memref<507904x128xf32, #tpu.memory_space<hbm>> -> memref<1x128xf32, #tpu.memory_space<hbm>>
      %dma_start3A_497 = tpu.memref_squeeze %dma_start3A_496 : memref<1x128xf32, #tpu.memory_space<hbm>> -> memref<128xf32, #tpu.memory_space<hbm>>
      %dma_start3A_498 = arith.constant 0 : i32
      %dma_start3A_499 = tpu.memref_slice %arg9[%add3A_491, %dma_start3A_498] : memref<256x128xf32, #tpu.memory_space<vmem>> -> memref<1x128xf32, #tpu.memory_space<vmem>>
      %dma_start3A_500 = tpu.memref_squeeze %dma_start3A_499 : memref<1x128xf32, #tpu.memory_space<vmem>> -> memref<128xf32, #tpu.memory_space<vmem>>
      %dma_start3A_501 = arith.constant 0 : i32
      %dma_start3A_502 = tpu.memref_slice %arg4[%add3A_487, %dma_start3A_501] : memref<507904x128xf32, #tpu.memory_space<hbm>> -> memref<1x128xf32, #tpu.memory_space<hbm>>
      %dma_start3A_503 = tpu.memref_squeeze %dma_start3A_502 : memref<1x128xf32, #tpu.memory_space<hbm>> -> memref<128xf32, #tpu.memory_space<hbm>>
      tpu.enqueue_dma source(%dma_start3A_503 : memref<128xf32, #tpu.memory_space<hbm>>) target(%dma_start3A_500 : memref<128xf32, #tpu.memory_space<vmem>>) target_semaphore(%arg11 : memref<!tpu.dma_semaphore, #tpu.memory_space<semaphore_mem>>)
      %eq3A_504 = arith.constant 13 : i32
      %eq3A_505 = vector.broadcast %eq3A_504 : i32 to vector<16xi32>
      %eq3A_506 = arith.cmpi eq, %iota3A, %eq3A_505 : vector<16xi32>
      %select_n3A_507 = arith.select %eq3A_506, %get3A_55, %broadcast_in_dim3A_3 : vector<16xi1>, vector<16xi32>
      %reduce_max3A_508 = arith.constant true
      %reduce_max3A_509 = vector.broadcast %reduce_max3A_508 : i1 to vector<16xi1>
      %reduce_max3A_510 = arith.constant -2147483648 : i32
      %reduce_max3A_511 = vector.broadcast %reduce_max3A_510 : i32 to vector<16xi32>
      %reduce_max3A_512 = arith.xori %select_n3A_507, %reduce_max3A_511 : vector<16xi32>
      %reduce_max3A_513 = tpu.scan <max>, %reduce_max3A_512 masked %reduce_max3A_509 : vector<16xi32>, vector<16xi1> -> vector<16xi32>
      %reduce_max3A_514 = arith.xori %reduce_max3A_513, %reduce_max3A_511 : vector<16xi32>
      %reduce_max3A_515 = vector.extract %reduce_max3A_514[15] : i32 from vector<16xi32>
      %shift_right_logical3A_516 = arith.constant 14 : i32
      %shift_right_logical3A_517 = arith.shrui %reduce_max3A_515, %shift_right_logical3A_516 : i32
      %shift_left3A_518 = arith.constant 13 : i32
      %shift_left3A_519 = arith.shli %shift_right_logical3A_517, %shift_left3A_518 : i32
      %and3A_520 = arith.constant 8191 : i32
      %and3A_521 = arith.andi %reduce_max3A_515, %and3A_520 : i32
      %add3A_522 = arith.addi %shift_left3A_519, %and3A_521 : i32
      %mul3A_523 = arith.constant 16 : i32
      %mul3A_524 = arith.muli %scan3A_50, %mul3A_523 : i32
      %add3A_525 = arith.constant 13 : i32
      %add3A_526 = arith.addi %mul3A_524, %add3A_525 : i32
      %dma_start3A_527 = arith.constant 0 : i32
      %dma_start3A_528 = tpu.memref_slice %arg9[%add3A_526, %dma_start3A_527] : memref<256x128xf32, #tpu.memory_space<vmem>> -> memref<1x128xf32, #tpu.memory_space<vmem>>
      %dma_start3A_529 = tpu.memref_squeeze %dma_start3A_528 : memref<1x128xf32, #tpu.memory_space<vmem>> -> memref<128xf32, #tpu.memory_space<vmem>>
      %dma_start3A_530 = arith.constant 0 : i32
      %dma_start3A_531 = tpu.memref_slice %arg4[%add3A_522, %dma_start3A_530] : memref<507904x128xf32, #tpu.memory_space<hbm>> -> memref<1x128xf32, #tpu.memory_space<hbm>>
      %dma_start3A_532 = tpu.memref_squeeze %dma_start3A_531 : memref<1x128xf32, #tpu.memory_space<hbm>> -> memref<128xf32, #tpu.memory_space<hbm>>
      %dma_start3A_533 = arith.constant 0 : i32
      %dma_start3A_534 = tpu.memref_slice %arg9[%add3A_526, %dma_start3A_533] : memref<256x128xf32, #tpu.memory_space<vmem>> -> memref<1x128xf32, #tpu.memory_space<vmem>>
      %dma_start3A_535 = tpu.memref_squeeze %dma_start3A_534 : memref<1x128xf32, #tpu.memory_space<vmem>> -> memref<128xf32, #tpu.memory_space<vmem>>
      %dma_start3A_536 = arith.constant 0 : i32
      %dma_start3A_537 = tpu.memref_slice %arg4[%add3A_522, %dma_start3A_536] : memref<507904x128xf32, #tpu.memory_space<hbm>> -> memref<1x128xf32, #tpu.memory_space<hbm>>
      %dma_start3A_538 = tpu.memref_squeeze %dma_start3A_537 : memref<1x128xf32, #tpu.memory_space<hbm>> -> memref<128xf32, #tpu.memory_space<hbm>>
      tpu.enqueue_dma source(%dma_start3A_538 : memref<128xf32, #tpu.memory_space<hbm>>) target(%dma_start3A_535 : memref<128xf32, #tpu.memory_space<vmem>>) target_semaphore(%arg11 : memref<!tpu.dma_semaphore, #tpu.memory_space<semaphore_mem>>)
      %eq3A_539 = arith.constant 14 : i32
      %eq3A_540 = vector.broadcast %eq3A_539 : i32 to vector<16xi32>
      %eq3A_541 = arith.cmpi eq, %iota3A, %eq3A_540 : vector<16xi32>
      %select_n3A_542 = arith.select %eq3A_541, %get3A_55, %broadcast_in_dim3A_3 : vector<16xi1>, vector<16xi32>
      %reduce_max3A_543 = arith.constant true
      %reduce_max3A_544 = vector.broadcast %reduce_max3A_543 : i1 to vector<16xi1>
      %reduce_max3A_545 = arith.constant -2147483648 : i32
      %reduce_max3A_546 = vector.broadcast %reduce_max3A_545 : i32 to vector<16xi32>
      %reduce_max3A_547 = arith.xori %select_n3A_542, %reduce_max3A_546 : vector<16xi32>
      %reduce_max3A_548 = tpu.scan <max>, %reduce_max3A_547 masked %reduce_max3A_544 : vector<16xi32>, vector<16xi1> -> vector<16xi32>
      %reduce_max3A_549 = arith.xori %reduce_max3A_548, %reduce_max3A_546 : vector<16xi32>
      %reduce_max3A_550 = vector.extract %reduce_max3A_549[15] : i32 from vector<16xi32>
      %shift_right_logical3A_551 = arith.constant 14 : i32
      %shift_right_logical3A_552 = arith.shrui %reduce_max3A_550, %shift_right_logical3A_551 : i32
      %shift_left3A_553 = arith.constant 13 : i32
      %shift_left3A_554 = arith.shli %shift_right_logical3A_552, %shift_left3A_553 : i32
      %and3A_555 = arith.constant 8191 : i32
      %and3A_556 = arith.andi %reduce_max3A_550, %and3A_555 : i32
      %add3A_557 = arith.addi %shift_left3A_554, %and3A_556 : i32
      %mul3A_558 = arith.constant 16 : i32
      %mul3A_559 = arith.muli %scan3A_50, %mul3A_558 : i32
      %add3A_560 = arith.constant 14 : i32
      %add3A_561 = arith.addi %mul3A_559, %add3A_560 : i32
      %dma_start3A_562 = arith.constant 0 : i32
      %dma_start3A_563 = tpu.memref_slice %arg9[%add3A_561, %dma_start3A_562] : memref<256x128xf32, #tpu.memory_space<vmem>> -> memref<1x128xf32, #tpu.memory_space<vmem>>
      %dma_start3A_564 = tpu.memref_squeeze %dma_start3A_563 : memref<1x128xf32, #tpu.memory_space<vmem>> -> memref<128xf32, #tpu.memory_space<vmem>>
      %dma_start3A_565 = arith.constant 0 : i32
      %dma_start3A_566 = tpu.memref_slice %arg4[%add3A_557, %dma_start3A_565] : memref<507904x128xf32, #tpu.memory_space<hbm>> -> memref<1x128xf32, #tpu.memory_space<hbm>>
      %dma_start3A_567 = tpu.memref_squeeze %dma_start3A_566 : memref<1x128xf32, #tpu.memory_space<hbm>> -> memref<128xf32, #tpu.memory_space<hbm>>
      %dma_start3A_568 = arith.constant 0 : i32
      %dma_start3A_569 = tpu.memref_slice %arg9[%add3A_561, %dma_start3A_568] : memref<256x128xf32, #tpu.memory_space<vmem>> -> memref<1x128xf32, #tpu.memory_space<vmem>>
      %dma_start3A_570 = tpu.memref_squeeze %dma_start3A_569 : memref<1x128xf32, #tpu.memory_space<vmem>> -> memref<128xf32, #tpu.memory_space<vmem>>
      %dma_start3A_571 = arith.constant 0 : i32
      %dma_start3A_572 = tpu.memref_slice %arg4[%add3A_557, %dma_start3A_571] : memref<507904x128xf32, #tpu.memory_space<hbm>> -> memref<1x128xf32, #tpu.memory_space<hbm>>
      %dma_start3A_573 = tpu.memref_squeeze %dma_start3A_572 : memref<1x128xf32, #tpu.memory_space<hbm>> -> memref<128xf32, #tpu.memory_space<hbm>>
      tpu.enqueue_dma source(%dma_start3A_573 : memref<128xf32, #tpu.memory_space<hbm>>) target(%dma_start3A_570 : memref<128xf32, #tpu.memory_space<vmem>>) target_semaphore(%arg11 : memref<!tpu.dma_semaphore, #tpu.memory_space<semaphore_mem>>)
      %eq3A_574 = arith.constant 15 : i32
      %eq3A_575 = vector.broadcast %eq3A_574 : i32 to vector<16xi32>
      %eq3A_576 = arith.cmpi eq, %iota3A, %eq3A_575 : vector<16xi32>
      %select_n3A_577 = arith.select %eq3A_576, %get3A_55, %broadcast_in_dim3A_3 : vector<16xi1>, vector<16xi32>
      %reduce_max3A_578 = arith.constant true
      %reduce_max3A_579 = vector.broadcast %reduce_max3A_578 : i1 to vector<16xi1>
      %reduce_max3A_580 = arith.constant -2147483648 : i32
      %reduce_max3A_581 = vector.broadcast %reduce_max3A_580 : i32 to vector<16xi32>
      %reduce_max3A_582 = arith.xori %select_n3A_577, %reduce_max3A_581 : vector<16xi32>
      %reduce_max3A_583 = tpu.scan <max>, %reduce_max3A_582 masked %reduce_max3A_579 : vector<16xi32>, vector<16xi1> -> vector<16xi32>
      %reduce_max3A_584 = arith.xori %reduce_max3A_583, %reduce_max3A_581 : vector<16xi32>
      %reduce_max3A_585 = vector.extract %reduce_max3A_584[15] : i32 from vector<16xi32>
      %shift_right_logical3A_586 = arith.constant 14 : i32
      %shift_right_logical3A_587 = arith.shrui %reduce_max3A_585, %shift_right_logical3A_586 : i32
      %shift_left3A_588 = arith.constant 13 : i32
      %shift_left3A_589 = arith.shli %shift_right_logical3A_587, %shift_left3A_588 : i32
      %and3A_590 = arith.constant 8191 : i32
      %and3A_591 = arith.andi %reduce_max3A_585, %and3A_590 : i32
      %add3A_592 = arith.addi %shift_left3A_589, %and3A_591 : i32
      %mul3A_593 = arith.constant 16 : i32
      %mul3A_594 = arith.muli %scan3A_50, %mul3A_593 : i32
      %add3A_595 = arith.constant 15 : i32
      %add3A_596 = arith.addi %mul3A_594, %add3A_595 : i32
      %dma_start3A_597 = arith.constant 0 : i32
      %dma_start3A_598 = tpu.memref_slice %arg9[%add3A_596, %dma_start3A_597] : memref<256x128xf32, #tpu.memory_space<vmem>> -> memref<1x128xf32, #tpu.memory_space<vmem>>
      %dma_start3A_599 = tpu.memref_squeeze %dma_start3A_598 : memref<1x128xf32, #tpu.memory_space<vmem>> -> memref<128xf32, #tpu.memory_space<vmem>>
      %dma_start3A_600 = arith.constant 0 : i32
      %dma_start3A_601 = tpu.memref_slice %arg4[%add3A_592, %dma_start3A_600] : memref<507904x128xf32, #tpu.memory_space<hbm>> -> memref<1x128xf32, #tpu.memory_space<hbm>>
      %dma_start3A_602 = tpu.memref_squeeze %dma_start3A_601 : memref<1x128xf32, #tpu.memory_space<hbm>> -> memref<128xf32, #tpu.memory_space<hbm>>
      %dma_start3A_603 = arith.constant 0 : i32
      %dma_start3A_604 = tpu.memref_slice %arg9[%add3A_596, %dma_start3A_603] : memref<256x128xf32, #tpu.memory_space<vmem>> -> memref<1x128xf32, #tpu.memory_space<vmem>>
      %dma_start3A_605 = tpu.memref_squeeze %dma_start3A_604 : memref<1x128xf32, #tpu.memory_space<vmem>> -> memref<128xf32, #tpu.memory_space<vmem>>
      %dma_start3A_606 = arith.constant 0 : i32
      %dma_start3A_607 = tpu.memref_slice %arg4[%add3A_592, %dma_start3A_606] : memref<507904x128xf32, #tpu.memory_space<hbm>> -> memref<1x128xf32, #tpu.memory_space<hbm>>
      %dma_start3A_608 = tpu.memref_squeeze %dma_start3A_607 : memref<1x128xf32, #tpu.memory_space<hbm>> -> memref<128xf32, #tpu.memory_space<hbm>>
      tpu.enqueue_dma source(%dma_start3A_608 : memref<128xf32, #tpu.memory_space<hbm>>) target(%dma_start3A_605 : memref<128xf32, #tpu.memory_space<vmem>>) target_semaphore(%arg11 : memref<!tpu.dma_semaphore, #tpu.memory_space<semaphore_mem>>)
    }
    %scan3A_8 = arith.constant 16 : i32
    %add3A_9 = arith.constant 0 : i32
    %add3A_10 = arith.addi %mul3A_2, %add3A_9 : i32
    %dma_wait3A = arith.constant 0 : i32
    %dma_wait3A_11 = tpu.memref_slice %arg6[%add3A_10, %dma_wait3A] : memref<16384x128xf32, #tpu.memory_space<hbm>> -> memref<256x128xf32, #tpu.memory_space<hbm>>
    %dma_wait3A_12 = arith.constant 0 : i32
    %dma_wait3A_13 = tpu.memref_slice %arg6[%add3A_10, %dma_wait3A_12] : memref<16384x128xf32, #tpu.memory_space<hbm>> -> memref<256x128xf32, #tpu.memory_space<hbm>>
    tpu.wait_dma2 semaphore(%arg11 : memref<!tpu.dma_semaphore, #tpu.memory_space<semaphore_mem>>) src(%dma_wait3A_13 : memref<256x128xf32, #tpu.memory_space<hbm>>) dst(%arg9 : memref<256x128xf32, #tpu.memory_space<vmem>>)
    "tpu.region"() ({
      %run_scoped3A = tpu.sem_alloc : memref<!tpu.dma_semaphore, #tpu.memory_space<semaphore_mem>>
      %dma_start3A = arith.constant 0 : i32
      %dma_start3A_50 = tpu.memref_slice %arg6[%add3A_10, %dma_start3A] : memref<16384x128xf32, #tpu.memory_space<hbm>> -> memref<256x128xf32, #tpu.memory_space<hbm>>
      %dma_start3A_51 = arith.constant 0 : i32
      %dma_start3A_52 = tpu.memref_slice %arg6[%add3A_10, %dma_start3A_51] : memref<16384x128xf32, #tpu.memory_space<hbm>> -> memref<256x128xf32, #tpu.memory_space<hbm>>
      tpu.enqueue_dma source(%arg9 : memref<256x128xf32, #tpu.memory_space<vmem>>) target(%dma_start3A_52 : memref<256x128xf32, #tpu.memory_space<hbm>>) target_semaphore(%run_scoped3A : memref<!tpu.dma_semaphore, #tpu.memory_space<semaphore_mem>>)
      %dma_wait3A_53 = arith.constant 0 : i32
      %dma_wait3A_54 = tpu.memref_slice %arg6[%add3A_10, %dma_wait3A_53] : memref<16384x128xf32, #tpu.memory_space<hbm>> -> memref<256x128xf32, #tpu.memory_space<hbm>>
      %dma_wait3A_55 = arith.constant 0 : i32
      %dma_wait3A_56 = tpu.memref_slice %arg6[%add3A_10, %dma_wait3A_55] : memref<16384x128xf32, #tpu.memory_space<hbm>> -> memref<256x128xf32, #tpu.memory_space<hbm>>
      tpu.wait_dma2 semaphore(%run_scoped3A : memref<!tpu.dma_semaphore, #tpu.memory_space<semaphore_mem>>) src(%arg9 : memref<256x128xf32, #tpu.memory_space<vmem>>) dst(%dma_wait3A_56 : memref<256x128xf32, #tpu.memory_space<hbm>>)
      tpu.yield
    }) : () -> ()
    %scan3A_14 = arith.constant 0 : i32
    %scan3A_15 = arith.constant 0 : i32
    %scan3A_16 = arith.constant 16 : i32
    %scan3A_17 = arith.addi %scan3A_15, %scan3A_16 : i32
    %scan3A_18 = arith.constant 1 : i32
    scf.for %scan3A_50 = %scan3A_15 to %scan3A_17 step %scan3A_18  : i32 {
      %mul3A_51 = arith.constant 16 : i32
      %mul3A_52 = arith.muli %scan3A_50, %mul3A_51 : i32
      %add3A_53 = arith.constant 256 : i32
      %add3A_54 = arith.addi %add3A_53, %mul3A_52 : i32
      %get3A = arith.index_cast %add3A_54 : i32 to index
      %get3A_55 = tpu.vector_load %arg8[%get3A] {strides = array<i32>} : memref<512xi32, #tpu.memory_space<vmem>>, vector<16xi32>,
      %eq3A = arith.constant 0 : i32
      %eq3A_56 = vector.broadcast %eq3A : i32 to vector<16xi32>
      %eq3A_57 = arith.cmpi eq, %iota3A, %eq3A_56 : vector<16xi32>
      %select_n3A = arith.select %eq3A_57, %get3A_55, %broadcast_in_dim3A_3 : vector<16xi1>, vector<16xi32>
      %reduce_max3A = arith.constant true
      %reduce_max3A_58 = vector.broadcast %reduce_max3A : i1 to vector<16xi1>
      %reduce_max3A_59 = arith.constant -2147483648 : i32
      %reduce_max3A_60 = vector.broadcast %reduce_max3A_59 : i32 to vector<16xi32>
      %reduce_max3A_61 = arith.xori %select_n3A, %reduce_max3A_60 : vector<16xi32>
      %reduce_max3A_62 = tpu.scan <max>, %reduce_max3A_61 masked %reduce_max3A_58 : vector<16xi32>, vector<16xi1> -> vector<16xi32>
      %reduce_max3A_63 = arith.xori %reduce_max3A_62, %reduce_max3A_60 : vector<16xi32>
      %reduce_max3A_64 = vector.extract %reduce_max3A_63[15] : i32 from vector<16xi32>
      %shift_right_logical3A = arith.constant 14 : i32
      %shift_right_logical3A_65 = arith.shrui %reduce_max3A_64, %shift_right_logical3A : i32
      %shift_left3A = arith.constant 13 : i32
      %shift_left3A_66 = arith.shli %shift_right_logical3A_65, %shift_left3A : i32
      %and3A = arith.constant 8191 : i32
      %and3A_67 = arith.andi %reduce_max3A_64, %and3A : i32
      %add3A_68 = arith.addi %shift_left3A_66, %and3A_67 : i32
      %mul3A_69 = arith.constant 16 : i32
      %mul3A_70 = arith.muli %scan3A_50, %mul3A_69 : i32
      %add3A_71 = arith.constant 0 : i32
      %add3A_72 = arith.addi %mul3A_70, %add3A_71 : i32
      %dma_start3A = arith.constant 0 : i32
      %dma_start3A_73 = tpu.memref_slice %arg9[%add3A_72, %dma_start3A] : memref<256x128xf32, #tpu.memory_space<vmem>> -> memref<1x128xf32, #tpu.memory_space<vmem>>
      %dma_start3A_74 = tpu.memref_squeeze %dma_start3A_73 : memref<1x128xf32, #tpu.memory_space<vmem>> -> memref<128xf32, #tpu.memory_space<vmem>>
      %dma_start3A_75 = arith.constant 0 : i32
      %dma_start3A_76 = tpu.memref_slice %arg4[%add3A_68, %dma_start3A_75] : memref<507904x128xf32, #tpu.memory_space<hbm>> -> memref<1x128xf32, #tpu.memory_space<hbm>>
      %dma_start3A_77 = tpu.memref_squeeze %dma_start3A_76 : memref<1x128xf32, #tpu.memory_space<hbm>> -> memref<128xf32, #tpu.memory_space<hbm>>
      %dma_start3A_78 = arith.constant 0 : i32
      %dma_start3A_79 = tpu.memref_slice %arg9[%add3A_72, %dma_start3A_78] : memref<256x128xf32, #tpu.memory_space<vmem>> -> memref<1x128xf32, #tpu.memory_space<vmem>>
      %dma_start3A_80 = tpu.memref_squeeze %dma_start3A_79 : memref<1x128xf32, #tpu.memory_space<vmem>> -> memref<128xf32, #tpu.memory_space<vmem>>
      %dma_start3A_81 = arith.constant 0 : i32
      %dma_start3A_82 = tpu.memref_slice %arg4[%add3A_68, %dma_start3A_81] : memref<507904x128xf32, #tpu.memory_space<hbm>> -> memref<1x128xf32, #tpu.memory_space<hbm>>
      %dma_start3A_83 = tpu.memref_squeeze %dma_start3A_82 : memref<1x128xf32, #tpu.memory_space<hbm>> -> memref<128xf32, #tpu.memory_space<hbm>>
      tpu.enqueue_dma source(%dma_start3A_83 : memref<128xf32, #tpu.memory_space<hbm>>) target(%dma_start3A_80 : memref<128xf32, #tpu.memory_space<vmem>>) target_semaphore(%arg11 : memref<!tpu.dma_semaphore, #tpu.memory_space<semaphore_mem>>)
      %eq3A_84 = arith.constant 1 : i32
      %eq3A_85 = vector.broadcast %eq3A_84 : i32 to vector<16xi32>
      %eq3A_86 = arith.cmpi eq, %iota3A, %eq3A_85 : vector<16xi32>
      %select_n3A_87 = arith.select %eq3A_86, %get3A_55, %broadcast_in_dim3A_3 : vector<16xi1>, vector<16xi32>
      %reduce_max3A_88 = arith.constant true
      %reduce_max3A_89 = vector.broadcast %reduce_max3A_88 : i1 to vector<16xi1>
      %reduce_max3A_90 = arith.constant -2147483648 : i32
      %reduce_max3A_91 = vector.broadcast %reduce_max3A_90 : i32 to vector<16xi32>
      %reduce_max3A_92 = arith.xori %select_n3A_87, %reduce_max3A_91 : vector<16xi32>
      %reduce_max3A_93 = tpu.scan <max>, %reduce_max3A_92 masked %reduce_max3A_89 : vector<16xi32>, vector<16xi1> -> vector<16xi32>
      %reduce_max3A_94 = arith.xori %reduce_max3A_93, %reduce_max3A_91 : vector<16xi32>
      %reduce_max3A_95 = vector.extract %reduce_max3A_94[15] : i32 from vector<16xi32>
      %shift_right_logical3A_96 = arith.constant 14 : i32
      %shift_right_logical3A_97 = arith.shrui %reduce_max3A_95, %shift_right_logical3A_96 : i32
      %shift_left3A_98 = arith.constant 13 : i32
      %shift_left3A_99 = arith.shli %shift_right_logical3A_97, %shift_left3A_98 : i32
      %and3A_100 = arith.constant 8191 : i32
      %and3A_101 = arith.andi %reduce_max3A_95, %and3A_100 : i32
      %add3A_102 = arith.addi %shift_left3A_99, %and3A_101 : i32
      %mul3A_103 = arith.constant 16 : i32
      %mul3A_104 = arith.muli %scan3A_50, %mul3A_103 : i32
      %add3A_105 = arith.constant 1 : i32
      %add3A_106 = arith.addi %mul3A_104, %add3A_105 : i32
      %dma_start3A_107 = arith.constant 0 : i32
      %dma_start3A_108 = tpu.memref_slice %arg9[%add3A_106, %dma_start3A_107] : memref<256x128xf32, #tpu.memory_space<vmem>> -> memref<1x128xf32, #tpu.memory_space<vmem>>
      %dma_start3A_109 = tpu.memref_squeeze %dma_start3A_108 : memref<1x128xf32, #tpu.memory_space<vmem>> -> memref<128xf32, #tpu.memory_space<vmem>>
      %dma_start3A_110 = arith.constant 0 : i32
      %dma_start3A_111 = tpu.memref_slice %arg4[%add3A_102, %dma_start3A_110] : memref<507904x128xf32, #tpu.memory_space<hbm>> -> memref<1x128xf32, #tpu.memory_space<hbm>>
      %dma_start3A_112 = tpu.memref_squeeze %dma_start3A_111 : memref<1x128xf32, #tpu.memory_space<hbm>> -> memref<128xf32, #tpu.memory_space<hbm>>
      %dma_start3A_113 = arith.constant 0 : i32
      %dma_start3A_114 = tpu.memref_slice %arg9[%add3A_106, %dma_start3A_113] : memref<256x128xf32, #tpu.memory_space<vmem>> -> memref<1x128xf32, #tpu.memory_space<vmem>>
      %dma_start3A_115 = tpu.memref_squeeze %dma_start3A_114 : memref<1x128xf32, #tpu.memory_space<vmem>> -> memref<128xf32, #tpu.memory_space<vmem>>
      %dma_start3A_116 = arith.constant 0 : i32
      %dma_start3A_117 = tpu.memref_slice %arg4[%add3A_102, %dma_start3A_116] : memref<507904x128xf32, #tpu.memory_space<hbm>> -> memref<1x128xf32, #tpu.memory_space<hbm>>
      %dma_start3A_118 = tpu.memref_squeeze %dma_start3A_117 : memref<1x128xf32, #tpu.memory_space<hbm>> -> memref<128xf32, #tpu.memory_space<hbm>>
      tpu.enqueue_dma source(%dma_start3A_118 : memref<128xf32, #tpu.memory_space<hbm>>) target(%dma_start3A_115 : memref<128xf32, #tpu.memory_space<vmem>>) target_semaphore(%arg11 : memref<!tpu.dma_semaphore, #tpu.memory_space<semaphore_mem>>)
      %eq3A_119 = arith.constant 2 : i32
      %eq3A_120 = vector.broadcast %eq3A_119 : i32 to vector<16xi32>
      %eq3A_121 = arith.cmpi eq, %iota3A, %eq3A_120 : vector<16xi32>
      %select_n3A_122 = arith.select %eq3A_121, %get3A_55, %broadcast_in_dim3A_3 : vector<16xi1>, vector<16xi32>
      %reduce_max3A_123 = arith.constant true
      %reduce_max3A_124 = vector.broadcast %reduce_max3A_123 : i1 to vector<16xi1>
      %reduce_max3A_125 = arith.constant -2147483648 : i32
      %reduce_max3A_126 = vector.broadcast %reduce_max3A_125 : i32 to vector<16xi32>
      %reduce_max3A_127 = arith.xori %select_n3A_122, %reduce_max3A_126 : vector<16xi32>
      %reduce_max3A_128 = tpu.scan <max>, %reduce_max3A_127 masked %reduce_max3A_124 : vector<16xi32>, vector<16xi1> -> vector<16xi32>
      %reduce_max3A_129 = arith.xori %reduce_max3A_128, %reduce_max3A_126 : vector<16xi32>
      %reduce_max3A_130 = vector.extract %reduce_max3A_129[15] : i32 from vector<16xi32>
      %shift_right_logical3A_131 = arith.constant 14 : i32
      %shift_right_logical3A_132 = arith.shrui %reduce_max3A_130, %shift_right_logical3A_131 : i32
      %shift_left3A_133 = arith.constant 13 : i32
      %shift_left3A_134 = arith.shli %shift_right_logical3A_132, %shift_left3A_133 : i32
      %and3A_135 = arith.constant 8191 : i32
      %and3A_136 = arith.andi %reduce_max3A_130, %and3A_135 : i32
      %add3A_137 = arith.addi %shift_left3A_134, %and3A_136 : i32
      %mul3A_138 = arith.constant 16 : i32
      %mul3A_139 = arith.muli %scan3A_50, %mul3A_138 : i32
      %add3A_140 = arith.constant 2 : i32
      %add3A_141 = arith.addi %mul3A_139, %add3A_140 : i32
      %dma_start3A_142 = arith.constant 0 : i32
      %dma_start3A_143 = tpu.memref_slice %arg9[%add3A_141, %dma_start3A_142] : memref<256x128xf32, #tpu.memory_space<vmem>> -> memref<1x128xf32, #tpu.memory_space<vmem>>
      %dma_start3A_144 = tpu.memref_squeeze %dma_start3A_143 : memref<1x128xf32, #tpu.memory_space<vmem>> -> memref<128xf32, #tpu.memory_space<vmem>>
      %dma_start3A_145 = arith.constant 0 : i32
      %dma_start3A_146 = tpu.memref_slice %arg4[%add3A_137, %dma_start3A_145] : memref<507904x128xf32, #tpu.memory_space<hbm>> -> memref<1x128xf32, #tpu.memory_space<hbm>>
      %dma_start3A_147 = tpu.memref_squeeze %dma_start3A_146 : memref<1x128xf32, #tpu.memory_space<hbm>> -> memref<128xf32, #tpu.memory_space<hbm>>
      %dma_start3A_148 = arith.constant 0 : i32
      %dma_start3A_149 = tpu.memref_slice %arg9[%add3A_141, %dma_start3A_148] : memref<256x128xf32, #tpu.memory_space<vmem>> -> memref<1x128xf32, #tpu.memory_space<vmem>>
      %dma_start3A_150 = tpu.memref_squeeze %dma_start3A_149 : memref<1x128xf32, #tpu.memory_space<vmem>> -> memref<128xf32, #tpu.memory_space<vmem>>
      %dma_start3A_151 = arith.constant 0 : i32
      %dma_start3A_152 = tpu.memref_slice %arg4[%add3A_137, %dma_start3A_151] : memref<507904x128xf32, #tpu.memory_space<hbm>> -> memref<1x128xf32, #tpu.memory_space<hbm>>
      %dma_start3A_153 = tpu.memref_squeeze %dma_start3A_152 : memref<1x128xf32, #tpu.memory_space<hbm>> -> memref<128xf32, #tpu.memory_space<hbm>>
      tpu.enqueue_dma source(%dma_start3A_153 : memref<128xf32, #tpu.memory_space<hbm>>) target(%dma_start3A_150 : memref<128xf32, #tpu.memory_space<vmem>>) target_semaphore(%arg11 : memref<!tpu.dma_semaphore, #tpu.memory_space<semaphore_mem>>)
      %eq3A_154 = arith.constant 3 : i32
      %eq3A_155 = vector.broadcast %eq3A_154 : i32 to vector<16xi32>
      %eq3A_156 = arith.cmpi eq, %iota3A, %eq3A_155 : vector<16xi32>
      %select_n3A_157 = arith.select %eq3A_156, %get3A_55, %broadcast_in_dim3A_3 : vector<16xi1>, vector<16xi32>
      %reduce_max3A_158 = arith.constant true
      %reduce_max3A_159 = vector.broadcast %reduce_max3A_158 : i1 to vector<16xi1>
      %reduce_max3A_160 = arith.constant -2147483648 : i32
      %reduce_max3A_161 = vector.broadcast %reduce_max3A_160 : i32 to vector<16xi32>
      %reduce_max3A_162 = arith.xori %select_n3A_157, %reduce_max3A_161 : vector<16xi32>
      %reduce_max3A_163 = tpu.scan <max>, %reduce_max3A_162 masked %reduce_max3A_159 : vector<16xi32>, vector<16xi1> -> vector<16xi32>
      %reduce_max3A_164 = arith.xori %reduce_max3A_163, %reduce_max3A_161 : vector<16xi32>
      %reduce_max3A_165 = vector.extract %reduce_max3A_164[15] : i32 from vector<16xi32>
      %shift_right_logical3A_166 = arith.constant 14 : i32
      %shift_right_logical3A_167 = arith.shrui %reduce_max3A_165, %shift_right_logical3A_166 : i32
      %shift_left3A_168 = arith.constant 13 : i32
      %shift_left3A_169 = arith.shli %shift_right_logical3A_167, %shift_left3A_168 : i32
      %and3A_170 = arith.constant 8191 : i32
      %and3A_171 = arith.andi %reduce_max3A_165, %and3A_170 : i32
      %add3A_172 = arith.addi %shift_left3A_169, %and3A_171 : i32
      %mul3A_173 = arith.constant 16 : i32
      %mul3A_174 = arith.muli %scan3A_50, %mul3A_173 : i32
      %add3A_175 = arith.constant 3 : i32
      %add3A_176 = arith.addi %mul3A_174, %add3A_175 : i32
      %dma_start3A_177 = arith.constant 0 : i32
      %dma_start3A_178 = tpu.memref_slice %arg9[%add3A_176, %dma_start3A_177] : memref<256x128xf32, #tpu.memory_space<vmem>> -> memref<1x128xf32, #tpu.memory_space<vmem>>
      %dma_start3A_179 = tpu.memref_squeeze %dma_start3A_178 : memref<1x128xf32, #tpu.memory_space<vmem>> -> memref<128xf32, #tpu.memory_space<vmem>>
      %dma_start3A_180 = arith.constant 0 : i32
      %dma_start3A_181 = tpu.memref_slice %arg4[%add3A_172, %dma_start3A_180] : memref<507904x128xf32, #tpu.memory_space<hbm>> -> memref<1x128xf32, #tpu.memory_space<hbm>>
      %dma_start3A_182 = tpu.memref_squeeze %dma_start3A_181 : memref<1x128xf32, #tpu.memory_space<hbm>> -> memref<128xf32, #tpu.memory_space<hbm>>
      %dma_start3A_183 = arith.constant 0 : i32
      %dma_start3A_184 = tpu.memref_slice %arg9[%add3A_176, %dma_start3A_183] : memref<256x128xf32, #tpu.memory_space<vmem>> -> memref<1x128xf32, #tpu.memory_space<vmem>>
      %dma_start3A_185 = tpu.memref_squeeze %dma_start3A_184 : memref<1x128xf32, #tpu.memory_space<vmem>> -> memref<128xf32, #tpu.memory_space<vmem>>
      %dma_start3A_186 = arith.constant 0 : i32
      %dma_start3A_187 = tpu.memref_slice %arg4[%add3A_172, %dma_start3A_186] : memref<507904x128xf32, #tpu.memory_space<hbm>> -> memref<1x128xf32, #tpu.memory_space<hbm>>
      %dma_start3A_188 = tpu.memref_squeeze %dma_start3A_187 : memref<1x128xf32, #tpu.memory_space<hbm>> -> memref<128xf32, #tpu.memory_space<hbm>>
      tpu.enqueue_dma source(%dma_start3A_188 : memref<128xf32, #tpu.memory_space<hbm>>) target(%dma_start3A_185 : memref<128xf32, #tpu.memory_space<vmem>>) target_semaphore(%arg11 : memref<!tpu.dma_semaphore, #tpu.memory_space<semaphore_mem>>)
      %eq3A_189 = arith.constant 4 : i32
      %eq3A_190 = vector.broadcast %eq3A_189 : i32 to vector<16xi32>
      %eq3A_191 = arith.cmpi eq, %iota3A, %eq3A_190 : vector<16xi32>
      %select_n3A_192 = arith.select %eq3A_191, %get3A_55, %broadcast_in_dim3A_3 : vector<16xi1>, vector<16xi32>
      %reduce_max3A_193 = arith.constant true
      %reduce_max3A_194 = vector.broadcast %reduce_max3A_193 : i1 to vector<16xi1>
      %reduce_max3A_195 = arith.constant -2147483648 : i32
      %reduce_max3A_196 = vector.broadcast %reduce_max3A_195 : i32 to vector<16xi32>
      %reduce_max3A_197 = arith.xori %select_n3A_192, %reduce_max3A_196 : vector<16xi32>
      %reduce_max3A_198 = tpu.scan <max>, %reduce_max3A_197 masked %reduce_max3A_194 : vector<16xi32>, vector<16xi1> -> vector<16xi32>
      %reduce_max3A_199 = arith.xori %reduce_max3A_198, %reduce_max3A_196 : vector<16xi32>
      %reduce_max3A_200 = vector.extract %reduce_max3A_199[15] : i32 from vector<16xi32>
      %shift_right_logical3A_201 = arith.constant 14 : i32
      %shift_right_logical3A_202 = arith.shrui %reduce_max3A_200, %shift_right_logical3A_201 : i32
      %shift_left3A_203 = arith.constant 13 : i32
      %shift_left3A_204 = arith.shli %shift_right_logical3A_202, %shift_left3A_203 : i32
      %and3A_205 = arith.constant 8191 : i32
      %and3A_206 = arith.andi %reduce_max3A_200, %and3A_205 : i32
      %add3A_207 = arith.addi %shift_left3A_204, %and3A_206 : i32
      %mul3A_208 = arith.constant 16 : i32
      %mul3A_209 = arith.muli %scan3A_50, %mul3A_208 : i32
      %add3A_210 = arith.constant 4 : i32
      %add3A_211 = arith.addi %mul3A_209, %add3A_210 : i32
      %dma_start3A_212 = arith.constant 0 : i32
      %dma_start3A_213 = tpu.memref_slice %arg9[%add3A_211, %dma_start3A_212] : memref<256x128xf32, #tpu.memory_space<vmem>> -> memref<1x128xf32, #tpu.memory_space<vmem>>
      %dma_start3A_214 = tpu.memref_squeeze %dma_start3A_213 : memref<1x128xf32, #tpu.memory_space<vmem>> -> memref<128xf32, #tpu.memory_space<vmem>>
      %dma_start3A_215 = arith.constant 0 : i32
      %dma_start3A_216 = tpu.memref_slice %arg4[%add3A_207, %dma_start3A_215] : memref<507904x128xf32, #tpu.memory_space<hbm>> -> memref<1x128xf32, #tpu.memory_space<hbm>>
      %dma_start3A_217 = tpu.memref_squeeze %dma_start3A_216 : memref<1x128xf32, #tpu.memory_space<hbm>> -> memref<128xf32, #tpu.memory_space<hbm>>
      %dma_start3A_218 = arith.constant 0 : i32
      %dma_start3A_219 = tpu.memref_slice %arg9[%add3A_211, %dma_start3A_218] : memref<256x128xf32, #tpu.memory_space<vmem>> -> memref<1x128xf32, #tpu.memory_space<vmem>>
      %dma_start3A_220 = tpu.memref_squeeze %dma_start3A_219 : memref<1x128xf32, #tpu.memory_space<vmem>> -> memref<128xf32, #tpu.memory_space<vmem>>
      %dma_start3A_221 = arith.constant 0 : i32
      %dma_start3A_222 = tpu.memref_slice %arg4[%add3A_207, %dma_start3A_221] : memref<507904x128xf32, #tpu.memory_space<hbm>> -> memref<1x128xf32, #tpu.memory_space<hbm>>
      %dma_start3A_223 = tpu.memref_squeeze %dma_start3A_222 : memref<1x128xf32, #tpu.memory_space<hbm>> -> memref<128xf32, #tpu.memory_space<hbm>>
      tpu.enqueue_dma source(%dma_start3A_223 : memref<128xf32, #tpu.memory_space<hbm>>) target(%dma_start3A_220 : memref<128xf32, #tpu.memory_space<vmem>>) target_semaphore(%arg11 : memref<!tpu.dma_semaphore, #tpu.memory_space<semaphore_mem>>)
      %eq3A_224 = arith.constant 5 : i32
      %eq3A_225 = vector.broadcast %eq3A_224 : i32 to vector<16xi32>
      %eq3A_226 = arith.cmpi eq, %iota3A, %eq3A_225 : vector<16xi32>
      %select_n3A_227 = arith.select %eq3A_226, %get3A_55, %broadcast_in_dim3A_3 : vector<16xi1>, vector<16xi32>
      %reduce_max3A_228 = arith.constant true
      %reduce_max3A_229 = vector.broadcast %reduce_max3A_228 : i1 to vector<16xi1>
      %reduce_max3A_230 = arith.constant -2147483648 : i32
      %reduce_max3A_231 = vector.broadcast %reduce_max3A_230 : i32 to vector<16xi32>
      %reduce_max3A_232 = arith.xori %select_n3A_227, %reduce_max3A_231 : vector<16xi32>
      %reduce_max3A_233 = tpu.scan <max>, %reduce_max3A_232 masked %reduce_max3A_229 : vector<16xi32>, vector<16xi1> -> vector<16xi32>
      %reduce_max3A_234 = arith.xori %reduce_max3A_233, %reduce_max3A_231 : vector<16xi32>
      %reduce_max3A_235 = vector.extract %reduce_max3A_234[15] : i32 from vector<16xi32>
      %shift_right_logical3A_236 = arith.constant 14 : i32
      %shift_right_logical3A_237 = arith.shrui %reduce_max3A_235, %shift_right_logical3A_236 : i32
      %shift_left3A_238 = arith.constant 13 : i32
      %shift_left3A_239 = arith.shli %shift_right_logical3A_237, %shift_left3A_238 : i32
      %and3A_240 = arith.constant 8191 : i32
      %and3A_241 = arith.andi %reduce_max3A_235, %and3A_240 : i32
      %add3A_242 = arith.addi %shift_left3A_239, %and3A_241 : i32
      %mul3A_243 = arith.constant 16 : i32
      %mul3A_244 = arith.muli %scan3A_50, %mul3A_243 : i32
      %add3A_245 = arith.constant 5 : i32
      %add3A_246 = arith.addi %mul3A_244, %add3A_245 : i32
      %dma_start3A_247 = arith.constant 0 : i32
      %dma_start3A_248 = tpu.memref_slice %arg9[%add3A_246, %dma_start3A_247] : memref<256x128xf32, #tpu.memory_space<vmem>> -> memref<1x128xf32, #tpu.memory_space<vmem>>
      %dma_start3A_249 = tpu.memref_squeeze %dma_start3A_248 : memref<1x128xf32, #tpu.memory_space<vmem>> -> memref<128xf32, #tpu.memory_space<vmem>>
      %dma_start3A_250 = arith.constant 0 : i32
      %dma_start3A_251 = tpu.memref_slice %arg4[%add3A_242, %dma_start3A_250] : memref<507904x128xf32, #tpu.memory_space<hbm>> -> memref<1x128xf32, #tpu.memory_space<hbm>>
      %dma_start3A_252 = tpu.memref_squeeze %dma_start3A_251 : memref<1x128xf32, #tpu.memory_space<hbm>> -> memref<128xf32, #tpu.memory_space<hbm>>
      %dma_start3A_253 = arith.constant 0 : i32
      %dma_start3A_254 = tpu.memref_slice %arg9[%add3A_246, %dma_start3A_253] : memref<256x128xf32, #tpu.memory_space<vmem>> -> memref<1x128xf32, #tpu.memory_space<vmem>>
      %dma_start3A_255 = tpu.memref_squeeze %dma_start3A_254 : memref<1x128xf32, #tpu.memory_space<vmem>> -> memref<128xf32, #tpu.memory_space<vmem>>
      %dma_start3A_256 = arith.constant 0 : i32
      %dma_start3A_257 = tpu.memref_slice %arg4[%add3A_242, %dma_start3A_256] : memref<507904x128xf32, #tpu.memory_space<hbm>> -> memref<1x128xf32, #tpu.memory_space<hbm>>
      %dma_start3A_258 = tpu.memref_squeeze %dma_start3A_257 : memref<1x128xf32, #tpu.memory_space<hbm>> -> memref<128xf32, #tpu.memory_space<hbm>>
      tpu.enqueue_dma source(%dma_start3A_258 : memref<128xf32, #tpu.memory_space<hbm>>) target(%dma_start3A_255 : memref<128xf32, #tpu.memory_space<vmem>>) target_semaphore(%arg11 : memref<!tpu.dma_semaphore, #tpu.memory_space<semaphore_mem>>)
      %eq3A_259 = arith.constant 6 : i32
      %eq3A_260 = vector.broadcast %eq3A_259 : i32 to vector<16xi32>
      %eq3A_261 = arith.cmpi eq, %iota3A, %eq3A_260 : vector<16xi32>
      %select_n3A_262 = arith.select %eq3A_261, %get3A_55, %broadcast_in_dim3A_3 : vector<16xi1>, vector<16xi32>
      %reduce_max3A_263 = arith.constant true
      %reduce_max3A_264 = vector.broadcast %reduce_max3A_263 : i1 to vector<16xi1>
      %reduce_max3A_265 = arith.constant -2147483648 : i32
      %reduce_max3A_266 = vector.broadcast %reduce_max3A_265 : i32 to vector<16xi32>
      %reduce_max3A_267 = arith.xori %select_n3A_262, %reduce_max3A_266 : vector<16xi32>
      %reduce_max3A_268 = tpu.scan <max>, %reduce_max3A_267 masked %reduce_max3A_264 : vector<16xi32>, vector<16xi1> -> vector<16xi32>
      %reduce_max3A_269 = arith.xori %reduce_max3A_268, %reduce_max3A_266 : vector<16xi32>
      %reduce_max3A_270 = vector.extract %reduce_max3A_269[15] : i32 from vector<16xi32>
      %shift_right_logical3A_271 = arith.constant 14 : i32
      %shift_right_logical3A_272 = arith.shrui %reduce_max3A_270, %shift_right_logical3A_271 : i32
      %shift_left3A_273 = arith.constant 13 : i32
      %shift_left3A_274 = arith.shli %shift_right_logical3A_272, %shift_left3A_273 : i32
      %and3A_275 = arith.constant 8191 : i32
      %and3A_276 = arith.andi %reduce_max3A_270, %and3A_275 : i32
      %add3A_277 = arith.addi %shift_left3A_274, %and3A_276 : i32
      %mul3A_278 = arith.constant 16 : i32
      %mul3A_279 = arith.muli %scan3A_50, %mul3A_278 : i32
      %add3A_280 = arith.constant 6 : i32
      %add3A_281 = arith.addi %mul3A_279, %add3A_280 : i32
      %dma_start3A_282 = arith.constant 0 : i32
      %dma_start3A_283 = tpu.memref_slice %arg9[%add3A_281, %dma_start3A_282] : memref<256x128xf32, #tpu.memory_space<vmem>> -> memref<1x128xf32, #tpu.memory_space<vmem>>
      %dma_start3A_284 = tpu.memref_squeeze %dma_start3A_283 : memref<1x128xf32, #tpu.memory_space<vmem>> -> memref<128xf32, #tpu.memory_space<vmem>>
      %dma_start3A_285 = arith.constant 0 : i32
      %dma_start3A_286 = tpu.memref_slice %arg4[%add3A_277, %dma_start3A_285] : memref<507904x128xf32, #tpu.memory_space<hbm>> -> memref<1x128xf32, #tpu.memory_space<hbm>>
      %dma_start3A_287 = tpu.memref_squeeze %dma_start3A_286 : memref<1x128xf32, #tpu.memory_space<hbm>> -> memref<128xf32, #tpu.memory_space<hbm>>
      %dma_start3A_288 = arith.constant 0 : i32
      %dma_start3A_289 = tpu.memref_slice %arg9[%add3A_281, %dma_start3A_288] : memref<256x128xf32, #tpu.memory_space<vmem>> -> memref<1x128xf32, #tpu.memory_space<vmem>>
      %dma_start3A_290 = tpu.memref_squeeze %dma_start3A_289 : memref<1x128xf32, #tpu.memory_space<vmem>> -> memref<128xf32, #tpu.memory_space<vmem>>
      %dma_start3A_291 = arith.constant 0 : i32
      %dma_start3A_292 = tpu.memref_slice %arg4[%add3A_277, %dma_start3A_291] : memref<507904x128xf32, #tpu.memory_space<hbm>> -> memref<1x128xf32, #tpu.memory_space<hbm>>
      %dma_start3A_293 = tpu.memref_squeeze %dma_start3A_292 : memref<1x128xf32, #tpu.memory_space<hbm>> -> memref<128xf32, #tpu.memory_space<hbm>>
      tpu.enqueue_dma source(%dma_start3A_293 : memref<128xf32, #tpu.memory_space<hbm>>) target(%dma_start3A_290 : memref<128xf32, #tpu.memory_space<vmem>>) target_semaphore(%arg11 : memref<!tpu.dma_semaphore, #tpu.memory_space<semaphore_mem>>)
      %eq3A_294 = arith.constant 7 : i32
      %eq3A_295 = vector.broadcast %eq3A_294 : i32 to vector<16xi32>
      %eq3A_296 = arith.cmpi eq, %iota3A, %eq3A_295 : vector<16xi32>
      %select_n3A_297 = arith.select %eq3A_296, %get3A_55, %broadcast_in_dim3A_3 : vector<16xi1>, vector<16xi32>
      %reduce_max3A_298 = arith.constant true
      %reduce_max3A_299 = vector.broadcast %reduce_max3A_298 : i1 to vector<16xi1>
      %reduce_max3A_300 = arith.constant -2147483648 : i32
      %reduce_max3A_301 = vector.broadcast %reduce_max3A_300 : i32 to vector<16xi32>
      %reduce_max3A_302 = arith.xori %select_n3A_297, %reduce_max3A_301 : vector<16xi32>
      %reduce_max3A_303 = tpu.scan <max>, %reduce_max3A_302 masked %reduce_max3A_299 : vector<16xi32>, vector<16xi1> -> vector<16xi32>
      %reduce_max3A_304 = arith.xori %reduce_max3A_303, %reduce_max3A_301 : vector<16xi32>
      %reduce_max3A_305 = vector.extract %reduce_max3A_304[15] : i32 from vector<16xi32>
      %shift_right_logical3A_306 = arith.constant 14 : i32
      %shift_right_logical3A_307 = arith.shrui %reduce_max3A_305, %shift_right_logical3A_306 : i32
      %shift_left3A_308 = arith.constant 13 : i32
      %shift_left3A_309 = arith.shli %shift_right_logical3A_307, %shift_left3A_308 : i32
      %and3A_310 = arith.constant 8191 : i32
      %and3A_311 = arith.andi %reduce_max3A_305, %and3A_310 : i32
      %add3A_312 = arith.addi %shift_left3A_309, %and3A_311 : i32
      %mul3A_313 = arith.constant 16 : i32
      %mul3A_314 = arith.muli %scan3A_50, %mul3A_313 : i32
      %add3A_315 = arith.constant 7 : i32
      %add3A_316 = arith.addi %mul3A_314, %add3A_315 : i32
      %dma_start3A_317 = arith.constant 0 : i32
      %dma_start3A_318 = tpu.memref_slice %arg9[%add3A_316, %dma_start3A_317] : memref<256x128xf32, #tpu.memory_space<vmem>> -> memref<1x128xf32, #tpu.memory_space<vmem>>
      %dma_start3A_319 = tpu.memref_squeeze %dma_start3A_318 : memref<1x128xf32, #tpu.memory_space<vmem>> -> memref<128xf32, #tpu.memory_space<vmem>>
      %dma_start3A_320 = arith.constant 0 : i32
      %dma_start3A_321 = tpu.memref_slice %arg4[%add3A_312, %dma_start3A_320] : memref<507904x128xf32, #tpu.memory_space<hbm>> -> memref<1x128xf32, #tpu.memory_space<hbm>>
      %dma_start3A_322 = tpu.memref_squeeze %dma_start3A_321 : memref<1x128xf32, #tpu.memory_space<hbm>> -> memref<128xf32, #tpu.memory_space<hbm>>
      %dma_start3A_323 = arith.constant 0 : i32
      %dma_start3A_324 = tpu.memref_slice %arg9[%add3A_316, %dma_start3A_323] : memref<256x128xf32, #tpu.memory_space<vmem>> -> memref<1x128xf32, #tpu.memory_space<vmem>>
      %dma_start3A_325 = tpu.memref_squeeze %dma_start3A_324 : memref<1x128xf32, #tpu.memory_space<vmem>> -> memref<128xf32, #tpu.memory_space<vmem>>
      %dma_start3A_326 = arith.constant 0 : i32
      %dma_start3A_327 = tpu.memref_slice %arg4[%add3A_312, %dma_start3A_326] : memref<507904x128xf32, #tpu.memory_space<hbm>> -> memref<1x128xf32, #tpu.memory_space<hbm>>
      %dma_start3A_328 = tpu.memref_squeeze %dma_start3A_327 : memref<1x128xf32, #tpu.memory_space<hbm>> -> memref<128xf32, #tpu.memory_space<hbm>>
      tpu.enqueue_dma source(%dma_start3A_328 : memref<128xf32, #tpu.memory_space<hbm>>) target(%dma_start3A_325 : memref<128xf32, #tpu.memory_space<vmem>>) target_semaphore(%arg11 : memref<!tpu.dma_semaphore, #tpu.memory_space<semaphore_mem>>)
      %eq3A_329 = arith.constant 8 : i32
      %eq3A_330 = vector.broadcast %eq3A_329 : i32 to vector<16xi32>
      %eq3A_331 = arith.cmpi eq, %iota3A, %eq3A_330 : vector<16xi32>
      %select_n3A_332 = arith.select %eq3A_331, %get3A_55, %broadcast_in_dim3A_3 : vector<16xi1>, vector<16xi32>
      %reduce_max3A_333 = arith.constant true
      %reduce_max3A_334 = vector.broadcast %reduce_max3A_333 : i1 to vector<16xi1>
      %reduce_max3A_335 = arith.constant -2147483648 : i32
      %reduce_max3A_336 = vector.broadcast %reduce_max3A_335 : i32 to vector<16xi32>
      %reduce_max3A_337 = arith.xori %select_n3A_332, %reduce_max3A_336 : vector<16xi32>
      %reduce_max3A_338 = tpu.scan <max>, %reduce_max3A_337 masked %reduce_max3A_334 : vector<16xi32>, vector<16xi1> -> vector<16xi32>
      %reduce_max3A_339 = arith.xori %reduce_max3A_338, %reduce_max3A_336 : vector<16xi32>
      %reduce_max3A_340 = vector.extract %reduce_max3A_339[15] : i32 from vector<16xi32>
      %shift_right_logical3A_341 = arith.constant 14 : i32
      %shift_right_logical3A_342 = arith.shrui %reduce_max3A_340, %shift_right_logical3A_341 : i32
      %shift_left3A_343 = arith.constant 13 : i32
      %shift_left3A_344 = arith.shli %shift_right_logical3A_342, %shift_left3A_343 : i32
      %and3A_345 = arith.constant 8191 : i32
      %and3A_346 = arith.andi %reduce_max3A_340, %and3A_345 : i32
      %add3A_347 = arith.addi %shift_left3A_344, %and3A_346 : i32
      %mul3A_348 = arith.constant 16 : i32
      %mul3A_349 = arith.muli %scan3A_50, %mul3A_348 : i32
      %add3A_350 = arith.constant 8 : i32
      %add3A_351 = arith.addi %mul3A_349, %add3A_350 : i32
      %dma_start3A_352 = arith.constant 0 : i32
      %dma_start3A_353 = tpu.memref_slice %arg9[%add3A_351, %dma_start3A_352] : memref<256x128xf32, #tpu.memory_space<vmem>> -> memref<1x128xf32, #tpu.memory_space<vmem>>
      %dma_start3A_354 = tpu.memref_squeeze %dma_start3A_353 : memref<1x128xf32, #tpu.memory_space<vmem>> -> memref<128xf32, #tpu.memory_space<vmem>>
      %dma_start3A_355 = arith.constant 0 : i32
      %dma_start3A_356 = tpu.memref_slice %arg4[%add3A_347, %dma_start3A_355] : memref<507904x128xf32, #tpu.memory_space<hbm>> -> memref<1x128xf32, #tpu.memory_space<hbm>>
      %dma_start3A_357 = tpu.memref_squeeze %dma_start3A_356 : memref<1x128xf32, #tpu.memory_space<hbm>> -> memref<128xf32, #tpu.memory_space<hbm>>
      %dma_start3A_358 = arith.constant 0 : i32
      %dma_start3A_359 = tpu.memref_slice %arg9[%add3A_351, %dma_start3A_358] : memref<256x128xf32, #tpu.memory_space<vmem>> -> memref<1x128xf32, #tpu.memory_space<vmem>>
      %dma_start3A_360 = tpu.memref_squeeze %dma_start3A_359 : memref<1x128xf32, #tpu.memory_space<vmem>> -> memref<128xf32, #tpu.memory_space<vmem>>
      %dma_start3A_361 = arith.constant 0 : i32
      %dma_start3A_362 = tpu.memref_slice %arg4[%add3A_347, %dma_start3A_361] : memref<507904x128xf32, #tpu.memory_space<hbm>> -> memref<1x128xf32, #tpu.memory_space<hbm>>
      %dma_start3A_363 = tpu.memref_squeeze %dma_start3A_362 : memref<1x128xf32, #tpu.memory_space<hbm>> -> memref<128xf32, #tpu.memory_space<hbm>>
      tpu.enqueue_dma source(%dma_start3A_363 : memref<128xf32, #tpu.memory_space<hbm>>) target(%dma_start3A_360 : memref<128xf32, #tpu.memory_space<vmem>>) target_semaphore(%arg11 : memref<!tpu.dma_semaphore, #tpu.memory_space<semaphore_mem>>)
      %eq3A_364 = arith.constant 9 : i32
      %eq3A_365 = vector.broadcast %eq3A_364 : i32 to vector<16xi32>
      %eq3A_366 = arith.cmpi eq, %iota3A, %eq3A_365 : vector<16xi32>
      %select_n3A_367 = arith.select %eq3A_366, %get3A_55, %broadcast_in_dim3A_3 : vector<16xi1>, vector<16xi32>
      %reduce_max3A_368 = arith.constant true
      %reduce_max3A_369 = vector.broadcast %reduce_max3A_368 : i1 to vector<16xi1>
      %reduce_max3A_370 = arith.constant -2147483648 : i32
      %reduce_max3A_371 = vector.broadcast %reduce_max3A_370 : i32 to vector<16xi32>
      %reduce_max3A_372 = arith.xori %select_n3A_367, %reduce_max3A_371 : vector<16xi32>
      %reduce_max3A_373 = tpu.scan <max>, %reduce_max3A_372 masked %reduce_max3A_369 : vector<16xi32>, vector<16xi1> -> vector<16xi32>
      %reduce_max3A_374 = arith.xori %reduce_max3A_373, %reduce_max3A_371 : vector<16xi32>
      %reduce_max3A_375 = vector.extract %reduce_max3A_374[15] : i32 from vector<16xi32>
      %shift_right_logical3A_376 = arith.constant 14 : i32
      %shift_right_logical3A_377 = arith.shrui %reduce_max3A_375, %shift_right_logical3A_376 : i32
      %shift_left3A_378 = arith.constant 13 : i32
      %shift_left3A_379 = arith.shli %shift_right_logical3A_377, %shift_left3A_378 : i32
      %and3A_380 = arith.constant 8191 : i32
      %and3A_381 = arith.andi %reduce_max3A_375, %and3A_380 : i32
      %add3A_382 = arith.addi %shift_left3A_379, %and3A_381 : i32
      %mul3A_383 = arith.constant 16 : i32
      %mul3A_384 = arith.muli %scan3A_50, %mul3A_383 : i32
      %add3A_385 = arith.constant 9 : i32
      %add3A_386 = arith.addi %mul3A_384, %add3A_385 : i32
      %dma_start3A_387 = arith.constant 0 : i32
      %dma_start3A_388 = tpu.memref_slice %arg9[%add3A_386, %dma_start3A_387] : memref<256x128xf32, #tpu.memory_space<vmem>> -> memref<1x128xf32, #tpu.memory_space<vmem>>
      %dma_start3A_389 = tpu.memref_squeeze %dma_start3A_388 : memref<1x128xf32, #tpu.memory_space<vmem>> -> memref<128xf32, #tpu.memory_space<vmem>>
      %dma_start3A_390 = arith.constant 0 : i32
      %dma_start3A_391 = tpu.memref_slice %arg4[%add3A_382, %dma_start3A_390] : memref<507904x128xf32, #tpu.memory_space<hbm>> -> memref<1x128xf32, #tpu.memory_space<hbm>>
      %dma_start3A_392 = tpu.memref_squeeze %dma_start3A_391 : memref<1x128xf32, #tpu.memory_space<hbm>> -> memref<128xf32, #tpu.memory_space<hbm>>
      %dma_start3A_393 = arith.constant 0 : i32
      %dma_start3A_394 = tpu.memref_slice %arg9[%add3A_386, %dma_start3A_393] : memref<256x128xf32, #tpu.memory_space<vmem>> -> memref<1x128xf32, #tpu.memory_space<vmem>>
      %dma_start3A_395 = tpu.memref_squeeze %dma_start3A_394 : memref<1x128xf32, #tpu.memory_space<vmem>> -> memref<128xf32, #tpu.memory_space<vmem>>
      %dma_start3A_396 = arith.constant 0 : i32
      %dma_start3A_397 = tpu.memref_slice %arg4[%add3A_382, %dma_start3A_396] : memref<507904x128xf32, #tpu.memory_space<hbm>> -> memref<1x128xf32, #tpu.memory_space<hbm>>
      %dma_start3A_398 = tpu.memref_squeeze %dma_start3A_397 : memref<1x128xf32, #tpu.memory_space<hbm>> -> memref<128xf32, #tpu.memory_space<hbm>>
      tpu.enqueue_dma source(%dma_start3A_398 : memref<128xf32, #tpu.memory_space<hbm>>) target(%dma_start3A_395 : memref<128xf32, #tpu.memory_space<vmem>>) target_semaphore(%arg11 : memref<!tpu.dma_semaphore, #tpu.memory_space<semaphore_mem>>)
      %eq3A_399 = arith.constant 10 : i32
      %eq3A_400 = vector.broadcast %eq3A_399 : i32 to vector<16xi32>
      %eq3A_401 = arith.cmpi eq, %iota3A, %eq3A_400 : vector<16xi32>
      %select_n3A_402 = arith.select %eq3A_401, %get3A_55, %broadcast_in_dim3A_3 : vector<16xi1>, vector<16xi32>
      %reduce_max3A_403 = arith.constant true
      %reduce_max3A_404 = vector.broadcast %reduce_max3A_403 : i1 to vector<16xi1>
      %reduce_max3A_405 = arith.constant -2147483648 : i32
      %reduce_max3A_406 = vector.broadcast %reduce_max3A_405 : i32 to vector<16xi32>
      %reduce_max3A_407 = arith.xori %select_n3A_402, %reduce_max3A_406 : vector<16xi32>
      %reduce_max3A_408 = tpu.scan <max>, %reduce_max3A_407 masked %reduce_max3A_404 : vector<16xi32>, vector<16xi1> -> vector<16xi32>
      %reduce_max3A_409 = arith.xori %reduce_max3A_408, %reduce_max3A_406 : vector<16xi32>
      %reduce_max3A_410 = vector.extract %reduce_max3A_409[15] : i32 from vector<16xi32>
      %shift_right_logical3A_411 = arith.constant 14 : i32
      %shift_right_logical3A_412 = arith.shrui %reduce_max3A_410, %shift_right_logical3A_411 : i32
      %shift_left3A_413 = arith.constant 13 : i32
      %shift_left3A_414 = arith.shli %shift_right_logical3A_412, %shift_left3A_413 : i32
      %and3A_415 = arith.constant 8191 : i32
      %and3A_416 = arith.andi %reduce_max3A_410, %and3A_415 : i32
      %add3A_417 = arith.addi %shift_left3A_414, %and3A_416 : i32
      %mul3A_418 = arith.constant 16 : i32
      %mul3A_419 = arith.muli %scan3A_50, %mul3A_418 : i32
      %add3A_420 = arith.constant 10 : i32
      %add3A_421 = arith.addi %mul3A_419, %add3A_420 : i32
      %dma_start3A_422 = arith.constant 0 : i32
      %dma_start3A_423 = tpu.memref_slice %arg9[%add3A_421, %dma_start3A_422] : memref<256x128xf32, #tpu.memory_space<vmem>> -> memref<1x128xf32, #tpu.memory_space<vmem>>
      %dma_start3A_424 = tpu.memref_squeeze %dma_start3A_423 : memref<1x128xf32, #tpu.memory_space<vmem>> -> memref<128xf32, #tpu.memory_space<vmem>>
      %dma_start3A_425 = arith.constant 0 : i32
      %dma_start3A_426 = tpu.memref_slice %arg4[%add3A_417, %dma_start3A_425] : memref<507904x128xf32, #tpu.memory_space<hbm>> -> memref<1x128xf32, #tpu.memory_space<hbm>>
      %dma_start3A_427 = tpu.memref_squeeze %dma_start3A_426 : memref<1x128xf32, #tpu.memory_space<hbm>> -> memref<128xf32, #tpu.memory_space<hbm>>
      %dma_start3A_428 = arith.constant 0 : i32
      %dma_start3A_429 = tpu.memref_slice %arg9[%add3A_421, %dma_start3A_428] : memref<256x128xf32, #tpu.memory_space<vmem>> -> memref<1x128xf32, #tpu.memory_space<vmem>>
      %dma_start3A_430 = tpu.memref_squeeze %dma_start3A_429 : memref<1x128xf32, #tpu.memory_space<vmem>> -> memref<128xf32, #tpu.memory_space<vmem>>
      %dma_start3A_431 = arith.constant 0 : i32
      %dma_start3A_432 = tpu.memref_slice %arg4[%add3A_417, %dma_start3A_431] : memref<507904x128xf32, #tpu.memory_space<hbm>> -> memref<1x128xf32, #tpu.memory_space<hbm>>
      %dma_start3A_433 = tpu.memref_squeeze %dma_start3A_432 : memref<1x128xf32, #tpu.memory_space<hbm>> -> memref<128xf32, #tpu.memory_space<hbm>>
      tpu.enqueue_dma source(%dma_start3A_433 : memref<128xf32, #tpu.memory_space<hbm>>) target(%dma_start3A_430 : memref<128xf32, #tpu.memory_space<vmem>>) target_semaphore(%arg11 : memref<!tpu.dma_semaphore, #tpu.memory_space<semaphore_mem>>)
      %eq3A_434 = arith.constant 11 : i32
      %eq3A_435 = vector.broadcast %eq3A_434 : i32 to vector<16xi32>
      %eq3A_436 = arith.cmpi eq, %iota3A, %eq3A_435 : vector<16xi32>
      %select_n3A_437 = arith.select %eq3A_436, %get3A_55, %broadcast_in_dim3A_3 : vector<16xi1>, vector<16xi32>
      %reduce_max3A_438 = arith.constant true
      %reduce_max3A_439 = vector.broadcast %reduce_max3A_438 : i1 to vector<16xi1>
      %reduce_max3A_440 = arith.constant -2147483648 : i32
      %reduce_max3A_441 = vector.broadcast %reduce_max3A_440 : i32 to vector<16xi32>
      %reduce_max3A_442 = arith.xori %select_n3A_437, %reduce_max3A_441 : vector<16xi32>
      %reduce_max3A_443 = tpu.scan <max>, %reduce_max3A_442 masked %reduce_max3A_439 : vector<16xi32>, vector<16xi1> -> vector<16xi32>
      %reduce_max3A_444 = arith.xori %reduce_max3A_443, %reduce_max3A_441 : vector<16xi32>
      %reduce_max3A_445 = vector.extract %reduce_max3A_444[15] : i32 from vector<16xi32>
      %shift_right_logical3A_446 = arith.constant 14 : i32
      %shift_right_logical3A_447 = arith.shrui %reduce_max3A_445, %shift_right_logical3A_446 : i32
      %shift_left3A_448 = arith.constant 13 : i32
      %shift_left3A_449 = arith.shli %shift_right_logical3A_447, %shift_left3A_448 : i32
      %and3A_450 = arith.constant 8191 : i32
      %and3A_451 = arith.andi %reduce_max3A_445, %and3A_450 : i32
      %add3A_452 = arith.addi %shift_left3A_449, %and3A_451 : i32
      %mul3A_453 = arith.constant 16 : i32
      %mul3A_454 = arith.muli %scan3A_50, %mul3A_453 : i32
      %add3A_455 = arith.constant 11 : i32
      %add3A_456 = arith.addi %mul3A_454, %add3A_455 : i32
      %dma_start3A_457 = arith.constant 0 : i32
      %dma_start3A_458 = tpu.memref_slice %arg9[%add3A_456, %dma_start3A_457] : memref<256x128xf32, #tpu.memory_space<vmem>> -> memref<1x128xf32, #tpu.memory_space<vmem>>
      %dma_start3A_459 = tpu.memref_squeeze %dma_start3A_458 : memref<1x128xf32, #tpu.memory_space<vmem>> -> memref<128xf32, #tpu.memory_space<vmem>>
      %dma_start3A_460 = arith.constant 0 : i32
      %dma_start3A_461 = tpu.memref_slice %arg4[%add3A_452, %dma_start3A_460] : memref<507904x128xf32, #tpu.memory_space<hbm>> -> memref<1x128xf32, #tpu.memory_space<hbm>>
      %dma_start3A_462 = tpu.memref_squeeze %dma_start3A_461 : memref<1x128xf32, #tpu.memory_space<hbm>> -> memref<128xf32, #tpu.memory_space<hbm>>
      %dma_start3A_463 = arith.constant 0 : i32
      %dma_start3A_464 = tpu.memref_slice %arg9[%add3A_456, %dma_start3A_463] : memref<256x128xf32, #tpu.memory_space<vmem>> -> memref<1x128xf32, #tpu.memory_space<vmem>>
      %dma_start3A_465 = tpu.memref_squeeze %dma_start3A_464 : memref<1x128xf32, #tpu.memory_space<vmem>> -> memref<128xf32, #tpu.memory_space<vmem>>
      %dma_start3A_466 = arith.constant 0 : i32
      %dma_start3A_467 = tpu.memref_slice %arg4[%add3A_452, %dma_start3A_466] : memref<507904x128xf32, #tpu.memory_space<hbm>> -> memref<1x128xf32, #tpu.memory_space<hbm>>
      %dma_start3A_468 = tpu.memref_squeeze %dma_start3A_467 : memref<1x128xf32, #tpu.memory_space<hbm>> -> memref<128xf32, #tpu.memory_space<hbm>>
      tpu.enqueue_dma source(%dma_start3A_468 : memref<128xf32, #tpu.memory_space<hbm>>) target(%dma_start3A_465 : memref<128xf32, #tpu.memory_space<vmem>>) target_semaphore(%arg11 : memref<!tpu.dma_semaphore, #tpu.memory_space<semaphore_mem>>)
      %eq3A_469 = arith.constant 12 : i32
      %eq3A_470 = vector.broadcast %eq3A_469 : i32 to vector<16xi32>
      %eq3A_471 = arith.cmpi eq, %iota3A, %eq3A_470 : vector<16xi32>
      %select_n3A_472 = arith.select %eq3A_471, %get3A_55, %broadcast_in_dim3A_3 : vector<16xi1>, vector<16xi32>
      %reduce_max3A_473 = arith.constant true
      %reduce_max3A_474 = vector.broadcast %reduce_max3A_473 : i1 to vector<16xi1>
      %reduce_max3A_475 = arith.constant -2147483648 : i32
      %reduce_max3A_476 = vector.broadcast %reduce_max3A_475 : i32 to vector<16xi32>
      %reduce_max3A_477 = arith.xori %select_n3A_472, %reduce_max3A_476 : vector<16xi32>
      %reduce_max3A_478 = tpu.scan <max>, %reduce_max3A_477 masked %reduce_max3A_474 : vector<16xi32>, vector<16xi1> -> vector<16xi32>
      %reduce_max3A_479 = arith.xori %reduce_max3A_478, %reduce_max3A_476 : vector<16xi32>
      %reduce_max3A_480 = vector.extract %reduce_max3A_479[15] : i32 from vector<16xi32>
      %shift_right_logical3A_481 = arith.constant 14 : i32
      %shift_right_logical3A_482 = arith.shrui %reduce_max3A_480, %shift_right_logical3A_481 : i32
      %shift_left3A_483 = arith.constant 13 : i32
      %shift_left3A_484 = arith.shli %shift_right_logical3A_482, %shift_left3A_483 : i32
      %and3A_485 = arith.constant 8191 : i32
      %and3A_486 = arith.andi %reduce_max3A_480, %and3A_485 : i32
      %add3A_487 = arith.addi %shift_left3A_484, %and3A_486 : i32
      %mul3A_488 = arith.constant 16 : i32
      %mul3A_489 = arith.muli %scan3A_50, %mul3A_488 : i32
      %add3A_490 = arith.constant 12 : i32
      %add3A_491 = arith.addi %mul3A_489, %add3A_490 : i32
      %dma_start3A_492 = arith.constant 0 : i32
      %dma_start3A_493 = tpu.memref_slice %arg9[%add3A_491, %dma_start3A_492] : memref<256x128xf32, #tpu.memory_space<vmem>> -> memref<1x128xf32, #tpu.memory_space<vmem>>
      %dma_start3A_494 = tpu.memref_squeeze %dma_start3A_493 : memref<1x128xf32, #tpu.memory_space<vmem>> -> memref<128xf32, #tpu.memory_space<vmem>>
      %dma_start3A_495 = arith.constant 0 : i32
      %dma_start3A_496 = tpu.memref_slice %arg4[%add3A_487, %dma_start3A_495] : memref<507904x128xf32, #tpu.memory_space<hbm>> -> memref<1x128xf32, #tpu.memory_space<hbm>>
      %dma_start3A_497 = tpu.memref_squeeze %dma_start3A_496 : memref<1x128xf32, #tpu.memory_space<hbm>> -> memref<128xf32, #tpu.memory_space<hbm>>
      %dma_start3A_498 = arith.constant 0 : i32
      %dma_start3A_499 = tpu.memref_slice %arg9[%add3A_491, %dma_start3A_498] : memref<256x128xf32, #tpu.memory_space<vmem>> -> memref<1x128xf32, #tpu.memory_space<vmem>>
      %dma_start3A_500 = tpu.memref_squeeze %dma_start3A_499 : memref<1x128xf32, #tpu.memory_space<vmem>> -> memref<128xf32, #tpu.memory_space<vmem>>
      %dma_start3A_501 = arith.constant 0 : i32
      %dma_start3A_502 = tpu.memref_slice %arg4[%add3A_487, %dma_start3A_501] : memref<507904x128xf32, #tpu.memory_space<hbm>> -> memref<1x128xf32, #tpu.memory_space<hbm>>
      %dma_start3A_503 = tpu.memref_squeeze %dma_start3A_502 : memref<1x128xf32, #tpu.memory_space<hbm>> -> memref<128xf32, #tpu.memory_space<hbm>>
      tpu.enqueue_dma source(%dma_start3A_503 : memref<128xf32, #tpu.memory_space<hbm>>) target(%dma_start3A_500 : memref<128xf32, #tpu.memory_space<vmem>>) target_semaphore(%arg11 : memref<!tpu.dma_semaphore, #tpu.memory_space<semaphore_mem>>)
      %eq3A_504 = arith.constant 13 : i32
      %eq3A_505 = vector.broadcast %eq3A_504 : i32 to vector<16xi32>
      %eq3A_506 = arith.cmpi eq, %iota3A, %eq3A_505 : vector<16xi32>
      %select_n3A_507 = arith.select %eq3A_506, %get3A_55, %broadcast_in_dim3A_3 : vector<16xi1>, vector<16xi32>
      %reduce_max3A_508 = arith.constant true
      %reduce_max3A_509 = vector.broadcast %reduce_max3A_508 : i1 to vector<16xi1>
      %reduce_max3A_510 = arith.constant -2147483648 : i32
      %reduce_max3A_511 = vector.broadcast %reduce_max3A_510 : i32 to vector<16xi32>
      %reduce_max3A_512 = arith.xori %select_n3A_507, %reduce_max3A_511 : vector<16xi32>
      %reduce_max3A_513 = tpu.scan <max>, %reduce_max3A_512 masked %reduce_max3A_509 : vector<16xi32>, vector<16xi1> -> vector<16xi32>
      %reduce_max3A_514 = arith.xori %reduce_max3A_513, %reduce_max3A_511 : vector<16xi32>
      %reduce_max3A_515 = vector.extract %reduce_max3A_514[15] : i32 from vector<16xi32>
      %shift_right_logical3A_516 = arith.constant 14 : i32
      %shift_right_logical3A_517 = arith.shrui %reduce_max3A_515, %shift_right_logical3A_516 : i32
      %shift_left3A_518 = arith.constant 13 : i32
      %shift_left3A_519 = arith.shli %shift_right_logical3A_517, %shift_left3A_518 : i32
      %and3A_520 = arith.constant 8191 : i32
      %and3A_521 = arith.andi %reduce_max3A_515, %and3A_520 : i32
      %add3A_522 = arith.addi %shift_left3A_519, %and3A_521 : i32
      %mul3A_523 = arith.constant 16 : i32
      %mul3A_524 = arith.muli %scan3A_50, %mul3A_523 : i32
      %add3A_525 = arith.constant 13 : i32
      %add3A_526 = arith.addi %mul3A_524, %add3A_525 : i32
      %dma_start3A_527 = arith.constant 0 : i32
      %dma_start3A_528 = tpu.memref_slice %arg9[%add3A_526, %dma_start3A_527] : memref<256x128xf32, #tpu.memory_space<vmem>> -> memref<1x128xf32, #tpu.memory_space<vmem>>
      %dma_start3A_529 = tpu.memref_squeeze %dma_start3A_528 : memref<1x128xf32, #tpu.memory_space<vmem>> -> memref<128xf32, #tpu.memory_space<vmem>>
      %dma_start3A_530 = arith.constant 0 : i32
      %dma_start3A_531 = tpu.memref_slice %arg4[%add3A_522, %dma_start3A_530] : memref<507904x128xf32, #tpu.memory_space<hbm>> -> memref<1x128xf32, #tpu.memory_space<hbm>>
      %dma_start3A_532 = tpu.memref_squeeze %dma_start3A_531 : memref<1x128xf32, #tpu.memory_space<hbm>> -> memref<128xf32, #tpu.memory_space<hbm>>
      %dma_start3A_533 = arith.constant 0 : i32
      %dma_start3A_534 = tpu.memref_slice %arg9[%add3A_526, %dma_start3A_533] : memref<256x128xf32, #tpu.memory_space<vmem>> -> memref<1x128xf32, #tpu.memory_space<vmem>>
      %dma_start3A_535 = tpu.memref_squeeze %dma_start3A_534 : memref<1x128xf32, #tpu.memory_space<vmem>> -> memref<128xf32, #tpu.memory_space<vmem>>
      %dma_start3A_536 = arith.constant 0 : i32
      %dma_start3A_537 = tpu.memref_slice %arg4[%add3A_522, %dma_start3A_536] : memref<507904x128xf32, #tpu.memory_space<hbm>> -> memref<1x128xf32, #tpu.memory_space<hbm>>
      %dma_start3A_538 = tpu.memref_squeeze %dma_start3A_537 : memref<1x128xf32, #tpu.memory_space<hbm>> -> memref<128xf32, #tpu.memory_space<hbm>>
      tpu.enqueue_dma source(%dma_start3A_538 : memref<128xf32, #tpu.memory_space<hbm>>) target(%dma_start3A_535 : memref<128xf32, #tpu.memory_space<vmem>>) target_semaphore(%arg11 : memref<!tpu.dma_semaphore, #tpu.memory_space<semaphore_mem>>)
      %eq3A_539 = arith.constant 14 : i32
      %eq3A_540 = vector.broadcast %eq3A_539 : i32 to vector<16xi32>
      %eq3A_541 = arith.cmpi eq, %iota3A, %eq3A_540 : vector<16xi32>
      %select_n3A_542 = arith.select %eq3A_541, %get3A_55, %broadcast_in_dim3A_3 : vector<16xi1>, vector<16xi32>
      %reduce_max3A_543 = arith.constant true
      %reduce_max3A_544 = vector.broadcast %reduce_max3A_543 : i1 to vector<16xi1>
      %reduce_max3A_545 = arith.constant -2147483648 : i32
      %reduce_max3A_546 = vector.broadcast %reduce_max3A_545 : i32 to vector<16xi32>
      %reduce_max3A_547 = arith.xori %select_n3A_542, %reduce_max3A_546 : vector<16xi32>
      %reduce_max3A_548 = tpu.scan <max>, %reduce_max3A_547 masked %reduce_max3A_544 : vector<16xi32>, vector<16xi1> -> vector<16xi32>
      %reduce_max3A_549 = arith.xori %reduce_max3A_548, %reduce_max3A_546 : vector<16xi32>
      %reduce_max3A_550 = vector.extract %reduce_max3A_549[15] : i32 from vector<16xi32>
      %shift_right_logical3A_551 = arith.constant 14 : i32
      %shift_right_logical3A_552 = arith.shrui %reduce_max3A_550, %shift_right_logical3A_551 : i32
      %shift_left3A_553 = arith.constant 13 : i32
      %shift_left3A_554 = arith.shli %shift_right_logical3A_552, %shift_left3A_553 : i32
      %and3A_555 = arith.constant 8191 : i32
      %and3A_556 = arith.andi %reduce_max3A_550, %and3A_555 : i32
      %add3A_557 = arith.addi %shift_left3A_554, %and3A_556 : i32
      %mul3A_558 = arith.constant 16 : i32
      %mul3A_559 = arith.muli %scan3A_50, %mul3A_558 : i32
      %add3A_560 = arith.constant 14 : i32
      %add3A_561 = arith.addi %mul3A_559, %add3A_560 : i32
      %dma_start3A_562 = arith.constant 0 : i32
      %dma_start3A_563 = tpu.memref_slice %arg9[%add3A_561, %dma_start3A_562] : memref<256x128xf32, #tpu.memory_space<vmem>> -> memref<1x128xf32, #tpu.memory_space<vmem>>
      %dma_start3A_564 = tpu.memref_squeeze %dma_start3A_563 : memref<1x128xf32, #tpu.memory_space<vmem>> -> memref<128xf32, #tpu.memory_space<vmem>>
      %dma_start3A_565 = arith.constant 0 : i32
      %dma_start3A_566 = tpu.memref_slice %arg4[%add3A_557, %dma_start3A_565] : memref<507904x128xf32, #tpu.memory_space<hbm>> -> memref<1x128xf32, #tpu.memory_space<hbm>>
      %dma_start3A_567 = tpu.memref_squeeze %dma_start3A_566 : memref<1x128xf32, #tpu.memory_space<hbm>> -> memref<128xf32, #tpu.memory_space<hbm>>
      %dma_start3A_568 = arith.constant 0 : i32
      %dma_start3A_569 = tpu.memref_slice %arg9[%add3A_561, %dma_start3A_568] : memref<256x128xf32, #tpu.memory_space<vmem>> -> memref<1x128xf32, #tpu.memory_space<vmem>>
      %dma_start3A_570 = tpu.memref_squeeze %dma_start3A_569 : memref<1x128xf32, #tpu.memory_space<vmem>> -> memref<128xf32, #tpu.memory_space<vmem>>
      %dma_start3A_571 = arith.constant 0 : i32
      %dma_start3A_572 = tpu.memref_slice %arg4[%add3A_557, %dma_start3A_571] : memref<507904x128xf32, #tpu.memory_space<hbm>> -> memref<1x128xf32, #tpu.memory_space<hbm>>
      %dma_start3A_573 = tpu.memref_squeeze %dma_start3A_572 : memref<1x128xf32, #tpu.memory_space<hbm>> -> memref<128xf32, #tpu.memory_space<hbm>>
      tpu.enqueue_dma source(%dma_start3A_573 : memref<128xf32, #tpu.memory_space<hbm>>) target(%dma_start3A_570 : memref<128xf32, #tpu.memory_space<vmem>>) target_semaphore(%arg11 : memref<!tpu.dma_semaphore, #tpu.memory_space<semaphore_mem>>)
      %eq3A_574 = arith.constant 15 : i32
      %eq3A_575 = vector.broadcast %eq3A_574 : i32 to vector<16xi32>
      %eq3A_576 = arith.cmpi eq, %iota3A, %eq3A_575 : vector<16xi32>
      %select_n3A_577 = arith.select %eq3A_576, %get3A_55, %broadcast_in_dim3A_3 : vector<16xi1>, vector<16xi32>
      %reduce_max3A_578 = arith.constant true
      %reduce_max3A_579 = vector.broadcast %reduce_max3A_578 : i1 to vector<16xi1>
      %reduce_max3A_580 = arith.constant -2147483648 : i32
      %reduce_max3A_581 = vector.broadcast %reduce_max3A_580 : i32 to vector<16xi32>
      %reduce_max3A_582 = arith.xori %select_n3A_577, %reduce_max3A_581 : vector<16xi32>
      %reduce_max3A_583 = tpu.scan <max>, %reduce_max3A_582 masked %reduce_max3A_579 : vector<16xi32>, vector<16xi1> -> vector<16xi32>
      %reduce_max3A_584 = arith.xori %reduce_max3A_583, %reduce_max3A_581 : vector<16xi32>
      %reduce_max3A_585 = vector.extract %reduce_max3A_584[15] : i32 from vector<16xi32>
      %shift_right_logical3A_586 = arith.constant 14 : i32
      %shift_right_logical3A_587 = arith.shrui %reduce_max3A_585, %shift_right_logical3A_586 : i32
      %shift_left3A_588 = arith.constant 13 : i32
      %shift_left3A_589 = arith.shli %shift_right_logical3A_587, %shift_left3A_588 : i32
      %and3A_590 = arith.constant 8191 : i32
      %and3A_591 = arith.andi %reduce_max3A_585, %and3A_590 : i32
      %add3A_592 = arith.addi %shift_left3A_589, %and3A_591 : i32
      %mul3A_593 = arith.constant 16 : i32
      %mul3A_594 = arith.muli %scan3A_50, %mul3A_593 : i32
      %add3A_595 = arith.constant 15 : i32
      %add3A_596 = arith.addi %mul3A_594, %add3A_595 : i32
      %dma_start3A_597 = arith.constant 0 : i32
      %dma_start3A_598 = tpu.memref_slice %arg9[%add3A_596, %dma_start3A_597] : memref<256x128xf32, #tpu.memory_space<vmem>> -> memref<1x128xf32, #tpu.memory_space<vmem>>
      %dma_start3A_599 = tpu.memref_squeeze %dma_start3A_598 : memref<1x128xf32, #tpu.memory_space<vmem>> -> memref<128xf32, #tpu.memory_space<vmem>>
      %dma_start3A_600 = arith.constant 0 : i32
      %dma_start3A_601 = tpu.memref_slice %arg4[%add3A_592, %dma_start3A_600] : memref<507904x128xf32, #tpu.memory_space<hbm>> -> memref<1x128xf32, #tpu.memory_space<hbm>>
      %dma_start3A_602 = tpu.memref_squeeze %dma_start3A_601 : memref<1x128xf32, #tpu.memory_space<hbm>> -> memref<128xf32, #tpu.memory_space<hbm>>
      %dma_start3A_603 = arith.constant 0 : i32
      %dma_start3A_604 = tpu.memref_slice %arg9[%add3A_596, %dma_start3A_603] : memref<256x128xf32, #tpu.memory_space<vmem>> -> memref<1x128xf32, #tpu.memory_space<vmem>>
      %dma_start3A_605 = tpu.memref_squeeze %dma_start3A_604 : memref<1x128xf32, #tpu.memory_space<vmem>> -> memref<128xf32, #tpu.memory_space<vmem>>
      %dma_start3A_606 = arith.constant 0 : i32
      %dma_start3A_607 = tpu.memref_slice %arg4[%add3A_592, %dma_start3A_606] : memref<507904x128xf32, #tpu.memory_space<hbm>> -> memref<1x128xf32, #tpu.memory_space<hbm>>
      %dma_start3A_608 = tpu.memref_squeeze %dma_start3A_607 : memref<1x128xf32, #tpu.memory_space<hbm>> -> memref<128xf32, #tpu.memory_space<hbm>>
      tpu.enqueue_dma source(%dma_start3A_608 : memref<128xf32, #tpu.memory_space<hbm>>) target(%dma_start3A_605 : memref<128xf32, #tpu.memory_space<vmem>>) target_semaphore(%arg11 : memref<!tpu.dma_semaphore, #tpu.memory_space<semaphore_mem>>)
    }
    %scan3A_19 = arith.constant 16 : i32
    %add3A_20 = arith.constant 256 : i32
    %add3A_21 = arith.addi %mul3A_2, %add3A_20 : i32
    %dma_wait3A_22 = arith.constant 0 : i32
    %dma_wait3A_23 = tpu.memref_slice %arg6[%add3A_21, %dma_wait3A_22] : memref<16384x128xf32, #tpu.memory_space<hbm>> -> memref<256x128xf32, #tpu.memory_space<hbm>>
    %dma_wait3A_24 = arith.constant 0 : i32
    %dma_wait3A_25 = tpu.memref_slice %arg6[%add3A_21, %dma_wait3A_24] : memref<16384x128xf32, #tpu.memory_space<hbm>> -> memref<256x128xf32, #tpu.memory_space<hbm>>
    tpu.wait_dma2 semaphore(%arg11 : memref<!tpu.dma_semaphore, #tpu.memory_space<semaphore_mem>>) src(%dma_wait3A_25 : memref<256x128xf32, #tpu.memory_space<hbm>>) dst(%arg9 : memref<256x128xf32, #tpu.memory_space<vmem>>)
    "tpu.region"() ({
      %run_scoped3A = tpu.sem_alloc : memref<!tpu.dma_semaphore, #tpu.memory_space<semaphore_mem>>
      %dma_start3A = arith.constant 0 : i32
      %dma_start3A_50 = tpu.memref_slice %arg6[%add3A_21, %dma_start3A] : memref<16384x128xf32, #tpu.memory_space<hbm>> -> memref<256x128xf32, #tpu.memory_space<hbm>>
      %dma_start3A_51 = arith.constant 0 : i32
      %dma_start3A_52 = tpu.memref_slice %arg6[%add3A_21, %dma_start3A_51] : memref<16384x128xf32, #tpu.memory_space<hbm>> -> memref<256x128xf32, #tpu.memory_space<hbm>>
      tpu.enqueue_dma source(%arg9 : memref<256x128xf32, #tpu.memory_space<vmem>>) target(%dma_start3A_52 : memref<256x128xf32, #tpu.memory_space<hbm>>) target_semaphore(%run_scoped3A : memref<!tpu.dma_semaphore, #tpu.memory_space<semaphore_mem>>)
      %dma_wait3A_53 = arith.constant 0 : i32
      %dma_wait3A_54 = tpu.memref_slice %arg6[%add3A_21, %dma_wait3A_53] : memref<16384x128xf32, #tpu.memory_space<hbm>> -> memref<256x128xf32, #tpu.memory_space<hbm>>
      %dma_wait3A_55 = arith.constant 0 : i32
      %dma_wait3A_56 = tpu.memref_slice %arg6[%add3A_21, %dma_wait3A_55] : memref<16384x128xf32, #tpu.memory_space<hbm>> -> memref<256x128xf32, #tpu.memory_space<hbm>>
      tpu.wait_dma2 semaphore(%run_scoped3A : memref<!tpu.dma_semaphore, #tpu.memory_space<semaphore_mem>>) src(%arg9 : memref<256x128xf32, #tpu.memory_space<vmem>>) dst(%dma_wait3A_56 : memref<256x128xf32, #tpu.memory_space<hbm>>)
      tpu.yield
    }) : () -> ()
    "tpu.region"() ({
      %run_scoped3A = tpu.sem_alloc : memref<!tpu.dma_semaphore, #tpu.memory_space<semaphore_mem>>
      %dma_start3A = tpu.memref_slice %arg3[%mul3A_2] : memref<16384xi32, #tpu.memory_space<hbm>> -> memref<512xi32, #tpu.memory_space<hbm>>
      %dma_start3A_50 = tpu.memref_slice %arg3[%mul3A_2] : memref<16384xi32, #tpu.memory_space<hbm>> -> memref<512xi32, #tpu.memory_space<hbm>>
      tpu.enqueue_dma source(%dma_start3A_50 : memref<512xi32, #tpu.memory_space<hbm>>) target(%arg8 : memref<512xi32, #tpu.memory_space<vmem>>) target_semaphore(%run_scoped3A : memref<!tpu.dma_semaphore, #tpu.memory_space<semaphore_mem>>)
      %dma_wait3A_51 = tpu.memref_slice %arg3[%mul3A_2] : memref<16384xi32, #tpu.memory_space<hbm>> -> memref<512xi32, #tpu.memory_space<hbm>>
      %dma_wait3A_52 = tpu.memref_slice %arg3[%mul3A_2] : memref<16384xi32, #tpu.memory_space<hbm>> -> memref<512xi32, #tpu.memory_space<hbm>>
      tpu.wait_dma2 semaphore(%run_scoped3A : memref<!tpu.dma_semaphore, #tpu.memory_space<semaphore_mem>>) src(%dma_wait3A_52 : memref<512xi32, #tpu.memory_space<hbm>>) dst(%arg8 : memref<512xi32, #tpu.memory_space<vmem>>)
      tpu.yield
    }) : () -> ()
    %scan3A_26 = arith.constant 0 : i32
    %scan3A_27 = arith.constant 0 : i32
    %scan3A_28 = arith.constant 16 : i32
    %scan3A_29 = arith.addi %scan3A_27, %scan3A_28 : i32
    %scan3A_30 = arith.constant 1 : i32
    scf.for %scan3A_50 = %scan3A_27 to %scan3A_29 step %scan3A_30  : i32 {
      %mul3A_51 = arith.constant 16 : i32
      %mul3A_52 = arith.muli %scan3A_50, %mul3A_51 : i32
      %add3A_53 = arith.constant 0 : i32
      %add3A_54 = arith.addi %add3A_53, %mul3A_52 : i32
      %get3A = arith.index_cast %add3A_54 : i32 to index
      %get3A_55 = tpu.vector_load %arg8[%get3A] {strides = array<i32>} : memref<512xi32, #tpu.memory_space<vmem>>, vector<16xi32>,
      %eq3A = arith.constant 0 : i32
      %eq3A_56 = vector.broadcast %eq3A : i32 to vector<16xi32>
      %eq3A_57 = arith.cmpi eq, %iota3A, %eq3A_56 : vector<16xi32>
      %select_n3A = arith.select %eq3A_57, %get3A_55, %broadcast_in_dim3A_3 : vector<16xi1>, vector<16xi32>
      %reduce_max3A = arith.constant true
      %reduce_max3A_58 = vector.broadcast %reduce_max3A : i1 to vector<16xi1>
      %reduce_max3A_59 = arith.constant -2147483648 : i32
      %reduce_max3A_60 = vector.broadcast %reduce_max3A_59 : i32 to vector<16xi32>
      %reduce_max3A_61 = arith.xori %select_n3A, %reduce_max3A_60 : vector<16xi32>
      %reduce_max3A_62 = tpu.scan <max>, %reduce_max3A_61 masked %reduce_max3A_58 : vector<16xi32>, vector<16xi1> -> vector<16xi32>
      %reduce_max3A_63 = arith.xori %reduce_max3A_62, %reduce_max3A_60 : vector<16xi32>
      %reduce_max3A_64 = vector.extract %reduce_max3A_63[15] : i32 from vector<16xi32>
      %shift_right_logical3A = arith.constant 5 : i32
      %shift_right_logical3A_65 = arith.shrui %reduce_max3A_64, %shift_right_logical3A : i32
      %and3A = arith.constant 31 : i32
      %and3A_66 = arith.andi %reduce_max3A_64, %and3A : i32
      %mul3A_67 = arith.constant 16 : i32
      %mul3A_68 = arith.muli %scan3A_50, %mul3A_67 : i32
      %add3A_69 = arith.constant 0 : i32
      %add3A_70 = arith.addi %mul3A_68, %add3A_69 : i32
      %dma_start3A = arith.constant 0 : i32
      %dma_start3A_71 = tpu.memref_slice %arg10[%add3A_70, %dma_start3A] : memref<256x64xf32, #tpu.memory_space<vmem>> -> memref<1x64xf32, #tpu.memory_space<vmem>>
      %dma_start3A_72 = tpu.memref_squeeze %dma_start3A_71 : memref<1x64xf32, #tpu.memory_space<vmem>> -> memref<64xf32, #tpu.memory_space<vmem>>
      %dma_start3A_73 = arith.constant 0 : i32
      %dma_start3A_74 = tpu.memref_slice %arg5[%shift_right_logical3A_65, %and3A_66, %dma_start3A_73] : memref<31250x32x64xf32, #tpu.memory_space<hbm>> -> memref<1x1x64xf32, #tpu.memory_space<hbm>>
      %dma_start3A_75 = tpu.memref_squeeze %dma_start3A_74 : memref<1x1x64xf32, #tpu.memory_space<hbm>> -> memref<64xf32, #tpu.memory_space<hbm>>
      %dma_start3A_76 = arith.constant 0 : i32
      %dma_start3A_77 = tpu.memref_slice %arg10[%add3A_70, %dma_start3A_76] : memref<256x64xf32, #tpu.memory_space<vmem>> -> memref<1x64xf32, #tpu.memory_space<vmem>>
      %dma_start3A_78 = tpu.memref_squeeze %dma_start3A_77 : memref<1x64xf32, #tpu.memory_space<vmem>> -> memref<64xf32, #tpu.memory_space<vmem>>
      %dma_start3A_79 = arith.constant 0 : i32
      %dma_start3A_80 = tpu.memref_slice %arg5[%shift_right_logical3A_65, %and3A_66, %dma_start3A_79] : memref<31250x32x64xf32, #tpu.memory_space<hbm>> -> memref<1x1x64xf32, #tpu.memory_space<hbm>>
      %dma_start3A_81 = tpu.memref_squeeze %dma_start3A_80 : memref<1x1x64xf32, #tpu.memory_space<hbm>> -> memref<64xf32, #tpu.memory_space<hbm>>
      tpu.enqueue_dma source(%dma_start3A_81 : memref<64xf32, #tpu.memory_space<hbm>>) target(%dma_start3A_78 : memref<64xf32, #tpu.memory_space<vmem>>) target_semaphore(%arg11 : memref<!tpu.dma_semaphore, #tpu.memory_space<semaphore_mem>>)
      %eq3A_82 = arith.constant 1 : i32
      %eq3A_83 = vector.broadcast %eq3A_82 : i32 to vector<16xi32>
      %eq3A_84 = arith.cmpi eq, %iota3A, %eq3A_83 : vector<16xi32>
      %select_n3A_85 = arith.select %eq3A_84, %get3A_55, %broadcast_in_dim3A_3 : vector<16xi1>, vector<16xi32>
      %reduce_max3A_86 = arith.constant true
      %reduce_max3A_87 = vector.broadcast %reduce_max3A_86 : i1 to vector<16xi1>
      %reduce_max3A_88 = arith.constant -2147483648 : i32
      %reduce_max3A_89 = vector.broadcast %reduce_max3A_88 : i32 to vector<16xi32>
      %reduce_max3A_90 = arith.xori %select_n3A_85, %reduce_max3A_89 : vector<16xi32>
      %reduce_max3A_91 = tpu.scan <max>, %reduce_max3A_90 masked %reduce_max3A_87 : vector<16xi32>, vector<16xi1> -> vector<16xi32>
      %reduce_max3A_92 = arith.xori %reduce_max3A_91, %reduce_max3A_89 : vector<16xi32>
      %reduce_max3A_93 = vector.extract %reduce_max3A_92[15] : i32 from vector<16xi32>
      %shift_right_logical3A_94 = arith.constant 5 : i32
      %shift_right_logical3A_95 = arith.shrui %reduce_max3A_93, %shift_right_logical3A_94 : i32
      %and3A_96 = arith.constant 31 : i32
      %and3A_97 = arith.andi %reduce_max3A_93, %and3A_96 : i32
      %mul3A_98 = arith.constant 16 : i32
      %mul3A_99 = arith.muli %scan3A_50, %mul3A_98 : i32
      %add3A_100 = arith.constant 1 : i32
      %add3A_101 = arith.addi %mul3A_99, %add3A_100 : i32
      %dma_start3A_102 = arith.constant 0 : i32
      %dma_start3A_103 = tpu.memref_slice %arg10[%add3A_101, %dma_start3A_102] : memref<256x64xf32, #tpu.memory_space<vmem>> -> memref<1x64xf32, #tpu.memory_space<vmem>>
      %dma_start3A_104 = tpu.memref_squeeze %dma_start3A_103 : memref<1x64xf32, #tpu.memory_space<vmem>> -> memref<64xf32, #tpu.memory_space<vmem>>
      %dma_start3A_105 = arith.constant 0 : i32
      %dma_start3A_106 = tpu.memref_slice %arg5[%shift_right_logical3A_95, %and3A_97, %dma_start3A_105] : memref<31250x32x64xf32, #tpu.memory_space<hbm>> -> memref<1x1x64xf32, #tpu.memory_space<hbm>>
      %dma_start3A_107 = tpu.memref_squeeze %dma_start3A_106 : memref<1x1x64xf32, #tpu.memory_space<hbm>> -> memref<64xf32, #tpu.memory_space<hbm>>
      %dma_start3A_108 = arith.constant 0 : i32
      %dma_start3A_109 = tpu.memref_slice %arg10[%add3A_101, %dma_start3A_108] : memref<256x64xf32, #tpu.memory_space<vmem>> -> memref<1x64xf32, #tpu.memory_space<vmem>>
      %dma_start3A_110 = tpu.memref_squeeze %dma_start3A_109 : memref<1x64xf32, #tpu.memory_space<vmem>> -> memref<64xf32, #tpu.memory_space<vmem>>
      %dma_start3A_111 = arith.constant 0 : i32
      %dma_start3A_112 = tpu.memref_slice %arg5[%shift_right_logical3A_95, %and3A_97, %dma_start3A_111] : memref<31250x32x64xf32, #tpu.memory_space<hbm>> -> memref<1x1x64xf32, #tpu.memory_space<hbm>>
      %dma_start3A_113 = tpu.memref_squeeze %dma_start3A_112 : memref<1x1x64xf32, #tpu.memory_space<hbm>> -> memref<64xf32, #tpu.memory_space<hbm>>
      tpu.enqueue_dma source(%dma_start3A_113 : memref<64xf32, #tpu.memory_space<hbm>>) target(%dma_start3A_110 : memref<64xf32, #tpu.memory_space<vmem>>) target_semaphore(%arg11 : memref<!tpu.dma_semaphore, #tpu.memory_space<semaphore_mem>>)
      %eq3A_114 = arith.constant 2 : i32
      %eq3A_115 = vector.broadcast %eq3A_114 : i32 to vector<16xi32>
      %eq3A_116 = arith.cmpi eq, %iota3A, %eq3A_115 : vector<16xi32>
      %select_n3A_117 = arith.select %eq3A_116, %get3A_55, %broadcast_in_dim3A_3 : vector<16xi1>, vector<16xi32>
      %reduce_max3A_118 = arith.constant true
      %reduce_max3A_119 = vector.broadcast %reduce_max3A_118 : i1 to vector<16xi1>
      %reduce_max3A_120 = arith.constant -2147483648 : i32
      %reduce_max3A_121 = vector.broadcast %reduce_max3A_120 : i32 to vector<16xi32>
      %reduce_max3A_122 = arith.xori %select_n3A_117, %reduce_max3A_121 : vector<16xi32>
      %reduce_max3A_123 = tpu.scan <max>, %reduce_max3A_122 masked %reduce_max3A_119 : vector<16xi32>, vector<16xi1> -> vector<16xi32>
      %reduce_max3A_124 = arith.xori %reduce_max3A_123, %reduce_max3A_121 : vector<16xi32>
      %reduce_max3A_125 = vector.extract %reduce_max3A_124[15] : i32 from vector<16xi32>
      %shift_right_logical3A_126 = arith.constant 5 : i32
      %shift_right_logical3A_127 = arith.shrui %reduce_max3A_125, %shift_right_logical3A_126 : i32
      %and3A_128 = arith.constant 31 : i32
      %and3A_129 = arith.andi %reduce_max3A_125, %and3A_128 : i32
      %mul3A_130 = arith.constant 16 : i32
      %mul3A_131 = arith.muli %scan3A_50, %mul3A_130 : i32
      %add3A_132 = arith.constant 2 : i32
      %add3A_133 = arith.addi %mul3A_131, %add3A_132 : i32
      %dma_start3A_134 = arith.constant 0 : i32
      %dma_start3A_135 = tpu.memref_slice %arg10[%add3A_133, %dma_start3A_134] : memref<256x64xf32, #tpu.memory_space<vmem>> -> memref<1x64xf32, #tpu.memory_space<vmem>>
      %dma_start3A_136 = tpu.memref_squeeze %dma_start3A_135 : memref<1x64xf32, #tpu.memory_space<vmem>> -> memref<64xf32, #tpu.memory_space<vmem>>
      %dma_start3A_137 = arith.constant 0 : i32
      %dma_start3A_138 = tpu.memref_slice %arg5[%shift_right_logical3A_127, %and3A_129, %dma_start3A_137] : memref<31250x32x64xf32, #tpu.memory_space<hbm>> -> memref<1x1x64xf32, #tpu.memory_space<hbm>>
      %dma_start3A_139 = tpu.memref_squeeze %dma_start3A_138 : memref<1x1x64xf32, #tpu.memory_space<hbm>> -> memref<64xf32, #tpu.memory_space<hbm>>
      %dma_start3A_140 = arith.constant 0 : i32
      %dma_start3A_141 = tpu.memref_slice %arg10[%add3A_133, %dma_start3A_140] : memref<256x64xf32, #tpu.memory_space<vmem>> -> memref<1x64xf32, #tpu.memory_space<vmem>>
      %dma_start3A_142 = tpu.memref_squeeze %dma_start3A_141 : memref<1x64xf32, #tpu.memory_space<vmem>> -> memref<64xf32, #tpu.memory_space<vmem>>
      %dma_start3A_143 = arith.constant 0 : i32
      %dma_start3A_144 = tpu.memref_slice %arg5[%shift_right_logical3A_127, %and3A_129, %dma_start3A_143] : memref<31250x32x64xf32, #tpu.memory_space<hbm>> -> memref<1x1x64xf32, #tpu.memory_space<hbm>>
      %dma_start3A_145 = tpu.memref_squeeze %dma_start3A_144 : memref<1x1x64xf32, #tpu.memory_space<hbm>> -> memref<64xf32, #tpu.memory_space<hbm>>
      tpu.enqueue_dma source(%dma_start3A_145 : memref<64xf32, #tpu.memory_space<hbm>>) target(%dma_start3A_142 : memref<64xf32, #tpu.memory_space<vmem>>) target_semaphore(%arg11 : memref<!tpu.dma_semaphore, #tpu.memory_space<semaphore_mem>>)
      %eq3A_146 = arith.constant 3 : i32
      %eq3A_147 = vector.broadcast %eq3A_146 : i32 to vector<16xi32>
      %eq3A_148 = arith.cmpi eq, %iota3A, %eq3A_147 : vector<16xi32>
      %select_n3A_149 = arith.select %eq3A_148, %get3A_55, %broadcast_in_dim3A_3 : vector<16xi1>, vector<16xi32>
      %reduce_max3A_150 = arith.constant true
      %reduce_max3A_151 = vector.broadcast %reduce_max3A_150 : i1 to vector<16xi1>
      %reduce_max3A_152 = arith.constant -2147483648 : i32
      %reduce_max3A_153 = vector.broadcast %reduce_max3A_152 : i32 to vector<16xi32>
      %reduce_max3A_154 = arith.xori %select_n3A_149, %reduce_max3A_153 : vector<16xi32>
      %reduce_max3A_155 = tpu.scan <max>, %reduce_max3A_154 masked %reduce_max3A_151 : vector<16xi32>, vector<16xi1> -> vector<16xi32>
      %reduce_max3A_156 = arith.xori %reduce_max3A_155, %reduce_max3A_153 : vector<16xi32>
      %reduce_max3A_157 = vector.extract %reduce_max3A_156[15] : i32 from vector<16xi32>
      %shift_right_logical3A_158 = arith.constant 5 : i32
      %shift_right_logical3A_159 = arith.shrui %reduce_max3A_157, %shift_right_logical3A_158 : i32
      %and3A_160 = arith.constant 31 : i32
      %and3A_161 = arith.andi %reduce_max3A_157, %and3A_160 : i32
      %mul3A_162 = arith.constant 16 : i32
      %mul3A_163 = arith.muli %scan3A_50, %mul3A_162 : i32
      %add3A_164 = arith.constant 3 : i32
      %add3A_165 = arith.addi %mul3A_163, %add3A_164 : i32
      %dma_start3A_166 = arith.constant 0 : i32
      %dma_start3A_167 = tpu.memref_slice %arg10[%add3A_165, %dma_start3A_166] : memref<256x64xf32, #tpu.memory_space<vmem>> -> memref<1x64xf32, #tpu.memory_space<vmem>>
      %dma_start3A_168 = tpu.memref_squeeze %dma_start3A_167 : memref<1x64xf32, #tpu.memory_space<vmem>> -> memref<64xf32, #tpu.memory_space<vmem>>
      %dma_start3A_169 = arith.constant 0 : i32
      %dma_start3A_170 = tpu.memref_slice %arg5[%shift_right_logical3A_159, %and3A_161, %dma_start3A_169] : memref<31250x32x64xf32, #tpu.memory_space<hbm>> -> memref<1x1x64xf32, #tpu.memory_space<hbm>>
      %dma_start3A_171 = tpu.memref_squeeze %dma_start3A_170 : memref<1x1x64xf32, #tpu.memory_space<hbm>> -> memref<64xf32, #tpu.memory_space<hbm>>
      %dma_start3A_172 = arith.constant 0 : i32
      %dma_start3A_173 = tpu.memref_slice %arg10[%add3A_165, %dma_start3A_172] : memref<256x64xf32, #tpu.memory_space<vmem>> -> memref<1x64xf32, #tpu.memory_space<vmem>>
      %dma_start3A_174 = tpu.memref_squeeze %dma_start3A_173 : memref<1x64xf32, #tpu.memory_space<vmem>> -> memref<64xf32, #tpu.memory_space<vmem>>
      %dma_start3A_175 = arith.constant 0 : i32
      %dma_start3A_176 = tpu.memref_slice %arg5[%shift_right_logical3A_159, %and3A_161, %dma_start3A_175] : memref<31250x32x64xf32, #tpu.memory_space<hbm>> -> memref<1x1x64xf32, #tpu.memory_space<hbm>>
      %dma_start3A_177 = tpu.memref_squeeze %dma_start3A_176 : memref<1x1x64xf32, #tpu.memory_space<hbm>> -> memref<64xf32, #tpu.memory_space<hbm>>
      tpu.enqueue_dma source(%dma_start3A_177 : memref<64xf32, #tpu.memory_space<hbm>>) target(%dma_start3A_174 : memref<64xf32, #tpu.memory_space<vmem>>) target_semaphore(%arg11 : memref<!tpu.dma_semaphore, #tpu.memory_space<semaphore_mem>>)
      %eq3A_178 = arith.constant 4 : i32
      %eq3A_179 = vector.broadcast %eq3A_178 : i32 to vector<16xi32>
      %eq3A_180 = arith.cmpi eq, %iota3A, %eq3A_179 : vector<16xi32>
      %select_n3A_181 = arith.select %eq3A_180, %get3A_55, %broadcast_in_dim3A_3 : vector<16xi1>, vector<16xi32>
      %reduce_max3A_182 = arith.constant true
      %reduce_max3A_183 = vector.broadcast %reduce_max3A_182 : i1 to vector<16xi1>
      %reduce_max3A_184 = arith.constant -2147483648 : i32
      %reduce_max3A_185 = vector.broadcast %reduce_max3A_184 : i32 to vector<16xi32>
      %reduce_max3A_186 = arith.xori %select_n3A_181, %reduce_max3A_185 : vector<16xi32>
      %reduce_max3A_187 = tpu.scan <max>, %reduce_max3A_186 masked %reduce_max3A_183 : vector<16xi32>, vector<16xi1> -> vector<16xi32>
      %reduce_max3A_188 = arith.xori %reduce_max3A_187, %reduce_max3A_185 : vector<16xi32>
      %reduce_max3A_189 = vector.extract %reduce_max3A_188[15] : i32 from vector<16xi32>
      %shift_right_logical3A_190 = arith.constant 5 : i32
      %shift_right_logical3A_191 = arith.shrui %reduce_max3A_189, %shift_right_logical3A_190 : i32
      %and3A_192 = arith.constant 31 : i32
      %and3A_193 = arith.andi %reduce_max3A_189, %and3A_192 : i32
      %mul3A_194 = arith.constant 16 : i32
      %mul3A_195 = arith.muli %scan3A_50, %mul3A_194 : i32
      %add3A_196 = arith.constant 4 : i32
      %add3A_197 = arith.addi %mul3A_195, %add3A_196 : i32
      %dma_start3A_198 = arith.constant 0 : i32
      %dma_start3A_199 = tpu.memref_slice %arg10[%add3A_197, %dma_start3A_198] : memref<256x64xf32, #tpu.memory_space<vmem>> -> memref<1x64xf32, #tpu.memory_space<vmem>>
      %dma_start3A_200 = tpu.memref_squeeze %dma_start3A_199 : memref<1x64xf32, #tpu.memory_space<vmem>> -> memref<64xf32, #tpu.memory_space<vmem>>
      %dma_start3A_201 = arith.constant 0 : i32
      %dma_start3A_202 = tpu.memref_slice %arg5[%shift_right_logical3A_191, %and3A_193, %dma_start3A_201] : memref<31250x32x64xf32, #tpu.memory_space<hbm>> -> memref<1x1x64xf32, #tpu.memory_space<hbm>>
      %dma_start3A_203 = tpu.memref_squeeze %dma_start3A_202 : memref<1x1x64xf32, #tpu.memory_space<hbm>> -> memref<64xf32, #tpu.memory_space<hbm>>
      %dma_start3A_204 = arith.constant 0 : i32
      %dma_start3A_205 = tpu.memref_slice %arg10[%add3A_197, %dma_start3A_204] : memref<256x64xf32, #tpu.memory_space<vmem>> -> memref<1x64xf32, #tpu.memory_space<vmem>>
      %dma_start3A_206 = tpu.memref_squeeze %dma_start3A_205 : memref<1x64xf32, #tpu.memory_space<vmem>> -> memref<64xf32, #tpu.memory_space<vmem>>
      %dma_start3A_207 = arith.constant 0 : i32
      %dma_start3A_208 = tpu.memref_slice %arg5[%shift_right_logical3A_191, %and3A_193, %dma_start3A_207] : memref<31250x32x64xf32, #tpu.memory_space<hbm>> -> memref<1x1x64xf32, #tpu.memory_space<hbm>>
      %dma_start3A_209 = tpu.memref_squeeze %dma_start3A_208 : memref<1x1x64xf32, #tpu.memory_space<hbm>> -> memref<64xf32, #tpu.memory_space<hbm>>
      tpu.enqueue_dma source(%dma_start3A_209 : memref<64xf32, #tpu.memory_space<hbm>>) target(%dma_start3A_206 : memref<64xf32, #tpu.memory_space<vmem>>) target_semaphore(%arg11 : memref<!tpu.dma_semaphore, #tpu.memory_space<semaphore_mem>>)
      %eq3A_210 = arith.constant 5 : i32
      %eq3A_211 = vector.broadcast %eq3A_210 : i32 to vector<16xi32>
      %eq3A_212 = arith.cmpi eq, %iota3A, %eq3A_211 : vector<16xi32>
      %select_n3A_213 = arith.select %eq3A_212, %get3A_55, %broadcast_in_dim3A_3 : vector<16xi1>, vector<16xi32>
      %reduce_max3A_214 = arith.constant true
      %reduce_max3A_215 = vector.broadcast %reduce_max3A_214 : i1 to vector<16xi1>
      %reduce_max3A_216 = arith.constant -2147483648 : i32
      %reduce_max3A_217 = vector.broadcast %reduce_max3A_216 : i32 to vector<16xi32>
      %reduce_max3A_218 = arith.xori %select_n3A_213, %reduce_max3A_217 : vector<16xi32>
      %reduce_max3A_219 = tpu.scan <max>, %reduce_max3A_218 masked %reduce_max3A_215 : vector<16xi32>, vector<16xi1> -> vector<16xi32>
      %reduce_max3A_220 = arith.xori %reduce_max3A_219, %reduce_max3A_217 : vector<16xi32>
      %reduce_max3A_221 = vector.extract %reduce_max3A_220[15] : i32 from vector<16xi32>
      %shift_right_logical3A_222 = arith.constant 5 : i32
      %shift_right_logical3A_223 = arith.shrui %reduce_max3A_221, %shift_right_logical3A_222 : i32
      %and3A_224 = arith.constant 31 : i32
      %and3A_225 = arith.andi %reduce_max3A_221, %and3A_224 : i32
      %mul3A_226 = arith.constant 16 : i32
      %mul3A_227 = arith.muli %scan3A_50, %mul3A_226 : i32
      %add3A_228 = arith.constant 5 : i32
      %add3A_229 = arith.addi %mul3A_227, %add3A_228 : i32
      %dma_start3A_230 = arith.constant 0 : i32
      %dma_start3A_231 = tpu.memref_slice %arg10[%add3A_229, %dma_start3A_230] : memref<256x64xf32, #tpu.memory_space<vmem>> -> memref<1x64xf32, #tpu.memory_space<vmem>>
      %dma_start3A_232 = tpu.memref_squeeze %dma_start3A_231 : memref<1x64xf32, #tpu.memory_space<vmem>> -> memref<64xf32, #tpu.memory_space<vmem>>
      %dma_start3A_233 = arith.constant 0 : i32
      %dma_start3A_234 = tpu.memref_slice %arg5[%shift_right_logical3A_223, %and3A_225, %dma_start3A_233] : memref<31250x32x64xf32, #tpu.memory_space<hbm>> -> memref<1x1x64xf32, #tpu.memory_space<hbm>>
      %dma_start3A_235 = tpu.memref_squeeze %dma_start3A_234 : memref<1x1x64xf32, #tpu.memory_space<hbm>> -> memref<64xf32, #tpu.memory_space<hbm>>
      %dma_start3A_236 = arith.constant 0 : i32
      %dma_start3A_237 = tpu.memref_slice %arg10[%add3A_229, %dma_start3A_236] : memref<256x64xf32, #tpu.memory_space<vmem>> -> memref<1x64xf32, #tpu.memory_space<vmem>>
      %dma_start3A_238 = tpu.memref_squeeze %dma_start3A_237 : memref<1x64xf32, #tpu.memory_space<vmem>> -> memref<64xf32, #tpu.memory_space<vmem>>
      %dma_start3A_239 = arith.constant 0 : i32
      %dma_start3A_240 = tpu.memref_slice %arg5[%shift_right_logical3A_223, %and3A_225, %dma_start3A_239] : memref<31250x32x64xf32, #tpu.memory_space<hbm>> -> memref<1x1x64xf32, #tpu.memory_space<hbm>>
      %dma_start3A_241 = tpu.memref_squeeze %dma_start3A_240 : memref<1x1x64xf32, #tpu.memory_space<hbm>> -> memref<64xf32, #tpu.memory_space<hbm>>
      tpu.enqueue_dma source(%dma_start3A_241 : memref<64xf32, #tpu.memory_space<hbm>>) target(%dma_start3A_238 : memref<64xf32, #tpu.memory_space<vmem>>) target_semaphore(%arg11 : memref<!tpu.dma_semaphore, #tpu.memory_space<semaphore_mem>>)
      %eq3A_242 = arith.constant 6 : i32
      %eq3A_243 = vector.broadcast %eq3A_242 : i32 to vector<16xi32>
      %eq3A_244 = arith.cmpi eq, %iota3A, %eq3A_243 : vector<16xi32>
      %select_n3A_245 = arith.select %eq3A_244, %get3A_55, %broadcast_in_dim3A_3 : vector<16xi1>, vector<16xi32>
      %reduce_max3A_246 = arith.constant true
      %reduce_max3A_247 = vector.broadcast %reduce_max3A_246 : i1 to vector<16xi1>
      %reduce_max3A_248 = arith.constant -2147483648 : i32
      %reduce_max3A_249 = vector.broadcast %reduce_max3A_248 : i32 to vector<16xi32>
      %reduce_max3A_250 = arith.xori %select_n3A_245, %reduce_max3A_249 : vector<16xi32>
      %reduce_max3A_251 = tpu.scan <max>, %reduce_max3A_250 masked %reduce_max3A_247 : vector<16xi32>, vector<16xi1> -> vector<16xi32>
      %reduce_max3A_252 = arith.xori %reduce_max3A_251, %reduce_max3A_249 : vector<16xi32>
      %reduce_max3A_253 = vector.extract %reduce_max3A_252[15] : i32 from vector<16xi32>
      %shift_right_logical3A_254 = arith.constant 5 : i32
      %shift_right_logical3A_255 = arith.shrui %reduce_max3A_253, %shift_right_logical3A_254 : i32
      %and3A_256 = arith.constant 31 : i32
      %and3A_257 = arith.andi %reduce_max3A_253, %and3A_256 : i32
      %mul3A_258 = arith.constant 16 : i32
      %mul3A_259 = arith.muli %scan3A_50, %mul3A_258 : i32
      %add3A_260 = arith.constant 6 : i32
      %add3A_261 = arith.addi %mul3A_259, %add3A_260 : i32
      %dma_start3A_262 = arith.constant 0 : i32
      %dma_start3A_263 = tpu.memref_slice %arg10[%add3A_261, %dma_start3A_262] : memref<256x64xf32, #tpu.memory_space<vmem>> -> memref<1x64xf32, #tpu.memory_space<vmem>>
      %dma_start3A_264 = tpu.memref_squeeze %dma_start3A_263 : memref<1x64xf32, #tpu.memory_space<vmem>> -> memref<64xf32, #tpu.memory_space<vmem>>
      %dma_start3A_265 = arith.constant 0 : i32
      %dma_start3A_266 = tpu.memref_slice %arg5[%shift_right_logical3A_255, %and3A_257, %dma_start3A_265] : memref<31250x32x64xf32, #tpu.memory_space<hbm>> -> memref<1x1x64xf32, #tpu.memory_space<hbm>>
      %dma_start3A_267 = tpu.memref_squeeze %dma_start3A_266 : memref<1x1x64xf32, #tpu.memory_space<hbm>> -> memref<64xf32, #tpu.memory_space<hbm>>
      %dma_start3A_268 = arith.constant 0 : i32
      %dma_start3A_269 = tpu.memref_slice %arg10[%add3A_261, %dma_start3A_268] : memref<256x64xf32, #tpu.memory_space<vmem>> -> memref<1x64xf32, #tpu.memory_space<vmem>>
      %dma_start3A_270 = tpu.memref_squeeze %dma_start3A_269 : memref<1x64xf32, #tpu.memory_space<vmem>> -> memref<64xf32, #tpu.memory_space<vmem>>
      %dma_start3A_271 = arith.constant 0 : i32
      %dma_start3A_272 = tpu.memref_slice %arg5[%shift_right_logical3A_255, %and3A_257, %dma_start3A_271] : memref<31250x32x64xf32, #tpu.memory_space<hbm>> -> memref<1x1x64xf32, #tpu.memory_space<hbm>>
      %dma_start3A_273 = tpu.memref_squeeze %dma_start3A_272 : memref<1x1x64xf32, #tpu.memory_space<hbm>> -> memref<64xf32, #tpu.memory_space<hbm>>
      tpu.enqueue_dma source(%dma_start3A_273 : memref<64xf32, #tpu.memory_space<hbm>>) target(%dma_start3A_270 : memref<64xf32, #tpu.memory_space<vmem>>) target_semaphore(%arg11 : memref<!tpu.dma_semaphore, #tpu.memory_space<semaphore_mem>>)
      %eq3A_274 = arith.constant 7 : i32
      %eq3A_275 = vector.broadcast %eq3A_274 : i32 to vector<16xi32>
      %eq3A_276 = arith.cmpi eq, %iota3A, %eq3A_275 : vector<16xi32>
      %select_n3A_277 = arith.select %eq3A_276, %get3A_55, %broadcast_in_dim3A_3 : vector<16xi1>, vector<16xi32>
      %reduce_max3A_278 = arith.constant true
      %reduce_max3A_279 = vector.broadcast %reduce_max3A_278 : i1 to vector<16xi1>
      %reduce_max3A_280 = arith.constant -2147483648 : i32
      %reduce_max3A_281 = vector.broadcast %reduce_max3A_280 : i32 to vector<16xi32>
      %reduce_max3A_282 = arith.xori %select_n3A_277, %reduce_max3A_281 : vector<16xi32>
      %reduce_max3A_283 = tpu.scan <max>, %reduce_max3A_282 masked %reduce_max3A_279 : vector<16xi32>, vector<16xi1> -> vector<16xi32>
      %reduce_max3A_284 = arith.xori %reduce_max3A_283, %reduce_max3A_281 : vector<16xi32>
      %reduce_max3A_285 = vector.extract %reduce_max3A_284[15] : i32 from vector<16xi32>
      %shift_right_logical3A_286 = arith.constant 5 : i32
      %shift_right_logical3A_287 = arith.shrui %reduce_max3A_285, %shift_right_logical3A_286 : i32
      %and3A_288 = arith.constant 31 : i32
      %and3A_289 = arith.andi %reduce_max3A_285, %and3A_288 : i32
      %mul3A_290 = arith.constant 16 : i32
      %mul3A_291 = arith.muli %scan3A_50, %mul3A_290 : i32
      %add3A_292 = arith.constant 7 : i32
      %add3A_293 = arith.addi %mul3A_291, %add3A_292 : i32
      %dma_start3A_294 = arith.constant 0 : i32
      %dma_start3A_295 = tpu.memref_slice %arg10[%add3A_293, %dma_start3A_294] : memref<256x64xf32, #tpu.memory_space<vmem>> -> memref<1x64xf32, #tpu.memory_space<vmem>>
      %dma_start3A_296 = tpu.memref_squeeze %dma_start3A_295 : memref<1x64xf32, #tpu.memory_space<vmem>> -> memref<64xf32, #tpu.memory_space<vmem>>
      %dma_start3A_297 = arith.constant 0 : i32
      %dma_start3A_298 = tpu.memref_slice %arg5[%shift_right_logical3A_287, %and3A_289, %dma_start3A_297] : memref<31250x32x64xf32, #tpu.memory_space<hbm>> -> memref<1x1x64xf32, #tpu.memory_space<hbm>>
      %dma_start3A_299 = tpu.memref_squeeze %dma_start3A_298 : memref<1x1x64xf32, #tpu.memory_space<hbm>> -> memref<64xf32, #tpu.memory_space<hbm>>
      %dma_start3A_300 = arith.constant 0 : i32
      %dma_start3A_301 = tpu.memref_slice %arg10[%add3A_293, %dma_start3A_300] : memref<256x64xf32, #tpu.memory_space<vmem>> -> memref<1x64xf32, #tpu.memory_space<vmem>>
      %dma_start3A_302 = tpu.memref_squeeze %dma_start3A_301 : memref<1x64xf32, #tpu.memory_space<vmem>> -> memref<64xf32, #tpu.memory_space<vmem>>
      %dma_start3A_303 = arith.constant 0 : i32
      %dma_start3A_304 = tpu.memref_slice %arg5[%shift_right_logical3A_287, %and3A_289, %dma_start3A_303] : memref<31250x32x64xf32, #tpu.memory_space<hbm>> -> memref<1x1x64xf32, #tpu.memory_space<hbm>>
      %dma_start3A_305 = tpu.memref_squeeze %dma_start3A_304 : memref<1x1x64xf32, #tpu.memory_space<hbm>> -> memref<64xf32, #tpu.memory_space<hbm>>
      tpu.enqueue_dma source(%dma_start3A_305 : memref<64xf32, #tpu.memory_space<hbm>>) target(%dma_start3A_302 : memref<64xf32, #tpu.memory_space<vmem>>) target_semaphore(%arg11 : memref<!tpu.dma_semaphore, #tpu.memory_space<semaphore_mem>>)
      %eq3A_306 = arith.constant 8 : i32
      %eq3A_307 = vector.broadcast %eq3A_306 : i32 to vector<16xi32>
      %eq3A_308 = arith.cmpi eq, %iota3A, %eq3A_307 : vector<16xi32>
      %select_n3A_309 = arith.select %eq3A_308, %get3A_55, %broadcast_in_dim3A_3 : vector<16xi1>, vector<16xi32>
      %reduce_max3A_310 = arith.constant true
      %reduce_max3A_311 = vector.broadcast %reduce_max3A_310 : i1 to vector<16xi1>
      %reduce_max3A_312 = arith.constant -2147483648 : i32
      %reduce_max3A_313 = vector.broadcast %reduce_max3A_312 : i32 to vector<16xi32>
      %reduce_max3A_314 = arith.xori %select_n3A_309, %reduce_max3A_313 : vector<16xi32>
      %reduce_max3A_315 = tpu.scan <max>, %reduce_max3A_314 masked %reduce_max3A_311 : vector<16xi32>, vector<16xi1> -> vector<16xi32>
      %reduce_max3A_316 = arith.xori %reduce_max3A_315, %reduce_max3A_313 : vector<16xi32>
      %reduce_max3A_317 = vector.extract %reduce_max3A_316[15] : i32 from vector<16xi32>
      %shift_right_logical3A_318 = arith.constant 5 : i32
      %shift_right_logical3A_319 = arith.shrui %reduce_max3A_317, %shift_right_logical3A_318 : i32
      %and3A_320 = arith.constant 31 : i32
      %and3A_321 = arith.andi %reduce_max3A_317, %and3A_320 : i32
      %mul3A_322 = arith.constant 16 : i32
      %mul3A_323 = arith.muli %scan3A_50, %mul3A_322 : i32
      %add3A_324 = arith.constant 8 : i32
      %add3A_325 = arith.addi %mul3A_323, %add3A_324 : i32
      %dma_start3A_326 = arith.constant 0 : i32
      %dma_start3A_327 = tpu.memref_slice %arg10[%add3A_325, %dma_start3A_326] : memref<256x64xf32, #tpu.memory_space<vmem>> -> memref<1x64xf32, #tpu.memory_space<vmem>>
      %dma_start3A_328 = tpu.memref_squeeze %dma_start3A_327 : memref<1x64xf32, #tpu.memory_space<vmem>> -> memref<64xf32, #tpu.memory_space<vmem>>
      %dma_start3A_329 = arith.constant 0 : i32
      %dma_start3A_330 = tpu.memref_slice %arg5[%shift_right_logical3A_319, %and3A_321, %dma_start3A_329] : memref<31250x32x64xf32, #tpu.memory_space<hbm>> -> memref<1x1x64xf32, #tpu.memory_space<hbm>>
      %dma_start3A_331 = tpu.memref_squeeze %dma_start3A_330 : memref<1x1x64xf32, #tpu.memory_space<hbm>> -> memref<64xf32, #tpu.memory_space<hbm>>
      %dma_start3A_332 = arith.constant 0 : i32
      %dma_start3A_333 = tpu.memref_slice %arg10[%add3A_325, %dma_start3A_332] : memref<256x64xf32, #tpu.memory_space<vmem>> -> memref<1x64xf32, #tpu.memory_space<vmem>>
      %dma_start3A_334 = tpu.memref_squeeze %dma_start3A_333 : memref<1x64xf32, #tpu.memory_space<vmem>> -> memref<64xf32, #tpu.memory_space<vmem>>
      %dma_start3A_335 = arith.constant 0 : i32
      %dma_start3A_336 = tpu.memref_slice %arg5[%shift_right_logical3A_319, %and3A_321, %dma_start3A_335] : memref<31250x32x64xf32, #tpu.memory_space<hbm>> -> memref<1x1x64xf32, #tpu.memory_space<hbm>>
      %dma_start3A_337 = tpu.memref_squeeze %dma_start3A_336 : memref<1x1x64xf32, #tpu.memory_space<hbm>> -> memref<64xf32, #tpu.memory_space<hbm>>
      tpu.enqueue_dma source(%dma_start3A_337 : memref<64xf32, #tpu.memory_space<hbm>>) target(%dma_start3A_334 : memref<64xf32, #tpu.memory_space<vmem>>) target_semaphore(%arg11 : memref<!tpu.dma_semaphore, #tpu.memory_space<semaphore_mem>>)
      %eq3A_338 = arith.constant 9 : i32
      %eq3A_339 = vector.broadcast %eq3A_338 : i32 to vector<16xi32>
      %eq3A_340 = arith.cmpi eq, %iota3A, %eq3A_339 : vector<16xi32>
      %select_n3A_341 = arith.select %eq3A_340, %get3A_55, %broadcast_in_dim3A_3 : vector<16xi1>, vector<16xi32>
      %reduce_max3A_342 = arith.constant true
      %reduce_max3A_343 = vector.broadcast %reduce_max3A_342 : i1 to vector<16xi1>
      %reduce_max3A_344 = arith.constant -2147483648 : i32
      %reduce_max3A_345 = vector.broadcast %reduce_max3A_344 : i32 to vector<16xi32>
      %reduce_max3A_346 = arith.xori %select_n3A_341, %reduce_max3A_345 : vector<16xi32>
      %reduce_max3A_347 = tpu.scan <max>, %reduce_max3A_346 masked %reduce_max3A_343 : vector<16xi32>, vector<16xi1> -> vector<16xi32>
      %reduce_max3A_348 = arith.xori %reduce_max3A_347, %reduce_max3A_345 : vector<16xi32>
      %reduce_max3A_349 = vector.extract %reduce_max3A_348[15] : i32 from vector<16xi32>
      %shift_right_logical3A_350 = arith.constant 5 : i32
      %shift_right_logical3A_351 = arith.shrui %reduce_max3A_349, %shift_right_logical3A_350 : i32
      %and3A_352 = arith.constant 31 : i32
      %and3A_353 = arith.andi %reduce_max3A_349, %and3A_352 : i32
      %mul3A_354 = arith.constant 16 : i32
      %mul3A_355 = arith.muli %scan3A_50, %mul3A_354 : i32
      %add3A_356 = arith.constant 9 : i32
      %add3A_357 = arith.addi %mul3A_355, %add3A_356 : i32
      %dma_start3A_358 = arith.constant 0 : i32
      %dma_start3A_359 = tpu.memref_slice %arg10[%add3A_357, %dma_start3A_358] : memref<256x64xf32, #tpu.memory_space<vmem>> -> memref<1x64xf32, #tpu.memory_space<vmem>>
      %dma_start3A_360 = tpu.memref_squeeze %dma_start3A_359 : memref<1x64xf32, #tpu.memory_space<vmem>> -> memref<64xf32, #tpu.memory_space<vmem>>
      %dma_start3A_361 = arith.constant 0 : i32
      %dma_start3A_362 = tpu.memref_slice %arg5[%shift_right_logical3A_351, %and3A_353, %dma_start3A_361] : memref<31250x32x64xf32, #tpu.memory_space<hbm>> -> memref<1x1x64xf32, #tpu.memory_space<hbm>>
      %dma_start3A_363 = tpu.memref_squeeze %dma_start3A_362 : memref<1x1x64xf32, #tpu.memory_space<hbm>> -> memref<64xf32, #tpu.memory_space<hbm>>
      %dma_start3A_364 = arith.constant 0 : i32
      %dma_start3A_365 = tpu.memref_slice %arg10[%add3A_357, %dma_start3A_364] : memref<256x64xf32, #tpu.memory_space<vmem>> -> memref<1x64xf32, #tpu.memory_space<vmem>>
      %dma_start3A_366 = tpu.memref_squeeze %dma_start3A_365 : memref<1x64xf32, #tpu.memory_space<vmem>> -> memref<64xf32, #tpu.memory_space<vmem>>
      %dma_start3A_367 = arith.constant 0 : i32
      %dma_start3A_368 = tpu.memref_slice %arg5[%shift_right_logical3A_351, %and3A_353, %dma_start3A_367] : memref<31250x32x64xf32, #tpu.memory_space<hbm>> -> memref<1x1x64xf32, #tpu.memory_space<hbm>>
      %dma_start3A_369 = tpu.memref_squeeze %dma_start3A_368 : memref<1x1x64xf32, #tpu.memory_space<hbm>> -> memref<64xf32, #tpu.memory_space<hbm>>
      tpu.enqueue_dma source(%dma_start3A_369 : memref<64xf32, #tpu.memory_space<hbm>>) target(%dma_start3A_366 : memref<64xf32, #tpu.memory_space<vmem>>) target_semaphore(%arg11 : memref<!tpu.dma_semaphore, #tpu.memory_space<semaphore_mem>>)
      %eq3A_370 = arith.constant 10 : i32
      %eq3A_371 = vector.broadcast %eq3A_370 : i32 to vector<16xi32>
      %eq3A_372 = arith.cmpi eq, %iota3A, %eq3A_371 : vector<16xi32>
      %select_n3A_373 = arith.select %eq3A_372, %get3A_55, %broadcast_in_dim3A_3 : vector<16xi1>, vector<16xi32>
      %reduce_max3A_374 = arith.constant true
      %reduce_max3A_375 = vector.broadcast %reduce_max3A_374 : i1 to vector<16xi1>
      %reduce_max3A_376 = arith.constant -2147483648 : i32
      %reduce_max3A_377 = vector.broadcast %reduce_max3A_376 : i32 to vector<16xi32>
      %reduce_max3A_378 = arith.xori %select_n3A_373, %reduce_max3A_377 : vector<16xi32>
      %reduce_max3A_379 = tpu.scan <max>, %reduce_max3A_378 masked %reduce_max3A_375 : vector<16xi32>, vector<16xi1> -> vector<16xi32>
      %reduce_max3A_380 = arith.xori %reduce_max3A_379, %reduce_max3A_377 : vector<16xi32>
      %reduce_max3A_381 = vector.extract %reduce_max3A_380[15] : i32 from vector<16xi32>
      %shift_right_logical3A_382 = arith.constant 5 : i32
      %shift_right_logical3A_383 = arith.shrui %reduce_max3A_381, %shift_right_logical3A_382 : i32
      %and3A_384 = arith.constant 31 : i32
      %and3A_385 = arith.andi %reduce_max3A_381, %and3A_384 : i32
      %mul3A_386 = arith.constant 16 : i32
      %mul3A_387 = arith.muli %scan3A_50, %mul3A_386 : i32
      %add3A_388 = arith.constant 10 : i32
      %add3A_389 = arith.addi %mul3A_387, %add3A_388 : i32
      %dma_start3A_390 = arith.constant 0 : i32
      %dma_start3A_391 = tpu.memref_slice %arg10[%add3A_389, %dma_start3A_390] : memref<256x64xf32, #tpu.memory_space<vmem>> -> memref<1x64xf32, #tpu.memory_space<vmem>>
      %dma_start3A_392 = tpu.memref_squeeze %dma_start3A_391 : memref<1x64xf32, #tpu.memory_space<vmem>> -> memref<64xf32, #tpu.memory_space<vmem>>
      %dma_start3A_393 = arith.constant 0 : i32
      %dma_start3A_394 = tpu.memref_slice %arg5[%shift_right_logical3A_383, %and3A_385, %dma_start3A_393] : memref<31250x32x64xf32, #tpu.memory_space<hbm>> -> memref<1x1x64xf32, #tpu.memory_space<hbm>>
      %dma_start3A_395 = tpu.memref_squeeze %dma_start3A_394 : memref<1x1x64xf32, #tpu.memory_space<hbm>> -> memref<64xf32, #tpu.memory_space<hbm>>
      %dma_start3A_396 = arith.constant 0 : i32
      %dma_start3A_397 = tpu.memref_slice %arg10[%add3A_389, %dma_start3A_396] : memref<256x64xf32, #tpu.memory_space<vmem>> -> memref<1x64xf32, #tpu.memory_space<vmem>>
      %dma_start3A_398 = tpu.memref_squeeze %dma_start3A_397 : memref<1x64xf32, #tpu.memory_space<vmem>> -> memref<64xf32, #tpu.memory_space<vmem>>
      %dma_start3A_399 = arith.constant 0 : i32
      %dma_start3A_400 = tpu.memref_slice %arg5[%shift_right_logical3A_383, %and3A_385, %dma_start3A_399] : memref<31250x32x64xf32, #tpu.memory_space<hbm>> -> memref<1x1x64xf32, #tpu.memory_space<hbm>>
      %dma_start3A_401 = tpu.memref_squeeze %dma_start3A_400 : memref<1x1x64xf32, #tpu.memory_space<hbm>> -> memref<64xf32, #tpu.memory_space<hbm>>
      tpu.enqueue_dma source(%dma_start3A_401 : memref<64xf32, #tpu.memory_space<hbm>>) target(%dma_start3A_398 : memref<64xf32, #tpu.memory_space<vmem>>) target_semaphore(%arg11 : memref<!tpu.dma_semaphore, #tpu.memory_space<semaphore_mem>>)
      %eq3A_402 = arith.constant 11 : i32
      %eq3A_403 = vector.broadcast %eq3A_402 : i32 to vector<16xi32>
      %eq3A_404 = arith.cmpi eq, %iota3A, %eq3A_403 : vector<16xi32>
      %select_n3A_405 = arith.select %eq3A_404, %get3A_55, %broadcast_in_dim3A_3 : vector<16xi1>, vector<16xi32>
      %reduce_max3A_406 = arith.constant true
      %reduce_max3A_407 = vector.broadcast %reduce_max3A_406 : i1 to vector<16xi1>
      %reduce_max3A_408 = arith.constant -2147483648 : i32
      %reduce_max3A_409 = vector.broadcast %reduce_max3A_408 : i32 to vector<16xi32>
      %reduce_max3A_410 = arith.xori %select_n3A_405, %reduce_max3A_409 : vector<16xi32>
      %reduce_max3A_411 = tpu.scan <max>, %reduce_max3A_410 masked %reduce_max3A_407 : vector<16xi32>, vector<16xi1> -> vector<16xi32>
      %reduce_max3A_412 = arith.xori %reduce_max3A_411, %reduce_max3A_409 : vector<16xi32>
      %reduce_max3A_413 = vector.extract %reduce_max3A_412[15] : i32 from vector<16xi32>
      %shift_right_logical3A_414 = arith.constant 5 : i32
      %shift_right_logical3A_415 = arith.shrui %reduce_max3A_413, %shift_right_logical3A_414 : i32
      %and3A_416 = arith.constant 31 : i32
      %and3A_417 = arith.andi %reduce_max3A_413, %and3A_416 : i32
      %mul3A_418 = arith.constant 16 : i32
      %mul3A_419 = arith.muli %scan3A_50, %mul3A_418 : i32
      %add3A_420 = arith.constant 11 : i32
      %add3A_421 = arith.addi %mul3A_419, %add3A_420 : i32
      %dma_start3A_422 = arith.constant 0 : i32
      %dma_start3A_423 = tpu.memref_slice %arg10[%add3A_421, %dma_start3A_422] : memref<256x64xf32, #tpu.memory_space<vmem>> -> memref<1x64xf32, #tpu.memory_space<vmem>>
      %dma_start3A_424 = tpu.memref_squeeze %dma_start3A_423 : memref<1x64xf32, #tpu.memory_space<vmem>> -> memref<64xf32, #tpu.memory_space<vmem>>
      %dma_start3A_425 = arith.constant 0 : i32
      %dma_start3A_426 = tpu.memref_slice %arg5[%shift_right_logical3A_415, %and3A_417, %dma_start3A_425] : memref<31250x32x64xf32, #tpu.memory_space<hbm>> -> memref<1x1x64xf32, #tpu.memory_space<hbm>>
      %dma_start3A_427 = tpu.memref_squeeze %dma_start3A_426 : memref<1x1x64xf32, #tpu.memory_space<hbm>> -> memref<64xf32, #tpu.memory_space<hbm>>
      %dma_start3A_428 = arith.constant 0 : i32
      %dma_start3A_429 = tpu.memref_slice %arg10[%add3A_421, %dma_start3A_428] : memref<256x64xf32, #tpu.memory_space<vmem>> -> memref<1x64xf32, #tpu.memory_space<vmem>>
      %dma_start3A_430 = tpu.memref_squeeze %dma_start3A_429 : memref<1x64xf32, #tpu.memory_space<vmem>> -> memref<64xf32, #tpu.memory_space<vmem>>
      %dma_start3A_431 = arith.constant 0 : i32
      %dma_start3A_432 = tpu.memref_slice %arg5[%shift_right_logical3A_415, %and3A_417, %dma_start3A_431] : memref<31250x32x64xf32, #tpu.memory_space<hbm>> -> memref<1x1x64xf32, #tpu.memory_space<hbm>>
      %dma_start3A_433 = tpu.memref_squeeze %dma_start3A_432 : memref<1x1x64xf32, #tpu.memory_space<hbm>> -> memref<64xf32, #tpu.memory_space<hbm>>
      tpu.enqueue_dma source(%dma_start3A_433 : memref<64xf32, #tpu.memory_space<hbm>>) target(%dma_start3A_430 : memref<64xf32, #tpu.memory_space<vmem>>) target_semaphore(%arg11 : memref<!tpu.dma_semaphore, #tpu.memory_space<semaphore_mem>>)
      %eq3A_434 = arith.constant 12 : i32
      %eq3A_435 = vector.broadcast %eq3A_434 : i32 to vector<16xi32>
      %eq3A_436 = arith.cmpi eq, %iota3A, %eq3A_435 : vector<16xi32>
      %select_n3A_437 = arith.select %eq3A_436, %get3A_55, %broadcast_in_dim3A_3 : vector<16xi1>, vector<16xi32>
      %reduce_max3A_438 = arith.constant true
      %reduce_max3A_439 = vector.broadcast %reduce_max3A_438 : i1 to vector<16xi1>
      %reduce_max3A_440 = arith.constant -2147483648 : i32
      %reduce_max3A_441 = vector.broadcast %reduce_max3A_440 : i32 to vector<16xi32>
      %reduce_max3A_442 = arith.xori %select_n3A_437, %reduce_max3A_441 : vector<16xi32>
      %reduce_max3A_443 = tpu.scan <max>, %reduce_max3A_442 masked %reduce_max3A_439 : vector<16xi32>, vector<16xi1> -> vector<16xi32>
      %reduce_max3A_444 = arith.xori %reduce_max3A_443, %reduce_max3A_441 : vector<16xi32>
      %reduce_max3A_445 = vector.extract %reduce_max3A_444[15] : i32 from vector<16xi32>
      %shift_right_logical3A_446 = arith.constant 5 : i32
      %shift_right_logical3A_447 = arith.shrui %reduce_max3A_445, %shift_right_logical3A_446 : i32
      %and3A_448 = arith.constant 31 : i32
      %and3A_449 = arith.andi %reduce_max3A_445, %and3A_448 : i32
      %mul3A_450 = arith.constant 16 : i32
      %mul3A_451 = arith.muli %scan3A_50, %mul3A_450 : i32
      %add3A_452 = arith.constant 12 : i32
      %add3A_453 = arith.addi %mul3A_451, %add3A_452 : i32
      %dma_start3A_454 = arith.constant 0 : i32
      %dma_start3A_455 = tpu.memref_slice %arg10[%add3A_453, %dma_start3A_454] : memref<256x64xf32, #tpu.memory_space<vmem>> -> memref<1x64xf32, #tpu.memory_space<vmem>>
      %dma_start3A_456 = tpu.memref_squeeze %dma_start3A_455 : memref<1x64xf32, #tpu.memory_space<vmem>> -> memref<64xf32, #tpu.memory_space<vmem>>
      %dma_start3A_457 = arith.constant 0 : i32
      %dma_start3A_458 = tpu.memref_slice %arg5[%shift_right_logical3A_447, %and3A_449, %dma_start3A_457] : memref<31250x32x64xf32, #tpu.memory_space<hbm>> -> memref<1x1x64xf32, #tpu.memory_space<hbm>>
      %dma_start3A_459 = tpu.memref_squeeze %dma_start3A_458 : memref<1x1x64xf32, #tpu.memory_space<hbm>> -> memref<64xf32, #tpu.memory_space<hbm>>
      %dma_start3A_460 = arith.constant 0 : i32
      %dma_start3A_461 = tpu.memref_slice %arg10[%add3A_453, %dma_start3A_460] : memref<256x64xf32, #tpu.memory_space<vmem>> -> memref<1x64xf32, #tpu.memory_space<vmem>>
      %dma_start3A_462 = tpu.memref_squeeze %dma_start3A_461 : memref<1x64xf32, #tpu.memory_space<vmem>> -> memref<64xf32, #tpu.memory_space<vmem>>
      %dma_start3A_463 = arith.constant 0 : i32
      %dma_start3A_464 = tpu.memref_slice %arg5[%shift_right_logical3A_447, %and3A_449, %dma_start3A_463] : memref<31250x32x64xf32, #tpu.memory_space<hbm>> -> memref<1x1x64xf32, #tpu.memory_space<hbm>>
      %dma_start3A_465 = tpu.memref_squeeze %dma_start3A_464 : memref<1x1x64xf32, #tpu.memory_space<hbm>> -> memref<64xf32, #tpu.memory_space<hbm>>
      tpu.enqueue_dma source(%dma_start3A_465 : memref<64xf32, #tpu.memory_space<hbm>>) target(%dma_start3A_462 : memref<64xf32, #tpu.memory_space<vmem>>) target_semaphore(%arg11 : memref<!tpu.dma_semaphore, #tpu.memory_space<semaphore_mem>>)
      %eq3A_466 = arith.constant 13 : i32
      %eq3A_467 = vector.broadcast %eq3A_466 : i32 to vector<16xi32>
      %eq3A_468 = arith.cmpi eq, %iota3A, %eq3A_467 : vector<16xi32>
      %select_n3A_469 = arith.select %eq3A_468, %get3A_55, %broadcast_in_dim3A_3 : vector<16xi1>, vector<16xi32>
      %reduce_max3A_470 = arith.constant true
      %reduce_max3A_471 = vector.broadcast %reduce_max3A_470 : i1 to vector<16xi1>
      %reduce_max3A_472 = arith.constant -2147483648 : i32
      %reduce_max3A_473 = vector.broadcast %reduce_max3A_472 : i32 to vector<16xi32>
      %reduce_max3A_474 = arith.xori %select_n3A_469, %reduce_max3A_473 : vector<16xi32>
      %reduce_max3A_475 = tpu.scan <max>, %reduce_max3A_474 masked %reduce_max3A_471 : vector<16xi32>, vector<16xi1> -> vector<16xi32>
      %reduce_max3A_476 = arith.xori %reduce_max3A_475, %reduce_max3A_473 : vector<16xi32>
      %reduce_max3A_477 = vector.extract %reduce_max3A_476[15] : i32 from vector<16xi32>
      %shift_right_logical3A_478 = arith.constant 5 : i32
      %shift_right_logical3A_479 = arith.shrui %reduce_max3A_477, %shift_right_logical3A_478 : i32
      %and3A_480 = arith.constant 31 : i32
      %and3A_481 = arith.andi %reduce_max3A_477, %and3A_480 : i32
      %mul3A_482 = arith.constant 16 : i32
      %mul3A_483 = arith.muli %scan3A_50, %mul3A_482 : i32
      %add3A_484 = arith.constant 13 : i32
      %add3A_485 = arith.addi %mul3A_483, %add3A_484 : i32
      %dma_start3A_486 = arith.constant 0 : i32
      %dma_start3A_487 = tpu.memref_slice %arg10[%add3A_485, %dma_start3A_486] : memref<256x64xf32, #tpu.memory_space<vmem>> -> memref<1x64xf32, #tpu.memory_space<vmem>>
      %dma_start3A_488 = tpu.memref_squeeze %dma_start3A_487 : memref<1x64xf32, #tpu.memory_space<vmem>> -> memref<64xf32, #tpu.memory_space<vmem>>
      %dma_start3A_489 = arith.constant 0 : i32
      %dma_start3A_490 = tpu.memref_slice %arg5[%shift_right_logical3A_479, %and3A_481, %dma_start3A_489] : memref<31250x32x64xf32, #tpu.memory_space<hbm>> -> memref<1x1x64xf32, #tpu.memory_space<hbm>>
      %dma_start3A_491 = tpu.memref_squeeze %dma_start3A_490 : memref<1x1x64xf32, #tpu.memory_space<hbm>> -> memref<64xf32, #tpu.memory_space<hbm>>
      %dma_start3A_492 = arith.constant 0 : i32
      %dma_start3A_493 = tpu.memref_slice %arg10[%add3A_485, %dma_start3A_492] : memref<256x64xf32, #tpu.memory_space<vmem>> -> memref<1x64xf32, #tpu.memory_space<vmem>>
      %dma_start3A_494 = tpu.memref_squeeze %dma_start3A_493 : memref<1x64xf32, #tpu.memory_space<vmem>> -> memref<64xf32, #tpu.memory_space<vmem>>
      %dma_start3A_495 = arith.constant 0 : i32
      %dma_start3A_496 = tpu.memref_slice %arg5[%shift_right_logical3A_479, %and3A_481, %dma_start3A_495] : memref<31250x32x64xf32, #tpu.memory_space<hbm>> -> memref<1x1x64xf32, #tpu.memory_space<hbm>>
      %dma_start3A_497 = tpu.memref_squeeze %dma_start3A_496 : memref<1x1x64xf32, #tpu.memory_space<hbm>> -> memref<64xf32, #tpu.memory_space<hbm>>
      tpu.enqueue_dma source(%dma_start3A_497 : memref<64xf32, #tpu.memory_space<hbm>>) target(%dma_start3A_494 : memref<64xf32, #tpu.memory_space<vmem>>) target_semaphore(%arg11 : memref<!tpu.dma_semaphore, #tpu.memory_space<semaphore_mem>>)
      %eq3A_498 = arith.constant 14 : i32
      %eq3A_499 = vector.broadcast %eq3A_498 : i32 to vector<16xi32>
      %eq3A_500 = arith.cmpi eq, %iota3A, %eq3A_499 : vector<16xi32>
      %select_n3A_501 = arith.select %eq3A_500, %get3A_55, %broadcast_in_dim3A_3 : vector<16xi1>, vector<16xi32>
      %reduce_max3A_502 = arith.constant true
      %reduce_max3A_503 = vector.broadcast %reduce_max3A_502 : i1 to vector<16xi1>
      %reduce_max3A_504 = arith.constant -2147483648 : i32
      %reduce_max3A_505 = vector.broadcast %reduce_max3A_504 : i32 to vector<16xi32>
      %reduce_max3A_506 = arith.xori %select_n3A_501, %reduce_max3A_505 : vector<16xi32>
      %reduce_max3A_507 = tpu.scan <max>, %reduce_max3A_506 masked %reduce_max3A_503 : vector<16xi32>, vector<16xi1> -> vector<16xi32>
      %reduce_max3A_508 = arith.xori %reduce_max3A_507, %reduce_max3A_505 : vector<16xi32>
      %reduce_max3A_509 = vector.extract %reduce_max3A_508[15] : i32 from vector<16xi32>
      %shift_right_logical3A_510 = arith.constant 5 : i32
      %shift_right_logical3A_511 = arith.shrui %reduce_max3A_509, %shift_right_logical3A_510 : i32
      %and3A_512 = arith.constant 31 : i32
      %and3A_513 = arith.andi %reduce_max3A_509, %and3A_512 : i32
      %mul3A_514 = arith.constant 16 : i32
      %mul3A_515 = arith.muli %scan3A_50, %mul3A_514 : i32
      %add3A_516 = arith.constant 14 : i32
      %add3A_517 = arith.addi %mul3A_515, %add3A_516 : i32
      %dma_start3A_518 = arith.constant 0 : i32
      %dma_start3A_519 = tpu.memref_slice %arg10[%add3A_517, %dma_start3A_518] : memref<256x64xf32, #tpu.memory_space<vmem>> -> memref<1x64xf32, #tpu.memory_space<vmem>>
      %dma_start3A_520 = tpu.memref_squeeze %dma_start3A_519 : memref<1x64xf32, #tpu.memory_space<vmem>> -> memref<64xf32, #tpu.memory_space<vmem>>
      %dma_start3A_521 = arith.constant 0 : i32
      %dma_start3A_522 = tpu.memref_slice %arg5[%shift_right_logical3A_511, %and3A_513, %dma_start3A_521] : memref<31250x32x64xf32, #tpu.memory_space<hbm>> -> memref<1x1x64xf32, #tpu.memory_space<hbm>>
      %dma_start3A_523 = tpu.memref_squeeze %dma_start3A_522 : memref<1x1x64xf32, #tpu.memory_space<hbm>> -> memref<64xf32, #tpu.memory_space<hbm>>
      %dma_start3A_524 = arith.constant 0 : i32
      %dma_start3A_525 = tpu.memref_slice %arg10[%add3A_517, %dma_start3A_524] : memref<256x64xf32, #tpu.memory_space<vmem>> -> memref<1x64xf32, #tpu.memory_space<vmem>>
      %dma_start3A_526 = tpu.memref_squeeze %dma_start3A_525 : memref<1x64xf32, #tpu.memory_space<vmem>> -> memref<64xf32, #tpu.memory_space<vmem>>
      %dma_start3A_527 = arith.constant 0 : i32
      %dma_start3A_528 = tpu.memref_slice %arg5[%shift_right_logical3A_511, %and3A_513, %dma_start3A_527] : memref<31250x32x64xf32, #tpu.memory_space<hbm>> -> memref<1x1x64xf32, #tpu.memory_space<hbm>>
      %dma_start3A_529 = tpu.memref_squeeze %dma_start3A_528 : memref<1x1x64xf32, #tpu.memory_space<hbm>> -> memref<64xf32, #tpu.memory_space<hbm>>
      tpu.enqueue_dma source(%dma_start3A_529 : memref<64xf32, #tpu.memory_space<hbm>>) target(%dma_start3A_526 : memref<64xf32, #tpu.memory_space<vmem>>) target_semaphore(%arg11 : memref<!tpu.dma_semaphore, #tpu.memory_space<semaphore_mem>>)
      %eq3A_530 = arith.constant 15 : i32
      %eq3A_531 = vector.broadcast %eq3A_530 : i32 to vector<16xi32>
      %eq3A_532 = arith.cmpi eq, %iota3A, %eq3A_531 : vector<16xi32>
      %select_n3A_533 = arith.select %eq3A_532, %get3A_55, %broadcast_in_dim3A_3 : vector<16xi1>, vector<16xi32>
      %reduce_max3A_534 = arith.constant true
      %reduce_max3A_535 = vector.broadcast %reduce_max3A_534 : i1 to vector<16xi1>
      %reduce_max3A_536 = arith.constant -2147483648 : i32
      %reduce_max3A_537 = vector.broadcast %reduce_max3A_536 : i32 to vector<16xi32>
      %reduce_max3A_538 = arith.xori %select_n3A_533, %reduce_max3A_537 : vector<16xi32>
      %reduce_max3A_539 = tpu.scan <max>, %reduce_max3A_538 masked %reduce_max3A_535 : vector<16xi32>, vector<16xi1> -> vector<16xi32>
      %reduce_max3A_540 = arith.xori %reduce_max3A_539, %reduce_max3A_537 : vector<16xi32>
      %reduce_max3A_541 = vector.extract %reduce_max3A_540[15] : i32 from vector<16xi32>
      %shift_right_logical3A_542 = arith.constant 5 : i32
      %shift_right_logical3A_543 = arith.shrui %reduce_max3A_541, %shift_right_logical3A_542 : i32
      %and3A_544 = arith.constant 31 : i32
      %and3A_545 = arith.andi %reduce_max3A_541, %and3A_544 : i32
      %mul3A_546 = arith.constant 16 : i32
      %mul3A_547 = arith.muli %scan3A_50, %mul3A_546 : i32
      %add3A_548 = arith.constant 15 : i32
      %add3A_549 = arith.addi %mul3A_547, %add3A_548 : i32
      %dma_start3A_550 = arith.constant 0 : i32
      %dma_start3A_551 = tpu.memref_slice %arg10[%add3A_549, %dma_start3A_550] : memref<256x64xf32, #tpu.memory_space<vmem>> -> memref<1x64xf32, #tpu.memory_space<vmem>>
      %dma_start3A_552 = tpu.memref_squeeze %dma_start3A_551 : memref<1x64xf32, #tpu.memory_space<vmem>> -> memref<64xf32, #tpu.memory_space<vmem>>
      %dma_start3A_553 = arith.constant 0 : i32
      %dma_start3A_554 = tpu.memref_slice %arg5[%shift_right_logical3A_543, %and3A_545, %dma_start3A_553] : memref<31250x32x64xf32, #tpu.memory_space<hbm>> -> memref<1x1x64xf32, #tpu.memory_space<hbm>>
      %dma_start3A_555 = tpu.memref_squeeze %dma_start3A_554 : memref<1x1x64xf32, #tpu.memory_space<hbm>> -> memref<64xf32, #tpu.memory_space<hbm>>
      %dma_start3A_556 = arith.constant 0 : i32
      %dma_start3A_557 = tpu.memref_slice %arg10[%add3A_549, %dma_start3A_556] : memref<256x64xf32, #tpu.memory_space<vmem>> -> memref<1x64xf32, #tpu.memory_space<vmem>>
      %dma_start3A_558 = tpu.memref_squeeze %dma_start3A_557 : memref<1x64xf32, #tpu.memory_space<vmem>> -> memref<64xf32, #tpu.memory_space<vmem>>
      %dma_start3A_559 = arith.constant 0 : i32
      %dma_start3A_560 = tpu.memref_slice %arg5[%shift_right_logical3A_543, %and3A_545, %dma_start3A_559] : memref<31250x32x64xf32, #tpu.memory_space<hbm>> -> memref<1x1x64xf32, #tpu.memory_space<hbm>>
      %dma_start3A_561 = tpu.memref_squeeze %dma_start3A_560 : memref<1x1x64xf32, #tpu.memory_space<hbm>> -> memref<64xf32, #tpu.memory_space<hbm>>
      tpu.enqueue_dma source(%dma_start3A_561 : memref<64xf32, #tpu.memory_space<hbm>>) target(%dma_start3A_558 : memref<64xf32, #tpu.memory_space<vmem>>) target_semaphore(%arg11 : memref<!tpu.dma_semaphore, #tpu.memory_space<semaphore_mem>>)
    }
    %scan3A_31 = arith.constant 16 : i32
    %add3A_32 = arith.constant 0 : i32
    %add3A_33 = arith.addi %mul3A_2, %add3A_32 : i32
    %dma_wait3A_34 = arith.constant 0 : i32
    %dma_wait3A_35 = tpu.memref_slice %arg7[%add3A_33, %dma_wait3A_34] : memref<16384x64xf32, #tpu.memory_space<hbm>> -> memref<256x64xf32, #tpu.memory_space<hbm>>
    %dma_wait3A_36 = arith.constant 0 : i32
    %dma_wait3A_37 = tpu.memref_slice %arg7[%add3A_33, %dma_wait3A_36] : memref<16384x64xf32, #tpu.memory_space<hbm>> -> memref<256x64xf32, #tpu.memory_space<hbm>>
    tpu.wait_dma2 semaphore(%arg11 : memref<!tpu.dma_semaphore, #tpu.memory_space<semaphore_mem>>) src(%dma_wait3A_37 : memref<256x64xf32, #tpu.memory_space<hbm>>) dst(%arg10 : memref<256x64xf32, #tpu.memory_space<vmem>>)
    "tpu.region"() ({
      %run_scoped3A = tpu.sem_alloc : memref<!tpu.dma_semaphore, #tpu.memory_space<semaphore_mem>>
      %dma_start3A = arith.constant 0 : i32
      %dma_start3A_50 = tpu.memref_slice %arg7[%add3A_33, %dma_start3A] : memref<16384x64xf32, #tpu.memory_space<hbm>> -> memref<256x64xf32, #tpu.memory_space<hbm>>
      %dma_start3A_51 = arith.constant 0 : i32
      %dma_start3A_52 = tpu.memref_slice %arg7[%add3A_33, %dma_start3A_51] : memref<16384x64xf32, #tpu.memory_space<hbm>> -> memref<256x64xf32, #tpu.memory_space<hbm>>
      tpu.enqueue_dma source(%arg10 : memref<256x64xf32, #tpu.memory_space<vmem>>) target(%dma_start3A_52 : memref<256x64xf32, #tpu.memory_space<hbm>>) target_semaphore(%run_scoped3A : memref<!tpu.dma_semaphore, #tpu.memory_space<semaphore_mem>>)
      %dma_wait3A_53 = arith.constant 0 : i32
      %dma_wait3A_54 = tpu.memref_slice %arg7[%add3A_33, %dma_wait3A_53] : memref<16384x64xf32, #tpu.memory_space<hbm>> -> memref<256x64xf32, #tpu.memory_space<hbm>>
      %dma_wait3A_55 = arith.constant 0 : i32
      %dma_wait3A_56 = tpu.memref_slice %arg7[%add3A_33, %dma_wait3A_55] : memref<16384x64xf32, #tpu.memory_space<hbm>> -> memref<256x64xf32, #tpu.memory_space<hbm>>
      tpu.wait_dma2 semaphore(%run_scoped3A : memref<!tpu.dma_semaphore, #tpu.memory_space<semaphore_mem>>) src(%arg10 : memref<256x64xf32, #tpu.memory_space<vmem>>) dst(%dma_wait3A_56 : memref<256x64xf32, #tpu.memory_space<hbm>>)
      tpu.yield
    }) : () -> ()
    %scan3A_38 = arith.constant 0 : i32
    %scan3A_39 = arith.constant 0 : i32
    %scan3A_40 = arith.constant 16 : i32
    %scan3A_41 = arith.addi %scan3A_39, %scan3A_40 : i32
    %scan3A_42 = arith.constant 1 : i32
    scf.for %scan3A_50 = %scan3A_39 to %scan3A_41 step %scan3A_42  : i32 {
      %mul3A_51 = arith.constant 16 : i32
      %mul3A_52 = arith.muli %scan3A_50, %mul3A_51 : i32
      %add3A_53 = arith.constant 256 : i32
      %add3A_54 = arith.addi %add3A_53, %mul3A_52 : i32
      %get3A = arith.index_cast %add3A_54 : i32 to index
      %get3A_55 = tpu.vector_load %arg8[%get3A] {strides = array<i32>} : memref<512xi32, #tpu.memory_space<vmem>>, vector<16xi32>,
      %eq3A = arith.constant 0 : i32
      %eq3A_56 = vector.broadcast %eq3A : i32 to vector<16xi32>
      %eq3A_57 = arith.cmpi eq, %iota3A, %eq3A_56 : vector<16xi32>
      %select_n3A = arith.select %eq3A_57, %get3A_55, %broadcast_in_dim3A_3 : vector<16xi1>, vector<16xi32>
      %reduce_max3A = arith.constant true
      %reduce_max3A_58 = vector.broadcast %reduce_max3A : i1 to vector<16xi1>
      %reduce_max3A_59 = arith.constant -2147483648 : i32
      %reduce_max3A_60 = vector.broadcast %reduce_max3A_59 : i32 to vector<16xi32>
      %reduce_max3A_61 = arith.xori %select_n3A, %reduce_max3A_60 : vector<16xi32>
      %reduce_max3A_62 = tpu.scan <max>, %reduce_max3A_61 masked %reduce_max3A_58 : vector<16xi32>, vector<16xi1> -> vector<16xi32>
      %reduce_max3A_63 = arith.xori %reduce_max3A_62, %reduce_max3A_60 : vector<16xi32>
      %reduce_max3A_64 = vector.extract %reduce_max3A_63[15] : i32 from vector<16xi32>
      %shift_right_logical3A = arith.constant 5 : i32
      %shift_right_logical3A_65 = arith.shrui %reduce_max3A_64, %shift_right_logical3A : i32
      %and3A = arith.constant 31 : i32
      %and3A_66 = arith.andi %reduce_max3A_64, %and3A : i32
      %mul3A_67 = arith.constant 16 : i32
      %mul3A_68 = arith.muli %scan3A_50, %mul3A_67 : i32
      %add3A_69 = arith.constant 0 : i32
      %add3A_70 = arith.addi %mul3A_68, %add3A_69 : i32
      %dma_start3A = arith.constant 0 : i32
      %dma_start3A_71 = tpu.memref_slice %arg10[%add3A_70, %dma_start3A] : memref<256x64xf32, #tpu.memory_space<vmem>> -> memref<1x64xf32, #tpu.memory_space<vmem>>
      %dma_start3A_72 = tpu.memref_squeeze %dma_start3A_71 : memref<1x64xf32, #tpu.memory_space<vmem>> -> memref<64xf32, #tpu.memory_space<vmem>>
      %dma_start3A_73 = arith.constant 0 : i32
      %dma_start3A_74 = tpu.memref_slice %arg5[%shift_right_logical3A_65, %and3A_66, %dma_start3A_73] : memref<31250x32x64xf32, #tpu.memory_space<hbm>> -> memref<1x1x64xf32, #tpu.memory_space<hbm>>
      %dma_start3A_75 = tpu.memref_squeeze %dma_start3A_74 : memref<1x1x64xf32, #tpu.memory_space<hbm>> -> memref<64xf32, #tpu.memory_space<hbm>>
      %dma_start3A_76 = arith.constant 0 : i32
      %dma_start3A_77 = tpu.memref_slice %arg10[%add3A_70, %dma_start3A_76] : memref<256x64xf32, #tpu.memory_space<vmem>> -> memref<1x64xf32, #tpu.memory_space<vmem>>
      %dma_start3A_78 = tpu.memref_squeeze %dma_start3A_77 : memref<1x64xf32, #tpu.memory_space<vmem>> -> memref<64xf32, #tpu.memory_space<vmem>>
      %dma_start3A_79 = arith.constant 0 : i32
      %dma_start3A_80 = tpu.memref_slice %arg5[%shift_right_logical3A_65, %and3A_66, %dma_start3A_79] : memref<31250x32x64xf32, #tpu.memory_space<hbm>> -> memref<1x1x64xf32, #tpu.memory_space<hbm>>
      %dma_start3A_81 = tpu.memref_squeeze %dma_start3A_80 : memref<1x1x64xf32, #tpu.memory_space<hbm>> -> memref<64xf32, #tpu.memory_space<hbm>>
      tpu.enqueue_dma source(%dma_start3A_81 : memref<64xf32, #tpu.memory_space<hbm>>) target(%dma_start3A_78 : memref<64xf32, #tpu.memory_space<vmem>>) target_semaphore(%arg11 : memref<!tpu.dma_semaphore, #tpu.memory_space<semaphore_mem>>)
      %eq3A_82 = arith.constant 1 : i32
      %eq3A_83 = vector.broadcast %eq3A_82 : i32 to vector<16xi32>
      %eq3A_84 = arith.cmpi eq, %iota3A, %eq3A_83 : vector<16xi32>
      %select_n3A_85 = arith.select %eq3A_84, %get3A_55, %broadcast_in_dim3A_3 : vector<16xi1>, vector<16xi32>
      %reduce_max3A_86 = arith.constant true
      %reduce_max3A_87 = vector.broadcast %reduce_max3A_86 : i1 to vector<16xi1>
      %reduce_max3A_88 = arith.constant -2147483648 : i32
      %reduce_max3A_89 = vector.broadcast %reduce_max3A_88 : i32 to vector<16xi32>
      %reduce_max3A_90 = arith.xori %select_n3A_85, %reduce_max3A_89 : vector<16xi32>
      %reduce_max3A_91 = tpu.scan <max>, %reduce_max3A_90 masked %reduce_max3A_87 : vector<16xi32>, vector<16xi1> -> vector<16xi32>
      %reduce_max3A_92 = arith.xori %reduce_max3A_91, %reduce_max3A_89 : vector<16xi32>
      %reduce_max3A_93 = vector.extract %reduce_max3A_92[15] : i32 from vector<16xi32>
      %shift_right_logical3A_94 = arith.constant 5 : i32
      %shift_right_logical3A_95 = arith.shrui %reduce_max3A_93, %shift_right_logical3A_94 : i32
      %and3A_96 = arith.constant 31 : i32
      %and3A_97 = arith.andi %reduce_max3A_93, %and3A_96 : i32
      %mul3A_98 = arith.constant 16 : i32
      %mul3A_99 = arith.muli %scan3A_50, %mul3A_98 : i32
      %add3A_100 = arith.constant 1 : i32
      %add3A_101 = arith.addi %mul3A_99, %add3A_100 : i32
      %dma_start3A_102 = arith.constant 0 : i32
      %dma_start3A_103 = tpu.memref_slice %arg10[%add3A_101, %dma_start3A_102] : memref<256x64xf32, #tpu.memory_space<vmem>> -> memref<1x64xf32, #tpu.memory_space<vmem>>
      %dma_start3A_104 = tpu.memref_squeeze %dma_start3A_103 : memref<1x64xf32, #tpu.memory_space<vmem>> -> memref<64xf32, #tpu.memory_space<vmem>>
      %dma_start3A_105 = arith.constant 0 : i32
      %dma_start3A_106 = tpu.memref_slice %arg5[%shift_right_logical3A_95, %and3A_97, %dma_start3A_105] : memref<31250x32x64xf32, #tpu.memory_space<hbm>> -> memref<1x1x64xf32, #tpu.memory_space<hbm>>
      %dma_start3A_107 = tpu.memref_squeeze %dma_start3A_106 : memref<1x1x64xf32, #tpu.memory_space<hbm>> -> memref<64xf32, #tpu.memory_space<hbm>>
      %dma_start3A_108 = arith.constant 0 : i32
      %dma_start3A_109 = tpu.memref_slice %arg10[%add3A_101, %dma_start3A_108] : memref<256x64xf32, #tpu.memory_space<vmem>> -> memref<1x64xf32, #tpu.memory_space<vmem>>
      %dma_start3A_110 = tpu.memref_squeeze %dma_start3A_109 : memref<1x64xf32, #tpu.memory_space<vmem>> -> memref<64xf32, #tpu.memory_space<vmem>>
      %dma_start3A_111 = arith.constant 0 : i32
      %dma_start3A_112 = tpu.memref_slice %arg5[%shift_right_logical3A_95, %and3A_97, %dma_start3A_111] : memref<31250x32x64xf32, #tpu.memory_space<hbm>> -> memref<1x1x64xf32, #tpu.memory_space<hbm>>
      %dma_start3A_113 = tpu.memref_squeeze %dma_start3A_112 : memref<1x1x64xf32, #tpu.memory_space<hbm>> -> memref<64xf32, #tpu.memory_space<hbm>>
      tpu.enqueue_dma source(%dma_start3A_113 : memref<64xf32, #tpu.memory_space<hbm>>) target(%dma_start3A_110 : memref<64xf32, #tpu.memory_space<vmem>>) target_semaphore(%arg11 : memref<!tpu.dma_semaphore, #tpu.memory_space<semaphore_mem>>)
      %eq3A_114 = arith.constant 2 : i32
      %eq3A_115 = vector.broadcast %eq3A_114 : i32 to vector<16xi32>
      %eq3A_116 = arith.cmpi eq, %iota3A, %eq3A_115 : vector<16xi32>
      %select_n3A_117 = arith.select %eq3A_116, %get3A_55, %broadcast_in_dim3A_3 : vector<16xi1>, vector<16xi32>
      %reduce_max3A_118 = arith.constant true
      %reduce_max3A_119 = vector.broadcast %reduce_max3A_118 : i1 to vector<16xi1>
      %reduce_max3A_120 = arith.constant -2147483648 : i32
      %reduce_max3A_121 = vector.broadcast %reduce_max3A_120 : i32 to vector<16xi32>
      %reduce_max3A_122 = arith.xori %select_n3A_117, %reduce_max3A_121 : vector<16xi32>
      %reduce_max3A_123 = tpu.scan <max>, %reduce_max3A_122 masked %reduce_max3A_119 : vector<16xi32>, vector<16xi1> -> vector<16xi32>
      %reduce_max3A_124 = arith.xori %reduce_max3A_123, %reduce_max3A_121 : vector<16xi32>
      %reduce_max3A_125 = vector.extract %reduce_max3A_124[15] : i32 from vector<16xi32>
      %shift_right_logical3A_126 = arith.constant 5 : i32
      %shift_right_logical3A_127 = arith.shrui %reduce_max3A_125, %shift_right_logical3A_126 : i32
      %and3A_128 = arith.constant 31 : i32
      %and3A_129 = arith.andi %reduce_max3A_125, %and3A_128 : i32
      %mul3A_130 = arith.constant 16 : i32
      %mul3A_131 = arith.muli %scan3A_50, %mul3A_130 : i32
      %add3A_132 = arith.constant 2 : i32
      %add3A_133 = arith.addi %mul3A_131, %add3A_132 : i32
      %dma_start3A_134 = arith.constant 0 : i32
      %dma_start3A_135 = tpu.memref_slice %arg10[%add3A_133, %dma_start3A_134] : memref<256x64xf32, #tpu.memory_space<vmem>> -> memref<1x64xf32, #tpu.memory_space<vmem>>
      %dma_start3A_136 = tpu.memref_squeeze %dma_start3A_135 : memref<1x64xf32, #tpu.memory_space<vmem>> -> memref<64xf32, #tpu.memory_space<vmem>>
      %dma_start3A_137 = arith.constant 0 : i32
      %dma_start3A_138 = tpu.memref_slice %arg5[%shift_right_logical3A_127, %and3A_129, %dma_start3A_137] : memref<31250x32x64xf32, #tpu.memory_space<hbm>> -> memref<1x1x64xf32, #tpu.memory_space<hbm>>
      %dma_start3A_139 = tpu.memref_squeeze %dma_start3A_138 : memref<1x1x64xf32, #tpu.memory_space<hbm>> -> memref<64xf32, #tpu.memory_space<hbm>>
      %dma_start3A_140 = arith.constant 0 : i32
      %dma_start3A_141 = tpu.memref_slice %arg10[%add3A_133, %dma_start3A_140] : memref<256x64xf32, #tpu.memory_space<vmem>> -> memref<1x64xf32, #tpu.memory_space<vmem>>
      %dma_start3A_142 = tpu.memref_squeeze %dma_start3A_141 : memref<1x64xf32, #tpu.memory_space<vmem>> -> memref<64xf32, #tpu.memory_space<vmem>>
      %dma_start3A_143 = arith.constant 0 : i32
      %dma_start3A_144 = tpu.memref_slice %arg5[%shift_right_logical3A_127, %and3A_129, %dma_start3A_143] : memref<31250x32x64xf32, #tpu.memory_space<hbm>> -> memref<1x1x64xf32, #tpu.memory_space<hbm>>
      %dma_start3A_145 = tpu.memref_squeeze %dma_start3A_144 : memref<1x1x64xf32, #tpu.memory_space<hbm>> -> memref<64xf32, #tpu.memory_space<hbm>>
      tpu.enqueue_dma source(%dma_start3A_145 : memref<64xf32, #tpu.memory_space<hbm>>) target(%dma_start3A_142 : memref<64xf32, #tpu.memory_space<vmem>>) target_semaphore(%arg11 : memref<!tpu.dma_semaphore, #tpu.memory_space<semaphore_mem>>)
      %eq3A_146 = arith.constant 3 : i32
      %eq3A_147 = vector.broadcast %eq3A_146 : i32 to vector<16xi32>
      %eq3A_148 = arith.cmpi eq, %iota3A, %eq3A_147 : vector<16xi32>
      %select_n3A_149 = arith.select %eq3A_148, %get3A_55, %broadcast_in_dim3A_3 : vector<16xi1>, vector<16xi32>
      %reduce_max3A_150 = arith.constant true
      %reduce_max3A_151 = vector.broadcast %reduce_max3A_150 : i1 to vector<16xi1>
      %reduce_max3A_152 = arith.constant -2147483648 : i32
      %reduce_max3A_153 = vector.broadcast %reduce_max3A_152 : i32 to vector<16xi32>
      %reduce_max3A_154 = arith.xori %select_n3A_149, %reduce_max3A_153 : vector<16xi32>
      %reduce_max3A_155 = tpu.scan <max>, %reduce_max3A_154 masked %reduce_max3A_151 : vector<16xi32>, vector<16xi1> -> vector<16xi32>
      %reduce_max3A_156 = arith.xori %reduce_max3A_155, %reduce_max3A_153 : vector<16xi32>
      %reduce_max3A_157 = vector.extract %reduce_max3A_156[15] : i32 from vector<16xi32>
      %shift_right_logical3A_158 = arith.constant 5 : i32
      %shift_right_logical3A_159 = arith.shrui %reduce_max3A_157, %shift_right_logical3A_158 : i32
      %and3A_160 = arith.constant 31 : i32
      %and3A_161 = arith.andi %reduce_max3A_157, %and3A_160 : i32
      %mul3A_162 = arith.constant 16 : i32
      %mul3A_163 = arith.muli %scan3A_50, %mul3A_162 : i32
      %add3A_164 = arith.constant 3 : i32
      %add3A_165 = arith.addi %mul3A_163, %add3A_164 : i32
      %dma_start3A_166 = arith.constant 0 : i32
      %dma_start3A_167 = tpu.memref_slice %arg10[%add3A_165, %dma_start3A_166] : memref<256x64xf32, #tpu.memory_space<vmem>> -> memref<1x64xf32, #tpu.memory_space<vmem>>
      %dma_start3A_168 = tpu.memref_squeeze %dma_start3A_167 : memref<1x64xf32, #tpu.memory_space<vmem>> -> memref<64xf32, #tpu.memory_space<vmem>>
      %dma_start3A_169 = arith.constant 0 : i32
      %dma_start3A_170 = tpu.memref_slice %arg5[%shift_right_logical3A_159, %and3A_161, %dma_start3A_169] : memref<31250x32x64xf32, #tpu.memory_space<hbm>> -> memref<1x1x64xf32, #tpu.memory_space<hbm>>
      %dma_start3A_171 = tpu.memref_squeeze %dma_start3A_170 : memref<1x1x64xf32, #tpu.memory_space<hbm>> -> memref<64xf32, #tpu.memory_space<hbm>>
      %dma_start3A_172 = arith.constant 0 : i32
      %dma_start3A_173 = tpu.memref_slice %arg10[%add3A_165, %dma_start3A_172] : memref<256x64xf32, #tpu.memory_space<vmem>> -> memref<1x64xf32, #tpu.memory_space<vmem>>
      %dma_start3A_174 = tpu.memref_squeeze %dma_start3A_173 : memref<1x64xf32, #tpu.memory_space<vmem>> -> memref<64xf32, #tpu.memory_space<vmem>>
      %dma_start3A_175 = arith.constant 0 : i32
      %dma_start3A_176 = tpu.memref_slice %arg5[%shift_right_logical3A_159, %and3A_161, %dma_start3A_175] : memref<31250x32x64xf32, #tpu.memory_space<hbm>> -> memref<1x1x64xf32, #tpu.memory_space<hbm>>
      %dma_start3A_177 = tpu.memref_squeeze %dma_start3A_176 : memref<1x1x64xf32, #tpu.memory_space<hbm>> -> memref<64xf32, #tpu.memory_space<hbm>>
      tpu.enqueue_dma source(%dma_start3A_177 : memref<64xf32, #tpu.memory_space<hbm>>) target(%dma_start3A_174 : memref<64xf32, #tpu.memory_space<vmem>>) target_semaphore(%arg11 : memref<!tpu.dma_semaphore, #tpu.memory_space<semaphore_mem>>)
      %eq3A_178 = arith.constant 4 : i32
      %eq3A_179 = vector.broadcast %eq3A_178 : i32 to vector<16xi32>
      %eq3A_180 = arith.cmpi eq, %iota3A, %eq3A_179 : vector<16xi32>
      %select_n3A_181 = arith.select %eq3A_180, %get3A_55, %broadcast_in_dim3A_3 : vector<16xi1>, vector<16xi32>
      %reduce_max3A_182 = arith.constant true
      %reduce_max3A_183 = vector.broadcast %reduce_max3A_182 : i1 to vector<16xi1>
      %reduce_max3A_184 = arith.constant -2147483648 : i32
      %reduce_max3A_185 = vector.broadcast %reduce_max3A_184 : i32 to vector<16xi32>
      %reduce_max3A_186 = arith.xori %select_n3A_181, %reduce_max3A_185 : vector<16xi32>
      %reduce_max3A_187 = tpu.scan <max>, %reduce_max3A_186 masked %reduce_max3A_183 : vector<16xi32>, vector<16xi1> -> vector<16xi32>
      %reduce_max3A_188 = arith.xori %reduce_max3A_187, %reduce_max3A_185 : vector<16xi32>
      %reduce_max3A_189 = vector.extract %reduce_max3A_188[15] : i32 from vector<16xi32>
      %shift_right_logical3A_190 = arith.constant 5 : i32
      %shift_right_logical3A_191 = arith.shrui %reduce_max3A_189, %shift_right_logical3A_190 : i32
      %and3A_192 = arith.constant 31 : i32
      %and3A_193 = arith.andi %reduce_max3A_189, %and3A_192 : i32
      %mul3A_194 = arith.constant 16 : i32
      %mul3A_195 = arith.muli %scan3A_50, %mul3A_194 : i32
      %add3A_196 = arith.constant 4 : i32
      %add3A_197 = arith.addi %mul3A_195, %add3A_196 : i32
      %dma_start3A_198 = arith.constant 0 : i32
      %dma_start3A_199 = tpu.memref_slice %arg10[%add3A_197, %dma_start3A_198] : memref<256x64xf32, #tpu.memory_space<vmem>> -> memref<1x64xf32, #tpu.memory_space<vmem>>
      %dma_start3A_200 = tpu.memref_squeeze %dma_start3A_199 : memref<1x64xf32, #tpu.memory_space<vmem>> -> memref<64xf32, #tpu.memory_space<vmem>>
      %dma_start3A_201 = arith.constant 0 : i32
      %dma_start3A_202 = tpu.memref_slice %arg5[%shift_right_logical3A_191, %and3A_193, %dma_start3A_201] : memref<31250x32x64xf32, #tpu.memory_space<hbm>> -> memref<1x1x64xf32, #tpu.memory_space<hbm>>
      %dma_start3A_203 = tpu.memref_squeeze %dma_start3A_202 : memref<1x1x64xf32, #tpu.memory_space<hbm>> -> memref<64xf32, #tpu.memory_space<hbm>>
      %dma_start3A_204 = arith.constant 0 : i32
      %dma_start3A_205 = tpu.memref_slice %arg10[%add3A_197, %dma_start3A_204] : memref<256x64xf32, #tpu.memory_space<vmem>> -> memref<1x64xf32, #tpu.memory_space<vmem>>
      %dma_start3A_206 = tpu.memref_squeeze %dma_start3A_205 : memref<1x64xf32, #tpu.memory_space<vmem>> -> memref<64xf32, #tpu.memory_space<vmem>>
      %dma_start3A_207 = arith.constant 0 : i32
      %dma_start3A_208 = tpu.memref_slice %arg5[%shift_right_logical3A_191, %and3A_193, %dma_start3A_207] : memref<31250x32x64xf32, #tpu.memory_space<hbm>> -> memref<1x1x64xf32, #tpu.memory_space<hbm>>
      %dma_start3A_209 = tpu.memref_squeeze %dma_start3A_208 : memref<1x1x64xf32, #tpu.memory_space<hbm>> -> memref<64xf32, #tpu.memory_space<hbm>>
      tpu.enqueue_dma source(%dma_start3A_209 : memref<64xf32, #tpu.memory_space<hbm>>) target(%dma_start3A_206 : memref<64xf32, #tpu.memory_space<vmem>>) target_semaphore(%arg11 : memref<!tpu.dma_semaphore, #tpu.memory_space<semaphore_mem>>)
      %eq3A_210 = arith.constant 5 : i32
      %eq3A_211 = vector.broadcast %eq3A_210 : i32 to vector<16xi32>
      %eq3A_212 = arith.cmpi eq, %iota3A, %eq3A_211 : vector<16xi32>
      %select_n3A_213 = arith.select %eq3A_212, %get3A_55, %broadcast_in_dim3A_3 : vector<16xi1>, vector<16xi32>
      %reduce_max3A_214 = arith.constant true
      %reduce_max3A_215 = vector.broadcast %reduce_max3A_214 : i1 to vector<16xi1>
      %reduce_max3A_216 = arith.constant -2147483648 : i32
      %reduce_max3A_217 = vector.broadcast %reduce_max3A_216 : i32 to vector<16xi32>
      %reduce_max3A_218 = arith.xori %select_n3A_213, %reduce_max3A_217 : vector<16xi32>
      %reduce_max3A_219 = tpu.scan <max>, %reduce_max3A_218 masked %reduce_max3A_215 : vector<16xi32>, vector<16xi1> -> vector<16xi32>
      %reduce_max3A_220 = arith.xori %reduce_max3A_219, %reduce_max3A_217 : vector<16xi32>
      %reduce_max3A_221 = vector.extract %reduce_max3A_220[15] : i32 from vector<16xi32>
      %shift_right_logical3A_222 = arith.constant 5 : i32
      %shift_right_logical3A_223 = arith.shrui %reduce_max3A_221, %shift_right_logical3A_222 : i32
      %and3A_224 = arith.constant 31 : i32
      %and3A_225 = arith.andi %reduce_max3A_221, %and3A_224 : i32
      %mul3A_226 = arith.constant 16 : i32
      %mul3A_227 = arith.muli %scan3A_50, %mul3A_226 : i32
      %add3A_228 = arith.constant 5 : i32
      %add3A_229 = arith.addi %mul3A_227, %add3A_228 : i32
      %dma_start3A_230 = arith.constant 0 : i32
      %dma_start3A_231 = tpu.memref_slice %arg10[%add3A_229, %dma_start3A_230] : memref<256x64xf32, #tpu.memory_space<vmem>> -> memref<1x64xf32, #tpu.memory_space<vmem>>
      %dma_start3A_232 = tpu.memref_squeeze %dma_start3A_231 : memref<1x64xf32, #tpu.memory_space<vmem>> -> memref<64xf32, #tpu.memory_space<vmem>>
      %dma_start3A_233 = arith.constant 0 : i32
      %dma_start3A_234 = tpu.memref_slice %arg5[%shift_right_logical3A_223, %and3A_225, %dma_start3A_233] : memref<31250x32x64xf32, #tpu.memory_space<hbm>> -> memref<1x1x64xf32, #tpu.memory_space<hbm>>
      %dma_start3A_235 = tpu.memref_squeeze %dma_start3A_234 : memref<1x1x64xf32, #tpu.memory_space<hbm>> -> memref<64xf32, #tpu.memory_space<hbm>>
      %dma_start3A_236 = arith.constant 0 : i32
      %dma_start3A_237 = tpu.memref_slice %arg10[%add3A_229, %dma_start3A_236] : memref<256x64xf32, #tpu.memory_space<vmem>> -> memref<1x64xf32, #tpu.memory_space<vmem>>
      %dma_start3A_238 = tpu.memref_squeeze %dma_start3A_237 : memref<1x64xf32, #tpu.memory_space<vmem>> -> memref<64xf32, #tpu.memory_space<vmem>>
      %dma_start3A_239 = arith.constant 0 : i32
      %dma_start3A_240 = tpu.memref_slice %arg5[%shift_right_logical3A_223, %and3A_225, %dma_start3A_239] : memref<31250x32x64xf32, #tpu.memory_space<hbm>> -> memref<1x1x64xf32, #tpu.memory_space<hbm>>
      %dma_start3A_241 = tpu.memref_squeeze %dma_start3A_240 : memref<1x1x64xf32, #tpu.memory_space<hbm>> -> memref<64xf32, #tpu.memory_space<hbm>>
      tpu.enqueue_dma source(%dma_start3A_241 : memref<64xf32, #tpu.memory_space<hbm>>) target(%dma_start3A_238 : memref<64xf32, #tpu.memory_space<vmem>>) target_semaphore(%arg11 : memref<!tpu.dma_semaphore, #tpu.memory_space<semaphore_mem>>)
      %eq3A_242 = arith.constant 6 : i32
      %eq3A_243 = vector.broadcast %eq3A_242 : i32 to vector<16xi32>
      %eq3A_244 = arith.cmpi eq, %iota3A, %eq3A_243 : vector<16xi32>
      %select_n3A_245 = arith.select %eq3A_244, %get3A_55, %broadcast_in_dim3A_3 : vector<16xi1>, vector<16xi32>
      %reduce_max3A_246 = arith.constant true
      %reduce_max3A_247 = vector.broadcast %reduce_max3A_246 : i1 to vector<16xi1>
      %reduce_max3A_248 = arith.constant -2147483648 : i32
      %reduce_max3A_249 = vector.broadcast %reduce_max3A_248 : i32 to vector<16xi32>
      %reduce_max3A_250 = arith.xori %select_n3A_245, %reduce_max3A_249 : vector<16xi32>
      %reduce_max3A_251 = tpu.scan <max>, %reduce_max3A_250 masked %reduce_max3A_247 : vector<16xi32>, vector<16xi1> -> vector<16xi32>
      %reduce_max3A_252 = arith.xori %reduce_max3A_251, %reduce_max3A_249 : vector<16xi32>
      %reduce_max3A_253 = vector.extract %reduce_max3A_252[15] : i32 from vector<16xi32>
      %shift_right_logical3A_254 = arith.constant 5 : i32
      %shift_right_logical3A_255 = arith.shrui %reduce_max3A_253, %shift_right_logical3A_254 : i32
      %and3A_256 = arith.constant 31 : i32
      %and3A_257 = arith.andi %reduce_max3A_253, %and3A_256 : i32
      %mul3A_258 = arith.constant 16 : i32
      %mul3A_259 = arith.muli %scan3A_50, %mul3A_258 : i32
      %add3A_260 = arith.constant 6 : i32
      %add3A_261 = arith.addi %mul3A_259, %add3A_260 : i32
      %dma_start3A_262 = arith.constant 0 : i32
      %dma_start3A_263 = tpu.memref_slice %arg10[%add3A_261, %dma_start3A_262] : memref<256x64xf32, #tpu.memory_space<vmem>> -> memref<1x64xf32, #tpu.memory_space<vmem>>
      %dma_start3A_264 = tpu.memref_squeeze %dma_start3A_263 : memref<1x64xf32, #tpu.memory_space<vmem>> -> memref<64xf32, #tpu.memory_space<vmem>>
      %dma_start3A_265 = arith.constant 0 : i32
      %dma_start3A_266 = tpu.memref_slice %arg5[%shift_right_logical3A_255, %and3A_257, %dma_start3A_265] : memref<31250x32x64xf32, #tpu.memory_space<hbm>> -> memref<1x1x64xf32, #tpu.memory_space<hbm>>
      %dma_start3A_267 = tpu.memref_squeeze %dma_start3A_266 : memref<1x1x64xf32, #tpu.memory_space<hbm>> -> memref<64xf32, #tpu.memory_space<hbm>>
      %dma_start3A_268 = arith.constant 0 : i32
      %dma_start3A_269 = tpu.memref_slice %arg10[%add3A_261, %dma_start3A_268] : memref<256x64xf32, #tpu.memory_space<vmem>> -> memref<1x64xf32, #tpu.memory_space<vmem>>
      %dma_start3A_270 = tpu.memref_squeeze %dma_start3A_269 : memref<1x64xf32, #tpu.memory_space<vmem>> -> memref<64xf32, #tpu.memory_space<vmem>>
      %dma_start3A_271 = arith.constant 0 : i32
      %dma_start3A_272 = tpu.memref_slice %arg5[%shift_right_logical3A_255, %and3A_257, %dma_start3A_271] : memref<31250x32x64xf32, #tpu.memory_space<hbm>> -> memref<1x1x64xf32, #tpu.memory_space<hbm>>
      %dma_start3A_273 = tpu.memref_squeeze %dma_start3A_272 : memref<1x1x64xf32, #tpu.memory_space<hbm>> -> memref<64xf32, #tpu.memory_space<hbm>>
      tpu.enqueue_dma source(%dma_start3A_273 : memref<64xf32, #tpu.memory_space<hbm>>) target(%dma_start3A_270 : memref<64xf32, #tpu.memory_space<vmem>>) target_semaphore(%arg11 : memref<!tpu.dma_semaphore, #tpu.memory_space<semaphore_mem>>)
      %eq3A_274 = arith.constant 7 : i32
      %eq3A_275 = vector.broadcast %eq3A_274 : i32 to vector<16xi32>
      %eq3A_276 = arith.cmpi eq, %iota3A, %eq3A_275 : vector<16xi32>
      %select_n3A_277 = arith.select %eq3A_276, %get3A_55, %broadcast_in_dim3A_3 : vector<16xi1>, vector<16xi32>
      %reduce_max3A_278 = arith.constant true
      %reduce_max3A_279 = vector.broadcast %reduce_max3A_278 : i1 to vector<16xi1>
      %reduce_max3A_280 = arith.constant -2147483648 : i32
      %reduce_max3A_281 = vector.broadcast %reduce_max3A_280 : i32 to vector<16xi32>
      %reduce_max3A_282 = arith.xori %select_n3A_277, %reduce_max3A_281 : vector<16xi32>
      %reduce_max3A_283 = tpu.scan <max>, %reduce_max3A_282 masked %reduce_max3A_279 : vector<16xi32>, vector<16xi1> -> vector<16xi32>
      %reduce_max3A_284 = arith.xori %reduce_max3A_283, %reduce_max3A_281 : vector<16xi32>
      %reduce_max3A_285 = vector.extract %reduce_max3A_284[15] : i32 from vector<16xi32>
      %shift_right_logical3A_286 = arith.constant 5 : i32
      %shift_right_logical3A_287 = arith.shrui %reduce_max3A_285, %shift_right_logical3A_286 : i32
      %and3A_288 = arith.constant 31 : i32
      %and3A_289 = arith.andi %reduce_max3A_285, %and3A_288 : i32
      %mul3A_290 = arith.constant 16 : i32
      %mul3A_291 = arith.muli %scan3A_50, %mul3A_290 : i32
      %add3A_292 = arith.constant 7 : i32
      %add3A_293 = arith.addi %mul3A_291, %add3A_292 : i32
      %dma_start3A_294 = arith.constant 0 : i32
      %dma_start3A_295 = tpu.memref_slice %arg10[%add3A_293, %dma_start3A_294] : memref<256x64xf32, #tpu.memory_space<vmem>> -> memref<1x64xf32, #tpu.memory_space<vmem>>
      %dma_start3A_296 = tpu.memref_squeeze %dma_start3A_295 : memref<1x64xf32, #tpu.memory_space<vmem>> -> memref<64xf32, #tpu.memory_space<vmem>>
      %dma_start3A_297 = arith.constant 0 : i32
      %dma_start3A_298 = tpu.memref_slice %arg5[%shift_right_logical3A_287, %and3A_289, %dma_start3A_297] : memref<31250x32x64xf32, #tpu.memory_space<hbm>> -> memref<1x1x64xf32, #tpu.memory_space<hbm>>
      %dma_start3A_299 = tpu.memref_squeeze %dma_start3A_298 : memref<1x1x64xf32, #tpu.memory_space<hbm>> -> memref<64xf32, #tpu.memory_space<hbm>>
      %dma_start3A_300 = arith.constant 0 : i32
      %dma_start3A_301 = tpu.memref_slice %arg10[%add3A_293, %dma_start3A_300] : memref<256x64xf32, #tpu.memory_space<vmem>> -> memref<1x64xf32, #tpu.memory_space<vmem>>
      %dma_start3A_302 = tpu.memref_squeeze %dma_start3A_301 : memref<1x64xf32, #tpu.memory_space<vmem>> -> memref<64xf32, #tpu.memory_space<vmem>>
      %dma_start3A_303 = arith.constant 0 : i32
      %dma_start3A_304 = tpu.memref_slice %arg5[%shift_right_logical3A_287, %and3A_289, %dma_start3A_303] : memref<31250x32x64xf32, #tpu.memory_space<hbm>> -> memref<1x1x64xf32, #tpu.memory_space<hbm>>
      %dma_start3A_305 = tpu.memref_squeeze %dma_start3A_304 : memref<1x1x64xf32, #tpu.memory_space<hbm>> -> memref<64xf32, #tpu.memory_space<hbm>>
      tpu.enqueue_dma source(%dma_start3A_305 : memref<64xf32, #tpu.memory_space<hbm>>) target(%dma_start3A_302 : memref<64xf32, #tpu.memory_space<vmem>>) target_semaphore(%arg11 : memref<!tpu.dma_semaphore, #tpu.memory_space<semaphore_mem>>)
      %eq3A_306 = arith.constant 8 : i32
      %eq3A_307 = vector.broadcast %eq3A_306 : i32 to vector<16xi32>
      %eq3A_308 = arith.cmpi eq, %iota3A, %eq3A_307 : vector<16xi32>
      %select_n3A_309 = arith.select %eq3A_308, %get3A_55, %broadcast_in_dim3A_3 : vector<16xi1>, vector<16xi32>
      %reduce_max3A_310 = arith.constant true
      %reduce_max3A_311 = vector.broadcast %reduce_max3A_310 : i1 to vector<16xi1>
      %reduce_max3A_312 = arith.constant -2147483648 : i32
      %reduce_max3A_313 = vector.broadcast %reduce_max3A_312 : i32 to vector<16xi32>
      %reduce_max3A_314 = arith.xori %select_n3A_309, %reduce_max3A_313 : vector<16xi32>
      %reduce_max3A_315 = tpu.scan <max>, %reduce_max3A_314 masked %reduce_max3A_311 : vector<16xi32>, vector<16xi1> -> vector<16xi32>
      %reduce_max3A_316 = arith.xori %reduce_max3A_315, %reduce_max3A_313 : vector<16xi32>
      %reduce_max3A_317 = vector.extract %reduce_max3A_316[15] : i32 from vector<16xi32>
      %shift_right_logical3A_318 = arith.constant 5 : i32
      %shift_right_logical3A_319 = arith.shrui %reduce_max3A_317, %shift_right_logical3A_318 : i32
      %and3A_320 = arith.constant 31 : i32
      %and3A_321 = arith.andi %reduce_max3A_317, %and3A_320 : i32
      %mul3A_322 = arith.constant 16 : i32
      %mul3A_323 = arith.muli %scan3A_50, %mul3A_322 : i32
      %add3A_324 = arith.constant 8 : i32
      %add3A_325 = arith.addi %mul3A_323, %add3A_324 : i32
      %dma_start3A_326 = arith.constant 0 : i32
      %dma_start3A_327 = tpu.memref_slice %arg10[%add3A_325, %dma_start3A_326] : memref<256x64xf32, #tpu.memory_space<vmem>> -> memref<1x64xf32, #tpu.memory_space<vmem>>
      %dma_start3A_328 = tpu.memref_squeeze %dma_start3A_327 : memref<1x64xf32, #tpu.memory_space<vmem>> -> memref<64xf32, #tpu.memory_space<vmem>>
      %dma_start3A_329 = arith.constant 0 : i32
      %dma_start3A_330 = tpu.memref_slice %arg5[%shift_right_logical3A_319, %and3A_321, %dma_start3A_329] : memref<31250x32x64xf32, #tpu.memory_space<hbm>> -> memref<1x1x64xf32, #tpu.memory_space<hbm>>
      %dma_start3A_331 = tpu.memref_squeeze %dma_start3A_330 : memref<1x1x64xf32, #tpu.memory_space<hbm>> -> memref<64xf32, #tpu.memory_space<hbm>>
      %dma_start3A_332 = arith.constant 0 : i32
      %dma_start3A_333 = tpu.memref_slice %arg10[%add3A_325, %dma_start3A_332] : memref<256x64xf32, #tpu.memory_space<vmem>> -> memref<1x64xf32, #tpu.memory_space<vmem>>
      %dma_start3A_334 = tpu.memref_squeeze %dma_start3A_333 : memref<1x64xf32, #tpu.memory_space<vmem>> -> memref<64xf32, #tpu.memory_space<vmem>>
      %dma_start3A_335 = arith.constant 0 : i32
      %dma_start3A_336 = tpu.memref_slice %arg5[%shift_right_logical3A_319, %and3A_321, %dma_start3A_335] : memref<31250x32x64xf32, #tpu.memory_space<hbm>> -> memref<1x1x64xf32, #tpu.memory_space<hbm>>
      %dma_start3A_337 = tpu.memref_squeeze %dma_start3A_336 : memref<1x1x64xf32, #tpu.memory_space<hbm>> -> memref<64xf32, #tpu.memory_space<hbm>>
      tpu.enqueue_dma source(%dma_start3A_337 : memref<64xf32, #tpu.memory_space<hbm>>) target(%dma_start3A_334 : memref<64xf32, #tpu.memory_space<vmem>>) target_semaphore(%arg11 : memref<!tpu.dma_semaphore, #tpu.memory_space<semaphore_mem>>)
      %eq3A_338 = arith.constant 9 : i32
      %eq3A_339 = vector.broadcast %eq3A_338 : i32 to vector<16xi32>
      %eq3A_340 = arith.cmpi eq, %iota3A, %eq3A_339 : vector<16xi32>
      %select_n3A_341 = arith.select %eq3A_340, %get3A_55, %broadcast_in_dim3A_3 : vector<16xi1>, vector<16xi32>
      %reduce_max3A_342 = arith.constant true
      %reduce_max3A_343 = vector.broadcast %reduce_max3A_342 : i1 to vector<16xi1>
      %reduce_max3A_344 = arith.constant -2147483648 : i32
      %reduce_max3A_345 = vector.broadcast %reduce_max3A_344 : i32 to vector<16xi32>
      %reduce_max3A_346 = arith.xori %select_n3A_341, %reduce_max3A_345 : vector<16xi32>
      %reduce_max3A_347 = tpu.scan <max>, %reduce_max3A_346 masked %reduce_max3A_343 : vector<16xi32>, vector<16xi1> -> vector<16xi32>
      %reduce_max3A_348 = arith.xori %reduce_max3A_347, %reduce_max3A_345 : vector<16xi32>
      %reduce_max3A_349 = vector.extract %reduce_max3A_348[15] : i32 from vector<16xi32>
      %shift_right_logical3A_350 = arith.constant 5 : i32
      %shift_right_logical3A_351 = arith.shrui %reduce_max3A_349, %shift_right_logical3A_350 : i32
      %and3A_352 = arith.constant 31 : i32
      %and3A_353 = arith.andi %reduce_max3A_349, %and3A_352 : i32
      %mul3A_354 = arith.constant 16 : i32
      %mul3A_355 = arith.muli %scan3A_50, %mul3A_354 : i32
      %add3A_356 = arith.constant 9 : i32
      %add3A_357 = arith.addi %mul3A_355, %add3A_356 : i32
      %dma_start3A_358 = arith.constant 0 : i32
      %dma_start3A_359 = tpu.memref_slice %arg10[%add3A_357, %dma_start3A_358] : memref<256x64xf32, #tpu.memory_space<vmem>> -> memref<1x64xf32, #tpu.memory_space<vmem>>
      %dma_start3A_360 = tpu.memref_squeeze %dma_start3A_359 : memref<1x64xf32, #tpu.memory_space<vmem>> -> memref<64xf32, #tpu.memory_space<vmem>>
      %dma_start3A_361 = arith.constant 0 : i32
      %dma_start3A_362 = tpu.memref_slice %arg5[%shift_right_logical3A_351, %and3A_353, %dma_start3A_361] : memref<31250x32x64xf32, #tpu.memory_space<hbm>> -> memref<1x1x64xf32, #tpu.memory_space<hbm>>
      %dma_start3A_363 = tpu.memref_squeeze %dma_start3A_362 : memref<1x1x64xf32, #tpu.memory_space<hbm>> -> memref<64xf32, #tpu.memory_space<hbm>>
      %dma_start3A_364 = arith.constant 0 : i32
      %dma_start3A_365 = tpu.memref_slice %arg10[%add3A_357, %dma_start3A_364] : memref<256x64xf32, #tpu.memory_space<vmem>> -> memref<1x64xf32, #tpu.memory_space<vmem>>
      %dma_start3A_366 = tpu.memref_squeeze %dma_start3A_365 : memref<1x64xf32, #tpu.memory_space<vmem>> -> memref<64xf32, #tpu.memory_space<vmem>>
      %dma_start3A_367 = arith.constant 0 : i32
      %dma_start3A_368 = tpu.memref_slice %arg5[%shift_right_logical3A_351, %and3A_353, %dma_start3A_367] : memref<31250x32x64xf32, #tpu.memory_space<hbm>> -> memref<1x1x64xf32, #tpu.memory_space<hbm>>
      %dma_start3A_369 = tpu.memref_squeeze %dma_start3A_368 : memref<1x1x64xf32, #tpu.memory_space<hbm>> -> memref<64xf32, #tpu.memory_space<hbm>>
      tpu.enqueue_dma source(%dma_start3A_369 : memref<64xf32, #tpu.memory_space<hbm>>) target(%dma_start3A_366 : memref<64xf32, #tpu.memory_space<vmem>>) target_semaphore(%arg11 : memref<!tpu.dma_semaphore, #tpu.memory_space<semaphore_mem>>)
      %eq3A_370 = arith.constant 10 : i32
      %eq3A_371 = vector.broadcast %eq3A_370 : i32 to vector<16xi32>
      %eq3A_372 = arith.cmpi eq, %iota3A, %eq3A_371 : vector<16xi32>
      %select_n3A_373 = arith.select %eq3A_372, %get3A_55, %broadcast_in_dim3A_3 : vector<16xi1>, vector<16xi32>
      %reduce_max3A_374 = arith.constant true
      %reduce_max3A_375 = vector.broadcast %reduce_max3A_374 : i1 to vector<16xi1>
      %reduce_max3A_376 = arith.constant -2147483648 : i32
      %reduce_max3A_377 = vector.broadcast %reduce_max3A_376 : i32 to vector<16xi32>
      %reduce_max3A_378 = arith.xori %select_n3A_373, %reduce_max3A_377 : vector<16xi32>
      %reduce_max3A_379 = tpu.scan <max>, %reduce_max3A_378 masked %reduce_max3A_375 : vector<16xi32>, vector<16xi1> -> vector<16xi32>
      %reduce_max3A_380 = arith.xori %reduce_max3A_379, %reduce_max3A_377 : vector<16xi32>
      %reduce_max3A_381 = vector.extract %reduce_max3A_380[15] : i32 from vector<16xi32>
      %shift_right_logical3A_382 = arith.constant 5 : i32
      %shift_right_logical3A_383 = arith.shrui %reduce_max3A_381, %shift_right_logical3A_382 : i32
      %and3A_384 = arith.constant 31 : i32
      %and3A_385 = arith.andi %reduce_max3A_381, %and3A_384 : i32
      %mul3A_386 = arith.constant 16 : i32
      %mul3A_387 = arith.muli %scan3A_50, %mul3A_386 : i32
      %add3A_388 = arith.constant 10 : i32
      %add3A_389 = arith.addi %mul3A_387, %add3A_388 : i32
      %dma_start3A_390 = arith.constant 0 : i32
      %dma_start3A_391 = tpu.memref_slice %arg10[%add3A_389, %dma_start3A_390] : memref<256x64xf32, #tpu.memory_space<vmem>> -> memref<1x64xf32, #tpu.memory_space<vmem>>
      %dma_start3A_392 = tpu.memref_squeeze %dma_start3A_391 : memref<1x64xf32, #tpu.memory_space<vmem>> -> memref<64xf32, #tpu.memory_space<vmem>>
      %dma_start3A_393 = arith.constant 0 : i32
      %dma_start3A_394 = tpu.memref_slice %arg5[%shift_right_logical3A_383, %and3A_385, %dma_start3A_393] : memref<31250x32x64xf32, #tpu.memory_space<hbm>> -> memref<1x1x64xf32, #tpu.memory_space<hbm>>
      %dma_start3A_395 = tpu.memref_squeeze %dma_start3A_394 : memref<1x1x64xf32, #tpu.memory_space<hbm>> -> memref<64xf32, #tpu.memory_space<hbm>>
      %dma_start3A_396 = arith.constant 0 : i32
      %dma_start3A_397 = tpu.memref_slice %arg10[%add3A_389, %dma_start3A_396] : memref<256x64xf32, #tpu.memory_space<vmem>> -> memref<1x64xf32, #tpu.memory_space<vmem>>
      %dma_start3A_398 = tpu.memref_squeeze %dma_start3A_397 : memref<1x64xf32, #tpu.memory_space<vmem>> -> memref<64xf32, #tpu.memory_space<vmem>>
      %dma_start3A_399 = arith.constant 0 : i32
      %dma_start3A_400 = tpu.memref_slice %arg5[%shift_right_logical3A_383, %and3A_385, %dma_start3A_399] : memref<31250x32x64xf32, #tpu.memory_space<hbm>> -> memref<1x1x64xf32, #tpu.memory_space<hbm>>
      %dma_start3A_401 = tpu.memref_squeeze %dma_start3A_400 : memref<1x1x64xf32, #tpu.memory_space<hbm>> -> memref<64xf32, #tpu.memory_space<hbm>>
      tpu.enqueue_dma source(%dma_start3A_401 : memref<64xf32, #tpu.memory_space<hbm>>) target(%dma_start3A_398 : memref<64xf32, #tpu.memory_space<vmem>>) target_semaphore(%arg11 : memref<!tpu.dma_semaphore, #tpu.memory_space<semaphore_mem>>)
      %eq3A_402 = arith.constant 11 : i32
      %eq3A_403 = vector.broadcast %eq3A_402 : i32 to vector<16xi32>
      %eq3A_404 = arith.cmpi eq, %iota3A, %eq3A_403 : vector<16xi32>
      %select_n3A_405 = arith.select %eq3A_404, %get3A_55, %broadcast_in_dim3A_3 : vector<16xi1>, vector<16xi32>
      %reduce_max3A_406 = arith.constant true
      %reduce_max3A_407 = vector.broadcast %reduce_max3A_406 : i1 to vector<16xi1>
      %reduce_max3A_408 = arith.constant -2147483648 : i32
      %reduce_max3A_409 = vector.broadcast %reduce_max3A_408 : i32 to vector<16xi32>
      %reduce_max3A_410 = arith.xori %select_n3A_405, %reduce_max3A_409 : vector<16xi32>
      %reduce_max3A_411 = tpu.scan <max>, %reduce_max3A_410 masked %reduce_max3A_407 : vector<16xi32>, vector<16xi1> -> vector<16xi32>
      %reduce_max3A_412 = arith.xori %reduce_max3A_411, %reduce_max3A_409 : vector<16xi32>
      %reduce_max3A_413 = vector.extract %reduce_max3A_412[15] : i32 from vector<16xi32>
      %shift_right_logical3A_414 = arith.constant 5 : i32
      %shift_right_logical3A_415 = arith.shrui %reduce_max3A_413, %shift_right_logical3A_414 : i32
      %and3A_416 = arith.constant 31 : i32
      %and3A_417 = arith.andi %reduce_max3A_413, %and3A_416 : i32
      %mul3A_418 = arith.constant 16 : i32
      %mul3A_419 = arith.muli %scan3A_50, %mul3A_418 : i32
      %add3A_420 = arith.constant 11 : i32
      %add3A_421 = arith.addi %mul3A_419, %add3A_420 : i32
      %dma_start3A_422 = arith.constant 0 : i32
      %dma_start3A_423 = tpu.memref_slice %arg10[%add3A_421, %dma_start3A_422] : memref<256x64xf32, #tpu.memory_space<vmem>> -> memref<1x64xf32, #tpu.memory_space<vmem>>
      %dma_start3A_424 = tpu.memref_squeeze %dma_start3A_423 : memref<1x64xf32, #tpu.memory_space<vmem>> -> memref<64xf32, #tpu.memory_space<vmem>>
      %dma_start3A_425 = arith.constant 0 : i32
      %dma_start3A_426 = tpu.memref_slice %arg5[%shift_right_logical3A_415, %and3A_417, %dma_start3A_425] : memref<31250x32x64xf32, #tpu.memory_space<hbm>> -> memref<1x1x64xf32, #tpu.memory_space<hbm>>
      %dma_start3A_427 = tpu.memref_squeeze %dma_start3A_426 : memref<1x1x64xf32, #tpu.memory_space<hbm>> -> memref<64xf32, #tpu.memory_space<hbm>>
      %dma_start3A_428 = arith.constant 0 : i32
      %dma_start3A_429 = tpu.memref_slice %arg10[%add3A_421, %dma_start3A_428] : memref<256x64xf32, #tpu.memory_space<vmem>> -> memref<1x64xf32, #tpu.memory_space<vmem>>
      %dma_start3A_430 = tpu.memref_squeeze %dma_start3A_429 : memref<1x64xf32, #tpu.memory_space<vmem>> -> memref<64xf32, #tpu.memory_space<vmem>>
      %dma_start3A_431 = arith.constant 0 : i32
      %dma_start3A_432 = tpu.memref_slice %arg5[%shift_right_logical3A_415, %and3A_417, %dma_start3A_431] : memref<31250x32x64xf32, #tpu.memory_space<hbm>> -> memref<1x1x64xf32, #tpu.memory_space<hbm>>
      %dma_start3A_433 = tpu.memref_squeeze %dma_start3A_432 : memref<1x1x64xf32, #tpu.memory_space<hbm>> -> memref<64xf32, #tpu.memory_space<hbm>>
      tpu.enqueue_dma source(%dma_start3A_433 : memref<64xf32, #tpu.memory_space<hbm>>) target(%dma_start3A_430 : memref<64xf32, #tpu.memory_space<vmem>>) target_semaphore(%arg11 : memref<!tpu.dma_semaphore, #tpu.memory_space<semaphore_mem>>)
      %eq3A_434 = arith.constant 12 : i32
      %eq3A_435 = vector.broadcast %eq3A_434 : i32 to vector<16xi32>
      %eq3A_436 = arith.cmpi eq, %iota3A, %eq3A_435 : vector<16xi32>
      %select_n3A_437 = arith.select %eq3A_436, %get3A_55, %broadcast_in_dim3A_3 : vector<16xi1>, vector<16xi32>
      %reduce_max3A_438 = arith.constant true
      %reduce_max3A_439 = vector.broadcast %reduce_max3A_438 : i1 to vector<16xi1>
      %reduce_max3A_440 = arith.constant -2147483648 : i32
      %reduce_max3A_441 = vector.broadcast %reduce_max3A_440 : i32 to vector<16xi32>
      %reduce_max3A_442 = arith.xori %select_n3A_437, %reduce_max3A_441 : vector<16xi32>
      %reduce_max3A_443 = tpu.scan <max>, %reduce_max3A_442 masked %reduce_max3A_439 : vector<16xi32>, vector<16xi1> -> vector<16xi32>
      %reduce_max3A_444 = arith.xori %reduce_max3A_443, %reduce_max3A_441 : vector<16xi32>
      %reduce_max3A_445 = vector.extract %reduce_max3A_444[15] : i32 from vector<16xi32>
      %shift_right_logical3A_446 = arith.constant 5 : i32
      %shift_right_logical3A_447 = arith.shrui %reduce_max3A_445, %shift_right_logical3A_446 : i32
      %and3A_448 = arith.constant 31 : i32
      %and3A_449 = arith.andi %reduce_max3A_445, %and3A_448 : i32
      %mul3A_450 = arith.constant 16 : i32
      %mul3A_451 = arith.muli %scan3A_50, %mul3A_450 : i32
      %add3A_452 = arith.constant 12 : i32
      %add3A_453 = arith.addi %mul3A_451, %add3A_452 : i32
      %dma_start3A_454 = arith.constant 0 : i32
      %dma_start3A_455 = tpu.memref_slice %arg10[%add3A_453, %dma_start3A_454] : memref<256x64xf32, #tpu.memory_space<vmem>> -> memref<1x64xf32, #tpu.memory_space<vmem>>
      %dma_start3A_456 = tpu.memref_squeeze %dma_start3A_455 : memref<1x64xf32, #tpu.memory_space<vmem>> -> memref<64xf32, #tpu.memory_space<vmem>>
      %dma_start3A_457 = arith.constant 0 : i32
      %dma_start3A_458 = tpu.memref_slice %arg5[%shift_right_logical3A_447, %and3A_449, %dma_start3A_457] : memref<31250x32x64xf32, #tpu.memory_space<hbm>> -> memref<1x1x64xf32, #tpu.memory_space<hbm>>
      %dma_start3A_459 = tpu.memref_squeeze %dma_start3A_458 : memref<1x1x64xf32, #tpu.memory_space<hbm>> -> memref<64xf32, #tpu.memory_space<hbm>>
      %dma_start3A_460 = arith.constant 0 : i32
      %dma_start3A_461 = tpu.memref_slice %arg10[%add3A_453, %dma_start3A_460] : memref<256x64xf32, #tpu.memory_space<vmem>> -> memref<1x64xf32, #tpu.memory_space<vmem>>
      %dma_start3A_462 = tpu.memref_squeeze %dma_start3A_461 : memref<1x64xf32, #tpu.memory_space<vmem>> -> memref<64xf32, #tpu.memory_space<vmem>>
      %dma_start3A_463 = arith.constant 0 : i32
      %dma_start3A_464 = tpu.memref_slice %arg5[%shift_right_logical3A_447, %and3A_449, %dma_start3A_463] : memref<31250x32x64xf32, #tpu.memory_space<hbm>> -> memref<1x1x64xf32, #tpu.memory_space<hbm>>
      %dma_start3A_465 = tpu.memref_squeeze %dma_start3A_464 : memref<1x1x64xf32, #tpu.memory_space<hbm>> -> memref<64xf32, #tpu.memory_space<hbm>>
      tpu.enqueue_dma source(%dma_start3A_465 : memref<64xf32, #tpu.memory_space<hbm>>) target(%dma_start3A_462 : memref<64xf32, #tpu.memory_space<vmem>>) target_semaphore(%arg11 : memref<!tpu.dma_semaphore, #tpu.memory_space<semaphore_mem>>)
      %eq3A_466 = arith.constant 13 : i32
      %eq3A_467 = vector.broadcast %eq3A_466 : i32 to vector<16xi32>
      %eq3A_468 = arith.cmpi eq, %iota3A, %eq3A_467 : vector<16xi32>
      %select_n3A_469 = arith.select %eq3A_468, %get3A_55, %broadcast_in_dim3A_3 : vector<16xi1>, vector<16xi32>
      %reduce_max3A_470 = arith.constant true
      %reduce_max3A_471 = vector.broadcast %reduce_max3A_470 : i1 to vector<16xi1>
      %reduce_max3A_472 = arith.constant -2147483648 : i32
      %reduce_max3A_473 = vector.broadcast %reduce_max3A_472 : i32 to vector<16xi32>
      %reduce_max3A_474 = arith.xori %select_n3A_469, %reduce_max3A_473 : vector<16xi32>
      %reduce_max3A_475 = tpu.scan <max>, %reduce_max3A_474 masked %reduce_max3A_471 : vector<16xi32>, vector<16xi1> -> vector<16xi32>
      %reduce_max3A_476 = arith.xori %reduce_max3A_475, %reduce_max3A_473 : vector<16xi32>
      %reduce_max3A_477 = vector.extract %reduce_max3A_476[15] : i32 from vector<16xi32>
      %shift_right_logical3A_478 = arith.constant 5 : i32
      %shift_right_logical3A_479 = arith.shrui %reduce_max3A_477, %shift_right_logical3A_478 : i32
      %and3A_480 = arith.constant 31 : i32
      %and3A_481 = arith.andi %reduce_max3A_477, %and3A_480 : i32
      %mul3A_482 = arith.constant 16 : i32
      %mul3A_483 = arith.muli %scan3A_50, %mul3A_482 : i32
      %add3A_484 = arith.constant 13 : i32
      %add3A_485 = arith.addi %mul3A_483, %add3A_484 : i32
      %dma_start3A_486 = arith.constant 0 : i32
      %dma_start3A_487 = tpu.memref_slice %arg10[%add3A_485, %dma_start3A_486] : memref<256x64xf32, #tpu.memory_space<vmem>> -> memref<1x64xf32, #tpu.memory_space<vmem>>
      %dma_start3A_488 = tpu.memref_squeeze %dma_start3A_487 : memref<1x64xf32, #tpu.memory_space<vmem>> -> memref<64xf32, #tpu.memory_space<vmem>>
      %dma_start3A_489 = arith.constant 0 : i32
      %dma_start3A_490 = tpu.memref_slice %arg5[%shift_right_logical3A_479, %and3A_481, %dma_start3A_489] : memref<31250x32x64xf32, #tpu.memory_space<hbm>> -> memref<1x1x64xf32, #tpu.memory_space<hbm>>
      %dma_start3A_491 = tpu.memref_squeeze %dma_start3A_490 : memref<1x1x64xf32, #tpu.memory_space<hbm>> -> memref<64xf32, #tpu.memory_space<hbm>>
      %dma_start3A_492 = arith.constant 0 : i32
      %dma_start3A_493 = tpu.memref_slice %arg10[%add3A_485, %dma_start3A_492] : memref<256x64xf32, #tpu.memory_space<vmem>> -> memref<1x64xf32, #tpu.memory_space<vmem>>
      %dma_start3A_494 = tpu.memref_squeeze %dma_start3A_493 : memref<1x64xf32, #tpu.memory_space<vmem>> -> memref<64xf32, #tpu.memory_space<vmem>>
      %dma_start3A_495 = arith.constant 0 : i32
      %dma_start3A_496 = tpu.memref_slice %arg5[%shift_right_logical3A_479, %and3A_481, %dma_start3A_495] : memref<31250x32x64xf32, #tpu.memory_space<hbm>> -> memref<1x1x64xf32, #tpu.memory_space<hbm>>
      %dma_start3A_497 = tpu.memref_squeeze %dma_start3A_496 : memref<1x1x64xf32, #tpu.memory_space<hbm>> -> memref<64xf32, #tpu.memory_space<hbm>>
      tpu.enqueue_dma source(%dma_start3A_497 : memref<64xf32, #tpu.memory_space<hbm>>) target(%dma_start3A_494 : memref<64xf32, #tpu.memory_space<vmem>>) target_semaphore(%arg11 : memref<!tpu.dma_semaphore, #tpu.memory_space<semaphore_mem>>)
      %eq3A_498 = arith.constant 14 : i32
      %eq3A_499 = vector.broadcast %eq3A_498 : i32 to vector<16xi32>
      %eq3A_500 = arith.cmpi eq, %iota3A, %eq3A_499 : vector<16xi32>
      %select_n3A_501 = arith.select %eq3A_500, %get3A_55, %broadcast_in_dim3A_3 : vector<16xi1>, vector<16xi32>
      %reduce_max3A_502 = arith.constant true
      %reduce_max3A_503 = vector.broadcast %reduce_max3A_502 : i1 to vector<16xi1>
      %reduce_max3A_504 = arith.constant -2147483648 : i32
      %reduce_max3A_505 = vector.broadcast %reduce_max3A_504 : i32 to vector<16xi32>
      %reduce_max3A_506 = arith.xori %select_n3A_501, %reduce_max3A_505 : vector<16xi32>
      %reduce_max3A_507 = tpu.scan <max>, %reduce_max3A_506 masked %reduce_max3A_503 : vector<16xi32>, vector<16xi1> -> vector<16xi32>
      %reduce_max3A_508 = arith.xori %reduce_max3A_507, %reduce_max3A_505 : vector<16xi32>
      %reduce_max3A_509 = vector.extract %reduce_max3A_508[15] : i32 from vector<16xi32>
      %shift_right_logical3A_510 = arith.constant 5 : i32
      %shift_right_logical3A_511 = arith.shrui %reduce_max3A_509, %shift_right_logical3A_510 : i32
      %and3A_512 = arith.constant 31 : i32
      %and3A_513 = arith.andi %reduce_max3A_509, %and3A_512 : i32
      %mul3A_514 = arith.constant 16 : i32
      %mul3A_515 = arith.muli %scan3A_50, %mul3A_514 : i32
      %add3A_516 = arith.constant 14 : i32
      %add3A_517 = arith.addi %mul3A_515, %add3A_516 : i32
      %dma_start3A_518 = arith.constant 0 : i32
      %dma_start3A_519 = tpu.memref_slice %arg10[%add3A_517, %dma_start3A_518] : memref<256x64xf32, #tpu.memory_space<vmem>> -> memref<1x64xf32, #tpu.memory_space<vmem>>
      %dma_start3A_520 = tpu.memref_squeeze %dma_start3A_519 : memref<1x64xf32, #tpu.memory_space<vmem>> -> memref<64xf32, #tpu.memory_space<vmem>>
      %dma_start3A_521 = arith.constant 0 : i32
      %dma_start3A_522 = tpu.memref_slice %arg5[%shift_right_logical3A_511, %and3A_513, %dma_start3A_521] : memref<31250x32x64xf32, #tpu.memory_space<hbm>> -> memref<1x1x64xf32, #tpu.memory_space<hbm>>
      %dma_start3A_523 = tpu.memref_squeeze %dma_start3A_522 : memref<1x1x64xf32, #tpu.memory_space<hbm>> -> memref<64xf32, #tpu.memory_space<hbm>>
      %dma_start3A_524 = arith.constant 0 : i32
      %dma_start3A_525 = tpu.memref_slice %arg10[%add3A_517, %dma_start3A_524] : memref<256x64xf32, #tpu.memory_space<vmem>> -> memref<1x64xf32, #tpu.memory_space<vmem>>
      %dma_start3A_526 = tpu.memref_squeeze %dma_start3A_525 : memref<1x64xf32, #tpu.memory_space<vmem>> -> memref<64xf32, #tpu.memory_space<vmem>>
      %dma_start3A_527 = arith.constant 0 : i32
      %dma_start3A_528 = tpu.memref_slice %arg5[%shift_right_logical3A_511, %and3A_513, %dma_start3A_527] : memref<31250x32x64xf32, #tpu.memory_space<hbm>> -> memref<1x1x64xf32, #tpu.memory_space<hbm>>
      %dma_start3A_529 = tpu.memref_squeeze %dma_start3A_528 : memref<1x1x64xf32, #tpu.memory_space<hbm>> -> memref<64xf32, #tpu.memory_space<hbm>>
      tpu.enqueue_dma source(%dma_start3A_529 : memref<64xf32, #tpu.memory_space<hbm>>) target(%dma_start3A_526 : memref<64xf32, #tpu.memory_space<vmem>>) target_semaphore(%arg11 : memref<!tpu.dma_semaphore, #tpu.memory_space<semaphore_mem>>)
      %eq3A_530 = arith.constant 15 : i32
      %eq3A_531 = vector.broadcast %eq3A_530 : i32 to vector<16xi32>
      %eq3A_532 = arith.cmpi eq, %iota3A, %eq3A_531 : vector<16xi32>
      %select_n3A_533 = arith.select %eq3A_532, %get3A_55, %broadcast_in_dim3A_3 : vector<16xi1>, vector<16xi32>
      %reduce_max3A_534 = arith.constant true
      %reduce_max3A_535 = vector.broadcast %reduce_max3A_534 : i1 to vector<16xi1>
      %reduce_max3A_536 = arith.constant -2147483648 : i32
      %reduce_max3A_537 = vector.broadcast %reduce_max3A_536 : i32 to vector<16xi32>
      %reduce_max3A_538 = arith.xori %select_n3A_533, %reduce_max3A_537 : vector<16xi32>
      %reduce_max3A_539 = tpu.scan <max>, %reduce_max3A_538 masked %reduce_max3A_535 : vector<16xi32>, vector<16xi1> -> vector<16xi32>
      %reduce_max3A_540 = arith.xori %reduce_max3A_539, %reduce_max3A_537 : vector<16xi32>
      %reduce_max3A_541 = vector.extract %reduce_max3A_540[15] : i32 from vector<16xi32>
      %shift_right_logical3A_542 = arith.constant 5 : i32
      %shift_right_logical3A_543 = arith.shrui %reduce_max3A_541, %shift_right_logical3A_542 : i32
      %and3A_544 = arith.constant 31 : i32
      %and3A_545 = arith.andi %reduce_max3A_541, %and3A_544 : i32
      %mul3A_546 = arith.constant 16 : i32
      %mul3A_547 = arith.muli %scan3A_50, %mul3A_546 : i32
      %add3A_548 = arith.constant 15 : i32
      %add3A_549 = arith.addi %mul3A_547, %add3A_548 : i32
      %dma_start3A_550 = arith.constant 0 : i32
      %dma_start3A_551 = tpu.memref_slice %arg10[%add3A_549, %dma_start3A_550] : memref<256x64xf32, #tpu.memory_space<vmem>> -> memref<1x64xf32, #tpu.memory_space<vmem>>
      %dma_start3A_552 = tpu.memref_squeeze %dma_start3A_551 : memref<1x64xf32, #tpu.memory_space<vmem>> -> memref<64xf32, #tpu.memory_space<vmem>>
      %dma_start3A_553 = arith.constant 0 : i32
      %dma_start3A_554 = tpu.memref_slice %arg5[%shift_right_logical3A_543, %and3A_545, %dma_start3A_553] : memref<31250x32x64xf32, #tpu.memory_space<hbm>> -> memref<1x1x64xf32, #tpu.memory_space<hbm>>
      %dma_start3A_555 = tpu.memref_squeeze %dma_start3A_554 : memref<1x1x64xf32, #tpu.memory_space<hbm>> -> memref<64xf32, #tpu.memory_space<hbm>>
      %dma_start3A_556 = arith.constant 0 : i32
      %dma_start3A_557 = tpu.memref_slice %arg10[%add3A_549, %dma_start3A_556] : memref<256x64xf32, #tpu.memory_space<vmem>> -> memref<1x64xf32, #tpu.memory_space<vmem>>
      %dma_start3A_558 = tpu.memref_squeeze %dma_start3A_557 : memref<1x64xf32, #tpu.memory_space<vmem>> -> memref<64xf32, #tpu.memory_space<vmem>>
      %dma_start3A_559 = arith.constant 0 : i32
      %dma_start3A_560 = tpu.memref_slice %arg5[%shift_right_logical3A_543, %and3A_545, %dma_start3A_559] : memref<31250x32x64xf32, #tpu.memory_space<hbm>> -> memref<1x1x64xf32, #tpu.memory_space<hbm>>
      %dma_start3A_561 = tpu.memref_squeeze %dma_start3A_560 : memref<1x1x64xf32, #tpu.memory_space<hbm>> -> memref<64xf32, #tpu.memory_space<hbm>>
      tpu.enqueue_dma source(%dma_start3A_561 : memref<64xf32, #tpu.memory_space<hbm>>) target(%dma_start3A_558 : memref<64xf32, #tpu.memory_space<vmem>>) target_semaphore(%arg11 : memref<!tpu.dma_semaphore, #tpu.memory_space<semaphore_mem>>)
    }
    %scan3A_43 = arith.constant 16 : i32
    %add3A_44 = arith.constant 256 : i32
    %add3A_45 = arith.addi %mul3A_2, %add3A_44 : i32
    %dma_wait3A_46 = arith.constant 0 : i32
    %dma_wait3A_47 = tpu.memref_slice %arg7[%add3A_45, %dma_wait3A_46] : memref<16384x64xf32, #tpu.memory_space<hbm>> -> memref<256x64xf32, #tpu.memory_space<hbm>>
    %dma_wait3A_48 = arith.constant 0 : i32
    %dma_wait3A_49 = tpu.memref_slice %arg7[%add3A_45, %dma_wait3A_48] : memref<16384x64xf32, #tpu.memory_space<hbm>> -> memref<256x64xf32, #tpu.memory_space<hbm>>
    tpu.wait_dma2 semaphore(%arg11 : memref<!tpu.dma_semaphore, #tpu.memory_space<semaphore_mem>>) src(%dma_wait3A_49 : memref<256x64xf32, #tpu.memory_space<hbm>>) dst(%arg10 : memref<256x64xf32, #tpu.memory_space<vmem>>)
    "tpu.region"() ({
      %run_scoped3A = tpu.sem_alloc : memref<!tpu.dma_semaphore, #tpu.memory_space<semaphore_mem>>
      %dma_start3A = arith.constant 0 : i32
      %dma_start3A_50 = tpu.memref_slice %arg7[%add3A_45, %dma_start3A] : memref<16384x64xf32, #tpu.memory_space<hbm>> -> memref<256x64xf32, #tpu.memory_space<hbm>>
      %dma_start3A_51 = arith.constant 0 : i32
      %dma_start3A_52 = tpu.memref_slice %arg7[%add3A_45, %dma_start3A_51] : memref<16384x64xf32, #tpu.memory_space<hbm>> -> memref<256x64xf32, #tpu.memory_space<hbm>>
      tpu.enqueue_dma source(%arg10 : memref<256x64xf32, #tpu.memory_space<vmem>>) target(%dma_start3A_52 : memref<256x64xf32, #tpu.memory_space<hbm>>) target_semaphore(%run_scoped3A : memref<!tpu.dma_semaphore, #tpu.memory_space<semaphore_mem>>)
      %dma_wait3A_53 = arith.constant 0 : i32
      %dma_wait3A_54 = tpu.memref_slice %arg7[%add3A_45, %dma_wait3A_53] : memref<16384x64xf32, #tpu.memory_space<hbm>> -> memref<256x64xf32, #tpu.memory_space<hbm>>
      %dma_wait3A_55 = arith.constant 0 : i32
      %dma_wait3A_56 = tpu.memref_slice %arg7[%add3A_45, %dma_wait3A_55] : memref<16384x64xf32, #tpu.memory_space<hbm>> -> memref<256x64xf32, #tpu.memory_space<hbm>>
      tpu.wait_dma2 semaphore(%run_scoped3A : memref<!tpu.dma_semaphore, #tpu.memory_space<semaphore_mem>>) src(%arg10 : memref<256x64xf32, #tpu.memory_space<vmem>>) dst(%dma_wait3A_56 : memref<256x64xf32, #tpu.memory_space<hbm>>)
      tpu.yield
    }) : () -> ()
    return
  }
}

module attributes {stable_mosaic.version = 14 : i64} {
  func.func @_tc_transpose_body(%arg0: i32, %arg1: memref<64x16384xf32, #tpu.memory_space<vmem>>, %arg2: memref<8192x128xf32, #tpu.memory_space<vmem>>) attributes {dimension_semantics = [#tpu.dimension_semantics<arbitrary>], iteration_bounds = array<i64: 62>, scalar_prefetch = 0 : i64, scratch_operands = 0 : i64, tpu.core_type = #tpu.core_type<tc>, window_params = [{transform_indices = @transform_0, window_bounds = array<i64: 64, 16384>}, {transform_indices = @transform_1, window_bounds = array<i64: 8192, 128>}]} {
    %get3A = arith.constant 0 : index
    %get3A_0 = arith.constant 0 : index
    %get3A_1 = vector.load %arg1[%get3A, %get3A_0] : memref<64x16384xf32, #tpu.memory_space<vmem>>, vector<64x16384xf32>
    %transpose3A = tpu.transpose %get3A_1, [1, 0] : vector<64x16384xf32> -> vector<16384x64xf32>
    %slice3A = vector.extract_strided_slice %transpose3A {offsets = [0, 0], sizes = [8192, 64], strides = [1, 1]} : vector<16384x64xf32> to vector<8192x64xf32>
    %slice3A_2 = vector.extract_strided_slice %transpose3A {offsets = [8192, 0], sizes = [8192, 64], strides = [1, 1]} : vector<16384x64xf32> to vector<8192x64xf32>
    %concatenate3A = tpu.concatenate %slice3A, %slice3A_2 in 1 : vector<8192x64xf32>, vector<8192x64xf32> -> vector<8192x128xf32>
    %swap3A = arith.constant 0 : index
    %swap3A_3 = arith.constant 0 : index
    %swap3A_4 = vector.load %arg2[%swap3A, %swap3A_3] : memref<8192x128xf32, #tpu.memory_space<vmem>>, vector<8192x128xf32>
    tpu.vector_store %arg2[%swap3A, %swap3A_3], %concatenate3A {strides = array<i32>} : memref<8192x128xf32, #tpu.memory_space<vmem>>, vector<8192x128xf32>,
    return
  }
  func.func @transform_0(%arg0: i32) -> (i32, i32) {
    %c0_i32 = arith.constant 0 : i32
    %c0_i32_0 = arith.constant 0 : i32
    return %c0_i32, %arg0 : i32, i32
  }
  func.func @transform_1(%arg0: i32) -> (i32, i32) {
    %c0_i32 = arith.constant 0 : i32
    %c0_i32_0 = arith.constant 0 : i32
    return %arg0, %c0_i32 : i32, i32
  }
}

module attributes {stable_mosaic.version = 14 : i64} {
  func.func @_tc_combine_body(%arg0: i32, %arg1: memref<2048x128xf32, #tpu.memory_space<vmem>>, %arg2: memref<128x64xf32, #tpu.memory_space<vmem>>, %arg3: memref<64x1xf32, #tpu.memory_space<vmem>>, %arg4: memref<2048x128xf32, #tpu.memory_space<vmem>>, %arg5: memref<128x64xf32, #tpu.memory_space<vmem>>, %arg6: memref<1x64xf32, #tpu.memory_space<vmem>>, %arg7: memref<2048x128xf32, #tpu.memory_space<vmem>>, %arg8: memref<2048x64xf32, #tpu.memory_space<vmem>>, %arg9: memref<22x32xf32, #tpu.memory_space<vmem>>, %arg10: memref<18x32xf32, #tpu.memory_space<vmem>>, %arg11: memref<1x2048xi32, #tpu.memory_space<vmem>>, %arg12: memref<1x2048xi32, #tpu.memory_space<vmem>>, %arg13: memref<2048x1xi32, #tpu.memory_space<vmem>>, %arg14: memref<192x2048xf32, #tpu.memory_space<vmem>>, %arg15: memref<2048x128xf32, #tpu.memory_space<vmem>>) attributes {dimension_semantics = [#tpu.dimension_semantics<arbitrary>], iteration_bounds = array<i64: 8>, scalar_prefetch = 0 : i64, scratch_operands = 0 : i64, tpu.core_type = #tpu.core_type<tc>, window_params = [{transform_indices = @transform_0, window_bounds = array<i64: 2048, 128>}, {pipeline_mode = #tpu.pipeline_mode<synchronous>, transform_indices = @transform_1, window_bounds = array<i64: 128, 64>}, {pipeline_mode = #tpu.pipeline_mode<synchronous>, transform_indices = @transform_2, window_bounds = array<i64: 64, 1>}, {transform_indices = @transform_3, window_bounds = array<i64: 2048, 128>}, {pipeline_mode = #tpu.pipeline_mode<synchronous>, transform_indices = @transform_4, window_bounds = array<i64: 128, 64>}, {pipeline_mode = #tpu.pipeline_mode<synchronous>, transform_indices = @transform_5, window_bounds = array<i64: 1, 64>}, {transform_indices = @transform_6, window_bounds = array<i64: 2048, 128>}, {transform_indices = @transform_7, window_bounds = array<i64: 2048, 64>}, {pipeline_mode = #tpu.pipeline_mode<synchronous>, transform_indices = @transform_8, window_bounds = array<i64: 22, 32>}, {pipeline_mode = #tpu.pipeline_mode<synchronous>, transform_indices = @transform_9, window_bounds = array<i64: 18, 32>}, {transform_indices = @transform_10, window_bounds = array<i64: 1, 2048>}, {transform_indices = @transform_11, window_bounds = array<i64: 1, 2048>}, {transform_indices = @transform_12, window_bounds = array<i64: 2048, 1>}, {transform_indices = @transform_13, window_bounds = array<i64: 192, 2048>}, {transform_indices = @transform_14, window_bounds = array<i64: 2048, 128>}]} {
    %get3A = arith.constant 0 : index
    %get3A_0 = arith.constant 0 : index
    %get3A_1 = vector.load %arg4[%get3A, %get3A_0] : memref<2048x128xf32, #tpu.memory_space<vmem>>, vector<2048x128xf32>
    %get3A_2 = arith.constant 0 : index
    %get3A_3 = arith.constant 0 : index
    %get3A_4 = vector.load %arg5[%get3A_2, %get3A_3] : memref<128x64xf32, #tpu.memory_space<vmem>>, vector<128x64xf32>
    %dot_general3A = arith.constant dense<0.000000e+00> : vector<2048x64xf32>
    %dot_general3A_5 = tpu.matmul %get3A_1, %get3A_4, %dot_general3A {dimension_numbers = #tpu.dot_dimension_numbers<[1], [0], [0], [1], [0, 0, 1, 1], [], []>, transpose_lhs_hint = false} : vector<2048x128xf32>, vector<128x64xf32>, vector<2048x64xf32> -> vector<2048x64xf32>
    %get3A_6 = arith.constant 0 : index
    %get3A_7 = arith.constant 0 : index
    %get3A_8 = vector.load %arg6[%get3A_6, %get3A_7] : memref<1x64xf32, #tpu.memory_space<vmem>>, vector<1x64xf32>
    %add3A = vector.broadcast %get3A_8 : vector<1x64xf32> to vector<2048x64xf32>
    %add3A_9 = arith.addf %dot_general3A_5, %add3A : vector<2048x64xf32>
    %get3A_10 = arith.constant 0 : index
    %get3A_11 = arith.constant 0 : index
    %get3A_12 = vector.load %arg8[%get3A_10, %get3A_11] : memref<2048x64xf32, #tpu.memory_space<vmem>>, vector<2048x64xf32>
    %concatenate3A = tpu.concatenate %get3A_12, %add3A_9 in 1 : vector<2048x64xf32>, vector<2048x64xf32> -> vector<2048x128xf32>
    %swap3A = arith.constant 0 : index
    %swap3A_13 = arith.constant 0 : index
    %swap3A_14 = vector.load %arg15[%swap3A, %swap3A_13] : memref<2048x128xf32, #tpu.memory_space<vmem>>, vector<2048x128xf32>
    tpu.vector_store %arg15[%swap3A, %swap3A_13], %concatenate3A {strides = array<i32>} : memref<2048x128xf32, #tpu.memory_space<vmem>>, vector<2048x128xf32>,
    %get3A_15 = arith.constant 0 : index
    %get3A_16 = arith.constant 0 : index
    %get3A_17 = vector.load %arg2[%get3A_15, %get3A_16] : memref<128x64xf32, #tpu.memory_space<vmem>>, vector<128x64xf32>
    %transpose3A = tpu.transpose %get3A_17, [1, 0] : vector<128x64xf32> -> vector<64x128xf32>
    %get3A_18 = arith.constant 0 : index
    %get3A_19 = arith.constant 0 : index
    %get3A_20 = vector.load %arg1[%get3A_18, %get3A_19] : memref<2048x128xf32, #tpu.memory_space<vmem>>, vector<2048x128xf32>
    %transpose3A_21 = tpu.transpose %get3A_20, [1, 0] : vector<2048x128xf32> -> vector<128x2048xf32>
    %dot_general3A_22 = arith.constant dense<0.000000e+00> : vector<64x2048xf32>
    %dot_general3A_23 = tpu.matmul %transpose3A, %transpose3A_21, %dot_general3A_22 {dimension_numbers = #tpu.dot_dimension_numbers<[1], [0], [0], [1], [0, 0, 1, 1], [], []>, transpose_lhs_hint = false} : vector<64x128xf32>, vector<128x2048xf32>, vector<64x2048xf32> -> vector<64x2048xf32>
    %get3A_24 = arith.constant 0 : index
    %get3A_25 = arith.constant 0 : index
    %get3A_26 = vector.load %arg3[%get3A_24, %get3A_25] : memref<64x1xf32, #tpu.memory_space<vmem>>, vector<64x1xf32>
    %add3A_27 = vector.broadcast %get3A_26 : vector<64x1xf32> to vector<64x2048xf32>
    %add3A_28 = arith.addf %dot_general3A_23, %add3A_27 : vector<64x2048xf32>
    %get3A_29 = arith.constant 0 : index
    %get3A_30 = arith.constant 0 : index
    %get3A_31 = vector.load %arg11[%get3A_29, %get3A_30] : memref<1x2048xi32, #tpu.memory_space<vmem>>, vector<1x2048xi32>
    %iota3A = tpu.iota {dimensions = array<i32: 0>} : vector<22x1xi32>
    %eq3A = vector.broadcast %get3A_31 : vector<1x2048xi32> to vector<22x2048xi32>
    %eq3A_32 = vector.broadcast %iota3A : vector<22x1xi32> to vector<22x2048xi32>
    %eq3A_33 = arith.cmpi eq, %eq3A, %eq3A_32 : vector<22x2048xi32>
    %convert_element_type3A = arith.extui %eq3A_33 : vector<22x2048xi1> to vector<22x2048xi32>
    %convert_element_type3A_34 = arith.sitofp %convert_element_type3A : vector<22x2048xi32> to vector<22x2048xf32>
    %get3A_35 = arith.constant 0 : index
    %get3A_36 = arith.constant 0 : index
    %get3A_37 = vector.load %arg12[%get3A_35, %get3A_36] : memref<1x2048xi32, #tpu.memory_space<vmem>>, vector<1x2048xi32>
    %iota3A_38 = tpu.iota {dimensions = array<i32: 0>} : vector<18x1xi32>
    %eq3A_39 = vector.broadcast %get3A_37 : vector<1x2048xi32> to vector<18x2048xi32>
    %eq3A_40 = vector.broadcast %iota3A_38 : vector<18x1xi32> to vector<18x2048xi32>
    %eq3A_41 = arith.cmpi eq, %eq3A_39, %eq3A_40 : vector<18x2048xi32>
    %convert_element_type3A_42 = arith.extui %eq3A_41 : vector<18x2048xi1> to vector<18x2048xi32>
    %convert_element_type3A_43 = arith.sitofp %convert_element_type3A_42 : vector<18x2048xi32> to vector<18x2048xf32>
    %get3A_44 = arith.constant 0 : index
    %get3A_45 = arith.constant 0 : index
    %get3A_46 = vector.load %arg9[%get3A_44, %get3A_45] : memref<22x32xf32, #tpu.memory_space<vmem>>, vector<22x32xf32>
    %transpose3A_47 = tpu.transpose %get3A_46, [1, 0] : vector<22x32xf32> -> vector<32x22xf32>
    %dot_general3A_48 = arith.constant dense<0.000000e+00> : vector<32x2048xf32>
    %dot_general3A_49 = tpu.matmul %transpose3A_47, %convert_element_type3A_34, %dot_general3A_48 {dimension_numbers = #tpu.dot_dimension_numbers<[1], [0], [0], [1], [0, 0, 1, 1], [], []>, transpose_lhs_hint = false} : vector<32x22xf32>, vector<22x2048xf32>, vector<32x2048xf32> -> vector<32x2048xf32>
    %get3A_50 = arith.constant 0 : index
    %get3A_51 = arith.constant 0 : index
    %get3A_52 = vector.load %arg10[%get3A_50, %get3A_51] : memref<18x32xf32, #tpu.memory_space<vmem>>, vector<18x32xf32>
    %transpose3A_53 = tpu.transpose %get3A_52, [1, 0] : vector<18x32xf32> -> vector<32x18xf32>
    %dot_general3A_54 = arith.constant dense<0.000000e+00> : vector<32x2048xf32>
    %dot_general3A_55 = tpu.matmul %transpose3A_53, %convert_element_type3A_43, %dot_general3A_54 {dimension_numbers = #tpu.dot_dimension_numbers<[1], [0], [0], [1], [0, 0, 1, 1], [], []>, transpose_lhs_hint = false} : vector<32x18xf32>, vector<18x2048xf32>, vector<32x2048xf32> -> vector<32x2048xf32>
    %get3A_56 = arith.constant 0 : index
    %get3A_57 = arith.constant 0 : index
    %get3A_58 = vector.load %arg13[%get3A_56, %get3A_57] : memref<2048x1xi32, #tpu.memory_space<vmem>>, vector<2048x1xi32>
    %shift_right_logical3A = arith.constant 13 : i32
    %shift_right_logical3A_59 = vector.broadcast %shift_right_logical3A : i32 to vector<2048x1xi32>
    %shift_right_logical3A_60 = arith.shrui %get3A_58, %shift_right_logical3A_59 : vector<2048x1xi32>
    %and3A = arith.constant 1 : i32
    %and3A_61 = vector.broadcast %and3A : i32 to vector<2048x1xi32>
    %and3A_62 = arith.andi %shift_right_logical3A_60, %and3A_61 : vector<2048x1xi32>
    %eq3A_63 = arith.constant 1 : i32
    %eq3A_64 = vector.broadcast %eq3A_63 : i32 to vector<2048x1xi32>
    %eq3A_65 = arith.cmpi eq, %and3A_62, %eq3A_64 : vector<2048x1xi32>
    %get3A_66 = arith.constant 0 : index
    %get3A_67 = arith.constant 64 : index
    %get3A_68 = vector.load %arg7[%get3A_66, %get3A_67] : memref<2048x128xf32, #tpu.memory_space<vmem>>, vector<2048x64xf32>
    %get3A_69 = arith.constant 0 : index
    %get3A_70 = arith.constant 0 : index
    %get3A_71 = vector.load %arg7[%get3A_69, %get3A_70] : memref<2048x128xf32, #tpu.memory_space<vmem>>, vector<2048x64xf32>
    %broadcast_in_dim3A = vector.shape_cast %eq3A_65 : vector<2048x1xi1> to vector<2048x1xi1>
    %broadcast_in_dim3A_72 = vector.broadcast %broadcast_in_dim3A : vector<2048x1xi1> to vector<2048x64xi1>
    %select_n3A = arith.select %broadcast_in_dim3A_72, %get3A_68, %get3A_71 : vector<2048x64xi1>, vector<2048x64xf32>
    %transpose3A_73 = tpu.transpose %select_n3A, [1, 0] : vector<2048x64xf32> -> vector<64x2048xf32>
    %concatenate3A_74 = tpu.concatenate %transpose3A_73, %dot_general3A_49, %dot_general3A_55, %add3A_28 in 0 : vector<64x2048xf32>, vector<32x2048xf32>, vector<32x2048xf32>, vector<64x2048xf32> -> vector<192x2048xf32>
    %swap3A_75 = arith.constant 0 : index
    %swap3A_76 = arith.constant 0 : index
    %swap3A_77 = vector.load %arg14[%swap3A_75, %swap3A_76] : memref<192x2048xf32, #tpu.memory_space<vmem>>, vector<192x2048xf32>
    tpu.vector_store %arg14[%swap3A_75, %swap3A_76], %concatenate3A_74 {strides = array<i32>} : memref<192x2048xf32, #tpu.memory_space<vmem>>, vector<192x2048xf32>,
    return
  }
  func.func @transform_0(%arg0: i32) -> (i32, i32) {
    %c0_i32 = arith.constant 0 : i32
    %c0_i32_0 = arith.constant 0 : i32
    return %arg0, %c0_i32 : i32, i32
  }
  func.func @transform_1(%arg0: i32) -> (i32, i32) {
    %c0_i32 = arith.constant 0 : i32
    %c0_i32_0 = arith.constant 0 : i32
    %c0_i32_1 = arith.constant 0 : i32
    return %c0_i32, %c0_i32_0 : i32, i32
  }
  func.func @transform_2(%arg0: i32) -> (i32, i32) {
    %c0_i32 = arith.constant 0 : i32
    %c0_i32_0 = arith.constant 0 : i32
    %c0_i32_1 = arith.constant 0 : i32
    return %c0_i32, %c0_i32_0 : i32, i32
  }
  func.func @transform_3(%arg0: i32) -> (i32, i32) {
    %c0_i32 = arith.constant 0 : i32
    %c0_i32_0 = arith.constant 0 : i32
    return %arg0, %c0_i32 : i32, i32
  }
  func.func @transform_4(%arg0: i32) -> (i32, i32) {
    %c0_i32 = arith.constant 0 : i32
    %c0_i32_0 = arith.constant 0 : i32
    %c0_i32_1 = arith.constant 0 : i32
    return %c0_i32, %c0_i32_0 : i32, i32
  }
  func.func @transform_5(%arg0: i32) -> (i32, i32) {
    %c0_i32 = arith.constant 0 : i32
    %c0_i32_0 = arith.constant 0 : i32
    %c0_i32_1 = arith.constant 0 : i32
    return %c0_i32, %c0_i32_0 : i32, i32
  }
  func.func @transform_6(%arg0: i32) -> (i32, i32) {
    %c0_i32 = arith.constant 0 : i32
    %c0_i32_0 = arith.constant 0 : i32
    return %arg0, %c0_i32 : i32, i32
  }
  func.func @transform_7(%arg0: i32) -> (i32, i32) {
    %c0_i32 = arith.constant 0 : i32
    %c0_i32_0 = arith.constant 0 : i32
    return %arg0, %c0_i32 : i32, i32
  }
  func.func @transform_8(%arg0: i32) -> (i32, i32) {
    %c0_i32 = arith.constant 0 : i32
    %c0_i32_0 = arith.constant 0 : i32
    %c0_i32_1 = arith.constant 0 : i32
    return %c0_i32, %c0_i32_0 : i32, i32
  }
  func.func @transform_9(%arg0: i32) -> (i32, i32) {
    %c0_i32 = arith.constant 0 : i32
    %c0_i32_0 = arith.constant 0 : i32
    %c0_i32_1 = arith.constant 0 : i32
    return %c0_i32, %c0_i32_0 : i32, i32
  }
  func.func @transform_10(%arg0: i32) -> (i32, i32) {
    %c0_i32 = arith.constant 0 : i32
    %c0_i32_0 = arith.constant 0 : i32
    return %c0_i32, %arg0 : i32, i32
  }
  func.func @transform_11(%arg0: i32) -> (i32, i32) {
    %c0_i32 = arith.constant 0 : i32
    %c0_i32_0 = arith.constant 0 : i32
    return %c0_i32, %arg0 : i32, i32
  }
  func.func @transform_12(%arg0: i32) -> (i32, i32) {
    %c0_i32 = arith.constant 0 : i32
    %c0_i32_0 = arith.constant 0 : i32
    return %arg0, %c0_i32 : i32, i32
  }
  func.func @transform_13(%arg0: i32) -> (i32, i32) {
    %c0_i32 = arith.constant 0 : i32
    %c0_i32_0 = arith.constant 0 : i32
    return %c0_i32, %arg0 : i32, i32
  }
  func.func @transform_14(%arg0: i32) -> (i32, i32) {
    %c0_i32 = arith.constant 0 : i32
    %c0_i32_0 = arith.constant 0 : i32
    return %arg0, %c0_i32 : i32, i32
  }
}

</mosaic_0001>

<sc_bundles>
// kernel: kernel.5.cloned.1.call-start
scs
__scs_entry_jumppad:
0x0: {  	(pc) =	sbr.rel $0x88, $3  }
0x1: {  	(tag) =	ssettag $0x0;
	lr =	simm.s32 $0x1  }
0x2: {  	[smem:$0x3F93] =	sst lr;
	_ =	strace $0xD0000000  }
0x3: {  	_ = 	snop  }
0x4: {  	_ = 	snop  }
0x5: {  	_ = 	snop  }
0x6: {  	_ = 	snop  }
0x7: {  	_ = 	snop  }
__scs_overlays_trampoline_lowered:
0x8: {  	[smem:$0x3FA2] =	sst s0  }
0x9: {  	[smem:$0x3FA3] =	sst s1  }
0xa: {  	[smem:$0x3FA4] =	sst s2  }
0xb: {  	[smem:$0x3FA5] =	sst s3  }
0xc: {  	[smem:$0x3FA6] =	sst s4  }
0xd: {  	[smem:$0x3FA7] =	sst s5  }
0xe: {  	[smem:$0x3FA8] =	sst s6  }
0xf: {  	[smem:$0x3FA9] =	sst s7  }
0x10: {  	[smem:$0x3FAA] =	sst s8  }
0x11: {  	[smem:$0x3FAB] =	sst s9;
	s0 =	simm.s32 @!p0 $0x0  }
0x12: {  	s1 =	sld [smem:$0x3F91];
	s0 =	simm.s32 @p0 $0x1  }
0x13: {  	[smem:$0x3FAC] =	sst s0;
	s0 =	simm.s32 @!p1 $0x0  }
0x14: {  	s2 =	sld [smem:$0x3F90];
	s0 =	simm.s32 @p1 $0x1  }
0x15: {  	[smem:$0x3FAD] =	sst s0;
	s0 =	simm.s32 @!p2 $0x0  }
0x16: {  	s3 =	sld [smem:$0x3FDB];
	s0 =	simm.s32 @p2 $0x1  }
0x17: {  	s4 =	simm.s32 $0x1BF5;
	[smem:$0x3FAF] =	sst s0  }
0x18: {  	s0 =	sld [smem:$0x3F92];
	_ =	swait.ge [sflag:s4], $0x0  }
0x19: {  	s7 =	sld [smem:$0x3F93]  }
0x1a: {  	s8 =	sadd.s32 $0xFFFFE003, lr  }
0x1b: {  	s9 =	sadd.s32 $0xFFFFFEF7, lr;
	s5 =	simm.s32 $0xFFFFFFFF;
	p2 =	slt.u32 s8, $0xFFFFF086  }
0x1c: {  	p1 =	slt.u32 s9, $0xF7A;
	s5 =	simm.s32 @!p2 $0x0  }
0x1d: {  	s5 =	simm.s32 @p1 $0x1;
	p0 =	seq.s32 s7, s2  }
0x1e: {  	s7 =	smul.u32 @!p0 $0xF7A, s2;
	p2 =	seq.s32 @!p0 s5, $0x0  }
0x1f: {  	s9 =	smul.u32 $0xF7A, s1;
	s8 =	simm.s32 @!p0 $0x1BF5;
	p2 =	por !p2, p0  }
0x20: {  	[sflag:s8] =	ssyncset.s32 @!p0 $0xFFFFF086;
	s6 =	sadd.s32 @!p0 s3, s7;
	s7 =	simm.s32 @!p0 $0x108  }
0x21: {  	s3 =	sadd.s32 s3, s9;
	s6 =	sadd.s32 @!p0 $0x88, s6;
	s7 =	simm.s32 @p2 $0x1082  }
0x22: {  	[simem:s7], [sflag:s8] =	dma.local @!p0 [hbm:s6], $0xF7A  }
0x23: {  	s9 =	sor.u32 $0xD0000000, s2;
	s6 =	simm.s32 $0x108;
	_ =	swait.ge @!p0 [sflag:s8], $0x0  }
0x24: {  	s3 =	sadd.s32 $0x88, s3;
	s6 =	simm.s32 @!p1 $0x1082;
	[sflag:s4] =	ssyncset.s32 $0xFFFFF086  }
0x25: {  	[simem:s6], [sflag:s4] =	dma.local [hbm:s3], $0xF7A  }
0x26: {  	[smem:$0x3F93] =	sst s1;
	(tag) =	ssettag s2;
	_ =	strace s9  }
0x27: {  	s1 =	sld [smem:$0x3FA3]  }
0x28: {  	s2 =	sld [smem:$0x3FA4]  }
0x29: {  	s4 =	sld [smem:$0x3FA6]  }
0x2a: {  	p0 =	seq.s32 s5, $0x0;
	s5 =	sld [smem:$0x3FA7]  }
0x2b: {  	s6 =	sld [smem:$0x3FA8]  }
0x2c: {  	s7 =	sld [smem:$0x3FA9]  }
0x2d: {  	s3 =	simm.s32 $0x108;
	s8 =	sld [smem:$0x3FAA]  }
0x2e: {  	s3 =	simm.s32 @!p0 $0x1082;
	s9 =	sld [smem:$0x3FAB]  }
0x2f: {  	lr =	sadd.s32 s0, s3;
	s0 =	sld [smem:$0x3FA2]  }
0x30: {  	s3 =	sld [smem:$0x3FA5]  }
0x31: {  	[smem:$0x3FAE] =	sst s10  }
0x32: {  	s10 =	sld [smem:$0x3FAC];
	_ =	sdelay $0x3  }
0x33: {  	p0 =	seq.s32 s10, $0x1;
	s10 =	sld [smem:$0x3FAE];
	_ =	sdelay $0x3  }
0x34: {  	[smem:$0x3FAE] =	sst s10  }
0x35: {  	s10 =	sld [smem:$0x3FAD];
	_ =	sdelay $0x3  }
0x36: {  	p1 =	seq.s32 s10, $0x1;
	s10 =	sld [smem:$0x3FAE];
	_ =	sdelay $0x3  }
0x37: {  	[smem:$0x3FAE] =	sst s10  }
0x38: {  	s10 =	sld [smem:$0x3FAF]  }
0x39: {  	_ = 	snop;
	(pc) =	sbr.ind lr, $3  }
0x3a: {  	_ = 	snop  }
0x3b: {  	_ = 	snop  }
0x3c: {  	p2 =	seq.s32 s10, $0x1;
	s10 =	sld [smem:$0x3FAE]  }
0x3d: {  	_ =	shalt  }
0x3e: {  	_ =	shalt  }
0x3f: {  	_ =	shalt  }
0x40: {  	_ =	shalt  }
0x41: {  	_ =	shalt  }
0x42: {  	_ =	shalt  }
0x43: {  	_ =	shalt  }
0x44: {  	_ =	shalt  }
0x45: {  	_ =	shalt  }
0x46: {  	_ =	shalt  }
0x47: {  	_ =	shalt  }
0x48: {  	_ =	shalt  }
0x49: {  	_ =	shalt  }
0x4a: {  	_ =	shalt  }
0x4b: {  	_ =	shalt  }
0x4c: {  	_ =	shalt  }
0x4d: {  	_ =	shalt  }
0x4e: {  	_ =	shalt  }
0x4f: {  	_ =	shalt  }
0x50: {  	_ =	shalt  }
0x51: {  	_ =	shalt  }
0x52: {  	_ =	shalt  }
0x53: {  	_ =	shalt  }
0x54: {  	_ =	shalt  }
0x55: {  	_ =	shalt  }
0x56: {  	_ =	shalt  }
0x57: {  	_ =	shalt  }
0x58: {  	_ =	shalt  }
0x59: {  	_ =	shalt  }
0x5a: {  	_ =	shalt  }
0x5b: {  	_ =	shalt  }
0x5c: {  	_ =	shalt  }
0x5d: {  	_ =	shalt  }
0x5e: {  	_ =	shalt  }
0x5f: {  	_ =	shalt  }
0x60: {  	_ =	shalt  }
0x61: {  	_ =	shalt  }
0x62: {  	_ =	shalt  }
0x63: {  	_ =	shalt  }
0x64: {  	_ =	shalt  }
0x65: {  	_ =	shalt  }
0x66: {  	_ =	shalt  }
0x67: {  	_ =	shalt  }
0x68: {  	_ =	shalt  }
0x69: {  	_ =	shalt  }
0x6a: {  	_ =	shalt  }
0x6b: {  	_ =	shalt  }
0x6c: {  	_ =	shalt  }
0x6d: {  	_ =	shalt  }
0x6e: {  	_ =	shalt  }
0x6f: {  	_ =	shalt  }
0x70: {  	_ =	shalt  }
0x71: {  	_ =	shalt  }
0x72: {  	_ =	shalt  }
0x73: {  	_ =	shalt  }
0x74: {  	_ =	shalt  }
0x75: {  	_ =	shalt  }
0x76: {  	_ =	shalt  }
0x77: {  	_ =	shalt  }
0x78: {  	_ =	shalt  }
0x79: {  	_ =	shalt  }
0x7a: {  	_ =	shalt  }
0x7b: {  	_ =	shalt  }
0x7c: {  	_ =	shalt  }
0x7d: {  	_ =	shalt  }
0x7e: {  	_ =	shalt  }
0x7f: {  	_ =	shalt  }
0x80: {  	_ =	shalt  }
0x81: {  	_ =	shalt  }
0x82: {  	_ =	shalt  }
0x83: {  	_ =	shalt  }
0x84: {  	_ =	shalt  }
0x85: {  	_ =	shalt  }
0x86: {  	_ =	shalt  }
0x87: {  	_ =	shalt  }
.Lfunc_end0:
.L_simem_size_0:
called_computation_lowered:
.L_overlay_start_0:
0x88: {  	s2 =	sld [smem:$0x3FD9]  }
0x89: {  	s3 =	sld [smem:$0x3FFE];
	_ =	sdelay $0x1  }
0x8a: {  	s1 =	srdreg.scid  }
0x8b: {  	s0 =	sand.u32 $0x1, s1  }
0x8c: {  	s17 =	sshll.u32 s0, $0xA;
	s2 =	sadd.s32 s3, s2  }
0x8d: {  	s2 =	sadd.s32 s2, s17  }
0x8e: {  	[smem:$0x3FBA] =	sst s2  }
0x8f: {  	_ = 	snop  }
0x90: {  	s2 =	sld [smem:$0x3FC9]  }
0x91: {  	s18 =	sld [smem:$0x3FC5];
	(tm) =	ssettm $0x1  }
0x92: {  	s4 =	sld [smem:$0x3FFB];
	_ =	sdelay $0x3  }
0x93: {  	_ =	strace s4  }
0x94: {  	s4 =	sld [smem:$0x3FFC];
	_ =	sdelay $0x3  }
0x95: {  	_ =	strace s4  }
0x96: {  	s4 =	sld [smem:$0x3FFD];
	_ =	sdelay $0x3  }
0x97: {  	_ =	strace s4  }
0x98: {  	_ =	strace $0x8FFFFFFF  }
0x99: {  	s19 =	sld [smem:$0x3FDB];
	_ =	sdelay $0x1  }
0x9a: {  	s5 =	simm.s32 $_scs_section_size  }
0x9b: {  	s6 =	simm.s32 $_size__tile_overlayer_lowered;
	s7 =	simm.s32 $_tile_overlayer_lowered  }
0x9c: {  	s22 =	simm.s32 $0x1BFF;
	s21 =	sshll.u32 s7, $0x1;
	s4 =	sadd.s32 s5, s19  }
0x9d: {  	s8 =	simm.s32 $0x0;
	s20 =	sshll.u32 s6, $0x1;
	s6 =	sadd.s32 s21, s4  }
0x9e: {  	[timem:s8], [sflag:s22] =	dma.local [hbm:s6], s20  }
0x9f: {  	_ =	swait.ge [sflag:s22], s20  }
0xa0: {  	s5 =	ssub.s32 $0x0, s20;
	[sflag:s22] =	ssyncset.done $0x0  }
0xa1: {  	[sflag:s22] =	ssyncadd.s32 s5;
	_ =	sdelay $0x1  }
0xa2: {  	s23 =	simm.s32 $0x1B8B  }
0xa3: {  	_ =	swait.ge [sflag:s23], $0x1  }
0xa4: {  	[sflag:s23] =	ssyncset.done $0x0  }
0xa5: {  	s25 =	simm.s32 $0x1B8E;
	s24 =	sld [smem:$0x3FFE];
	[sflag:s23] =	ssyncadd.s32 $0xFFFFFFFF  }
0xa6: {  	s26 =	simm.s32 $execute0_lowered;
	[smem:$0x3FD2] =	sst s25  }
0xa7: {  	s6 =	sshll.u32 s26, $0x1;
	_ =	strace $0x80000046;
	[dreg:$0x1] =	wrdreg $0xFFFFFFFF  }
0xa8: {  	s28 =	simm.s32 $_size_execute0_lowered;
	s4 =	sadd.s32 s4, s6;
	[dreg:$0x0] =	wrdreg $0x0  }
0xa9: {  	s6 =	sshll.u32 s28, $0x1;
	[dreg:$0x2] =	wrdreg s4  }
0xaa: {  	[dreg:$0x3] =	wrdreg s6  }
0xab: {  	[dreg:$0x4] =	wrdreg $0xC0  }
0xac: {  	_ =	task [dreg:s8], $0x5FFFF  }
0xad: {  	[dreg:$0x1] =	wrdreg $0xFFFFFFFF  }
0xae: {  	[dreg:$0x0] =	wrdreg $0x60  }
0xaf: {  	[dreg:$0x2] =	wrdreg s2  }
0xb0: {  	[dreg:$0x3] =	wrdreg s18  }
0xb1: {  	[dreg:$0x4] =	wrdreg s24  }
0xb2: {  	[dreg:$0x5] =	wrdreg $0x9  }
0xb3: {  	_ =	task.clear_ibuf [dreg:s8], $0x6FFFF;
	_ =	strace $0x90000046  }
0xb4: {  	s29 =	simm.s32 $0x9;
	_ =	strace $0x80000048  }
0xb5: {  	_ =	swait.ge [sflag:s29], $0x1  }
0xb6: {  	[sflag:s29] =	ssyncadd.s32 $0xFFFFFFFF  }
0xb7: {  	_ =	strace $0x90000048  }
0xb8: {  	_ =	sfence  }
0xb9: {  	s30 =	sld [smem:$0x0];
	_ =	sdelay $0x2  }
0xba: {  	s31 =	sshll.u32 s1, $0xD;
	s1 =	sshrl.u32 s1, $0x2  }
0xbb: {  	s3 =	sand.u32 $0x4000, s31;
	s1 =	sadd.s32 s1, s30  }
0xbc: {  	s0 =	sor.u32 s3, s0;
	s1 =	sshll.u32 s1, $0x11  }
0xbd: {  	s0 =	sor.u32 s1, s0  }
0xbe: {  	s0 =	sadd.s32 $0x8F2B, s0  }
0xbf: {  	[sflag:s0] =	ssyncadd.remote.s32 $0x1  }
0xc0: {  	_ =	sfence.sel $0xFFFF  }
0xc1: {  	[dreg:$0x0] =	wrdreg $0xFFFFFFFF;
	(pc) =	sbr.abs _section_cstart, $3  }
0xc2: {  	[dreg:$0x1] =	wrdreg $0xFFFFFFFF  }
0xc3: {  	_ =	task.clear_ibuf [dreg:s8], $0x2FFFF;
	_ =	strace $0x9FFFFFFF  }
0xc4: {  	(tm) =	ssettm $0x7FFFFFFF  }
0xc5: {  	_ =	shalt  }
tec
execute0_lowered:
.L_overlay_start_1:
0x0: {  	(tag) =	ssettag $0x1  }
0x1: {  	s0 =	rddreg [dreg:$0x0]  }
0x2: {  	s2 =	rddreg [dreg:$0x1]  }
0x3: {  	s5 =	rddreg [dreg:$0x2];
	s1 =	simm.s32 $0x0;
	s4 =	srdreg.scid  }
0x4: {  	s7 =	stileid.u32;
	[smem:$0x7FF] =	sst s1;
	s6 =	sand.u32 $0x1, s4  }
0x5: {  	s3 =	sadd.s32 $0xF44000, s5;
	s7 =	sshll.u32 s7, $0xA;
	s8 =	sshll.u32 s6, $0x9  }
0x6: {  	s22 =	sadd.s32 $0x1C00, s5;
	s9 =	sadd.s32 $0x1704000, s5;
	s7 =	sor.u32 s8, s7  }
0x7: {  	s5 =	sadd.s32 $0x1744000, s5;
	s10 =	sshll.u32 s7, $0x4;
	s7 =	sshrl.u32 s7, $0x3  }
0x8: {  	_ =	strace $0x80000047;
	[dreg:$0xf] =	wrdreg s22;
	s0 =	sadd.s32 s0, s7  }
0x9: {  	s6 =	ssub.s32 $0x2, s6;
	s25 =	sadd.s32 s9, s10;
	[dreg:$0x7] =	wrdreg s0  }
0xa: {  	vm0 =	vmmov $0x1;
	s23 =	sshrl.u32 s6, $0x1;
	s28 =	sadd.s32 s2, s7;
	[dreg:$0x8] =	wrdreg s25  }
0xb: {  	vm1 =	vcmask $0x308;
	vm2 =	vcmask $0x70C;
	vm3 =	vcmask $0xB10;
	s6 =	ssub.s32 s6, s23;
	s29 =	sadd.s32 s5, s10;
	[dreg:$0xa] =	wrdreg s28  }
0xc: {  	vm4 =	vcmask $0xF14;
	vm5 =	vcmask $0x1318;
	vm6 =	vcmask $0x171C;
	s24 =	sor.u32 $0x1000, s10;
	s31 =	smax.u32 s6, $0x1;
	[dreg:$0xb] =	wrdreg s29  }
0xd: {  	vm7 =	vcmask $0x1B20;
	vm8 =	vcmask $0x1F24;
	vm9 =	vcmask $0x2328;
	s26 =	sadd.s32 s9, s24;
	[dreg:$0xd] =	wrdreg s31  }
0xe: {  	vm10 =	vcmask $0x272C;
	vm11 =	vcmask $0x2B30;
	vm12 =	vcmask $0x2F34;
	s30 =	sadd.s32 s5, s24;
	[dreg:$0x9] =	wrdreg s26  }
0xf: {  	vm13 =	vcmask $0x3338;
	vm14 =	vcmask $0x373C;
	vm15 =	vmmov $0x7fff;
	s2 =	simm.s32 $0x2;
	s5 =	simm.s32 $0x0;
	[dreg:$0xc] =	wrdreg s30  }
.LBB2_1:
0x10: {  	[dreg:$0xe] =	wrdreg s5  }
0x11: {  	s0 =	rddreg [dreg:$0x7]  }
0x12: {  	[tilespmem:s1], [sflag:$0x2] =	stream.linear.gather [hbm4b:s0+s1], $0x200, $0x38;
	[tilespmem:$0x10200] =	vst v63  }
0x13: {  	_ =	swait.ge [sflag:s2], $0x200  }
0x14: {  	[sflag:s2] =	ssyncset.done $0x0  }
0x15: {  	[sflag:s2] =	ssyncadd.s32 $0xFFFFFE00  }
0x16: {  	v0 =	vld [tilespmem:s1+$0x0];
	_ =	sdelay $0x4  }
0x17: {  	v1 =	vsel vm12, $0x0, v0  }
0x18: {  	v2 =	vsel vm3, $0x0, v0;
	v1 =	vxor.u32 $0x80000000, v1  }
0x19: {  	v3 =	vsel vm14, $0x0, v0;
	v2 =	vxor.u32 $0x80000000, v2;
	(xrf0) =	vmax.scan.msk.u32 $0xffff, v1  }
0x1a: {  	v3 =	vxor.u32 $0x80000000, v3;
	v1 =	vsel vm4, $0x0, v0;
	(xrf0) =	vmax.scan.msk.u32 $0xffff, v2  }
0x1b: {  	v2 =	vsel vm5, $0x0, v0;
	v1 =	vxor.u32 $0x80000000, v1;
	(xrf0) =	vmax.scan.msk.u32 $0xffff, v3  }
0x1c: {  	v2 =	vxor.u32 $0x80000000, v2;
	v3 =	vsel vm1, $0x0, v0;
	(xrf0) =	vmax.scan.msk.u32 $0xffff, v1  }
0x1d: {  	v1 =	vxor.u32 $0x80000000, v3;
	(xrf0) =	vmax.scan.msk.u32 $0xffff, v2  }
0x1e: {  	(xrf0) =	vmax.scan.msk.u32 $0xffff, v1;
	v1 =	vnsel vm0, $0x0, v0  }
0x1f: {  	v1 =	vxor.u32 $0x80000000, v1  }
0x20: {  	v2, _, _ =	vpop (xrf0)  }
0x21: {  	v3, _, _ =	vpop (xrf0);
	(v2sf) =	vpush v2, $0xF  }
0x22: {  	(xrf0) =	vmax.scan.msk.u32 $0xffff, v1;
	v1, _, _ =	vpop (xrf0)  }
0x23: {  	v2, _, _ =	vpop (xrf0);
	(v2sf) =	vpush v1, $0xF  }
0x24: {  	(v2sf) =	vpush v3, $0xF;
	v1, _, _ =	vpop (xrf0)  }
0x25: {  	v3, _, _ =	vpop (xrf0)  }
0x26: {  	(v2sf) =	vpush v3, $0xF  }
0x27: {  	v3 =	vsel vm2, $0x0, v0;
	(v2sf) =	vpush v2, $0xF  }
0x28: {  	v4, _, _ =	vpop (xrf0);
	v2 =	vsel vm6, $0x0, v0;
	v3 =	vxor.u32 $0x80000000, v3;
	(v2sf) =	vpush v1, $0xF  }
0x29: {  	v1 =	vxor.u32 $0x80000000, v2;
	v2 =	vsel vm8, $0x0, v0;
	(xrf0) =	vmax.scan.msk.u32 $0xffff, v3;
	(v2sf) =	vpush v4, $0xF  }
0x2a: {  	v2 =	vxor.u32 $0x80000000, v2;
	(xrf0) =	vmax.scan.msk.u32 $0xffff, v1;
	v1 =	vsel vm7, $0x0, v0  }
0x2b: {  	v3 =	vsel vm10, $0x0, v0;
	(xrf0) =	vmax.scan.msk.u32 $0xffff, v2;
	v1 =	vxor.u32 $0x80000000, v1;
	v2 =	vsel vm9, $0x0, v0  }
0x2c: {  	v2 =	vxor.u32 $0x80000000, v2;
	(xrf0) =	vmax.scan.msk.u32 $0xffff, v1;
	v1 =	vxor.u32 $0x80000000, v3;
	v3 =	vsel vm11, $0x0, v0  }
0x2d: {  	s19 =	simm.s32 $0x2000;
	s17 =	simm.s32 $0x0;
	s23 =	simm.s32 $0x480;
	(xrf0) =	vmax.scan.msk.u32 $0xffff, v2;
	v2 =	vsel vm13, $0x0, v0;
	v3 =	vxor.u32 $0x80000000, v3  }
0x2e: {  	s24 =	simm.s32 $0x400;
	s28 =	simm.s32 $0x300;
	s12 =	simm.s32 $0x380;
	v2 =	vxor.u32 $0x80000000, v2  }
0x2f: {  	s16 =	simm.s32 $0x600;
	s25 =	simm.s32 $0x280;
	s26 =	simm.s32 $0x580;
	v0 =	vsel vm15, $0x0, v0;
	(xrf0) =	vmax.scan.msk.u32 $0xffff, v1;
	v1, _, _ =	vpop (xrf0)  }
0x30: {  	s29 =	simm.s32 $0x500;
	s4 =	simm.s32 $0x680;
	v0 =	vxor.u32 $0x80000000, v0;
	(xrf0) =	vmax.scan.msk.u32 $0xffff, v3;
	v3, _, _ =	vpop (xrf0);
	s10 =	spop (v2sf)  }
0x31: {  	s21 =	simm.s32 $0x10;
	s0 =	simm.s32 $0x200;
	(xrf0) =	vmax.scan.msk.u32 $0xffff, v2;
	v2, _, _ =	vpop (xrf0);
	s11 =	sshrl.u32 s10, $0x1  }
0x32: {  	(xrf0) =	vmax.scan.msk.u32 $0xffff, v0;
	s6 =	sand.u32 $0x1FFF, s10;
	(v2sf) =	vpush v2, $0xF;
	s5 =	sand.u32 $0x1FFE000, s11;
	s2 =	spop (v2sf)  }
0x33: {  	v0, _, _ =	vpop (xrf0);
	(v2sf) =	vpush v1, $0xF;
	s5 =	sor.u32 s6, s5;
	s13 =	sshrl.u32 s2, $0x1;
	s7 =	spop (v2sf)  }
0x34: {  	v1, _, _ =	vpop (xrf0);
	(v2sf) =	vpush v3, $0xF;
	s30 =	sshll.u32 s5, $0x4;
	s8 =	sshrl.u32 s7, $0x1;
	s31 =	sand.u32 $0x1FFE000, s13  }
0x35: {  	v2, _, _ =	vpop (xrf0);
	(v2sf) =	vpush v0, $0xF;
	s15 =	sand.u32 $0x1FFF, s7;
	s14 =	sand.u32 $0x1FFE000, s8;
	s18 =	spop (v2sf)  }
0x36: {  	v3, _, _ =	vpop (xrf0);
	(v2sf) =	vpush v1, $0xF;
	s20 =	sshrl.u32 s18, $0x1;
	s6 =	sor.u32 s15, s14;
	s14 =	spop (v2sf)  }
0x37: {  	v1, _, _ =	vpop (xrf0);
	(v2sf) =	vpush v2, $0xF;
	s7 =	sand.u32 $0x1FFF, s18;
	s22 =	sand.u32 $0x1FFE000, s20;
	s9 =	spop (v2sf)  }
0x38: {  	v0, _, _ =	vpop (xrf0);
	s5 =	sshrl.u32 s14, $0x1;
	(v2sf) =	vpush v3, $0xF;
	s7 =	sor.u32 s7, s22;
	s10 =	spop (v2sf)  }
.LBB2_2:
0x39: {  	_ =	sdelay $0x1  }
0x3a: {  	[dreg:$0x6] =	wrdreg s16  }
0x3b: {  	[dreg:$0x5] =	wrdreg s4;
	s8 =	sshll.u32 s6, $0x4  }
0x3c: {  	s15 =	sshrl.u32 s9, $0x1;
	s1 =	smov.u32 s19;
	s16 =	sand.u32 $0x1FFF, s9  }
0x3d: {  	s4 =	simm.s32 $0x0;
	s5 =	sand.u32 $0x1FFE000, s5;
	s6 =	sand.u32 $0x1FFE000, s15  }
0x3e: {  	s14 =	sand.u32 $0x1FFF, s14;
	[dreg:$0x4] =	wrdreg s1;
	s6 =	sor.u32 s16, s6  }
0x3f: {  	s1 =	smov.u32 s12;
	s8 =	sadd.s32 s3, s8;
	s9 =	sshll.u32 s6, $0x4  }
0x40: {  	s5 =	sor.u32 s14, s5;
	s9 =	sadd.s32 s3, s9;
	s11 =	spop (v2sf)  }
0x41: {  	s13 =	spop (v2sf);
	s20 =	sshrl.u32 s11, $0x1;
	s11 =	sand.u32 $0x1FFF, s11  }
0x42: {  	s18 =	sshrl.u32 s13, $0x1;
	s13 =	sand.u32 $0x1FFF, s13;
	s15 =	spop (v2sf)  }
0x43: {  	s12 =	sand.u32 $0x1FFE000, s20;
	s16 =	sand.u32 $0x1FFE000, s18;
	s18 =	sshrl.u32 s15, $0x1  }
0x44: {  	s20 =	spop (v2sf);
	s22 =	sor.u32 s13, s16;
	s13 =	sor.u32 s11, s12  }
0x45: {  	s12 =	sand.u32 $0x1FFE000, s18;
	s11 =	sand.u32 $0x1FFF, s15;
	s18 =	sshrl.u32 s20, $0x1  }
0x46: {  	s15 =	sand.u32 $0x1FFF, s20;
	s16 =	sshll.u32 s22, $0x4;
	s22 =	sand.u32 $0x1FFE000, s18  }
0x47: {  	s6 =	sshll.u32 s13, $0x4;
	s11 =	sor.u32 s11, s12;
	s20 =	sor.u32 s15, s22  }
0x48: {  	s13 =	sshll.u32 s11, $0x4;
	s22 =	spop (v2sf);
	s11 =	sshll.u32 s20, $0x4  }
0x49: {  	s15 =	sshrl.u32 s22, $0x1;
	s20 =	spop (v2sf);
	s12 =	sand.u32 $0x1FFF, s22  }
0x4a: {  	s22 =	sand.u32 $0x1FFF, s2;
	s18 =	sand.u32 $0x1FFE000, s15;
	s15 =	sshrl.u32 s10, $0x1  }
0x4b: {  	(v2sf) =	vpush v1, $0xF;
	s2 =	sor.u32 s12, s18;
	s15 =	sand.u32 $0x1FFE000, s15;
	s18 =	sand.u32 $0x1FFF, s10  }
0x4c: {  	s12 =	sshrl.u32 s20, $0x1;
	s20 =	sand.u32 $0x1FFF, s20;
	s10 =	sor.u32 s18, s15  }
0x4d: {  	s12 =	sand.u32 $0x1FFE000, s12;
	s18 =	spop (v2sf);
	s10 =	sshll.u32 s10, $0x4  }
0x4e: {  	s12 =	sor.u32 s20, s12;
	s20 =	sshll.u32 s7, $0x4;
	s10 =	sadd.s32 s3, s10  }
0x4f: {  	[tilespmem:s0], [sflag:$0x1] =	stream.linear.gather [hbm4b:s10+s4], $0x80, $0x38;
	[tilespmem:$0x10200] =	vst v63  }
0x50: {  	s2 =	sshll.u32 s2, $0x4;
	s7 =	sshll.u32 s12, $0x4;
	s12 =	sadd.s32 s3, s20  }
0x51: {  	[tilespmem:s25], [sflag:$0x1] =	stream.linear.gather [hbm4b:s12+s4], $0x80, $0x38;
	[tilespmem:$0x10200] =	vst v63  }
0x52: {  	s15 =	sshrl.u32 s18, $0x1;
	s2 =	sadd.s32 s3, s2;
	s25 =	sadd.s32 s3, s16  }
0x53: {  	(v2sf) =	vpush v0, $0xF;
	[tilespmem:s28], [sflag:$0x1] =	stream.linear.gather [hbm4b:s25+s4], $0x80, $0x38;
	[tilespmem:$0x10200] =	vst v63  }
0x54: {  	s15 =	sand.u32 $0x1FFE000, s15;
	s20 =	sand.u32 $0x1FFF, s18;
	s12 =	sshll.u32 s5, $0x4  }
0x55: {  	[tilespmem:s1], [sflag:$0x1] =	stream.linear.gather [hbm4b:s8+s4], $0x80, $0x38;
	[tilespmem:$0x10200] =	vst v63  }
0x56: {  	s18 =	sor.u32 s22, s31;
	s0 =	sadd.s32 s3, s12;
	s1 =	simm.s32 $0x0  }
0x57: {  	[tilespmem:s24], [sflag:$0x1] =	stream.linear.gather [hbm4b:s0+s1], $0x80, $0x38;
	[tilespmem:$0x10200] =	vst v63  }
0x58: {  	s22 =	sadd.s32 s3, s6;
	s10 =	sor.u32 s20, s15;
	s20 =	sadd.s32 s3, s11  }
0x59: {  	[tilespmem:s23], [sflag:$0x1] =	stream.linear.gather [hbm4b:s9+s1], $0x80, $0x38;
	[tilespmem:$0x10200] =	vst v63  }
0x5a: {  	s11 =	sshll.u32 s18, $0x4;
	s16 =	sadd.s32 s3, s13;
	s14 =	spop (v2sf)  }
0x5b: {  	[tilespmem:s29], [sflag:$0x1] =	stream.linear.gather [hbm4b:s16+s1], $0x80, $0x38;
	[tilespmem:$0x10200] =	vst v63  }
0x5c: {  	s5 =	sshll.u32 s10, $0x4;
	s13 =	sadd.s32 s3, s7;
	s8 =	sshrl.u32 s14, $0x1  }
0x5d: {  	[tilespmem:s26], [sflag:$0x1] =	stream.linear.gather [hbm4b:s20+s1], $0x80, $0x38;
	[tilespmem:$0x10200] =	vst v63  }
0x5e: {  	s25 =	rddreg [dreg:$0x6];
	s15 =	sand.u32 $0x1FFF, s14;
	s8 =	sand.u32 $0x1FFE000, s8  }
0x5f: {  	[tilespmem:s25], [sflag:$0x1] =	stream.linear.gather [hbm4b:s22+s1], $0x80, $0x38;
	[tilespmem:$0x10200] =	vst v63  }
0x60: {  	s12 =	rddreg [dreg:$0x5];
	s23 =	sor.u32 s15, s8;
	s15 =	sadd.s32 $0x780, s17  }
0x61: {  	[tilespmem:s12], [sflag:$0x1] =	stream.linear.gather [hbm4b:s2+s1], $0x80, $0x38;
	[tilespmem:$0x10200] =	vst v63  }
0x62: {  	s6 =	sshll.u32 s23, $0x4;
	s24 =	spop (v2sf);
	s26 =	sadd.s32 $0x700, s17  }
0x63: {  	[tilespmem:s26], [sflag:$0x1] =	stream.linear.gather [hbm4b:s13+s1], $0x80, $0x38;
	[tilespmem:$0x10200] =	vst v63  }
0x64: {  	s16 =	sadd.s32 s3, s5;
	s10 =	sshrl.u32 s24, $0x1;
	s8 =	sand.u32 $0x1FFF, s24  }
0x65: {  	[tilespmem:s15], [sflag:$0x1] =	stream.linear.gather [hbm4b:s16+s1], $0x80, $0x38;
	[tilespmem:$0x10200] =	vst v63  }
0x66: {  	s14 =	sand.u32 $0x1FFE000, s10;
	s20 =	sadd.s32 $0x800, s17;
	s22 =	sadd.s32 s3, s30  }
0x67: {  	[tilespmem:s20], [sflag:$0x1] =	stream.linear.gather [hbm4b:s22+s1], $0x80, $0x38;
	[tilespmem:$0x10200] =	vst v63  }
0x68: {  	s23 =	sadd.s32 $0x880, s17;
	s24 =	sadd.s32 s3, s6;
	s18 =	sor.u32 s8, s14  }
0x69: {  	[tilespmem:s23], [sflag:$0x1] =	stream.linear.gather [hbm4b:s24+s1], $0x80, $0x38;
	[tilespmem:$0x10200] =	vst v63  }
0x6a: {  	s5 =	sshll.u32 s18, $0x4;
	s25 =	sadd.s32 $0x900, s17;
	s26 =	sadd.s32 s3, s11  }
0x6b: {  	[tilespmem:s25], [sflag:$0x1] =	stream.linear.gather [hbm4b:s26+s1], $0x80, $0x38;
	[tilespmem:$0x10200] =	vst v63  }
0x6c: {  	s4 =	sadd.s32 $0x980, s17;
	s5 =	sadd.s32 s3, s5  }
0x6d: {  	[tilespmem:s4], [sflag:$0x1] =	stream.linear.gather [hbm4b:s5+s1], $0x80, $0x38;
	[tilespmem:$0x10200] =	vst v63  }
0x6e: {  	v0 =	vld [tilespmem:s21+$0x0];
	_ =	sdelay $0x4  }
0x6f: {  	v3 =	vsel vm12, $0x0, v0  }
0x70: {  	v1 =	vsel vm3, $0x0, v0;
	v3 =	vxor.u32 $0x80000000, v3  }
0x71: {  	v6 =	vsel vm14, $0x0, v0;
	v1 =	vxor.u32 $0x80000000, v1;
	(xrf0) =	vmax.scan.msk.u32 $0xffff, v3  }
0x72: {  	v5 =	vsel vm1, $0x0, v0;
	v49 =	vsel vm4, $0x0, v0;
	v6 =	vxor.u32 $0x80000000, v6;
	(xrf0) =	vmax.scan.msk.u32 $0xffff, v1  }
0x73: {  	v2 =	vsel vm5, $0x0, v0;
	v3 =	vxor.u32 $0x80000000, v5;
	v5 =	vxor.u32 $0x80000000, v49;
	(xrf0) =	vmax.scan.msk.u32 $0xffff, v6  }
0x74: {  	v2 =	vxor.u32 $0x80000000, v2;
	v1 =	vsel vm2, $0x0, v0;
	(xrf0) =	vmax.scan.msk.u32 $0xffff, v5  }
0x75: {  	v4 =	vnsel vm0, $0x0, v0;
	v1 =	vxor.u32 $0x80000000, v1;
	(xrf0) =	vmax.scan.msk.u32 $0xffff, v2  }
0x76: {  	v10 =	vxor.u32 $0x80000000, v4;
	(xrf0) =	vmax.scan.msk.u32 $0xffff, v3  }
0x77: {  	v7 =	vsel vm6, $0x0, v0;
	v51 =	vsel vm7, $0x0, v0;
	v53 =	vsel vm9, $0x0, v0;
	(xrf0) =	vmax.scan.msk.u32 $0xffff, v10;
	v2, _, _ =	vpop (xrf0)  }
0x78: {  	v8 =	vsel vm10, $0x0, v0;
	v56 =	vsel vm13, $0x0, v0;
	v9 =	vsel vm15, $0x0, v0;
	(xrf0) =	vmax.scan.msk.u32 $0xffff, v1;
	v1, _, _ =	vpop (xrf0)  }
0x79: {  	v3 =	vsel vm11, $0x0, v0;
	v0 =	vsel vm8, $0x0, v0;
	(v2sf) =	vpush v2, $0xF;
	v59, _, _ =	vpop (xrf0)  }
0x7a: {  	(v2sf) =	vpush v59, $0xF  }
0x7b: {  	v60, _, _ =	vpop (xrf0);
	(v2sf) =	vpush v1, $0xF  }
0x7c: {  	v57 =	vxor.u32 $0x80000000, v0;
	v0, _, _ =	vpop (xrf0)  }
0x7d: {  	v1, _, _ =	vpop (xrf0)  }
0x7e: {  	(v2sf) =	vpush v1, $0xF  }
0x7f: {  	(v2sf) =	vpush v60, $0xF  }
0x80: {  	v61, _, _ =	vpop (xrf0);
	(v2sf) =	vpush v0, $0xF  }
0x81: {  	v50 =	vxor.u32 $0x80000000, v7;
	(v2sf) =	vpush v61, $0xF  }
0x82: {  	(xrf0) =	vmax.scan.msk.u32 $0xffff, v50  }
0x83: {  	s6 =	rddreg [dreg:$0x4];
	(xrf0) =	vmax.scan.msk.u32 $0xffff, v57  }
0x84: {  	p0 =	sne.s32 s19, $0x1E000;
	s17 =	sshra.s32 s6, $0x2;
	v52 =	vxor.u32 $0x80000000, v51  }
0x85: {  	s19 =	sadd.s32 $0x2000, s19;
	s28 =	sadd.s32 $0x300, s17;
	s0 =	sadd.s32 $0x200, s17;
	v54 =	vxor.u32 $0x80000000, v53;
	(xrf0) =	vmax.scan.msk.u32 $0xffff, v52  }
0x86: {  	s29 =	sadd.s32 $0x500, s17;
	s12 =	sadd.s32 $0x380, s17;
	s16 =	sadd.s32 $0x600, s17;
	v55 =	vxor.u32 $0x80000000, v8;
	v2 =	vxor.u32 $0x80000000, v56;
	(xrf0) =	vmax.scan.msk.u32 $0xffff, v54  }
0x87: {  	s23 =	sadd.s32 $0x480, s17;
	s24 =	sadd.s32 $0x400, s17;
	s25 =	sadd.s32 $0x280, s17;
	v3 =	vxor.u32 $0x80000000, v3;
	(xrf0) =	vmax.scan.msk.u32 $0xffff, v55;
	v1, _, _ =	vpop (xrf0)  }
0x88: {  	s26 =	sadd.s32 $0x580, s17;
	s4 =	sadd.s32 $0x680, s17;
	(xrf0) =	vmax.scan.msk.u32 $0xffff, v3;
	v0, _, _ =	vpop (xrf0);
	s7 =	spop (v2sf)  }
0x89: {  	s21 =	sadd.s32 $0x10, s21;
	v58 =	vxor.u32 $0x80000000, v9;
	(xrf0) =	vmax.scan.msk.u32 $0xffff, v2;
	v2, _, _ =	vpop (xrf0);
	s8 =	sshrl.u32 s7, $0x1;
	s2 =	spop (v2sf)  }
0x8a: {  	(xrf0) =	vmax.scan.msk.u32 $0xffff, v58;
	(v2sf) =	vpush v2, $0xF;
	s9 =	sand.u32 $0x1FFF, s7;
	s5 =	sand.u32 $0x1FFE000, s8;
	s11 =	spop (v2sf)  }
0x8b: {  	v3, _, _ =	vpop (xrf0);
	(v2sf) =	vpush v1, $0xF;
	s5 =	sor.u32 s9, s5;
	s10 =	sshrl.u32 s2, $0x1;
	s13 =	sshrl.u32 s11, $0x1  }
.Ltmp0:
0x8c: {  	v2, _, _ =	vpop (xrf0);
	(v2sf) =	vpush v0, $0xF;
	s30 =	sshll.u32 s5, $0x4;
	s31 =	sand.u32 $0x1FFE000, s10;
	(pc) =	sbr.rel @p0 .LBB2_2-.Ltmp0, $4  }
0x8d: {  	v62, _, _ =	vpop (xrf0);
	(v2sf) =	vpush v3, $0xF;
	s15 =	sand.u32 $0x1FFF, s11;
	s14 =	sand.u32 $0x1FFE000, s13;
	s18 =	spop (v2sf)  }
0x8e: {  	v63, _, _ =	vpop (xrf0);
	(v2sf) =	vpush v2, $0xF;
	s20 =	sshrl.u32 s18, $0x1;
	s6 =	sor.u32 s15, s14;
	s14 =	spop (v2sf)  }
0x8f: {  	v1, _, _ =	vpop (xrf0);
	(v2sf) =	vpush v62, $0xF;
	s7 =	sand.u32 $0x1FFF, s18;
	s22 =	sand.u32 $0x1FFE000, s20;
	s9 =	spop (v2sf)  }
0x90: {  	v0, _, _ =	vpop (xrf0);
	s5 =	sshrl.u32 s14, $0x1;
	s7 =	sor.u32 s7, s22;
	s10 =	spop (v2sf);
	(v2sf) =	vpush v63, $0xF  }
0x91: {  	s8 =	sshrl.u32 s10, $0x1  }
0x92: {  	s20 =	sand.u32 $0x1FFF, s10;
	s8 =	sand.u32 $0x1FFE000, s8  }
0x93: {  	s21 =	sshll.u32 s7, $0x4;
	s22 =	sshrl.u32 s9, $0x1;
	s8 =	sor.u32 s20, s8  }
0x94: {  	s9 =	sand.u32 $0x1FFF, s9;
	s6 =	sshll.u32 s6, $0x4;
	s8 =	sshll.u32 s8, $0x4  }
0x95: {  	s2 =	sand.u32 $0x1FFF, s2;
	s5 =	sand.u32 $0x1FFE000, s5;
	s8 =	sadd.s32 s3, s8  }
0x96: {  	[tilespmem:s0], [sflag:$0x1] =	stream.linear.gather [hbm4b:s8+s1], $0x80, $0x38;
	[tilespmem:$0x10200] =	vst v63  }
0x97: {  	s6 =	sadd.s32 s3, s6;
	s2 =	sor.u32 s2, s31;
	s0 =	sadd.s32 s3, s21  }
0x98: {  	[tilespmem:s25], [sflag:$0x1] =	stream.linear.gather [hbm4b:s0+s1], $0x80, $0x38;
	[tilespmem:$0x10200] =	vst v63  }
0x99: {  	s2 =	sshll.u32 s2, $0x4;
	s0 =	sand.u32 $0x1FFE000, s22;
	s25 =	spop (v2sf)  }
0x9a: {  	(v2sf) =	vpush v1, $0xF;
	s0 =	sor.u32 s9, s0;
	s10 =	spop (v2sf);
	s13 =	sshrl.u32 s25, $0x1  }
0x9b: {  	s0 =	sshll.u32 s0, $0x4;
	s7 =	sand.u32 $0x1FFF, s25;
	s11 =	sshrl.u32 s10, $0x1  }
0x9c: {  	s9 =	sand.u32 $0x1FFF, s10;
	s15 =	spop (v2sf);
	s0 =	sadd.s32 s3, s0  }
0x9d: {  	s8 =	sand.u32 $0x1FFE000, s11;
	s18 =	sshrl.u32 s15, $0x1;
	s19 =	spop (v2sf)  }
0x9e: {  	s21 =	sand.u32 $0x1FFF, s15;
	s8 =	sor.u32 s9, s8;
	s9 =	sand.u32 $0x1FFE000, s13  }
0x9f: {  	s20 =	sand.u32 $0x1FFE000, s18;
	s22 =	sshrl.u32 s19, $0x1;
	s10 =	sand.u32 $0x1FFF, s19  }
0xa0: {  	s11 =	spop (v2sf);
	s19 =	sand.u32 $0x1FFF, s14;
	s8 =	sshll.u32 s8, $0x4  }
0xa1: {  	s7 =	sor.u32 s7, s9;
	s9 =	sand.u32 $0x1FFE000, s22;
	s13 =	spop (v2sf)  }
0xa2: {  	s5 =	sor.u32 s19, s5;
	s8 =	sadd.s32 s3, s8;
	s25 =	sor.u32 s10, s9  }
0xa3: {  	s7 =	sshll.u32 s7, $0x4;
	s15 =	sshrl.u32 s13, $0x1;
	s10 =	sand.u32 $0x1FFF, s13  }
0xa4: {  	[tilespmem:s28], [sflag:$0x1] =	stream.linear.gather [hbm4b:s8+s1], $0x80, $0x38;
	[tilespmem:$0x10200] =	vst v63  }
0xa5: {  	s18 =	spop (v2sf);
	s5 =	sshll.u32 s5, $0x4;
	s8 =	sshll.u32 s25, $0x4  }
0xa6: {  	[tilespmem:s12], [sflag:$0x1] =	stream.linear.gather [hbm4b:s6+s1], $0x80, $0x38;
	[tilespmem:$0x10200] =	vst v63  }
0xa7: {  	(v2sf) =	vpush v0, $0xF;
	s5 =	sadd.s32 s3, s5;
	s13 =	sadd.s32 s3, s7;
	s6 =	sor.u32 s21, s20  }
0xa8: {  	s12 =	sshrl.u32 s11, $0x1;
	s11 =	sand.u32 $0x1FFF, s11;
	s20 =	sshrl.u32 s18, $0x1  }
0xa9: {  	s21 =	spop (v2sf);
	s9 =	sand.u32 $0x1FFE000, s12;
	s6 =	sshll.u32 s6, $0x4  }
0xaa: {  	s12 =	sand.u32 $0x1FFE000, s20;
	s22 =	sand.u32 $0x1FFF, s21;
	s25 =	sshrl.u32 s21, $0x1  }
0xab: {  	[tilespmem:s24], [sflag:$0x1] =	stream.linear.gather [hbm4b:s5+s1], $0x80, $0x38;
	[tilespmem:$0x10200] =	vst v63  }
0xac: {  	s9 =	sor.u32 s11, s9;
	s11 =	sand.u32 $0x1FFE000, s15;
	s24 =	sadd.s32 s3, s6  }
0xad: {  	[tilespmem:s23], [sflag:$0x1] =	stream.linear.gather [hbm4b:s0+s1], $0x80, $0x38;
	[tilespmem:$0x10200] =	vst v63  }
0xae: {  	s6 =	sand.u32 $0x1FFE000, s25;
	s10 =	sor.u32 s10, s11;
	s11 =	sand.u32 $0x1FFF, s18  }
0xaf: {  	[tilespmem:s29], [sflag:$0x1] =	stream.linear.gather [hbm4b:s24+s1], $0x80, $0x38;
	[tilespmem:$0x10200] =	vst v63  }
0xb0: {  	s25 =	sadd.s32 s3, s30;
	s11 =	sor.u32 s11, s12;
	s12 =	sadd.s32 s3, s8  }
0xb1: {  	[tilespmem:s26], [sflag:$0x1] =	stream.linear.gather [hbm4b:s12+s1], $0x80, $0x38;
	[tilespmem:$0x10200] =	vst v63  }
0xb2: {  	s14 =	sshll.u32 s9, $0x4;
	s6 =	sor.u32 s22, s6;
	s18 =	sadd.s32 $0x700, s17  }
0xb3: {  	[tilespmem:s16], [sflag:$0x1] =	stream.linear.gather [hbm4b:s13+s1], $0x80, $0x38;
	[tilespmem:$0x10200] =	vst v63  }
0xb4: {  	s22 =	sadd.s32 $0x780, s17;
	s10 =	sshll.u32 s10, $0x4;
	s15 =	sadd.s32 s3, s14  }
0xb5: {  	[tilespmem:s4], [sflag:$0x1] =	stream.linear.gather [hbm4b:s15+s1], $0x80, $0x38;
	[tilespmem:$0x10200] =	vst v63  }
0xb6: {  	s5 =	sshll.u32 s11, $0x4;
	s20 =	sadd.s32 s3, s10;
	s16 =	spop (v2sf)  }
0xb7: {  	[tilespmem:s18], [sflag:$0x1] =	stream.linear.gather [hbm4b:s20+s1], $0x80, $0x38;
	[tilespmem:$0x10200] =	vst v63  }
0xb8: {  	s6 =	sshll.u32 s6, $0x4;
	s5 =	sadd.s32 s3, s5;
	s19 =	sshrl.u32 s16, $0x1  }
0xb9: {  	[tilespmem:s22], [sflag:$0x1] =	stream.linear.gather [hbm4b:s5+s1], $0x80, $0x38;
	[tilespmem:$0x10200] =	vst v63  }
0xba: {  	s24 =	sadd.s32 $0x800, s17;
	s23 =	sand.u32 $0x1FFF, s16;
	s21 =	sand.u32 $0x1FFE000, s19  }
0xbb: {  	[tilespmem:s24], [sflag:$0x1] =	stream.linear.gather [hbm4b:s25+s1], $0x80, $0x38;
	[tilespmem:$0x10200] =	vst v63  }
0xbc: {  	s6 =	sadd.s32 s3, s6;
	s26 =	sadd.s32 $0x880, s17;
	s0 =	sor.u32 s23, s21  }
0xbd: {  	[tilespmem:s26], [sflag:$0x1] =	stream.linear.gather [hbm4b:s6+s1], $0x80, $0x38;
	[tilespmem:$0x10200] =	vst v63  }
0xbe: {  	s2 =	sadd.s32 s3, s2;
	s4 =	sadd.s32 $0x900, s17;
	s0 =	sshll.u32 s0, $0x4  }
0xbf: {  	[tilespmem:s4], [sflag:$0x1] =	stream.linear.gather [hbm4b:s2+s1], $0x80, $0x38;
	[tilespmem:$0x10200] =	vst v63  }
0xc0: {  	s7 =	simm.s32 $0x1;
	s0 =	sadd.s32 s3, s0;
	s6 =	sadd.s32 $0x980, s17  }
0xc1: {  	[tilespmem:s6], [sflag:$0x1] =	stream.linear.gather [hbm4b:s0+s1], $0x80, $0x38;
	[tilespmem:$0x10200] =	vst v63  }
0xc2: {  	_ =	swait.ge [sflag:s7], $0x8000  }
0xc3: {  	s8 =	simm.s32 $0x0;
	s10 =	simm.s32 $0x200;
	[sflag:s7] =	ssyncset.done $0x0  }
0xc4: {  	s16 =	simm.s32 $0x2;
	s9 =	rddreg [dreg:$0x8];
	[sflag:s7] =	ssyncadd.s32 $0xFFFF8000  }
0xc5: {  	[hbm4b:s9+s8] =	stream.linear.scatter [tilespmem:s10], [sflag:$0x2], $0x8000, $0x38;
	[tilespmem:$0x10200] =	vst v63  }
0xc6: {  	_ =	swait.ge [sflag:s16], $0x8000  }
0xc7: {  	[sflag:s16] =	ssyncset.done $0x0  }
0xc8: {  	s0 =	sand.u32 $0xF0, s8;
	[sflag:s16] =	ssyncadd.s32 $0xFFFF8000  }
0xc9: {  	v0 =	vld [tilespmem:s0+$0x100];
	_ =	sdelay $0x4  }
0xca: {  	v1 =	vsel vm4, $0x0, v0  }
0xcb: {  	v2 =	vnsel vm0, $0x0, v0;
	v1 =	vxor.u32 $0x80000000, v1  }
0xcc: {  	v2 =	vxor.u32 $0x80000000, v2;
	(xrf0) =	vmax.scan.msk.u32 $0xffff, v1  }
0xcd: {  	v1 =	vsel vm2, $0x0, v0;
	(xrf0) =	vmax.scan.msk.u32 $0xffff, v2  }
0xce: {  	v1 =	vxor.u32 $0x80000000, v1  }
0xcf: {  	(xrf0) =	vmax.scan.msk.u32 $0xffff, v1;
	_ =	sdelay $0x1  }
0xd0: {  	v3 =	vsel vm1, $0x0, v0;
	v1 =	vsel vm3, $0x0, v0  }
0xd1: {  	v3 =	vxor.u32 $0x80000000, v3;
	v1 =	vxor.u32 $0x80000000, v1;
	v2, _, _ =	vpop (xrf0)  }
0xd2: {  	v4, _, _ =	vpop (xrf0);
	(v2sf) =	vpush v2, $0xF;
	v2 =	vsel vm14, $0x0, v0;
	(xrf0) =	vmax.scan.msk.u32 $0xffff, v1  }
0xd3: {  	v1 =	vxor.u32 $0x80000000, v2;
	v2 =	vsel vm5, $0x0, v0;
	(xrf0) =	vmax.scan.msk.u32 $0xffff, v3  }
0xd4: {  	(v2sf) =	vpush v4, $0xF;
	v3, _, _ =	vpop (xrf0);
	v4 =	vsel vm6, $0x0, v0;
	v2 =	vxor.u32 $0x80000000, v2;
	(xrf0) =	vmax.scan.msk.u32 $0xffff, v1  }
0xd5: {  	(v2sf) =	vpush v3, $0xF;
	v1 =	vsel vm7, $0x0, v0;
	v3 =	vxor.u32 $0x80000000, v4;
	(xrf0) =	vmax.scan.msk.u32 $0xffff, v2  }
0xd6: {  	v1 =	vxor.u32 $0x80000000, v1;
	(xrf0) =	vmax.scan.msk.u32 $0xffff, v3;
	v3 =	vsel vm8, $0x0, v0  }
0xd7: {  	v2 =	vsel vm9, $0x0, v0;
	(xrf0) =	vmax.scan.msk.u32 $0xffff, v1;
	v1 =	vxor.u32 $0x80000000, v3;
	v3 =	vsel vm10, $0x0, v0  }
0xd8: {  	v2 =	vxor.u32 $0x80000000, v2;
	v3 =	vxor.u32 $0x80000000, v3  }
0xd9: {  	v5, _, _ =	vpop (xrf0);
	(xrf0) =	vmax.scan.msk.u32 $0xffff, v2  }
0xda: {  	v4, _, _ =	vpop (xrf0);
	(xrf0) =	vmax.scan.msk.u32 $0xffff, v1  }
0xdb: {  	(xrf0) =	vmax.scan.msk.u32 $0xffff, v3;
	(v2sf) =	vpush v4, $0xF;
	v3, _, _ =	vpop (xrf0)  }
0xdc: {  	(v2sf) =	vpush v3, $0xF  }
0xdd: {  	v6 =	vsel vm13, $0x0, v0;
	v2 =	vsel vm11, $0x0, v0;
	v7, _, _ =	vpop (xrf0);
	(v2sf) =	vpush v5, $0xF  }
0xde: {  	v1 =	vxor.u32 $0x80000000, v2;
	v2 =	vsel vm12, $0x0, v0;
	(v2sf) =	vpush v7, $0xF  }
0xdf: {  	v2 =	vxor.u32 $0x80000000, v2  }
0xe0: {  	s31 =	simm.s32 $0x280;
	v0 =	vsel vm15, $0x0, v0;
	(xrf0) =	vmax.scan.msk.u32 $0xffff, v1;
	v1 =	vxor.u32 $0x80000000, v6;
	v6, _, _ =	vpop (xrf0)  }
0xe1: {  	s28 =	simm.s32 $0x700;
	s30 =	simm.s32 $0x600;
	s29 =	simm.s32 $0x680;
	v0 =	vxor.u32 $0x80000000, v0;
	(xrf0) =	vmax.scan.msk.u32 $0xffff, v2;
	(v2sf) =	vpush v6, $0xF  }
0xe2: {  	s19 =	simm.s32 $0x480;
	s21 =	simm.s32 $0x400;
	s23 =	simm.s32 $0x300;
	(xrf0) =	vmax.scan.msk.u32 $0xffff, v1;
	v2, _, _ =	vpop (xrf0)  }
0xe3: {  	s18 =	simm.s32 $0x2000;
	s20 =	simm.s32 $0x500;
	v4, _, _ =	vpop (xrf0);
	(xrf0) =	vmax.scan.msk.u32 $0xffff, v0;
	s11 =	spop (v2sf);
	(v2sf) =	vpush v2, $0xF  }
0xe4: {  	s22 =	simm.s32 $0x10;
	s25 =	simm.s32 $0x380;
	s24 =	simm.s32 $0x800;
	v0, _, _ =	vpop (xrf0)  }
0xe5: {  	s17 =	simm.s32 $0x0;
	s26 =	simm.s32 $0x780;
	v5, _, _ =	vpop (xrf0);
	s13 =	spop (v2sf);
	(v2sf) =	vpush v0, $0xF  }
0xe6: {  	s0 =	simm.s32 $0x200;
	v3, _, _ =	vpop (xrf0);
	s12 =	sshrl.u32 s11, $0x1;
	s2 =	sand.u32 $0x1FFF, s11  }
0xe7: {  	v2, _, _ =	vpop (xrf0);
	s14 =	sshrl.u32 s13, $0x1;
	s6 =	sand.u32 $0x1FFF, s13;
	s5 =	sand.u32 $0x1FFE000, s12  }
0xe8: {  	s15 =	spop (v2sf);
	(v2sf) =	vpush v5, $0xF;
	v1, _, _ =	vpop (xrf0);
	s7 =	sand.u32 $0x1FFE000, s14;
	s2 =	sor.u32 s2, s5  }
0xe9: {  	v0, _, _ =	vpop (xrf0);
	s5 =	sor.u32 s6, s7;
	s7 =	sshrl.u32 s15, $0x1;
	s6 =	sand.u32 $0x1FFF, s15  }
.LBB2_4:
0xea: {  	s7 =	sand.u32 $0x1FFE000, s7;
	s2 =	sshll.u32 s2, $0x4;
	s8 =	spop (v2sf)  }
0xeb: {  	s9 =	sshrl.u32 s8, $0x1;
	s7 =	sor.u32 s6, s7;
	s6 =	spop (v2sf)  }
0xec: {  	s9 =	sand.u32 $0x1FFE000, s9;
	s7 =	sshll.u32 s7, $0x4;
	s10 =	spop (v2sf)  }
0xed: {  	s8 =	sand.u32 $0x1FFF, s8;
	s11 =	sshrl.u32 s10, $0x1;
	s12 =	spop (v2sf);
	(v2sf) =	vpush v4, $0xF  }
0xee: {  	s8 =	sor.u32 s8, s9;
	s9 =	sand.u32 $0x1FFE000, s11;
	s11 =	sshrl.u32 s12, $0x1  }
0xef: {  	s8 =	sshll.u32 s8, $0x4;
	s12 =	sand.u32 $0x1FFF, s12;
	s11 =	sand.u32 $0x1FFE000, s11  }
0xf0: {  	s10 =	sand.u32 $0x1FFF, s10;
	s11 =	sor.u32 s12, s11;
	s12 =	spop (v2sf)  }
0xf1: {  	s11 =	sshll.u32 s11, $0x4;
	s13 =	sshrl.u32 s12, $0x1;
	s12 =	sand.u32 $0x1FFF, s12  }
0xf2: {  	s9 =	sor.u32 s10, s9;
	s10 =	sand.u32 $0x1FFE000, s13;
	s13 =	spop (v2sf)  }
0xf3: {  	s14 =	sadd.s32 s3, s7;
	s9 =	sshll.u32 s9, $0x4;
	s7 =	sor.u32 s12, s10  }
0xf4: {  	s10 =	sshrl.u32 s13, $0x1;
	s7 =	sshll.u32 s7, $0x4;
	s12 =	spop (v2sf)  }
0xf5: {  	s13 =	sand.u32 $0x1FFF, s13;
	s10 =	sand.u32 $0x1FFE000, s10;
	s15 =	sshrl.u32 s12, $0x1;
	(v2sf) =	vpush v3, $0xF  }
0xf6: {  	s10 =	sor.u32 s13, s10;
	s12 =	sand.u32 $0x1FFF, s12;
	s13 =	sand.u32 $0x1FFE000, s15  }
0xf7: {  	s10 =	sshll.u32 s10, $0x4;
	s12 =	sor.u32 s12, s13;
	s13 =	spop (v2sf)  }
0xf8: {  	s12 =	sshll.u32 s12, $0x4;
	s15 =	sshrl.u32 s13, $0x1;
	s13 =	sand.u32 $0x1FFF, s13  }
0xf9: {  	s5 =	sshll.u32 s5, $0x4;
	s11 =	sadd.s32 s3, s11;
	s15 =	sand.u32 $0x1FFE000, s15  }
0xfa: {  	s5 =	sadd.s32 s3, s5;
	s13 =	sor.u32 s13, s15;
	s15 =	sshrl.u32 s6, $0x1  }
0xfb: {  	[tilespmem:s0], [sflag:$0x1] =	stream.linear.gather [hbm4b:s5+s1], $0x80, $0x38;
	(v2sf) =	vpush v2, $0xF;
	[tilespmem:$0x10200] =	vst v63  }
0xfc: {  	s0 =	sadd.s32 s3, s8;
	s5 =	sshll.u32 s13, $0x4;
	s8 =	spop (v2sf)  }
0xfd: {  	[tilespmem:s31], [sflag:$0x1] =	stream.linear.gather [hbm4b:s0+s1], $0x80, $0x38;
	[tilespmem:$0x10200] =	vst v63  }
0xfe: {  	s6 =	sand.u32 $0x1FFF, s6;
	s13 =	sand.u32 $0x1FFE000, s15;
	s0 =	sand.u32 $0x1FFF, s8  }
0xff: {  	[tilespmem:s23], [sflag:$0x1] =	stream.linear.gather [hbm4b:s14+s1], $0x80, $0x38;
	[tilespmem:$0x10200] =	vst v63  }
0x100: {  	s9 =	sadd.s32 s3, s9;
	s6 =	sor.u32 s6, s13;
	s8 =	sshrl.u32 s8, $0x1  }
0x101: {  	[tilespmem:s25], [sflag:$0x1] =	stream.linear.gather [hbm4b:s9+s1], $0x80, $0x38;
	(v2sf) =	vpush v1, $0xF;
	[tilespmem:$0x10200] =	vst v63  }
0x102: {  	s2 =	sadd.s32 s3, s2;
	s6 =	sshll.u32 s6, $0x4;
	s8 =	sand.u32 $0x1FFE000, s8  }
0x103: {  	[tilespmem:s21], [sflag:$0x1] =	stream.linear.gather [hbm4b:s2+s1], $0x80, $0x38;
	(v2sf) =	vpush v0, $0xF;
	[tilespmem:$0x10200] =	vst v63  }
0x104: {  	s0 =	sor.u32 s0, s8;
	s2 =	sadd.s32 $0x580, s17;
	s8 =	spop (v2sf)  }
0x105: {  	[tilespmem:s19], [sflag:$0x1] =	stream.linear.gather [hbm4b:s11+s1], $0x80, $0x38;
	[tilespmem:$0x10200] =	vst v63  }
0x106: {  	s7 =	sadd.s32 s3, s7;
	s0 =	sshll.u32 s0, $0x4;
	s9 =	sshrl.u32 s8, $0x1  }
0x107: {  	[tilespmem:s20], [sflag:$0x1] =	stream.linear.gather [hbm4b:s7+s1], $0x80, $0x38;
	[tilespmem:$0x10200] =	vst v63  }
0x108: {  	s8 =	sand.u32 $0x1FFF, s8;
	s9 =	sand.u32 $0x1FFE000, s9;
	s7 =	sadd.s32 s3, s10  }
0x109: {  	[tilespmem:s2], [sflag:$0x1] =	stream.linear.gather [hbm4b:s7+s1], $0x80, $0x38;
	[tilespmem:$0x10200] =	vst v63  }
0x10a: {  	s2 =	sadd.s32 s3, s12;
	s7 =	sor.u32 s8, s9;
	s8 =	spop (v2sf)  }
0x10b: {  	[tilespmem:s30], [sflag:$0x1] =	stream.linear.gather [hbm4b:s2+s1], $0x80, $0x38;
	[tilespmem:$0x10200] =	vst v63  }
0x10c: {  	s0 =	sadd.s32 s3, s0;
	s2 =	sshll.u32 s7, $0x4;
	s7 =	sshrl.u32 s8, $0x1  }
0x10d: {  	[tilespmem:s29], [sflag:$0x1] =	stream.linear.gather [hbm4b:s0+s1], $0x80, $0x38;
	[tilespmem:$0x10200] =	vst v63  }
0x10e: {  	s0 =	sadd.s32 s3, s5;
	s5 =	sand.u32 $0x1FFE000, s7;
	s7 =	sand.u32 $0x1FFF, s8  }
0x10f: {  	[tilespmem:s28], [sflag:$0x1] =	stream.linear.gather [hbm4b:s0+s1], $0x80, $0x38;
	[tilespmem:$0x10200] =	vst v63  }
0x110: {  	s0 =	sadd.s32 s3, s2;
	s2 =	sor.u32 s7, s5;
	s5 =	spop (v2sf)  }
0x111: {  	[tilespmem:s26], [sflag:$0x1] =	stream.linear.gather [hbm4b:s0+s1], $0x80, $0x38;
	[tilespmem:$0x10200] =	vst v63  }
0x112: {  	s0 =	sshll.u32 s2, $0x4;
	s2 =	sshrl.u32 s5, $0x1;
	s7 =	spop (v2sf)  }
0x113: {  	s5 =	sand.u32 $0x1FFF, s5;
	s0 =	sadd.s32 s3, s0;
	s2 =	sand.u32 $0x1FFE000, s2  }
0x114: {  	[tilespmem:s24], [sflag:$0x1] =	stream.linear.gather [hbm4b:s0+s1], $0x80, $0x38;
	[tilespmem:$0x10200] =	vst v63  }
0x115: {  	s0 =	sor.u32 s5, s2;
	s2 =	sshrl.u32 s7, $0x1;
	s5 =	sand.u32 $0x1FFF, s7  }
0x116: {  	s6 =	sadd.s32 s3, s6;
	s0 =	sshll.u32 s0, $0x4;
	s2 =	sand.u32 $0x1FFE000, s2  }
0x117: {  	s7 =	sadd.s32 $0x880, s17;
	s0 =	sadd.s32 s3, s0;
	s2 =	sor.u32 s5, s2  }
0x118: {  	[tilespmem:s7], [sflag:$0x1] =	stream.linear.gather [hbm4b:s0+s1], $0x80, $0x38;
	[tilespmem:$0x10200] =	vst v63  }
0x119: {  	p0 =	sne.s32 s18, $0x1E000;
	s2 =	sshll.u32 s2, $0x4;
	s0 =	sadd.s32 $0x900, s17  }
0x11a: {  	[tilespmem:s0], [sflag:$0x1] =	stream.linear.gather [hbm4b:s6+s1], $0x80, $0x38;
	[tilespmem:$0x10200] =	vst v63  }
0x11b: {  	s5 =	sadd.s32 $0x980, s17;
	s2 =	sadd.s32 s3, s2;
	s0 =	sand.u32 $0xF0, s22  }
0x11c: {  	[tilespmem:s5], [sflag:$0x1] =	stream.linear.gather [hbm4b:s2+s1], $0x80, $0x38;
	[tilespmem:$0x10200] =	vst v63  }
0x11d: {  	s17 =	sshra.s32 s18, $0x2;
	s18 =	sadd.s32 $0x2000, s18;
	v0 =	vld [tilespmem:s0+$0x100]  }
0x11e: {  	s19 =	sadd.s32 $0x480, s17  }
0x11f: {  	s21 =	sadd.s32 $0x400, s17  }
0x120: {  	s20 =	sadd.s32 $0x500, s17  }
0x121: {  	s23 =	sadd.s32 $0x300, s17  }
0x122: {  	v1 =	vsel vm9, $0x0, v0;
	v2 =	vsel vm13, $0x0, v0;
	v3 =	vsel vm14, $0x0, v0  }
0x123: {  	v4 =	vsel vm3, $0x0, v0;
	v5 =	vsel vm4, $0x0, v0;
	v3 =	vxor.u32 $0x80000000, v3  }
0x124: {  	v6 =	vnsel vm0, $0x0, v0;
	v7 =	vsel vm5, $0x0, v0;
	v8 =	vsel vm6, $0x0, v0  }
0x125: {  	v9 =	vsel vm2, $0x0, v0;
	v6 =	vxor.u32 $0x80000000, v6;
	v5 =	vxor.u32 $0x80000000, v5  }
0x126: {  	s25 =	sadd.s32 $0x380, s17;
	v10 =	vsel vm1, $0x0, v0;
	v4 =	vxor.u32 $0x80000000, v4;
	v7 =	vxor.u32 $0x80000000, v7;
	(xrf0) =	vmax.scan.msk.u32 $0xffff, v5  }
0x127: {  	v11 =	vsel vm8, $0x0, v0;
	v1 =	vxor.u32 $0x80000000, v1;
	v5 =	vsel vm7, $0x0, v0;
	(xrf0) =	vmax.scan.msk.u32 $0xffff, v6  }
0x128: {  	v9 =	vxor.u32 $0x80000000, v9;
	v6 =	vxor.u32 $0x80000000, v10;
	v5 =	vxor.u32 $0x80000000, v5  }
0x129: {  	v12 =	vsel vm11, $0x0, v0;
	v10 =	vxor.u32 $0x80000000, v11;
	v11 =	vsel vm10, $0x0, v0;
	(xrf0) =	vmax.scan.msk.u32 $0xffff, v9  }
0x12a: {  	v9 =	vxor.u32 $0x80000000, v11;
	v11 =	vxor.u32 $0x80000000, v12;
	v12 =	vsel vm12, $0x0, v0;
	(xrf0) =	vmax.scan.msk.u32 $0xffff, v4  }
0x12b: {  	s31 =	sadd.s32 $0x280, s17;
	v2 =	vxor.u32 $0x80000000, v2;
	v0 =	vsel vm15, $0x0, v0;
	v4 =	vxor.u32 $0x80000000, v12;
	(xrf0) =	vmax.scan.msk.u32 $0xffff, v6  }
0x12c: {  	s0 =	sadd.s32 $0x200, s17;
	v0 =	vxor.u32 $0x80000000, v0;
	v6, _, _ =	vpop (xrf0);
	(xrf0) =	vmax.scan.msk.u32 $0xffff, v3  }
0x12d: {  	v12 =	vxor.u32 $0x80000000, v8;
	v8, _, _ =	vpop (xrf0);
	(v2sf) =	vpush v6, $0xF;
	(xrf0) =	vmax.scan.msk.u32 $0xffff, v7  }
0x12e: {  	(v2sf) =	vpush v8, $0xF;
	(xrf0) =	vmax.scan.msk.u32 $0xffff, v12  }
0x12f: {  	v3, _, _ =	vpop (xrf0);
	(xrf0) =	vmax.scan.msk.u32 $0xffff, v5  }
0x130: {  	(v2sf) =	vpush v3, $0xF;
	v3, _, _ =	vpop (xrf0);
	(xrf0) =	vmax.scan.msk.u32 $0xffff, v1  }
0x131: {  	v1, _, _ =	vpop (xrf0);
	(xrf0) =	vmax.scan.msk.u32 $0xffff, v10  }
0x132: {  	(v2sf) =	vpush v1, $0xF;
	(xrf0) =	vmax.scan.msk.u32 $0xffff, v9;
	v1, _, _ =	vpop (xrf0)  }
0x133: {  	v5, _, _ =	vpop (xrf0);
	(xrf0) =	vmax.scan.msk.u32 $0xffff, v11;
	(v2sf) =	vpush v1, $0xF  }
0x134: {  	(v2sf) =	vpush v3, $0xF;
	v1, _, _ =	vpop (xrf0);
	(xrf0) =	vmax.scan.msk.u32 $0xffff, v4  }
0x135: {  	(v2sf) =	vpush v5, $0xF;
	v5, _, _ =	vpop (xrf0);
	(xrf0) =	vmax.scan.msk.u32 $0xffff, v2  }
0x136: {  	v4, _, _ =	vpop (xrf0);
	(xrf0) =	vmax.scan.msk.u32 $0xffff, v0  }
0x137: {  	v0, _, _ =	vpop (xrf0)  }
0x138: {  	(v2sf) =	vpush v1, $0xF;
	v6, _, _ =	vpop (xrf0)  }
0x139: {  	v3, _, _ =	vpop (xrf0)  }
0x13a: {  	s28 =	sadd.s32 $0x700, s17;
	s22 =	sadd.s32 $0x10, s22;
	(v2sf) =	vpush v5, $0xF;
	v2, _, _ =	vpop (xrf0)  }
0x13b: {  	s26 =	sadd.s32 $0x780, s17;
	s24 =	sadd.s32 $0x800, s17;
	s30 =	sadd.s32 $0x600, s17;
	v1, _, _ =	vpop (xrf0)  }
.Ltmp1:
0x13c: {  	s29 =	sadd.s32 $0x680, s17;
	s2 =	spop (v2sf);
	(v2sf) =	vpush v0, $0xF;
	v0, _, _ =	vpop (xrf0);
	(pc) =	sbr.rel @p0 .LBB2_4-.Ltmp1, $4  }
0x13d: {  	s5 =	sshrl.u32 s2, $0x1;
	s2 =	sand.u32 $0x1FFF, s2;
	s6 =	spop (v2sf)  }
0x13e: {  	s7 =	sshrl.u32 s6, $0x1;
	s6 =	sand.u32 $0x1FFF, s6;
	s5 =	sand.u32 $0x1FFE000, s5  }
0x13f: {  	s7 =	sand.u32 $0x1FFE000, s7;
	s2 =	sor.u32 s2, s5;
	s8 =	spop (v2sf);
	(v2sf) =	vpush v6, $0xF  }
0x140: {  	s5 =	sor.u32 s6, s7;
	s7 =	sshrl.u32 s8, $0x1;
	s6 =	sand.u32 $0x1FFF, s8  }
0x141: {  	s7 =	sand.u32 $0x1FFE000, s7;
	s8 =	spop (v2sf)  }
0x142: {  	s2 =	sshll.u32 s2, $0x4;
	s5 =	sshll.u32 s5, $0x4;
	s9 =	sshrl.u32 s8, $0x1  }
0x143: {  	s6 =	sor.u32 s6, s7;
	s7 =	spop (v2sf);
	s5 =	sadd.s32 s3, s5  }
0x144: {  	s12 =	sand.u32 $0x1FFF, s8;
	s2 =	sadd.s32 s3, s2;
	s10 =	spop (v2sf)  }
0x145: {  	[tilespmem:s0], [sflag:$0x1] =	stream.linear.gather [hbm4b:s5+s1], $0x80, $0x38;
	[tilespmem:$0x10200] =	vst v63  }
0x146: {  	s9 =	sand.u32 $0x1FFE000, s9;
	s6 =	sshll.u32 s6, $0x4;
	s13 =	sshrl.u32 s10, $0x1  }
0x147: {  	s14 =	spop (v2sf);
	s0 =	sor.u32 s12, s9;
	s10 =	sand.u32 $0x1FFF, s10  }
0x148: {  	s6 =	sadd.s32 s3, s6;
	s5 =	sand.u32 $0x1FFE000, s13;
	s15 =	sshrl.u32 s14, $0x1  }
0x149: {  	s0 =	sshll.u32 s0, $0x4;
	s8 =	sand.u32 $0x1FFF, s14;
	s9 =	sand.u32 $0x1FFE000, s15  }
0x14a: {  	s5 =	sor.u32 s10, s5;
	s0 =	sadd.s32 s3, s0;
	s8 =	sor.u32 s8, s9  }
0x14b: {  	(v2sf) =	vpush v4, $0xF;
	[tilespmem:s31], [sflag:$0x1] =	stream.linear.gather [hbm4b:s0+s1], $0x80, $0x38;
	[tilespmem:$0x10200] =	vst v63  }
0x14c: {  	s18 =	spop (v2sf);
	s5 =	sshll.u32 s5, $0x4;
	s31 =	sshrl.u32 s7, $0x1  }
0x14d: {  	s7 =	sand.u32 $0x1FFF, s7;
	s8 =	sshll.u32 s8, $0x4;
	s11 =	sshrl.u32 s18, $0x1  }
0x14e: {  	s9 =	sand.u32 $0x1FFF, s18;
	s5 =	sadd.s32 s3, s5;
	s22 =	sand.u32 $0x1FFE000, s11  }
0x14f: {  	[tilespmem:s23], [sflag:$0x1] =	stream.linear.gather [hbm4b:s6+s1], $0x80, $0x38;
	[tilespmem:$0x10200] =	vst v63  }
0x150: {  	s4 =	spop (v2sf);
	s8 =	sadd.s32 s3, s8;
	s13 =	sor.u32 s9, s22  }
0x151: {  	s14 =	sshrl.u32 s4, $0x1;
	s11 =	sand.u32 $0x1FFF, s4;
	s15 =	spop (v2sf)  }
0x152: {  	(v2sf) =	vpush v3, $0xF;
	[tilespmem:s25], [sflag:$0x1] =	stream.linear.gather [hbm4b:s5+s1], $0x80, $0x38;
	[tilespmem:$0x10200] =	vst v63  }
0x153: {  	(v2sf) =	vpush v2, $0xF;
	s0 =	sshll.u32 s13, $0x4;
	s9 =	sand.u32 $0x1FFE000, s14;
	s12 =	sshrl.u32 s15, $0x1  }
0x154: {  	s10 =	sand.u32 $0x1FFF, s15;
	s9 =	sor.u32 s11, s9;
	s0 =	sadd.s32 s3, s0  }
0x155: {  	[tilespmem:s21], [sflag:$0x1] =	stream.linear.gather [hbm4b:s2+s1], $0x80, $0x38;
	[tilespmem:$0x10200] =	vst v63  }
0x156: {  	(v2sf) =	vpush v1, $0xF;
	s12 =	sand.u32 $0x1FFE000, s12;
	s9 =	sshll.u32 s9, $0x4;
	s18 =	spop (v2sf)  }
0x157: {  	[tilespmem:s19], [sflag:$0x1] =	stream.linear.gather [hbm4b:s8+s1], $0x80, $0x38;
	[tilespmem:$0x10200] =	vst v63  }
0x158: {  	s10 =	sor.u32 s10, s12;
	s15 =	sadd.s32 s3, s9;
	s22 =	sshrl.u32 s18, $0x1  }
0x159: {  	[tilespmem:s20], [sflag:$0x1] =	stream.linear.gather [hbm4b:s0+s1], $0x80, $0x38;
	[tilespmem:$0x10200] =	vst v63  }
0x15a: {  	s11 =	sand.u32 $0x1FFF, s18;
	s12 =	sand.u32 $0x1FFE000, s22;
	s4 =	spop (v2sf)  }
0x15b: {  	s23 =	sor.u32 s11, s12;
	s11 =	sand.u32 $0x1FFE000, s31;
	s12 =	sshrl.u32 s4, $0x1  }
0x15c: {  	s5 =	sor.u32 s7, s11;
	s13 =	sand.u32 $0x1FFF, s4;
	s11 =	sand.u32 $0x1FFE000, s12  }
0x15d: {  	s10 =	sshll.u32 s10, $0x4;
	s12 =	sadd.s32 $0x580, s17;
	s7 =	sor.u32 s13, s11  }
0x15e: {  	(v2sf) =	vpush v0, $0xF;
	[tilespmem:s12], [sflag:$0x1] =	stream.linear.gather [hbm4b:s15+s1], $0x80, $0x38;
	[tilespmem:$0x10200] =	vst v63  }
0x15f: {  	s19 =	sadd.s32 s3, s10;
	s6 =	sshll.u32 s23, $0x4;
	s7 =	sshll.u32 s7, $0x4  }
0x160: {  	[tilespmem:s30], [sflag:$0x1] =	stream.linear.gather [hbm4b:s19+s1], $0x80, $0x38;
	[tilespmem:$0x10200] =	vst v63  }
0x161: {  	s25 =	sadd.s32 s3, s6;
	s13 =	spop (v2sf);
	s22 =	sadd.s32 s3, s7  }
0x162: {  	s14 =	sshrl.u32 s13, $0x1;
	s18 =	sand.u32 $0x1FFF, s13;
	s21 =	spop (v2sf)  }
0x163: {  	[tilespmem:s29], [sflag:$0x1] =	stream.linear.gather [hbm4b:s22+s1], $0x80, $0x38;
	[tilespmem:$0x10200] =	vst v63  }
0x164: {  	s8 =	sand.u32 $0x1FFE000, s14;
	s23 =	sshrl.u32 s21, $0x1;
	s4 =	sand.u32 $0x1FFF, s21  }
0x165: {  	s10 =	spop (v2sf);
	s20 =	sor.u32 s18, s8;
	s31 =	sand.u32 $0x1FFE000, s23  }
0x166: {  	s12 =	sshrl.u32 s10, $0x1;
	s6 =	sand.u32 $0x1FFF, s10;
	s2 =	sshll.u32 s20, $0x4  }
0x167: {  	[tilespmem:s28], [sflag:$0x1] =	stream.linear.gather [hbm4b:s25+s1], $0x80, $0x38;
	[tilespmem:$0x10200] =	vst v63  }
0x168: {  	s9 =	sor.u32 s4, s31;
	s8 =	sadd.s32 s3, s2;
	s2 =	sand.u32 $0x1FFE000, s12  }
0x169: {  	[tilespmem:s26], [sflag:$0x1] =	stream.linear.gather [hbm4b:s8+s1], $0x80, $0x38;
	[tilespmem:$0x10200] =	vst v63  }
0x16a: {  	s11 =	sshll.u32 s9, $0x4;
	s2 =	sor.u32 s6, s2  }
0x16b: {  	s0 =	sadd.s32 s3, s11;
	s2 =	sshll.u32 s2, $0x4  }
0x16c: {  	[tilespmem:s24], [sflag:$0x1] =	stream.linear.gather [hbm4b:s0+s1], $0x80, $0x38;
	[tilespmem:$0x10200] =	vst v63  }
0x16d: {  	s19 =	sadd.s32 $0x880, s17;
	s2 =	sadd.s32 s3, s2;
	s13 =	spop (v2sf)  }
0x16e: {  	[tilespmem:s19], [sflag:$0x1] =	stream.linear.gather [hbm4b:s2+s1], $0x80, $0x38;
	[tilespmem:$0x10200] =	vst v63  }
0x16f: {  	s14 =	sshll.u32 s5, $0x4;
	s20 =	sadd.s32 $0x900, s17;
	s15 =	sshrl.u32 s13, $0x1  }
0x170: {  	s0 =	sadd.s32 s3, s14;
	s18 =	sand.u32 $0x1FFF, s13;
	s5 =	sand.u32 $0x1FFE000, s15  }
0x171: {  	[tilespmem:s20], [sflag:$0x1] =	stream.linear.gather [hbm4b:s0+s1], $0x80, $0x38;
	[tilespmem:$0x10200] =	vst v63  }
0x172: {  	s5 =	sor.u32 s18, s5  }
0x173: {  	s5 =	sshll.u32 s5, $0x4  }
0x174: {  	s30 =	simm.s32 $0x1;
	s21 =	sadd.s32 $0x980, s17;
	s22 =	sadd.s32 s3, s5  }
0x175: {  	[tilespmem:s21], [sflag:$0x1] =	stream.linear.gather [hbm4b:s22+s1], $0x80, $0x38;
	[tilespmem:$0x10200] =	vst v63  }
0x176: {  	_ =	swait.ge [sflag:s30], $0x8000  }
0x177: {  	s23 =	simm.s32 $0x0;
	[sflag:s30] =	ssyncset.done $0x0  }
0x178: {  	s25 =	simm.s32 $0x200;
	s24 =	rddreg [dreg:$0x9];
	[sflag:s30] =	ssyncadd.s32 $0xFFFF8000  }
0x179: {  	[hbm4b:s24+s23] =	stream.linear.scatter [tilespmem:s25], [sflag:$0x2], $0x8000, $0x38;
	[tilespmem:$0x10200] =	vst v63  }
0x17a: {  	_ =	swait.ge [sflag:s16], $0x8000  }
0x17b: {  	[sflag:s16] =	ssyncset.done $0x0  }
0x17c: {  	s26 =	rddreg [dreg:$0xa];
	[sflag:s16] =	ssyncadd.s32 $0xFFFF8000  }
0x17d: {  	[tilespmem:s23], [sflag:$0x2] =	stream.linear.gather [hbm4b:s26+s23], $0x200, $0x38;
	[tilespmem:$0x10200] =	vst v63  }
0x17e: {  	_ =	swait.ge [sflag:s16], $0x200  }
0x17f: {  	[sflag:s16] =	ssyncset.done $0x0  }
0x180: {  	[sflag:s16] =	ssyncadd.s32 $0xFFFFFE00  }
0x181: {  	v0 =	vld [tilespmem:s23+$0x0];
	_ =	sdelay $0x4  }
0x182: {  	v1 =	vsel vm3, $0x0, v0  }
0x183: {  	v2 =	vnsel vm0, $0x0, v0;
	v1 =	vxor.u32 $0x80000000, v1  }
0x184: {  	v2 =	vxor.u32 $0x80000000, v2;
	(xrf0) =	vmax.scan.msk.u32 $0xffff, v1;
	v1 =	vsel vm7, $0x0, v0  }
0x185: {  	(xrf0) =	vmax.scan.msk.u32 $0xffff, v2;
	v2 =	vsel vm1, $0x0, v0;
	v1 =	vxor.u32 $0x80000000, v1  }
0x186: {  	v2 =	vxor.u32 $0x80000000, v2;
	(xrf0) =	vmax.scan.msk.u32 $0xffff, v1;
	v1 =	vsel vm6, $0x0, v0  }
0x187: {  	(xrf0) =	vmax.scan.msk.u32 $0xffff, v2;
	v2 =	vsel vm2, $0x0, v0;
	v1 =	vxor.u32 $0x80000000, v1  }
0x188: {  	v2 =	vxor.u32 $0x80000000, v2;
	_ =	sdelay $0x1  }
0x189: {  	(xrf0) =	vmax.scan.msk.u32 $0xffff, v1;
	v1, _, _ =	vpop (xrf0)  }
0x18a: {  	(xrf0) =	vmax.scan.msk.u32 $0xffff, v2;
	v2, _, _ =	vpop (xrf0);
	(v2sf) =	vpush v1, $0xF  }
0x18b: {  	(v2sf) =	vpush v2, $0xF;
	_ =	sdelay $0x1  }
0x18c: {  	v1, _, _ =	vpop (xrf0)  }
0x18d: {  	(v2sf) =	vpush v1, $0xF;
	_ =	sdelay $0x2  }
0x18e: {  	v1 =	vsel vm4, $0x0, v0  }
0x18f: {  	v2, _, _ =	vpop (xrf0);
	v1 =	vxor.u32 $0x80000000, v1  }
0x190: {  	v3 =	vsel vm5, $0x0, v0;
	(v2sf) =	vpush v2, $0xF;
	v2, _, _ =	vpop (xrf0);
	(xrf0) =	vmax.scan.msk.u32 $0xffff, v1  }
0x191: {  	(v2sf) =	vpush v2, $0xF;
	v2 =	vxor.u32 $0x80000000, v3;
	v3 =	vsel vm8, $0x0, v0  }
0x192: {  	v1 =	vsel vm9, $0x0, v0;
	v3 =	vxor.u32 $0x80000000, v3;
	(xrf0) =	vmax.scan.msk.u32 $0xffff, v2  }
0x193: {  	v1 =	vxor.u32 $0x80000000, v1;
	v2 =	vsel vm10, $0x0, v0;
	(xrf0) =	vmax.scan.msk.u32 $0xffff, v3  }
0x194: {  	v4, _, _ =	vpop (xrf0);
	v2 =	vxor.u32 $0x80000000, v2;
	v3 =	vsel vm11, $0x0, v0;
	(xrf0) =	vmax.scan.msk.u32 $0xffff, v1  }
0x195: {  	(v2sf) =	vpush v4, $0xF;
	v3 =	vxor.u32 $0x80000000, v3;
	(xrf0) =	vmax.scan.msk.u32 $0xffff, v2  }
0x196: {  	(xrf0) =	vmax.scan.msk.u32 $0xffff, v3;
	v3 =	vsel vm14, $0x0, v0;
	v4, _, _ =	vpop (xrf0);
	s9 =	spop (v2sf)  }
0x197: {  	v1 =	vsel vm12, $0x0, v0;
	s10 =	spop (v2sf);
	(v2sf) =	vpush v4, $0xF  }
0x198: {  	v1 =	vxor.u32 $0x80000000, v1  }
0x199: {  	s29 =	simm.s32 $0x8380;
	(xrf0) =	vmax.scan.msk.u32 $0xffff, v1;
	v1 =	vxor.u32 $0x80000000, v3;
	v3, _, _ =	vpop (xrf0)  }
0x19a: {  	s17 =	simm.s32 $0x0;
	s31 =	simm.s32 $0x8200;
	v2 =	vsel vm13, $0x0, v0;
	s12 =	spop (v2sf);
	(v2sf) =	vpush v3, $0xF  }
0x19b: {  	s28 =	simm.s32 $0x8700;
	s14 =	simm.s32 $0x8600;
	s19 =	simm.s32 $0x10;
	v2 =	vxor.u32 $0x80000000, v2  }
0x19c: {  	s2 =	simm.s32 $0x8680;
	s20 =	simm.s32 $0x8400;
	s0 =	simm.s32 $0x8800;
	v0 =	vsel vm15, $0x0, v0;
	(xrf0) =	vmax.scan.msk.u32 $0xffff, v2  }
0x19d: {  	s18 =	simm.s32 $0x2000;
	s5 =	simm.s32 $0x8580;
	s21 =	simm.s32 $0x8480;
	v0 =	vxor.u32 $0x80000000, v0;
	v5, _, _ =	vpop (xrf0);
	(xrf0) =	vmax.scan.msk.u32 $0xffff, v1  }
0x19e: {  	s22 =	simm.s32 $0x8880;
	s24 =	simm.s32 $0x8500;
	s25 =	simm.s32 $0x8780;
	v6, _, _ =	vpop (xrf0);
	(xrf0) =	vmax.scan.msk.u32 $0xffff, v0;
	(v2sf) =	vpush v5, $0xF  }
0x19f: {  	s26 =	simm.s32 $0x8280;
	s4 =	rddreg [dreg:$0xf];
	v7, _, _ =	vpop (xrf0);
	s6 =	sshll.u32 s10, $0x4  }
0x1a0: {  	s23 =	simm.s32 $0x8300;
	s11 =	sshll.u32 s9, $0x4;
	v4, _, _ =	vpop (xrf0);
	s13 =	sand.u32 $0x1FFFFFF0, s6;
	(v2sf) =	vpush v6, $0xF  }
0x1a1: {  	v3, _, _ =	vpop (xrf0);
	s6 =	sand.u32 $0x1FFFFFF0, s11;
	s15 =	spop (v2sf);
	s10 =	sadd.s32 s4, s13  }
0x1a2: {  	v2, _, _ =	vpop (xrf0);
	[tilespmem:s31], [sflag:$0x1] =	stream.linear.gather [hbm4b:s10+s1], $0x80, $0x38;
	[tilespmem:$0x10200] =	vst v63  }
0x1a3: {  	s7 =	sshll.u32 s12, $0x4;
	v1, _, _ =	vpop (xrf0);
	s8 =	sshll.u32 s15, $0x4;
	s31 =	spop (v2sf)  }
0x1a4: {  	v0, _, _ =	vpop (xrf0);
	s9 =	sand.u32 $0x1FFFFFF0, s8;
	(v2sf) =	vpush v7, $0xF;
	s8 =	sshll.u32 s31, $0x4;
	s10 =	spop (v2sf)  }
.LBB2_6:
0x1a5: {  	s9 =	sadd.s32 s4, s9  }
0x1a6: {  	s10 =	sshll.u32 s10, $0x4;
	s11 =	spop (v2sf);
	(v2sf) =	vpush v4, $0xF;
	s15 =	smov.u32 s18  }
0x1a7: {  	[tilespmem:s26], [sflag:$0x1] =	stream.linear.gather [hbm4b:s9+s1], $0x80, $0x38;
	[tilespmem:$0x10200] =	vst v63  }
0x1a8: {  	s8 =	sand.u32 $0x1FFFFFF0, s8;
	s9 =	sand.u32 $0x1FFFFFF0, s10;
	s10 =	sshll.u32 s11, $0x4  }
0x1a9: {  	s9 =	sadd.s32 s4, s9;
	s10 =	sand.u32 $0x1FFFFFF0, s10;
	s11 =	spop (v2sf)  }
0x1aa: {  	[tilespmem:s23], [sflag:$0x1] =	stream.linear.gather [hbm4b:s9+s1], $0x80, $0x38;
	(v2sf) =	vpush v3, $0xF;
	[tilespmem:$0x10200] =	vst v63  }
0x1ab: {  	s6 =	sadd.s32 s4, s6;
	s7 =	sand.u32 $0x1FFFFFF0, s7;
	s9 =	sshll.u32 s11, $0x4  }
0x1ac: {  	[tilespmem:s29], [sflag:$0x1] =	stream.linear.gather [hbm4b:s6+s1], $0x80, $0x38;
	(v2sf) =	vpush v2, $0xF;
	[tilespmem:$0x10200] =	vst v63  }
0x1ad: {  	s9 =	sand.u32 $0x1FFFFFF0, s9;
	s6 =	sadd.s32 s4, s10;
	s10 =	spop (v2sf)  }
0x1ae: {  	[tilespmem:s20], [sflag:$0x1] =	stream.linear.gather [hbm4b:s6+s1], $0x80, $0x38;
	(v2sf) =	vpush v1, $0xF;
	[tilespmem:$0x10200] =	vst v63  }
0x1af: {  	s6 =	sadd.s32 s4, s9;
	s9 =	sshll.u32 s10, $0x4;
	s10 =	spop (v2sf)  }
0x1b0: {  	[tilespmem:s21], [sflag:$0x1] =	stream.linear.gather [hbm4b:s6+s1], $0x80, $0x38;
	[tilespmem:$0x10200] =	vst v63  }
0x1b1: {  	s6 =	sadd.s32 s4, s8;
	s8 =	sand.u32 $0x1FFFFFF0, s9;
	s9 =	sshll.u32 s10, $0x4;
	(v2sf) =	vpush v0, $0xF  }
0x1b2: {  	[tilespmem:s24], [sflag:$0x1] =	stream.linear.gather [hbm4b:s6+s1], $0x80, $0x38;
	[tilespmem:$0x10200] =	vst v63  }
0x1b3: {  	s6 =	sadd.s32 s4, s7;
	s7 =	sand.u32 $0x1FFFFFF0, s9;
	s9 =	spop (v2sf)  }
0x1b4: {  	[tilespmem:s5], [sflag:$0x1] =	stream.linear.gather [hbm4b:s6+s1], $0x80, $0x38;
	[tilespmem:$0x10200] =	vst v63  }
0x1b5: {  	s5 =	sadd.s32 s4, s8;
	s6 =	sshll.u32 s9, $0x4;
	s8 =	spop (v2sf)  }
0x1b6: {  	[tilespmem:s14], [sflag:$0x1] =	stream.linear.gather [hbm4b:s5+s1], $0x80, $0x38;
	[tilespmem:$0x10200] =	vst v63  }
0x1b7: {  	s6 =	sand.u32 $0x1FFFFFF0, s6;
	s5 =	sadd.s32 s4, s7;
	s7 =	sshll.u32 s8, $0x4  }
0x1b8: {  	[tilespmem:s2], [sflag:$0x1] =	stream.linear.gather [hbm4b:s5+s1], $0x80, $0x38;
	[tilespmem:$0x10200] =	vst v63  }
0x1b9: {  	s2 =	sadd.s32 s4, s6;
	s5 =	sand.u32 $0x1FFFFFF0, s7;
	s6 =	spop (v2sf)  }
0x1ba: {  	[tilespmem:s28], [sflag:$0x1] =	stream.linear.gather [hbm4b:s2+s1], $0x80, $0x38;
	[tilespmem:$0x10200] =	vst v63  }
0x1bb: {  	s2 =	sadd.s32 s4, s5;
	s5 =	sshll.u32 s6, $0x4;
	s6 =	spop (v2sf)  }
0x1bc: {  	[tilespmem:s25], [sflag:$0x1] =	stream.linear.gather [hbm4b:s2+s1], $0x80, $0x38;
	[tilespmem:$0x10200] =	vst v63  }
0x1bd: {  	s2 =	sand.u32 $0x1FFFFFF0, s5;
	s5 =	sshll.u32 s6, $0x4;
	s6 =	spop (v2sf)  }
0x1be: {  	s2 =	sadd.s32 s4, s2;
	s5 =	sand.u32 $0x1FFFFFF0, s5;
	s6 =	sshll.u32 s6, $0x4  }
0x1bf: {  	[tilespmem:s0], [sflag:$0x1] =	stream.linear.gather [hbm4b:s2+s1], $0x80, $0x38;
	[tilespmem:$0x10200] =	vst v63  }
0x1c0: {  	s0 =	sadd.s32 s4, s5;
	s2 =	sand.u32 $0x1FFFFFF0, s6;
	s5 =	spop (v2sf)  }
0x1c1: {  	[tilespmem:s22], [sflag:$0x1] =	stream.linear.gather [hbm4b:s0+s1], $0x80, $0x38;
	[tilespmem:$0x10200] =	vst v63  }
0x1c2: {  	s2 =	sadd.s32 s4, s2;
	s0 =	sadd.s32 $0x8900, s17;
	s5 =	sshll.u32 s5, $0x4  }
0x1c3: {  	[tilespmem:s0], [sflag:$0x1] =	stream.linear.gather [hbm4b:s2+s1], $0x80, $0x38;
	[tilespmem:$0x10200] =	vst v63  }
0x1c4: {  	p0 =	sne.s32 s18, $0x1E000;
	s18 =	sadd.s32 $0x2000, s18;
	s0 =	sand.u32 $0x1FFFFFF0, s5  }
0x1c5: {  	s2 =	sadd.s32 $0x8980, s17;
	s0 =	sadd.s32 s4, s0  }
0x1c6: {  	[tilespmem:s2], [sflag:$0x1] =	stream.linear.gather [hbm4b:s0+s1], $0x80, $0x38;
	[tilespmem:$0x10200] =	vst v63  }
0x1c7: {  	_ = 	snop  }
0x1c8: {  	v0 =	vld [tilespmem:s19+$0x0];
	_ =	sdelay $0x2  }
0x1c9: {  	s17 =	sshra.s32 s15, $0x2  }
0x1ca: {  	s23 =	sadd.s32 $0x8300, s17  }
0x1cb: {  	s20 =	sadd.s32 $0x8400, s17;
	v1 =	vnsel vm0, $0x0, v0;
	v2 =	vsel vm3, $0x0, v0;
	v3 =	vsel vm14, $0x0, v0  }
0x1cc: {  	s15 =	sadd.s32 $0x8200, s17;
	s26 =	sadd.s32 $0x8280, s17;
	v4 =	vsel vm6, $0x0, v0;
	v5 =	vsel vm13, $0x0, v0;
	v2 =	vxor.u32 $0x80000000, v2  }
0x1cd: {  	v6 =	vsel vm7, $0x0, v0;
	v1 =	vxor.u32 $0x80000000, v1;
	v3 =	vxor.u32 $0x80000000, v3;
	(xrf0) =	vmax.scan.msk.u32 $0xffff, v2  }
0x1ce: {  	s21 =	sadd.s32 $0x8480, s17;
	v7 =	vsel vm2, $0x0, v0;
	v6 =	vxor.u32 $0x80000000, v6;
	v2 =	vsel vm1, $0x0, v0;
	(xrf0) =	vmax.scan.msk.u32 $0xffff, v1  }
0x1cf: {  	v8 =	vsel vm5, $0x0, v0;
	v1 =	vxor.u32 $0x80000000, v2;
	v2 =	vsel vm4, $0x0, v0;
	(xrf0) =	vmax.scan.msk.u32 $0xffff, v6  }
0x1d0: {  	v4 =	vxor.u32 $0x80000000, v4;
	v2 =	vxor.u32 $0x80000000, v2;
	v6 =	vxor.u32 $0x80000000, v8;
	(xrf0) =	vmax.scan.msk.u32 $0xffff, v1  }
0x1d1: {  	v8 =	vsel vm9, $0x0, v0;
	v1 =	vxor.u32 $0x80000000, v7;
	v7 =	vsel vm8, $0x0, v0;
	(xrf0) =	vmax.scan.msk.u32 $0xffff, v4  }
0x1d2: {  	v4 =	vxor.u32 $0x80000000, v7;
	v7 =	vxor.u32 $0x80000000, v8;
	v8 =	vsel vm10, $0x0, v0;
	(xrf0) =	vmax.scan.msk.u32 $0xffff, v1  }
0x1d3: {  	s24 =	sadd.s32 $0x8500, s17;
	v11 =	vsel vm12, $0x0, v0;
	v1 =	vxor.u32 $0x80000000, v8;
	v8 =	vsel vm11, $0x0, v0;
	v10, _, _ =	vpop (xrf0);
	(xrf0) =	vmax.scan.msk.u32 $0xffff, v2  }
0x1d4: {  	s29 =	sadd.s32 $0x8380, s17;
	v2 =	vxor.u32 $0x80000000, v8;
	v8 =	vxor.u32 $0x80000000, v11;
	v9, _, _ =	vpop (xrf0);
	(v2sf) =	vpush v10, $0xF;
	(xrf0) =	vmax.scan.msk.u32 $0xffff, v6  }
0x1d5: {  	v5 =	vxor.u32 $0x80000000, v5;
	v0 =	vsel vm15, $0x0, v0;
	(v2sf) =	vpush v9, $0xF;
	v6, _, _ =	vpop (xrf0);
	(xrf0) =	vmax.scan.msk.u32 $0xffff, v4  }
0x1d6: {  	v0 =	vxor.u32 $0x80000000, v0;
	v4, _, _ =	vpop (xrf0);
	(v2sf) =	vpush v6, $0xF;
	(xrf0) =	vmax.scan.msk.u32 $0xffff, v7  }
0x1d7: {  	(v2sf) =	vpush v4, $0xF;
	v4, _, _ =	vpop (xrf0);
	(xrf0) =	vmax.scan.msk.u32 $0xffff, v1  }
0x1d8: {  	v1, _, _ =	vpop (xrf0);
	(v2sf) =	vpush v4, $0xF;
	(xrf0) =	vmax.scan.msk.u32 $0xffff, v2  }
0x1d9: {  	(v2sf) =	vpush v1, $0xF;
	v1, _, _ =	vpop (xrf0);
	(xrf0) =	vmax.scan.msk.u32 $0xffff, v8  }
0x1da: {  	v2, _, _ =	vpop (xrf0);
	(xrf0) =	vmax.scan.msk.u32 $0xffff, v5  }
0x1db: {  	(v2sf) =	vpush v1, $0xF;
	v5, _, _ =	vpop (xrf0);
	(xrf0) =	vmax.scan.msk.u32 $0xffff, v3  }
0x1dc: {  	v6, _, _ =	vpop (xrf0);
	(xrf0) =	vmax.scan.msk.u32 $0xffff, v0  }
0x1dd: {  	v7, _, _ =	vpop (xrf0)  }
0x1de: {  	(v2sf) =	vpush v2, $0xF;
	v4, _, _ =	vpop (xrf0)  }
0x1df: {  	v3, _, _ =	vpop (xrf0)  }
0x1e0: {  	v2, _, _ =	vpop (xrf0)  }
0x1e1: {  	s22 =	sadd.s32 $0x8880, s17;
	s19 =	sadd.s32 $0x10, s19;
	v1, _, _ =	vpop (xrf0)  }
0x1e2: {  	s28 =	sadd.s32 $0x8700, s17;
	s25 =	sadd.s32 $0x8780, s17;
	s0 =	sadd.s32 $0x8800, s17;
	(v2sf) =	vpush v5, $0xF;
	v0, _, _ =	vpop (xrf0)  }
0x1e3: {  	s14 =	sadd.s32 $0x8600, s17;
	s2 =	sadd.s32 $0x8680, s17;
	s5 =	spop (v2sf)  }
0x1e4: {  	s7 =	spop (v2sf)  }
0x1e5: {  	s6 =	sshll.u32 s5, $0x4;
	s5 =	sadd.s32 $0x8580, s17;
	(v2sf) =	vpush v6, $0xF;
	s7 =	sshll.u32 s7, $0x4  }
.Ltmp2:
0x1e6: {  	s6 =	sand.u32 $0x1FFFFFF0, s6;
	s8 =	spop (v2sf);
	(pc) =	sbr.rel @p0 .LBB2_6-.Ltmp2, $4  }
0x1e7: {  	s9 =	sand.u32 $0x1FFFFFF0, s7;
	s7 =	sshll.u32 s8, $0x4;
	s8 =	spop (v2sf)  }
0x1e8: {  	s11 =	sadd.s32 s4, s9;
	s8 =	sshll.u32 s8, $0x4;
	s10 =	spop (v2sf)  }
0x1e9: {  	s9 =	sand.u32 $0x1FFFFFF0, s8;
	s8 =	sshll.u32 s10, $0x4;
	s10 =	spop (v2sf);
	(v2sf) =	vpush v7, $0xF  }
0x1ea: {  	[tilespmem:s15], [sflag:$0x1] =	stream.linear.gather [hbm4b:s11+s1], $0x80, $0x38;
	[tilespmem:$0x10200] =	vst v63  }
0x1eb: {  	s9 =	sadd.s32 s4, s9;
	s10 =	sshll.u32 s10, $0x4  }
0x1ec: {  	[tilespmem:s26], [sflag:$0x1] =	stream.linear.gather [hbm4b:s9+s1], $0x80, $0x38;
	[tilespmem:$0x10200] =	vst v63  }
0x1ed: {  	s11 =	spop (v2sf);
	(v2sf) =	vpush v4, $0xF;
	s8 =	sand.u32 $0x1FFFFFF0, s8;
	s18 =	sand.u32 $0x1FFFFFF0, s10  }
0x1ee: {  	s19 =	sshll.u32 s11, $0x4;
	s9 =	sadd.s32 s4, s18;
	s26 =	spop (v2sf)  }
0x1ef: {  	(v2sf) =	vpush v3, $0xF;
	[tilespmem:s23], [sflag:$0x1] =	stream.linear.gather [hbm4b:s9+s1], $0x80, $0x38;
	[tilespmem:$0x10200] =	vst v63  }
0x1f0: {  	s6 =	sadd.s32 s4, s6;
	s10 =	sand.u32 $0x1FFFFFF0, s19;
	s31 =	sshll.u32 s26, $0x4;
	(v2sf) =	vpush v2, $0xF  }
0x1f1: {  	[tilespmem:s29], [sflag:$0x1] =	stream.linear.gather [hbm4b:s6+s1], $0x80, $0x38;
	[tilespmem:$0x10200] =	vst v63  }
0x1f2: {  	s10 =	sadd.s32 s4, s10;
	s9 =	sand.u32 $0x1FFFFFF0, s31;
	s11 =	spop (v2sf)  }
0x1f3: {  	[tilespmem:s20], [sflag:$0x1] =	stream.linear.gather [hbm4b:s10+s1], $0x80, $0x38;
	[tilespmem:$0x10200] =	vst v63  }
0x1f4: {  	s7 =	sand.u32 $0x1FFFFFF0, s7;
	s12 =	sadd.s32 s4, s9;
	(v2sf) =	vpush v1, $0xF;
	s13 =	sshll.u32 s11, $0x4  }
0x1f5: {  	[tilespmem:s21], [sflag:$0x1] =	stream.linear.gather [hbm4b:s12+s1], $0x80, $0x38;
	[tilespmem:$0x10200] =	vst v63  }
0x1f6: {  	s18 =	sadd.s32 s4, s8;
	s19 =	sand.u32 $0x1FFFFFF0, s13;
	s15 =	spop (v2sf);
	(v2sf) =	vpush v0, $0xF  }
0x1f7: {  	[tilespmem:s24], [sflag:$0x1] =	stream.linear.gather [hbm4b:s18+s1], $0x80, $0x38;
	[tilespmem:$0x10200] =	vst v63  }
0x1f8: {  	s21 =	sadd.s32 s4, s7;
	s20 =	sshll.u32 s15, $0x4;
	s24 =	spop (v2sf)  }
0x1f9: {  	[tilespmem:s5], [sflag:$0x1] =	stream.linear.gather [hbm4b:s21+s1], $0x80, $0x38;
	[tilespmem:$0x10200] =	vst v63  }
0x1fa: {  	s26 =	sadd.s32 s4, s19;
	s23 =	sand.u32 $0x1FFFFFF0, s20;
	s29 =	sshll.u32 s24, $0x4  }
0x1fb: {  	[tilespmem:s14], [sflag:$0x1] =	stream.linear.gather [hbm4b:s26+s1], $0x80, $0x38;
	[tilespmem:$0x10200] =	vst v63  }
0x1fc: {  	s7 =	sadd.s32 s4, s23;
	s31 =	spop (v2sf);
	s6 =	sand.u32 $0x1FFFFFF0, s29  }
0x1fd: {  	[tilespmem:s2], [sflag:$0x1] =	stream.linear.gather [hbm4b:s7+s1], $0x80, $0x38;
	[tilespmem:$0x10200] =	vst v63  }
0x1fe: {  	s9 =	sshll.u32 s31, $0x4;
	s10 =	sadd.s32 s4, s6;
	s12 =	spop (v2sf)  }
0x1ff: {  	s11 =	sand.u32 $0x1FFFFFF0, s9;
	s14 =	sshll.u32 s12, $0x4;
	s15 =	spop (v2sf)  }
0x200: {  	[tilespmem:s28], [sflag:$0x1] =	stream.linear.gather [hbm4b:s10+s1], $0x80, $0x38;
	[tilespmem:$0x10200] =	vst v63  }
0x201: {  	s13 =	sadd.s32 s4, s11;
	s18 =	sand.u32 $0x1FFFFFF0, s14;
	s19 =	sshll.u32 s15, $0x4  }
0x202: {  	[tilespmem:s25], [sflag:$0x1] =	stream.linear.gather [hbm4b:s13+s1], $0x80, $0x38;
	[tilespmem:$0x10200] =	vst v63  }
0x203: {  	s2 =	sadd.s32 s4, s18;
	s5 =	sand.u32 $0x1FFFFFF0, s19;
	s20 =	spop (v2sf)  }
0x204: {  	[tilespmem:s0], [sflag:$0x1] =	stream.linear.gather [hbm4b:s2+s1], $0x80, $0x38;
	[tilespmem:$0x10200] =	vst v63  }
0x205: {  	s21 =	sadd.s32 s4, s5;
	s6 =	sshll.u32 s20, $0x4;
	s24 =	spop (v2sf)  }
0x206: {  	[tilespmem:s22], [sflag:$0x1] =	stream.linear.gather [hbm4b:s21+s1], $0x80, $0x38;
	[tilespmem:$0x10200] =	vst v63  }
0x207: {  	s23 =	sand.u32 $0x1FFFFFF0, s6;
	s5 =	sshll.u32 s24, $0x4  }
0x208: {  	s25 =	sadd.s32 $0x8900, s17;
	s2 =	sadd.s32 s4, s23;
	s26 =	sand.u32 $0x1FFFFFF0, s5  }
0x209: {  	[tilespmem:s25], [sflag:$0x1] =	stream.linear.gather [hbm4b:s2+s1], $0x80, $0x38;
	[tilespmem:$0x10200] =	vst v63  }
0x20a: {  	s28 =	sadd.s32 $0x8980, s17;
	s0 =	sadd.s32 s4, s26  }
0x20b: {  	[tilespmem:s28], [sflag:$0x1] =	stream.linear.gather [hbm4b:s0+s1], $0x80, $0x38;
	[tilespmem:$0x10200] =	vst v63  }
0x20c: {  	_ =	swait.ge [sflag:s30], $0x8000  }
0x20d: {  	s18 =	simm.s32 $0x0;
	[sflag:s30] =	ssyncset.done $0x0  }
0x20e: {  	s25 =	simm.s32 $0x8200;
	s29 =	rddreg [dreg:$0xb];
	[sflag:s30] =	ssyncadd.s32 $0xFFFF8000  }
0x20f: {  	[hbm4b:s29+s18] =	stream.linear.scatter [tilespmem:s25], [sflag:$0x2], $0x8000, $0x38;
	[tilespmem:$0x10200] =	vst v63  }
0x210: {  	_ =	swait.ge [sflag:s16], $0x8000  }
0x211: {  	[sflag:s16] =	ssyncset.done $0x0  }
0x212: {  	s31 =	sand.u32 $0xF0, s18;
	[sflag:s16] =	ssyncadd.s32 $0xFFFF8000  }
0x213: {  	v1 =	vld [tilespmem:s31+$0x100];
	_ =	sdelay $0x4  }
0x214: {  	v0 =	vsel vm1, $0x0, v1  }
0x215: {  	v2 =	vsel vm2, $0x0, v1;
	v0 =	vxor.u32 $0x80000000, v0  }
0x216: {  	v3 =	vnsel vm0, $0x0, v1;
	v2 =	vxor.u32 $0x80000000, v2;
	(xrf0) =	vmax.scan.msk.u32 $0xffff, v0  }
0x217: {  	v0 =	vxor.u32 $0x80000000, v3;
	v3 =	vsel vm9, $0x0, v1;
	(xrf0) =	vmax.scan.msk.u32 $0xffff, v2  }
0x218: {  	v2 =	vsel vm3, $0x0, v1;
	v3 =	vxor.u32 $0x80000000, v3;
	(xrf0) =	vmax.scan.msk.u32 $0xffff, v0  }
0x219: {  	v0 =	vsel vm12, $0x0, v1;
	v2 =	vxor.u32 $0x80000000, v2;
	(xrf0) =	vmax.scan.msk.u32 $0xffff, v3  }
0x21a: {  	v3 =	vsel vm11, $0x0, v1;
	v0 =	vxor.u32 $0x80000000, v0;
	(xrf0) =	vmax.scan.msk.u32 $0xffff, v2  }
0x21b: {  	v2 =	vsel vm6, $0x0, v1;
	v3 =	vxor.u32 $0x80000000, v3;
	(xrf0) =	vmax.scan.msk.u32 $0xffff, v0  }
0x21c: {  	v5 =	vsel vm7, $0x0, v1;
	v0 =	vxor.u32 $0x80000000, v2;
	v2 =	vsel vm4, $0x0, v1;
	v4, _, _ =	vpop (xrf0);
	(xrf0) =	vmax.scan.msk.u32 $0xffff, v3  }
0x21d: {  	v2 =	vxor.u32 $0x80000000, v2;
	v3 =	vsel vm5, $0x0, v1;
	(xrf0) =	vmax.scan.msk.u32 $0xffff, v0  }
0x21e: {  	v6, _, _ =	vpop (xrf0);
	v0 =	vxor.u32 $0x80000000, v3;
	(xrf0) =	vmax.scan.msk.u32 $0xffff, v2;
	v2 =	vsel vm8, $0x0, v1  }
0x21f: {  	v3 =	vxor.u32 $0x80000000, v5;
	(v2sf) =	vpush v4, $0xF;
	v5, _, _ =	vpop (xrf0);
	(xrf0) =	vmax.scan.msk.u32 $0xffff, v0;
	v0 =	vxor.u32 $0x80000000, v2  }
0x220: {  	(v2sf) =	vpush v6, $0xF;
	v4, _, _ =	vpop (xrf0)  }
0x221: {  	v7 =	vsel vm10, $0x0, v1;
	(v2sf) =	vpush v5, $0xF;
	v6, _, _ =	vpop (xrf0);
	(xrf0) =	vmax.scan.msk.u32 $0xffff, v3;
	v3 =	vsel vm14, $0x0, v1  }
0x222: {  	v2 =	vsel vm13, $0x0, v1;
	v5 =	vxor.u32 $0x80000000, v7;
	(v2sf) =	vpush v4, $0xF;
	(xrf0) =	vmax.scan.msk.u32 $0xffff, v0;
	v0, _, _ =	vpop (xrf0)  }
0x223: {  	s19 =	simm.s32 $0x2000;
	v7 =	vxor.u32 $0x80000000, v2;
	v1 =	vsel vm15, $0x0, v1;
	(v2sf) =	vpush v6, $0xF;
	(xrf0) =	vmax.scan.msk.u32 $0xffff, v5;
	v4, _, _ =	vpop (xrf0)  }
0x224: {  	s17 =	simm.s32 $0x0;
	s20 =	simm.s32 $0x8500;
	s0 =	simm.s32 $0x8380;
	v2 =	vxor.u32 $0x80000000, v3;
	v1 =	vxor.u32 $0x80000000, v1;
	(xrf0) =	vmax.scan.msk.u32 $0xffff, v7;
	v3, _, _ =	vpop (xrf0)  }
.LBB2_8:
0x225: {  	p0 =	sne.s32 s19, $0x1E000  }
0x226: {  	s18 =	sadd.s32 $0x10, s18;
	v5, _, _ =	vpop (xrf0);
	(v2sf) =	vpush v4, $0xF;
	(xrf0) =	vmax.scan.msk.u32 $0xffff, v2;
	s2 =	smov.u32 s19;
	s19 =	sadd.s32 $0x2000, s19  }
0x227: {  	v2, _, _ =	vpop (xrf0);
	(xrf0) =	vmax.scan.msk.u32 $0xffff, v1  }
0x228: {  	(v2sf) =	vpush v5, $0xF;
	v1, _, _ =	vpop (xrf0)  }
0x229: {  	v4, _, _ =	vpop (xrf0)  }
0x22a: {  	(v2sf) =	vpush v2, $0xF;
	v2, _, _ =	vpop (xrf0)  }
0x22b: {  	s7 =	sadd.s32 $0x8280, s17;
	s5 =	sadd.s32 $0x8980, s17;
	v5, _, _ =	vpop (xrf0)  }
0x22c: {  	s8 =	sadd.s32 $0x8300, s17;
	s23 =	sadd.s32 $0x8600, s17;
	s21 =	sadd.s32 $0x8700, s17;
	(v2sf) =	vpush v1, $0xF;
	v1, _, _ =	vpop (xrf0)  }
0x22d: {  	s22 =	sadd.s32 $0x8680, s17;
	s15 =	sadd.s32 $0x8780, s17;
	s14 =	sadd.s32 $0x8800, s17;
	(v2sf) =	vpush v3, $0xF;
	v3, _, _ =	vpop (xrf0)  }
0x22e: {  	s9 =	sadd.s32 $0x8400, s17;
	s10 =	sadd.s32 $0x8480, s17;
	s6 =	spop (v2sf)  }
0x22f: {  	s11 =	sadd.s32 $0x8200, s17;
	s6 =	sshll.u32 s6, $0x4;
	s12 =	spop (v2sf)  }
0x230: {  	s13 =	sand.u32 $0x1FFFFFF0, s6;
	s6 =	sshll.u32 s12, $0x4;
	s12 =	spop (v2sf)  }
0x231: {  	s12 =	sshll.u32 s12, $0x4;
	s16 =	sand.u32 $0x1FFFFFF0, s6;
	s6 =	spop (v2sf)  }
0x232: {  	s12 =	sand.u32 $0x1FFFFFF0, s12;
	s6 =	sshll.u32 s6, $0x4;
	s24 =	spop (v2sf);
	(v2sf) =	vpush v4, $0xF  }
0x233: {  	s12 =	sadd.s32 s4, s12;
	s24 =	sshll.u32 s24, $0x4;
	s6 =	sand.u32 $0x1FFFFFF0, s6  }
0x234: {  	[tilespmem:s11], [sflag:$0x1] =	stream.linear.gather [hbm4b:s12+s1], $0x80, $0x38;
	(v2sf) =	vpush v0, $0xF;
	[tilespmem:$0x10200] =	vst v63  }
0x235: {  	s11 =	sadd.s32 s4, s13;
	s12 =	sand.u32 $0x1FFFFFF0, s24;
	s13 =	spop (v2sf)  }
0x236: {  	[tilespmem:s7], [sflag:$0x1] =	stream.linear.gather [hbm4b:s11+s1], $0x80, $0x38;
	(v2sf) =	vpush v2, $0xF;
	[tilespmem:$0x10200] =	vst v63  }
0x237: {  	s7 =	sadd.s32 s4, s16;
	s11 =	sshll.u32 s13, $0x4;
	s13 =	spop (v2sf)  }
0x238: {  	[tilespmem:s8], [sflag:$0x1] =	stream.linear.gather [hbm4b:s7+s1], $0x80, $0x38;
	[tilespmem:$0x10200] =	vst v63  }
0x239: {  	s7 =	sadd.s32 s4, s12;
	s8 =	sshll.u32 s13, $0x4;
	s12 =	spop (v2sf);
	(v2sf) =	vpush v5, $0xF  }
0x23a: {  	[tilespmem:s0], [sflag:$0x1] =	stream.linear.gather [hbm4b:s7+s1], $0x80, $0x38;
	[tilespmem:$0x10200] =	vst v63  }
0x23b: {  	s0 =	sand.u32 $0x1FFFFFF0, s8;
	s7 =	sshll.u32 s12, $0x4;
	s8 =	spop (v2sf);
	(v2sf) =	vpush v1, $0xF  }
0x23c: {  	s0 =	sadd.s32 s4, s0;
	s7 =	sand.u32 $0x1FFFFFF0, s7;
	s12 =	spop (v2sf)  }
0x23d: {  	[tilespmem:s9], [sflag:$0x1] =	stream.linear.gather [hbm4b:s0+s1], $0x80, $0x38;
	[tilespmem:$0x10200] =	vst v63  }
0x23e: {  	s8 =	sshll.u32 s8, $0x4;
	s0 =	sadd.s32 s4, s7;
	s7 =	sshll.u32 s12, $0x4  }
0x23f: {  	[tilespmem:s10], [sflag:$0x1] =	stream.linear.gather [hbm4b:s0+s1], $0x80, $0x38;
	(v2sf) =	vpush v3, $0xF;
	[tilespmem:$0x10200] =	vst v63  }
0x240: {  	s0 =	sand.u32 $0x1FFFFFF0, s7;
	s7 =	sand.u32 $0x1FFFFFF0, s8;
	s8 =	sand.u32 $0x1FFFFFF0, s11  }
0x241: {  	s9 =	sadd.s32 $0x8580, s17;
	s0 =	sadd.s32 s4, s0;
	s10 =	spop (v2sf)  }
0x242: {  	[tilespmem:s20], [sflag:$0x1] =	stream.linear.gather [hbm4b:s0+s1], $0x80, $0x38;
	[tilespmem:$0x10200] =	vst v63  }
0x243: {  	s0 =	sadd.s32 s4, s7;
	s7 =	sshll.u32 s10, $0x4;
	s10 =	spop (v2sf)  }
0x244: {  	[tilespmem:s9], [sflag:$0x1] =	stream.linear.gather [hbm4b:s0+s1], $0x80, $0x38;
	[tilespmem:$0x10200] =	vst v63  }
0x245: {  	s0 =	sand.u32 $0x1FFFFFF0, s7;
	s7 =	sshll.u32 s10, $0x4;
	s9 =	spop (v2sf)  }
0x246: {  	s0 =	sadd.s32 s4, s0;
	s7 =	sand.u32 $0x1FFFFFF0, s7;
	s9 =	sshll.u32 s9, $0x4  }
0x247: {  	[tilespmem:s23], [sflag:$0x1] =	stream.linear.gather [hbm4b:s0+s1], $0x80, $0x38;
	[tilespmem:$0x10200] =	vst v63  }
0x248: {  	s0 =	sadd.s32 s4, s6;
	s6 =	sand.u32 $0x1FFFFFF0, s9;
	s9 =	spop (v2sf)  }
0x249: {  	[tilespmem:s22], [sflag:$0x1] =	stream.linear.gather [hbm4b:s0+s1], $0x80, $0x38;
	[tilespmem:$0x10200] =	vst v63  }
0x24a: {  	s0 =	sadd.s32 s4, s6;
	s6 =	sshll.u32 s9, $0x4;
	s9 =	spop (v2sf)  }
0x24b: {  	[tilespmem:s21], [sflag:$0x1] =	stream.linear.gather [hbm4b:s0+s1], $0x80, $0x38;
	[tilespmem:$0x10200] =	vst v63  }
0x24c: {  	s7 =	sadd.s32 s4, s7;
	s6 =	sand.u32 $0x1FFFFFF0, s6;
	s0 =	sadd.s32 s4, s8  }
0x24d: {  	[tilespmem:s15], [sflag:$0x1] =	stream.linear.gather [hbm4b:s0+s1], $0x80, $0x38;
	[tilespmem:$0x10200] =	vst v63  }
0x24e: {  	s0 =	sadd.s32 s4, s6;
	s6 =	sshll.u32 s9, $0x4;
	s8 =	spop (v2sf)  }
0x24f: {  	[tilespmem:s14], [sflag:$0x1] =	stream.linear.gather [hbm4b:s7+s1], $0x80, $0x38;
	[tilespmem:$0x10200] =	vst v63  }
0x250: {  	s6 =	sand.u32 $0x1FFFFFF0, s6;
	s7 =	sadd.s32 $0x8880, s17;
	s8 =	sshll.u32 s8, $0x4  }
0x251: {  	[tilespmem:s7], [sflag:$0x1] =	stream.linear.gather [hbm4b:s0+s1], $0x80, $0x38;
	[tilespmem:$0x10200] =	vst v63  }
0x252: {  	s6 =	sadd.s32 s4, s6;
	s0 =	sadd.s32 $0x8900, s17;
	s7 =	sand.u32 $0x1FFFFFF0, s8  }
0x253: {  	[tilespmem:s0], [sflag:$0x1] =	stream.linear.gather [hbm4b:s6+s1], $0x80, $0x38;
	[tilespmem:$0x10200] =	vst v63  }
0x254: {  	s0 =	sand.u32 $0xF0, s18;
	s6 =	sadd.s32 s4, s7  }
0x255: {  	[tilespmem:s5], [sflag:$0x1] =	stream.linear.gather [hbm4b:s6+s1], $0x80, $0x38;
	[tilespmem:$0x10200] =	vst v63  }
0x256: {  	s17 =	sshra.s32 s2, $0x2;
	v0 =	vld [tilespmem:s0+$0x100]  }
0x257: {  	s20 =	sadd.s32 $0x8500, s17  }
0x258: {  	s0 =	sadd.s32 $0x8380, s17;
	_ =	sdelay $0x2  }
0x259: {  	v1 =	vsel vm1, $0x0, v0;
	v2 =	vsel vm2, $0x0, v0;
	v3 =	vsel vm11, $0x0, v0  }
0x25a: {  	v4 =	vnsel vm0, $0x0, v0;
	v5 =	vsel vm6, $0x0, v0;
	v1 =	vxor.u32 $0x80000000, v1  }
0x25b: {  	v6 =	vsel vm3, $0x0, v0;
	v2 =	vxor.u32 $0x80000000, v2;
	v5 =	vxor.u32 $0x80000000, v5;
	(xrf0) =	vmax.scan.msk.u32 $0xffff, v1  }
0x25c: {  	v7 =	vsel vm9, $0x0, v0;
	v1 =	vxor.u32 $0x80000000, v4;
	v4 =	vsel vm4, $0x0, v0;
	(xrf0) =	vmax.scan.msk.u32 $0xffff, v2  }
0x25d: {  	v4 =	vxor.u32 $0x80000000, v4;
	v2 =	vxor.u32 $0x80000000, v7;
	v7 =	vsel vm12, $0x0, v0;
	(xrf0) =	vmax.scan.msk.u32 $0xffff, v1  }
0x25e: {  	v8 =	vsel vm7, $0x0, v0;
	v1 =	vxor.u32 $0x80000000, v6;
	v6 =	vsel vm5, $0x0, v0;
	(xrf0) =	vmax.scan.msk.u32 $0xffff, v2  }
0x25f: {  	v8 =	vxor.u32 $0x80000000, v8;
	v6 =	vxor.u32 $0x80000000, v6;
	v2 =	vxor.u32 $0x80000000, v7;
	(xrf0) =	vmax.scan.msk.u32 $0xffff, v1  }
0x260: {  	v13 =	vsel vm8, $0x0, v0;
	v3 =	vxor.u32 $0x80000000, v3;
	v7 =	vsel vm10, $0x0, v0;
	(xrf0) =	vmax.scan.msk.u32 $0xffff, v2  }
0x261: {  	v12 =	vsel vm13, $0x0, v0;
	v9 =	vxor.u32 $0x80000000, v13;
	v2 =	vsel vm14, $0x0, v0;
	v10, _, _ =	vpop (xrf0);
	(xrf0) =	vmax.scan.msk.u32 $0xffff, v3  }
0x262: {  	v11 =	vxor.u32 $0x80000000, v12;
	v2 =	vxor.u32 $0x80000000, v2;
	(v2sf) =	vpush v10, $0xF;
	v1, _, _ =	vpop (xrf0);
	(xrf0) =	vmax.scan.msk.u32 $0xffff, v5  }
0x263: {  	v5 =	vsel vm15, $0x0, v0;
	v3, _, _ =	vpop (xrf0);
	(v2sf) =	vpush v1, $0xF;
	(xrf0) =	vmax.scan.msk.u32 $0xffff, v4  }
.Ltmp3:
0x264: {  	v1 =	vxor.u32 $0x80000000, v5;
	(v2sf) =	vpush v3, $0xF;
	(xrf0) =	vmax.scan.msk.u32 $0xffff, v6;
	v0, _, _ =	vpop (xrf0);
	(pc) =	sbr.rel @p0 .LBB2_8-.Ltmp3, $4  }
0x265: {  	v3, _, _ =	vpop (xrf0);
	(xrf0) =	vmax.scan.msk.u32 $0xffff, v8;
	(v2sf) =	vpush v0, $0xF  }
0x266: {  	v5 =	vxor.u32 $0x80000000, v7;
	(v2sf) =	vpush v3, $0xF;
	(xrf0) =	vmax.scan.msk.u32 $0xffff, v9;
	v0, _, _ =	vpop (xrf0)  }
0x267: {  	(xrf0) =	vmax.scan.msk.u32 $0xffff, v5;
	v4, _, _ =	vpop (xrf0)  }
0x268: {  	v3, _, _ =	vpop (xrf0);
	(xrf0) =	vmax.scan.msk.u32 $0xffff, v11  }
0x269: {  	_ =	sdelay $0x7  }
0x26a: {  	v56, _, _ =	vpop (xrf0);
	s2 =	spop (v2sf);
	(v2sf) =	vpush v4, $0xF  }
0x26b: {  	v57, _, _ =	vpop (xrf0);
	s5 =	spop (v2sf);
	(v2sf) =	vpush v56, $0xF  }
0x26c: {  	v58, _, _ =	vpop (xrf0);
	s6 =	spop (v2sf);
	(v2sf) =	vpush v57, $0xF  }
0x26d: {  	s21 =	spop (v2sf);
	(v2sf) =	vpush v58, $0xF  }
0x26e: {  	s6 =	sshll.u32 s6, $0x4;
	s22 =	spop (v2sf);
	(v2sf) =	vpush v3, $0xF  }
0x26f: {  	s2 =	sshll.u32 s2, $0x4;
	s6 =	sand.u32 $0x1FFFFFF0, s6  }
0x270: {  	s7 =	sadd.s32 $0x8200, s17;
	s2 =	sand.u32 $0x1FFFFFF0, s2;
	s6 =	sadd.s32 s4, s6  }
0x271: {  	[tilespmem:s7], [sflag:$0x1] =	stream.linear.gather [hbm4b:s6+s1], $0x80, $0x38;
	[tilespmem:$0x10200] =	vst v63  }
0x272: {  	s18 =	sadd.s32 $0x8280, s17;
	s5 =	sshll.u32 s5, $0x4;
	s2 =	sadd.s32 s4, s2  }
0x273: {  	[tilespmem:s18], [sflag:$0x1] =	stream.linear.gather [hbm4b:s2+s1], $0x80, $0x38;
	[tilespmem:$0x10200] =	vst v63  }
0x274: {  	s5 =	sand.u32 $0x1FFFFFF0, s5;
	s2 =	sshll.u32 s22, $0x4  }
0x275: {  	s19 =	sadd.s32 $0x8300, s17;
	s5 =	sadd.s32 s4, s5;
	s2 =	sand.u32 $0x1FFFFFF0, s2  }
0x276: {  	[tilespmem:s19], [sflag:$0x1] =	stream.linear.gather [hbm4b:s5+s1], $0x80, $0x38;
	[tilespmem:$0x10200] =	vst v63  }
0x277: {  	s2 =	sadd.s32 s4, s2  }
0x278: {  	v59, _, _ =	vpop (xrf0);
	[tilespmem:s0], [sflag:$0x1] =	stream.linear.gather [hbm4b:s2+s1], $0x80, $0x38;
	[tilespmem:$0x10200] =	vst v63  }
0x279: {  	s23 =	spop (v2sf);
	(v2sf) =	vpush v59, $0xF  }
0x27a: {  	s24 =	spop (v2sf)  }
0x27b: {  	s0 =	sshll.u32 s24, $0x4;
	s28 =	spop (v2sf)  }
0x27c: {  	(v2sf) =	vpush v0, $0xF;
	s0 =	sand.u32 $0x1FFFFFF0, s0;
	s31 =	spop (v2sf)  }
0x27d: {  	s26 =	sadd.s32 $0x8400, s17;
	v60, _, _ =	vpop (xrf0);
	s0 =	sadd.s32 s4, s0;
	s7 =	spop (v2sf)  }
0x27e: {  	(v2sf) =	vpush v60, $0xF;
	[tilespmem:s26], [sflag:$0x1] =	stream.linear.gather [hbm4b:s0+s1], $0x80, $0x38;
	[tilespmem:$0x10200] =	vst v63  }
0x27f: {  	s0 =	sshll.u32 s28, $0x4  }
0x280: {  	s0 =	sand.u32 $0x1FFFFFF0, s0  }
0x281: {  	s29 =	sadd.s32 $0x8480, s17;
	s2 =	sshll.u32 s7, $0x4;
	s0 =	sadd.s32 s4, s0  }
0x282: {  	[tilespmem:s29], [sflag:$0x1] =	stream.linear.gather [hbm4b:s0+s1], $0x80, $0x38;
	[tilespmem:$0x10200] =	vst v63  }
0x283: {  	s2 =	sand.u32 $0x1FFFFFF0, s2;
	s0 =	sshll.u32 s31, $0x4  }
0x284: {  	s2 =	sadd.s32 s4, s2;
	s0 =	sand.u32 $0x1FFFFFF0, s0  }
0x285: {  	[tilespmem:s20], [sflag:$0x1] =	stream.linear.gather [hbm4b:s2+s1], $0x80, $0x38;
	[tilespmem:$0x10200] =	vst v63  }
0x286: {  	s8 =	sadd.s32 $0x8580, s17;
	(xrf0) =	vmax.scan.msk.u32 $0xffff, v2;
	s0 =	sadd.s32 s4, s0  }
0x287: {  	[tilespmem:s8], [sflag:$0x1] =	stream.linear.gather [hbm4b:s0+s1], $0x80, $0x38;
	[tilespmem:$0x10200] =	vst v63  }
0x288: {  	s9 =	spop (v2sf)  }
0x289: {  	v61, _, _ =	vpop (xrf0);
	s0 =	sshll.u32 s9, $0x4  }
0x28a: {  	s11 =	sadd.s32 $0x8600, s17;
	(xrf0) =	vmax.scan.msk.u32 $0xffff, v1;
	(v2sf) =	vpush v61, $0xF;
	s0 =	sand.u32 $0x1FFFFFF0, s0  }
0x28b: {  	s10 =	sshll.u32 s21, $0x4;
	s13 =	spop (v2sf);
	s0 =	sadd.s32 s4, s0  }
0x28c: {  	v62, _, _ =	vpop (xrf0);
	[tilespmem:s11], [sflag:$0x1] =	stream.linear.gather [hbm4b:s0+s1], $0x80, $0x38;
	[tilespmem:$0x10200] =	vst v63  }
0x28d: {  	s2 =	sand.u32 $0x1FFFFFF0, s10;
	(v2sf) =	vpush v62, $0xF;
	s14 =	spop (v2sf)  }
0x28e: {  	s12 =	sadd.s32 $0x8680, s17;
	s2 =	sadd.s32 s4, s2;
	s0 =	sshll.u32 s14, $0x4  }
0x28f: {  	[tilespmem:s12], [sflag:$0x1] =	stream.linear.gather [hbm4b:s2+s1], $0x80, $0x38;
	[tilespmem:$0x10200] =	vst v63  }
0x290: {  	v63, _, _ =	vpop (xrf0);
	s0 =	sand.u32 $0x1FFFFFF0, s0  }
0x291: {  	s15 =	sadd.s32 $0x8700, s17;
	s16 =	sshll.u32 s23, $0x4;
	(v2sf) =	vpush v63, $0xF;
	s0 =	sadd.s32 s4, s0  }
0x292: {  	[tilespmem:s15], [sflag:$0x1] =	stream.linear.gather [hbm4b:s0+s1], $0x80, $0x38;
	[tilespmem:$0x10200] =	vst v63  }
0x293: {  	s0 =	sand.u32 $0x1FFFFFF0, s16  }
0x294: {  	s18 =	sadd.s32 $0x8780, s17;
	s19 =	sshll.u32 s13, $0x4;
	s0 =	sadd.s32 s4, s0  }
0x295: {  	[tilespmem:s18], [sflag:$0x1] =	stream.linear.gather [hbm4b:s0+s1], $0x80, $0x38;
	[tilespmem:$0x10200] =	vst v63  }
0x296: {  	s0 =	sand.u32 $0x1FFFFFF0, s19  }
0x297: {  	s20 =	sadd.s32 $0x8800, s17;
	s0 =	sadd.s32 s4, s0  }
0x298: {  	[tilespmem:s20], [sflag:$0x1] =	stream.linear.gather [hbm4b:s0+s1], $0x80, $0x38;
	[tilespmem:$0x10200] =	vst v63  }
0x299: {  	s21 =	spop (v2sf)  }
0x29a: {  	s0 =	sshll.u32 s21, $0x4  }
0x29b: {  	s0 =	sand.u32 $0x1FFFFFF0, s0  }
0x29c: {  	s22 =	sadd.s32 $0x8880, s17;
	s23 =	spop (v2sf);
	s0 =	sadd.s32 s4, s0  }
0x29d: {  	[tilespmem:s22], [sflag:$0x1] =	stream.linear.gather [hbm4b:s0+s1], $0x80, $0x38;
	[tilespmem:$0x10200] =	vst v63  }
0x29e: {  	s0 =	sshll.u32 s23, $0x4  }
0x29f: {  	s0 =	sand.u32 $0x1FFFFFF0, s0  }
0x2a0: {  	s24 =	sadd.s32 $0x8900, s17;
	s26 =	spop (v2sf);
	s0 =	sadd.s32 s4, s0  }
0x2a1: {  	[tilespmem:s24], [sflag:$0x1] =	stream.linear.gather [hbm4b:s0+s1], $0x80, $0x38;
	[tilespmem:$0x10200] =	vst v63  }
0x2a2: {  	s0 =	sshll.u32 s26, $0x4  }
0x2a3: {  	s0 =	sand.u32 $0x1FFFFFF0, s0  }
0x2a4: {  	s28 =	sadd.s32 $0x8980, s17;
	s0 =	sadd.s32 s4, s0  }
0x2a5: {  	[tilespmem:s28], [sflag:$0x1] =	stream.linear.gather [hbm4b:s0+s1], $0x80, $0x38;
	[tilespmem:$0x10200] =	vst v63  }
0x2a6: {  	_ =	swait.ge [sflag:s30], $0x8000  }
0x2a7: {  	[sflag:s30] =	ssyncset.done $0x0  }
0x2a8: {  	s2 =	simm.s32 $0x2;
	s29 =	rddreg [dreg:$0xc];
	[sflag:s30] =	ssyncadd.s32 $0xFFFF8000  }
0x2a9: {  	[hbm4b:s29+s1] =	stream.linear.scatter [tilespmem:s25], [sflag:$0x2], $0x8000, $0x38;
	[tilespmem:$0x10200] =	vst v63  }
0x2aa: {  	_ =	swait.ge [sflag:s2], $0x8000  }
0x2ab: {  	s30 =	rddreg [dreg:$0xe]  }
0x2ac: {  	s31 =	rddreg [dreg:$0xd];
	s5 =	sadd.s32 $0x1, s30  }
0x2ad: {  	p0 =	sne.s32 s5, s31  }
.Ltmp4:
0x2ae: {  	_ = 	snop;
	(pc) =	sbr.rel @p0 .LBB2_1-.Ltmp4, $3  }
0x2af: {  	_ =	sdelay $0x1  }
0x2b0: {  	[sflag:s2] =	ssyncset.done $0x0  }
0x2b1: {  	[sflag:s2] =	ssyncadd.s32 $0xFFFF8000  }
0x2b2: {  	_ =	sfence.sel $0x180000  }
0x2b3: {  	[bflag:$0x0] =	sbarrier.arrive $0xFFFF  }
0x2b4: {  	_ =	strace $0x90000047  }
0x2b5: {  	s0 =	stileid.u32;
	[bflag:$0x2] =	sbarrier.arrive $0xFFFF  }
0x2b6: {  	p0 =	sne.s32 s0, $0x0;
	s0 =	rddreg [dreg:$0x3]  }
0x2b7: {  	s0 =	sadd.s32 @!p0 $0x100000, s0  }
0x2b8: {  	[sflag:s0] =	ssyncadd.tile.s32 @!p0 $0x1;
	_ =	shalt  }
.Lfunc_end2:
_tile_overlayer_lowered:
.L_overlay_start_2:
0x2b9: {  	(tag) =	ssettag $0x2  }
0x2ba: {  	s0 =	rddreg [dreg:$0x0];
	s2 =	stileid.u32  }
0x2bb: {  	s1 =	rddreg [dreg:$0x1];
	p0 =	sne.s32 s2, $0x0  }
0x2bc: {  	s3 =	rddreg [dreg:$0x2];
	[bflag:$0x3] =	sbarrier.arrive $0xFFFF;
	s2 =	simm.s32 @!p0 $0x1C02  }
0x2bd: {  	[timem:s3], [sflag:s2] =	dma.local @!p0 [hbm:s0], s1  }
0x2be: {  	s0 =	simm.s32 @!p0 $0x2  }
0x2bf: {  	_ =	swait.ge @!p0 [sflag:s0], s1  }
0x2c0: {  	s1 =	ssub.s32 @!p0 $0x0, s1;
	[sflag:s0] =	ssyncset.done @!p0 $0x0  }
0x2c1: {  	[sflag:s0] =	ssyncadd.s32 @!p0 s1  }
0x2c2: {  	[bflag:$0x3] =	sbarrier.arrive $0xFFFF  }
0x2c3: {  	_ =	shalt  }

</sc_bundles>
